<compile_context>
chip_gen: v7x
topology: tpu7x:2x2x1
jax: 0.10.2.dev20260603
libtpu: 0.0.44.dev20260713+nightly
codegen_flags: <defaults>
</compile_context>

<pallas_src>
import functools

import jax
import jax.numpy as jnp
from jax import lax
from jax.experimental import pallas as pl
from jax.experimental.pallas import tpu as pltpu
from jax.experimental.pallas import tpu_sc as plsc

_B, _C, _H, _W = 8, 19, 512, 512
_NW = 32
_NBLK = _B * (_H // 8) * (_W // 128)
_NBLK_SC = 1280
_BPW = _NBLK_SC // _NW
_SQRTHF_BITS = 0x3F3504F3


def _log_parts(v):
    bits = lax.bitcast_convert_type(v, jnp.int32)
    bias = bits - _SQRTHF_BITS
    e = lax.shift_right_arithmetic(bias, 23)
    m = lax.bitcast_convert_type(
        jnp.bitwise_and(bias, 0x007FFFFF) + _SQRTHF_BITS, jnp.float32)
    f = m - jnp.float32(1.0)
    z = f * f
    y = f * jnp.float32(-1.6668057665e-1) + jnp.float32(2.0000714765e-1)
    y = y * f + jnp.float32(-2.4999993993e-1)
    y = y * f + jnp.float32(3.3333331174e-1)
    y = y * f * z - jnp.float32(0.5) * z
    return f + y, e


_mesh = plsc.VectorSubcoreMesh(core_axis_name="c", subcore_axis_name="s")


@functools.partial(
    pl.kernel,
    out_type=(jax.ShapeDtypeStruct((_NW, 16), jnp.float32),
              jax.ShapeDtypeStruct((_NW, 16), jnp.int32),
              jax.ShapeDtypeStruct((_NW, 16), jnp.float32)),
    mesh=_mesh,
    scratch_types=[
        pltpu.VMEM((4 * _C * 8, 128), jnp.float32),
        pltpu.VMEM((4, 8, 128), jnp.int32),
        pltpu.VMEM((16,), jnp.float32),
        pltpu.VMEM((16,), jnp.int32),
        pltpu.VMEM((16,), jnp.float32),
        pltpu.SemaphoreType.DMA,
        pltpu.SemaphoreType.DMA,
        pltpu.SemaphoreType.DMA,
        pltpu.SemaphoreType.DMA,
    ],
    compiler_params=pltpu.CompilerParams(needs_layout_passes=False),
)
def _nll_sc(score_4d, tgt_3d, fsum_out, esum_out, cnt_out,
            cls_v, tgt_v, fs_v, es_v, cn_v, *sems):
    wid = lax.axis_index("s") * 2 + lax.axis_index("c")
    lanes = lax.broadcasted_iota(jnp.int32, (16,), 0)

    def _fire(bi, slot):
        g = wid * _BPW + bi
        b = lax.shift_right_logical(g, 8)
        h0 = lax.bitwise_and(lax.shift_right_logical(g, 2), 63) * 8
        w0 = lax.bitwise_and(g, 3) * 128
        for c in range(_C):
            pltpu.make_async_copy(
                score_4d.at[b, c, pl.ds(h0, 8), pl.ds(w0, 128)],
                cls_v.at[pl.ds((slot * _C + c) * 8, 8)], sems[slot]).start()
        pltpu.make_async_copy(
            tgt_3d.at[b, pl.ds(h0, 8), pl.ds(w0, 128)], tgt_v.at[slot],
            sems[slot]).start()

    def _drain(slot):
        pltpu.make_async_copy(
            score_4d.at[0, 0, pl.ds(0, _C * 8), pl.ds(0, 128)],
            cls_v.at[pl.ds(slot * _C * 8, _C * 8)], sems[slot]).wait()
        pltpu.make_async_copy(
            tgt_3d.at[0, pl.ds(0, 8), pl.ds(0, 128)], tgt_v.at[slot],
            sems[slot]).wait()

    def _reduce(slot, carry):
        row_base = slot * (_C * 8)

        @plsc.parallel_loop(0, 64, carry=carry, unroll=8)
        def red_body(g, c):
            afy, ae, n = c
            hl = lax.shift_right_logical(g, 3)
            wj = lax.bitwise_and(g, 7)
            t = tgt_v[slot, hl, pl.ds(wj * 16, 16)]
            v = plsc.load_gather(
                cls_v, [(row_base + hl) + t * 8, wj * 16 + lanes])
            fy, e = _log_parts(v)
            return (afy + fy, ae + e,
                    n + jnp.where(v != jnp.float32(1.0),
                                  jnp.float32(1.0), jnp.float32(0.0)))

        return red_body

    def outer(it, carry):
        for b in range(4):
            bi = it * 4 + b
            nxt = bi + 3

            @pl.when(nxt < _BPW)
            def _():
                _fire(nxt, (b + 3) % 4)

            _drain(b)
            carry = _reduce(b, carry)
        return carry

    for s in range(3):
        _fire(s, s)
    zf = jnp.zeros((16,), jnp.float32)
    zi = jnp.zeros((16,), jnp.int32)
    afy, ae, cnt = lax.fori_loop(0, _BPW // 4, outer, (zf, zi, zf))
    fs_v[...] = afy
    es_v[...] = ae
    cn_v[...] = cnt
    pltpu.sync_copy(fs_v, fsum_out.at[wid])
    pltpu.sync_copy(es_v, esum_out.at[wid])
    pltpu.sync_copy(cn_v, cnt_out.at[wid])


_TCH = 128
_GPS = _TCH // 8 * 4
_TC_GRID = (_NBLK - _NBLK_SC) // _GPS


def _tc_body(score_ref, tgt_ref, sum_ref, cnt_ref):
    i = pl.program_id(0)
    t = tgt_ref[0]
    picked = jnp.zeros((_TCH, _W), jnp.float32)
    for c in range(_C):
        picked = picked + jnp.where(t == c, score_ref[0, c], jnp.float32(0.0))
    lg = jnp.log(picked)

    @pl.when(i == 0)
    def _():
        sum_ref[...] = jnp.zeros((_TCH, _W), jnp.float32)
        cnt_ref[...] = jnp.zeros((_TCH, _W), jnp.float32)

    sum_ref[...] += lg
    cnt_ref[...] += jnp.where(picked != jnp.float32(1.0),
                              jnp.float32(1.0), jnp.float32(0.0))


_HB = _H // _TCH


def _tc_index4(i):
    g0 = _NBLK_SC + i * _GPS
    return (g0 // 256, 0, (g0 % 256) // _GPS, 0)


def _tc_index3(i):
    idx = _tc_index4(i)
    return (idx[0], idx[2], idx[3])


_nll_tc = pl.pallas_call(
    _tc_body,
    grid=(_TC_GRID,),
    in_specs=[
        pl.BlockSpec((1, _C, _TCH, _W), _tc_index4),
        pl.BlockSpec((1, _TCH, _W), _tc_index3),
    ],
    out_specs=[
        pl.BlockSpec((_TCH, _W), lambda i: (0, 0)),
        pl.BlockSpec((_TCH, _W), lambda i: (0, 0)),
    ],
    out_shape=[jax.ShapeDtypeStruct((_TCH, _W), jnp.float32),
               jax.ShapeDtypeStruct((_TCH, _W), jnp.float32)],
    compiler_params=pltpu.CompilerParams(
        dimension_semantics=("arbitrary",)),
)


def kernel(score, target):
    fsum, esum, cnts = _nll_sc(score, target)
    tc_sum, tc_cnt = _nll_tc(score, target)
    total = (jnp.sum(fsum)
             + jnp.float32(0.6931471805599453)
             * jnp.sum(esum).astype(jnp.float32)
             + jnp.sum(tc_sum))
    return -total / (jnp.sum(cnts) + jnp.sum(tc_cnt))

# --- scband reference (transcript-rebuilt; emitter-appended) ---
"""Pipeline reference for scband-nllloss-13469017440949 (READ-ONLY COPY).

The authoritative reference and input builder live on the scoring server;
editing this copy changes nothing except your own understanding.
"""

import jax, jax.numpy as jnp
import numpy as np

RATIO = 0.2
SAMPLE = 'std'
LOSS_WEIGHT = 1.0
IGNORE_LABEL = 255


def setup_inputs(seed: int = 0) -> dict:
    key = jax.random.key(seed)
    k1, k2 = jax.random.split(key)
    # probabilities in (0, 1); keep strictly positive so log is finite
    score = jax.random.uniform(k1, (8, 19, 512, 512), dtype=jnp.float32, minval=1e-6, maxval=1.0)
    target = jax.random.randint(k2, (8, 512, 512), 0, 19, dtype=jnp.int32)
    return {"score": score, "target": target}


def reference(score, target):
    # log of probabilities
    log_in = jnp.log(score)
    num_classes = score.shape[1]
    # F.nll_loss(reduction='none'): loss[b,h,w] = -log_in[b, target[b,h,w], h, w],
    # with loss = 0 where target == ignore_index
    tgt_clipped = jnp.clip(target, 0, num_classes - 1)
    picked = jnp.take_along_axis(log_in, tgt_clipped[:, None, :, :], axis=1)[:, 0]
    valid = target != IGNORE_LABEL
    losses = jnp.where(valid, -picked, 0.0)
    # sample == 'std' branch: losses = losses[losses != 0]; mean over kept elements
    mask = losses != 0
    cnt = jnp.sum(mask.astype(jnp.float32))
    total = jnp.sum(jnp.where(mask, losses, 0.0))
    mean = total / cnt
    return LOSS_WEIGHT * mean

if __name__ == "__main__":
    import jax
    _d = setup_inputs()
    print(jax.jit(kernel)(*tuple(_d.values())))

</pallas_src>

<mosaic_0001>
#map = affine_map<(d0, d1) -> (0, 0, 0, 0)>
#map1 = affine_map<(d0, d1) -> (0, 0, 0)>
#map2 = affine_map<(d0, d1) -> (0, 0)>
module attributes {stable_mosaic.version = 14 : i64} {
  func.func @_nll_sc(%arg0: i32, %arg1: i32, %arg2: memref<8x19x512x512xf32, #tpu.memory_space<hbm>>, %arg3: memref<8x512x512xi32, #tpu.memory_space<hbm>>, %arg4: memref<32x16xf32, #tpu.memory_space<hbm>>, %arg5: memref<32x16xi32, #tpu.memory_space<hbm>>, %arg6: memref<32x16xf32, #tpu.memory_space<hbm>>, %arg7: memref<608x128xf32, #tpu.memory_space<vmem>>, %arg8: memref<4x8x128xi32, #tpu.memory_space<vmem>>, %arg9: memref<16xf32, #tpu.memory_space<vmem>>, %arg10: memref<16xi32, #tpu.memory_space<vmem>>, %arg11: memref<16xf32, #tpu.memory_space<vmem>>, %arg12: memref<!tpu.dma_semaphore, #tpu.memory_space<semaphore_mem>>, %arg13: memref<!tpu.dma_semaphore, #tpu.memory_space<semaphore_mem>>, %arg14: memref<!tpu.dma_semaphore, #tpu.memory_space<semaphore_mem>>, %arg15: memref<!tpu.dma_semaphore, #tpu.memory_space<semaphore_mem>>) attributes {dimension_semantics = [#tpu.dimension_semantics<core_parallel>, #tpu.dimension_semantics<subcore_parallel>], iteration_bounds = array<i64: 2, 16>, scalar_prefetch = 0 : i64, scratch_operands = 9 : i64, tpu.core_type = #tpu.core_type<sc_vector_subcore>, window_params = [{transform_indices = #map}, {transform_indices = #map1}, {transform_indices = #map2}, {transform_indices = #map2}, {transform_indices = #map2}]} {
    %mul3A = arith.constant 2 : i32
    %mul3A_0 = arith.muli %arg1, %mul3A : i32
    %add3A = arith.addi %mul3A_0, %arg0 : i32
    %iota3A = tpu.iota {dimensions = array<i32: 0>} : vector<16xi32>
    %mul3A_1 = arith.constant 40 : i32
    %mul3A_2 = arith.muli %add3A, %mul3A_1 : i32
    %add3A_3 = arith.constant 0 : i32
    %add3A_4 = arith.addi %mul3A_2, %add3A_3 : i32
    %shift_right_logical3A = arith.constant 8 : i32
    %shift_right_logical3A_5 = arith.shrui %add3A_4, %shift_right_logical3A : i32
    %shift_right_logical3A_6 = arith.constant 2 : i32
    %shift_right_logical3A_7 = arith.shrui %add3A_4, %shift_right_logical3A_6 : i32
    %and3A = arith.constant 63 : i32
    %and3A_8 = arith.andi %shift_right_logical3A_7, %and3A : i32
    %mul3A_9 = arith.constant 8 : i32
    %mul3A_10 = arith.muli %and3A_8, %mul3A_9 : i32
    %and3A_11 = arith.constant 3 : i32
    %and3A_12 = arith.andi %add3A_4, %and3A_11 : i32
    %mul3A_13 = arith.constant 128 : i32
    %mul3A_14 = arith.muli %and3A_12, %mul3A_13 : i32
    %dma_start3A = arith.constant 0 : i32
    %dma_start3A_15 = arith.constant 0 : i32
    %dma_start3A_16 = arith.constant 0 : i32
    %dma_start3A_17 = tpu.memref_slice %arg7[%dma_start3A_15, %dma_start3A_16] : memref<608x128xf32, #tpu.memory_space<vmem>> -> memref<8x128xf32, #tpu.memory_space<vmem>>
    %dma_start3A_18 = tpu.memref_slice %arg2[%shift_right_logical3A_5, %dma_start3A, %mul3A_10, %mul3A_14] : memref<8x19x512x512xf32, #tpu.memory_space<hbm>> -> memref<1x1x8x128xf32, #tpu.memory_space<hbm>>
    %dma_start3A_19 = tpu.memref_squeeze %dma_start3A_18 : memref<1x1x8x128xf32, #tpu.memory_space<hbm>> -> memref<8x128xf32, #tpu.memory_space<hbm>>
    %dma_start3A_20 = arith.constant 0 : i32
    %dma_start3A_21 = arith.constant 0 : i32
    %dma_start3A_22 = tpu.memref_slice %arg7[%dma_start3A_20, %dma_start3A_21] : memref<608x128xf32, #tpu.memory_space<vmem>> -> memref<8x128xf32, #tpu.memory_space<vmem>>
    %dma_start3A_23 = tpu.memref_slice %arg2[%shift_right_logical3A_5, %dma_start3A, %mul3A_10, %mul3A_14] : memref<8x19x512x512xf32, #tpu.memory_space<hbm>> -> memref<1x1x8x128xf32, #tpu.memory_space<hbm>>
    %dma_start3A_24 = tpu.memref_squeeze %dma_start3A_23 : memref<1x1x8x128xf32, #tpu.memory_space<hbm>> -> memref<8x128xf32, #tpu.memory_space<hbm>>
    tpu.enqueue_dma source(%dma_start3A_24 : memref<8x128xf32, #tpu.memory_space<hbm>>) target(%dma_start3A_22 : memref<8x128xf32, #tpu.memory_space<vmem>>) target_semaphore(%arg12 : memref<!tpu.dma_semaphore, #tpu.memory_space<semaphore_mem>>)
    %dma_start3A_25 = arith.constant 1 : i32
    %dma_start3A_26 = arith.constant 8 : i32
    %dma_start3A_27 = arith.constant 0 : i32
    %dma_start3A_28 = tpu.memref_slice %arg7[%dma_start3A_26, %dma_start3A_27] : memref<608x128xf32, #tpu.memory_space<vmem>> -> memref<8x128xf32, #tpu.memory_space<vmem>>
    %dma_start3A_29 = tpu.memref_slice %arg2[%shift_right_logical3A_5, %dma_start3A_25, %mul3A_10, %mul3A_14] : memref<8x19x512x512xf32, #tpu.memory_space<hbm>> -> memref<1x1x8x128xf32, #tpu.memory_space<hbm>>
    %dma_start3A_30 = tpu.memref_squeeze %dma_start3A_29 : memref<1x1x8x128xf32, #tpu.memory_space<hbm>> -> memref<8x128xf32, #tpu.memory_space<hbm>>
    %dma_start3A_31 = arith.constant 8 : i32
    %dma_start3A_32 = arith.constant 0 : i32
    %dma_start3A_33 = tpu.memref_slice %arg7[%dma_start3A_31, %dma_start3A_32] : memref<608x128xf32, #tpu.memory_space<vmem>> -> memref<8x128xf32, #tpu.memory_space<vmem>>
    %dma_start3A_34 = tpu.memref_slice %arg2[%shift_right_logical3A_5, %dma_start3A_25, %mul3A_10, %mul3A_14] : memref<8x19x512x512xf32, #tpu.memory_space<hbm>> -> memref<1x1x8x128xf32, #tpu.memory_space<hbm>>
    %dma_start3A_35 = tpu.memref_squeeze %dma_start3A_34 : memref<1x1x8x128xf32, #tpu.memory_space<hbm>> -> memref<8x128xf32, #tpu.memory_space<hbm>>
    tpu.enqueue_dma source(%dma_start3A_35 : memref<8x128xf32, #tpu.memory_space<hbm>>) target(%dma_start3A_33 : memref<8x128xf32, #tpu.memory_space<vmem>>) target_semaphore(%arg12 : memref<!tpu.dma_semaphore, #tpu.memory_space<semaphore_mem>>)
    %dma_start3A_36 = arith.constant 2 : i32
    %dma_start3A_37 = arith.constant 16 : i32
    %dma_start3A_38 = arith.constant 0 : i32
    %dma_start3A_39 = tpu.memref_slice %arg7[%dma_start3A_37, %dma_start3A_38] : memref<608x128xf32, #tpu.memory_space<vmem>> -> memref<8x128xf32, #tpu.memory_space<vmem>>
    %dma_start3A_40 = tpu.memref_slice %arg2[%shift_right_logical3A_5, %dma_start3A_36, %mul3A_10, %mul3A_14] : memref<8x19x512x512xf32, #tpu.memory_space<hbm>> -> memref<1x1x8x128xf32, #tpu.memory_space<hbm>>
    %dma_start3A_41 = tpu.memref_squeeze %dma_start3A_40 : memref<1x1x8x128xf32, #tpu.memory_space<hbm>> -> memref<8x128xf32, #tpu.memory_space<hbm>>
    %dma_start3A_42 = arith.constant 16 : i32
    %dma_start3A_43 = arith.constant 0 : i32
    %dma_start3A_44 = tpu.memref_slice %arg7[%dma_start3A_42, %dma_start3A_43] : memref<608x128xf32, #tpu.memory_space<vmem>> -> memref<8x128xf32, #tpu.memory_space<vmem>>
    %dma_start3A_45 = tpu.memref_slice %arg2[%shift_right_logical3A_5, %dma_start3A_36, %mul3A_10, %mul3A_14] : memref<8x19x512x512xf32, #tpu.memory_space<hbm>> -> memref<1x1x8x128xf32, #tpu.memory_space<hbm>>
    %dma_start3A_46 = tpu.memref_squeeze %dma_start3A_45 : memref<1x1x8x128xf32, #tpu.memory_space<hbm>> -> memref<8x128xf32, #tpu.memory_space<hbm>>
    tpu.enqueue_dma source(%dma_start3A_46 : memref<8x128xf32, #tpu.memory_space<hbm>>) target(%dma_start3A_44 : memref<8x128xf32, #tpu.memory_space<vmem>>) target_semaphore(%arg12 : memref<!tpu.dma_semaphore, #tpu.memory_space<semaphore_mem>>)
    %dma_start3A_47 = arith.constant 3 : i32
    %dma_start3A_48 = arith.constant 24 : i32
    %dma_start3A_49 = arith.constant 0 : i32
    %dma_start3A_50 = tpu.memref_slice %arg7[%dma_start3A_48, %dma_start3A_49] : memref<608x128xf32, #tpu.memory_space<vmem>> -> memref<8x128xf32, #tpu.memory_space<vmem>>
    %dma_start3A_51 = tpu.memref_slice %arg2[%shift_right_logical3A_5, %dma_start3A_47, %mul3A_10, %mul3A_14] : memref<8x19x512x512xf32, #tpu.memory_space<hbm>> -> memref<1x1x8x128xf32, #tpu.memory_space<hbm>>
    %dma_start3A_52 = tpu.memref_squeeze %dma_start3A_51 : memref<1x1x8x128xf32, #tpu.memory_space<hbm>> -> memref<8x128xf32, #tpu.memory_space<hbm>>
    %dma_start3A_53 = arith.constant 24 : i32
    %dma_start3A_54 = arith.constant 0 : i32
    %dma_start3A_55 = tpu.memref_slice %arg7[%dma_start3A_53, %dma_start3A_54] : memref<608x128xf32, #tpu.memory_space<vmem>> -> memref<8x128xf32, #tpu.memory_space<vmem>>
    %dma_start3A_56 = tpu.memref_slice %arg2[%shift_right_logical3A_5, %dma_start3A_47, %mul3A_10, %mul3A_14] : memref<8x19x512x512xf32, #tpu.memory_space<hbm>> -> memref<1x1x8x128xf32, #tpu.memory_space<hbm>>
    %dma_start3A_57 = tpu.memref_squeeze %dma_start3A_56 : memref<1x1x8x128xf32, #tpu.memory_space<hbm>> -> memref<8x128xf32, #tpu.memory_space<hbm>>
    tpu.enqueue_dma source(%dma_start3A_57 : memref<8x128xf32, #tpu.memory_space<hbm>>) target(%dma_start3A_55 : memref<8x128xf32, #tpu.memory_space<vmem>>) target_semaphore(%arg12 : memref<!tpu.dma_semaphore, #tpu.memory_space<semaphore_mem>>)
    %dma_start3A_58 = arith.constant 4 : i32
    %dma_start3A_59 = arith.constant 32 : i32
    %dma_start3A_60 = arith.constant 0 : i32
    %dma_start3A_61 = tpu.memref_slice %arg7[%dma_start3A_59, %dma_start3A_60] : memref<608x128xf32, #tpu.memory_space<vmem>> -> memref<8x128xf32, #tpu.memory_space<vmem>>
    %dma_start3A_62 = tpu.memref_slice %arg2[%shift_right_logical3A_5, %dma_start3A_58, %mul3A_10, %mul3A_14] : memref<8x19x512x512xf32, #tpu.memory_space<hbm>> -> memref<1x1x8x128xf32, #tpu.memory_space<hbm>>
    %dma_start3A_63 = tpu.memref_squeeze %dma_start3A_62 : memref<1x1x8x128xf32, #tpu.memory_space<hbm>> -> memref<8x128xf32, #tpu.memory_space<hbm>>
    %dma_start3A_64 = arith.constant 32 : i32
    %dma_start3A_65 = arith.constant 0 : i32
    %dma_start3A_66 = tpu.memref_slice %arg7[%dma_start3A_64, %dma_start3A_65] : memref<608x128xf32, #tpu.memory_space<vmem>> -> memref<8x128xf32, #tpu.memory_space<vmem>>
    %dma_start3A_67 = tpu.memref_slice %arg2[%shift_right_logical3A_5, %dma_start3A_58, %mul3A_10, %mul3A_14] : memref<8x19x512x512xf32, #tpu.memory_space<hbm>> -> memref<1x1x8x128xf32, #tpu.memory_space<hbm>>
    %dma_start3A_68 = tpu.memref_squeeze %dma_start3A_67 : memref<1x1x8x128xf32, #tpu.memory_space<hbm>> -> memref<8x128xf32, #tpu.memory_space<hbm>>
    tpu.enqueue_dma source(%dma_start3A_68 : memref<8x128xf32, #tpu.memory_space<hbm>>) target(%dma_start3A_66 : memref<8x128xf32, #tpu.memory_space<vmem>>) target_semaphore(%arg12 : memref<!tpu.dma_semaphore, #tpu.memory_space<semaphore_mem>>)
    %dma_start3A_69 = arith.constant 5 : i32
    %dma_start3A_70 = arith.constant 40 : i32
    %dma_start3A_71 = arith.constant 0 : i32
    %dma_start3A_72 = tpu.memref_slice %arg7[%dma_start3A_70, %dma_start3A_71] : memref<608x128xf32, #tpu.memory_space<vmem>> -> memref<8x128xf32, #tpu.memory_space<vmem>>
    %dma_start3A_73 = tpu.memref_slice %arg2[%shift_right_logical3A_5, %dma_start3A_69, %mul3A_10, %mul3A_14] : memref<8x19x512x512xf32, #tpu.memory_space<hbm>> -> memref<1x1x8x128xf32, #tpu.memory_space<hbm>>
    %dma_start3A_74 = tpu.memref_squeeze %dma_start3A_73 : memref<1x1x8x128xf32, #tpu.memory_space<hbm>> -> memref<8x128xf32, #tpu.memory_space<hbm>>
    %dma_start3A_75 = arith.constant 40 : i32
    %dma_start3A_76 = arith.constant 0 : i32
    %dma_start3A_77 = tpu.memref_slice %arg7[%dma_start3A_75, %dma_start3A_76] : memref<608x128xf32, #tpu.memory_space<vmem>> -> memref<8x128xf32, #tpu.memory_space<vmem>>
    %dma_start3A_78 = tpu.memref_slice %arg2[%shift_right_logical3A_5, %dma_start3A_69, %mul3A_10, %mul3A_14] : memref<8x19x512x512xf32, #tpu.memory_space<hbm>> -> memref<1x1x8x128xf32, #tpu.memory_space<hbm>>
    %dma_start3A_79 = tpu.memref_squeeze %dma_start3A_78 : memref<1x1x8x128xf32, #tpu.memory_space<hbm>> -> memref<8x128xf32, #tpu.memory_space<hbm>>
    tpu.enqueue_dma source(%dma_start3A_79 : memref<8x128xf32, #tpu.memory_space<hbm>>) target(%dma_start3A_77 : memref<8x128xf32, #tpu.memory_space<vmem>>) target_semaphore(%arg12 : memref<!tpu.dma_semaphore, #tpu.memory_space<semaphore_mem>>)
    %dma_start3A_80 = arith.constant 6 : i32
    %dma_start3A_81 = arith.constant 48 : i32
    %dma_start3A_82 = arith.constant 0 : i32
    %dma_start3A_83 = tpu.memref_slice %arg7[%dma_start3A_81, %dma_start3A_82] : memref<608x128xf32, #tpu.memory_space<vmem>> -> memref<8x128xf32, #tpu.memory_space<vmem>>
    %dma_start3A_84 = tpu.memref_slice %arg2[%shift_right_logical3A_5, %dma_start3A_80, %mul3A_10, %mul3A_14] : memref<8x19x512x512xf32, #tpu.memory_space<hbm>> -> memref<1x1x8x128xf32, #tpu.memory_space<hbm>>
    %dma_start3A_85 = tpu.memref_squeeze %dma_start3A_84 : memref<1x1x8x128xf32, #tpu.memory_space<hbm>> -> memref<8x128xf32, #tpu.memory_space<hbm>>
    %dma_start3A_86 = arith.constant 48 : i32
    %dma_start3A_87 = arith.constant 0 : i32
    %dma_start3A_88 = tpu.memref_slice %arg7[%dma_start3A_86, %dma_start3A_87] : memref<608x128xf32, #tpu.memory_space<vmem>> -> memref<8x128xf32, #tpu.memory_space<vmem>>
    %dma_start3A_89 = tpu.memref_slice %arg2[%shift_right_logical3A_5, %dma_start3A_80, %mul3A_10, %mul3A_14] : memref<8x19x512x512xf32, #tpu.memory_space<hbm>> -> memref<1x1x8x128xf32, #tpu.memory_space<hbm>>
    %dma_start3A_90 = tpu.memref_squeeze %dma_start3A_89 : memref<1x1x8x128xf32, #tpu.memory_space<hbm>> -> memref<8x128xf32, #tpu.memory_space<hbm>>
    tpu.enqueue_dma source(%dma_start3A_90 : memref<8x128xf32, #tpu.memory_space<hbm>>) target(%dma_start3A_88 : memref<8x128xf32, #tpu.memory_space<vmem>>) target_semaphore(%arg12 : memref<!tpu.dma_semaphore, #tpu.memory_space<semaphore_mem>>)
    %dma_start3A_91 = arith.constant 7 : i32
    %dma_start3A_92 = arith.constant 56 : i32
    %dma_start3A_93 = arith.constant 0 : i32
    %dma_start3A_94 = tpu.memref_slice %arg7[%dma_start3A_92, %dma_start3A_93] : memref<608x128xf32, #tpu.memory_space<vmem>> -> memref<8x128xf32, #tpu.memory_space<vmem>>
    %dma_start3A_95 = tpu.memref_slice %arg2[%shift_right_logical3A_5, %dma_start3A_91, %mul3A_10, %mul3A_14] : memref<8x19x512x512xf32, #tpu.memory_space<hbm>> -> memref<1x1x8x128xf32, #tpu.memory_space<hbm>>
    %dma_start3A_96 = tpu.memref_squeeze %dma_start3A_95 : memref<1x1x8x128xf32, #tpu.memory_space<hbm>> -> memref<8x128xf32, #tpu.memory_space<hbm>>
    %dma_start3A_97 = arith.constant 56 : i32
    %dma_start3A_98 = arith.constant 0 : i32
    %dma_start3A_99 = tpu.memref_slice %arg7[%dma_start3A_97, %dma_start3A_98] : memref<608x128xf32, #tpu.memory_space<vmem>> -> memref<8x128xf32, #tpu.memory_space<vmem>>
    %dma_start3A_100 = tpu.memref_slice %arg2[%shift_right_logical3A_5, %dma_start3A_91, %mul3A_10, %mul3A_14] : memref<8x19x512x512xf32, #tpu.memory_space<hbm>> -> memref<1x1x8x128xf32, #tpu.memory_space<hbm>>
    %dma_start3A_101 = tpu.memref_squeeze %dma_start3A_100 : memref<1x1x8x128xf32, #tpu.memory_space<hbm>> -> memref<8x128xf32, #tpu.memory_space<hbm>>
    tpu.enqueue_dma source(%dma_start3A_101 : memref<8x128xf32, #tpu.memory_space<hbm>>) target(%dma_start3A_99 : memref<8x128xf32, #tpu.memory_space<vmem>>) target_semaphore(%arg12 : memref<!tpu.dma_semaphore, #tpu.memory_space<semaphore_mem>>)
    %dma_start3A_102 = arith.constant 8 : i32
    %dma_start3A_103 = arith.constant 64 : i32
    %dma_start3A_104 = arith.constant 0 : i32
    %dma_start3A_105 = tpu.memref_slice %arg7[%dma_start3A_103, %dma_start3A_104] : memref<608x128xf32, #tpu.memory_space<vmem>> -> memref<8x128xf32, #tpu.memory_space<vmem>>
    %dma_start3A_106 = tpu.memref_slice %arg2[%shift_right_logical3A_5, %dma_start3A_102, %mul3A_10, %mul3A_14] : memref<8x19x512x512xf32, #tpu.memory_space<hbm>> -> memref<1x1x8x128xf32, #tpu.memory_space<hbm>>
    %dma_start3A_107 = tpu.memref_squeeze %dma_start3A_106 : memref<1x1x8x128xf32, #tpu.memory_space<hbm>> -> memref<8x128xf32, #tpu.memory_space<hbm>>
    %dma_start3A_108 = arith.constant 64 : i32
    %dma_start3A_109 = arith.constant 0 : i32
    %dma_start3A_110 = tpu.memref_slice %arg7[%dma_start3A_108, %dma_start3A_109] : memref<608x128xf32, #tpu.memory_space<vmem>> -> memref<8x128xf32, #tpu.memory_space<vmem>>
    %dma_start3A_111 = tpu.memref_slice %arg2[%shift_right_logical3A_5, %dma_start3A_102, %mul3A_10, %mul3A_14] : memref<8x19x512x512xf32, #tpu.memory_space<hbm>> -> memref<1x1x8x128xf32, #tpu.memory_space<hbm>>
    %dma_start3A_112 = tpu.memref_squeeze %dma_start3A_111 : memref<1x1x8x128xf32, #tpu.memory_space<hbm>> -> memref<8x128xf32, #tpu.memory_space<hbm>>
    tpu.enqueue_dma source(%dma_start3A_112 : memref<8x128xf32, #tpu.memory_space<hbm>>) target(%dma_start3A_110 : memref<8x128xf32, #tpu.memory_space<vmem>>) target_semaphore(%arg12 : memref<!tpu.dma_semaphore, #tpu.memory_space<semaphore_mem>>)
    %dma_start3A_113 = arith.constant 9 : i32
    %dma_start3A_114 = arith.constant 72 : i32
    %dma_start3A_115 = arith.constant 0 : i32
    %dma_start3A_116 = tpu.memref_slice %arg7[%dma_start3A_114, %dma_start3A_115] : memref<608x128xf32, #tpu.memory_space<vmem>> -> memref<8x128xf32, #tpu.memory_space<vmem>>
    %dma_start3A_117 = tpu.memref_slice %arg2[%shift_right_logical3A_5, %dma_start3A_113, %mul3A_10, %mul3A_14] : memref<8x19x512x512xf32, #tpu.memory_space<hbm>> -> memref<1x1x8x128xf32, #tpu.memory_space<hbm>>
    %dma_start3A_118 = tpu.memref_squeeze %dma_start3A_117 : memref<1x1x8x128xf32, #tpu.memory_space<hbm>> -> memref<8x128xf32, #tpu.memory_space<hbm>>
    %dma_start3A_119 = arith.constant 72 : i32
    %dma_start3A_120 = arith.constant 0 : i32
    %dma_start3A_121 = tpu.memref_slice %arg7[%dma_start3A_119, %dma_start3A_120] : memref<608x128xf32, #tpu.memory_space<vmem>> -> memref<8x128xf32, #tpu.memory_space<vmem>>
    %dma_start3A_122 = tpu.memref_slice %arg2[%shift_right_logical3A_5, %dma_start3A_113, %mul3A_10, %mul3A_14] : memref<8x19x512x512xf32, #tpu.memory_space<hbm>> -> memref<1x1x8x128xf32, #tpu.memory_space<hbm>>
    %dma_start3A_123 = tpu.memref_squeeze %dma_start3A_122 : memref<1x1x8x128xf32, #tpu.memory_space<hbm>> -> memref<8x128xf32, #tpu.memory_space<hbm>>
    tpu.enqueue_dma source(%dma_start3A_123 : memref<8x128xf32, #tpu.memory_space<hbm>>) target(%dma_start3A_121 : memref<8x128xf32, #tpu.memory_space<vmem>>) target_semaphore(%arg12 : memref<!tpu.dma_semaphore, #tpu.memory_space<semaphore_mem>>)
    %dma_start3A_124 = arith.constant 10 : i32
    %dma_start3A_125 = arith.constant 80 : i32
    %dma_start3A_126 = arith.constant 0 : i32
    %dma_start3A_127 = tpu.memref_slice %arg7[%dma_start3A_125, %dma_start3A_126] : memref<608x128xf32, #tpu.memory_space<vmem>> -> memref<8x128xf32, #tpu.memory_space<vmem>>
    %dma_start3A_128 = tpu.memref_slice %arg2[%shift_right_logical3A_5, %dma_start3A_124, %mul3A_10, %mul3A_14] : memref<8x19x512x512xf32, #tpu.memory_space<hbm>> -> memref<1x1x8x128xf32, #tpu.memory_space<hbm>>
    %dma_start3A_129 = tpu.memref_squeeze %dma_start3A_128 : memref<1x1x8x128xf32, #tpu.memory_space<hbm>> -> memref<8x128xf32, #tpu.memory_space<hbm>>
    %dma_start3A_130 = arith.constant 80 : i32
    %dma_start3A_131 = arith.constant 0 : i32
    %dma_start3A_132 = tpu.memref_slice %arg7[%dma_start3A_130, %dma_start3A_131] : memref<608x128xf32, #tpu.memory_space<vmem>> -> memref<8x128xf32, #tpu.memory_space<vmem>>
    %dma_start3A_133 = tpu.memref_slice %arg2[%shift_right_logical3A_5, %dma_start3A_124, %mul3A_10, %mul3A_14] : memref<8x19x512x512xf32, #tpu.memory_space<hbm>> -> memref<1x1x8x128xf32, #tpu.memory_space<hbm>>
    %dma_start3A_134 = tpu.memref_squeeze %dma_start3A_133 : memref<1x1x8x128xf32, #tpu.memory_space<hbm>> -> memref<8x128xf32, #tpu.memory_space<hbm>>
    tpu.enqueue_dma source(%dma_start3A_134 : memref<8x128xf32, #tpu.memory_space<hbm>>) target(%dma_start3A_132 : memref<8x128xf32, #tpu.memory_space<vmem>>) target_semaphore(%arg12 : memref<!tpu.dma_semaphore, #tpu.memory_space<semaphore_mem>>)
    %dma_start3A_135 = arith.constant 11 : i32
    %dma_start3A_136 = arith.constant 88 : i32
    %dma_start3A_137 = arith.constant 0 : i32
    %dma_start3A_138 = tpu.memref_slice %arg7[%dma_start3A_136, %dma_start3A_137] : memref<608x128xf32, #tpu.memory_space<vmem>> -> memref<8x128xf32, #tpu.memory_space<vmem>>
    %dma_start3A_139 = tpu.memref_slice %arg2[%shift_right_logical3A_5, %dma_start3A_135, %mul3A_10, %mul3A_14] : memref<8x19x512x512xf32, #tpu.memory_space<hbm>> -> memref<1x1x8x128xf32, #tpu.memory_space<hbm>>
    %dma_start3A_140 = tpu.memref_squeeze %dma_start3A_139 : memref<1x1x8x128xf32, #tpu.memory_space<hbm>> -> memref<8x128xf32, #tpu.memory_space<hbm>>
    %dma_start3A_141 = arith.constant 88 : i32
    %dma_start3A_142 = arith.constant 0 : i32
    %dma_start3A_143 = tpu.memref_slice %arg7[%dma_start3A_141, %dma_start3A_142] : memref<608x128xf32, #tpu.memory_space<vmem>> -> memref<8x128xf32, #tpu.memory_space<vmem>>
    %dma_start3A_144 = tpu.memref_slice %arg2[%shift_right_logical3A_5, %dma_start3A_135, %mul3A_10, %mul3A_14] : memref<8x19x512x512xf32, #tpu.memory_space<hbm>> -> memref<1x1x8x128xf32, #tpu.memory_space<hbm>>
    %dma_start3A_145 = tpu.memref_squeeze %dma_start3A_144 : memref<1x1x8x128xf32, #tpu.memory_space<hbm>> -> memref<8x128xf32, #tpu.memory_space<hbm>>
    tpu.enqueue_dma source(%dma_start3A_145 : memref<8x128xf32, #tpu.memory_space<hbm>>) target(%dma_start3A_143 : memref<8x128xf32, #tpu.memory_space<vmem>>) target_semaphore(%arg12 : memref<!tpu.dma_semaphore, #tpu.memory_space<semaphore_mem>>)
    %dma_start3A_146 = arith.constant 12 : i32
    %dma_start3A_147 = arith.constant 96 : i32
    %dma_start3A_148 = arith.constant 0 : i32
    %dma_start3A_149 = tpu.memref_slice %arg7[%dma_start3A_147, %dma_start3A_148] : memref<608x128xf32, #tpu.memory_space<vmem>> -> memref<8x128xf32, #tpu.memory_space<vmem>>
    %dma_start3A_150 = tpu.memref_slice %arg2[%shift_right_logical3A_5, %dma_start3A_146, %mul3A_10, %mul3A_14] : memref<8x19x512x512xf32, #tpu.memory_space<hbm>> -> memref<1x1x8x128xf32, #tpu.memory_space<hbm>>
    %dma_start3A_151 = tpu.memref_squeeze %dma_start3A_150 : memref<1x1x8x128xf32, #tpu.memory_space<hbm>> -> memref<8x128xf32, #tpu.memory_space<hbm>>
    %dma_start3A_152 = arith.constant 96 : i32
    %dma_start3A_153 = arith.constant 0 : i32
    %dma_start3A_154 = tpu.memref_slice %arg7[%dma_start3A_152, %dma_start3A_153] : memref<608x128xf32, #tpu.memory_space<vmem>> -> memref<8x128xf32, #tpu.memory_space<vmem>>
    %dma_start3A_155 = tpu.memref_slice %arg2[%shift_right_logical3A_5, %dma_start3A_146, %mul3A_10, %mul3A_14] : memref<8x19x512x512xf32, #tpu.memory_space<hbm>> -> memref<1x1x8x128xf32, #tpu.memory_space<hbm>>
    %dma_start3A_156 = tpu.memref_squeeze %dma_start3A_155 : memref<1x1x8x128xf32, #tpu.memory_space<hbm>> -> memref<8x128xf32, #tpu.memory_space<hbm>>
    tpu.enqueue_dma source(%dma_start3A_156 : memref<8x128xf32, #tpu.memory_space<hbm>>) target(%dma_start3A_154 : memref<8x128xf32, #tpu.memory_space<vmem>>) target_semaphore(%arg12 : memref<!tpu.dma_semaphore, #tpu.memory_space<semaphore_mem>>)
    %dma_start3A_157 = arith.constant 13 : i32
    %dma_start3A_158 = arith.constant 104 : i32
    %dma_start3A_159 = arith.constant 0 : i32
    %dma_start3A_160 = tpu.memref_slice %arg7[%dma_start3A_158, %dma_start3A_159] : memref<608x128xf32, #tpu.memory_space<vmem>> -> memref<8x128xf32, #tpu.memory_space<vmem>>
    %dma_start3A_161 = tpu.memref_slice %arg2[%shift_right_logical3A_5, %dma_start3A_157, %mul3A_10, %mul3A_14] : memref<8x19x512x512xf32, #tpu.memory_space<hbm>> -> memref<1x1x8x128xf32, #tpu.memory_space<hbm>>
    %dma_start3A_162 = tpu.memref_squeeze %dma_start3A_161 : memref<1x1x8x128xf32, #tpu.memory_space<hbm>> -> memref<8x128xf32, #tpu.memory_space<hbm>>
    %dma_start3A_163 = arith.constant 104 : i32
    %dma_start3A_164 = arith.constant 0 : i32
    %dma_start3A_165 = tpu.memref_slice %arg7[%dma_start3A_163, %dma_start3A_164] : memref<608x128xf32, #tpu.memory_space<vmem>> -> memref<8x128xf32, #tpu.memory_space<vmem>>
    %dma_start3A_166 = tpu.memref_slice %arg2[%shift_right_logical3A_5, %dma_start3A_157, %mul3A_10, %mul3A_14] : memref<8x19x512x512xf32, #tpu.memory_space<hbm>> -> memref<1x1x8x128xf32, #tpu.memory_space<hbm>>
    %dma_start3A_167 = tpu.memref_squeeze %dma_start3A_166 : memref<1x1x8x128xf32, #tpu.memory_space<hbm>> -> memref<8x128xf32, #tpu.memory_space<hbm>>
    tpu.enqueue_dma source(%dma_start3A_167 : memref<8x128xf32, #tpu.memory_space<hbm>>) target(%dma_start3A_165 : memref<8x128xf32, #tpu.memory_space<vmem>>) target_semaphore(%arg12 : memref<!tpu.dma_semaphore, #tpu.memory_space<semaphore_mem>>)
    %dma_start3A_168 = arith.constant 14 : i32
    %dma_start3A_169 = arith.constant 112 : i32
    %dma_start3A_170 = arith.constant 0 : i32
    %dma_start3A_171 = tpu.memref_slice %arg7[%dma_start3A_169, %dma_start3A_170] : memref<608x128xf32, #tpu.memory_space<vmem>> -> memref<8x128xf32, #tpu.memory_space<vmem>>
    %dma_start3A_172 = tpu.memref_slice %arg2[%shift_right_logical3A_5, %dma_start3A_168, %mul3A_10, %mul3A_14] : memref<8x19x512x512xf32, #tpu.memory_space<hbm>> -> memref<1x1x8x128xf32, #tpu.memory_space<hbm>>
    %dma_start3A_173 = tpu.memref_squeeze %dma_start3A_172 : memref<1x1x8x128xf32, #tpu.memory_space<hbm>> -> memref<8x128xf32, #tpu.memory_space<hbm>>
    %dma_start3A_174 = arith.constant 112 : i32
    %dma_start3A_175 = arith.constant 0 : i32
    %dma_start3A_176 = tpu.memref_slice %arg7[%dma_start3A_174, %dma_start3A_175] : memref<608x128xf32, #tpu.memory_space<vmem>> -> memref<8x128xf32, #tpu.memory_space<vmem>>
    %dma_start3A_177 = tpu.memref_slice %arg2[%shift_right_logical3A_5, %dma_start3A_168, %mul3A_10, %mul3A_14] : memref<8x19x512x512xf32, #tpu.memory_space<hbm>> -> memref<1x1x8x128xf32, #tpu.memory_space<hbm>>
    %dma_start3A_178 = tpu.memref_squeeze %dma_start3A_177 : memref<1x1x8x128xf32, #tpu.memory_space<hbm>> -> memref<8x128xf32, #tpu.memory_space<hbm>>
    tpu.enqueue_dma source(%dma_start3A_178 : memref<8x128xf32, #tpu.memory_space<hbm>>) target(%dma_start3A_176 : memref<8x128xf32, #tpu.memory_space<vmem>>) target_semaphore(%arg12 : memref<!tpu.dma_semaphore, #tpu.memory_space<semaphore_mem>>)
    %dma_start3A_179 = arith.constant 15 : i32
    %dma_start3A_180 = arith.constant 120 : i32
    %dma_start3A_181 = arith.constant 0 : i32
    %dma_start3A_182 = tpu.memref_slice %arg7[%dma_start3A_180, %dma_start3A_181] : memref<608x128xf32, #tpu.memory_space<vmem>> -> memref<8x128xf32, #tpu.memory_space<vmem>>
    %dma_start3A_183 = tpu.memref_slice %arg2[%shift_right_logical3A_5, %dma_start3A_179, %mul3A_10, %mul3A_14] : memref<8x19x512x512xf32, #tpu.memory_space<hbm>> -> memref<1x1x8x128xf32, #tpu.memory_space<hbm>>
    %dma_start3A_184 = tpu.memref_squeeze %dma_start3A_183 : memref<1x1x8x128xf32, #tpu.memory_space<hbm>> -> memref<8x128xf32, #tpu.memory_space<hbm>>
    %dma_start3A_185 = arith.constant 120 : i32
    %dma_start3A_186 = arith.constant 0 : i32
    %dma_start3A_187 = tpu.memref_slice %arg7[%dma_start3A_185, %dma_start3A_186] : memref<608x128xf32, #tpu.memory_space<vmem>> -> memref<8x128xf32, #tpu.memory_space<vmem>>
    %dma_start3A_188 = tpu.memref_slice %arg2[%shift_right_logical3A_5, %dma_start3A_179, %mul3A_10, %mul3A_14] : memref<8x19x512x512xf32, #tpu.memory_space<hbm>> -> memref<1x1x8x128xf32, #tpu.memory_space<hbm>>
    %dma_start3A_189 = tpu.memref_squeeze %dma_start3A_188 : memref<1x1x8x128xf32, #tpu.memory_space<hbm>> -> memref<8x128xf32, #tpu.memory_space<hbm>>
    tpu.enqueue_dma source(%dma_start3A_189 : memref<8x128xf32, #tpu.memory_space<hbm>>) target(%dma_start3A_187 : memref<8x128xf32, #tpu.memory_space<vmem>>) target_semaphore(%arg12 : memref<!tpu.dma_semaphore, #tpu.memory_space<semaphore_mem>>)
    %dma_start3A_190 = arith.constant 16 : i32
    %dma_start3A_191 = arith.constant 128 : i32
    %dma_start3A_192 = arith.constant 0 : i32
    %dma_start3A_193 = tpu.memref_slice %arg7[%dma_start3A_191, %dma_start3A_192] : memref<608x128xf32, #tpu.memory_space<vmem>> -> memref<8x128xf32, #tpu.memory_space<vmem>>
    %dma_start3A_194 = tpu.memref_slice %arg2[%shift_right_logical3A_5, %dma_start3A_190, %mul3A_10, %mul3A_14] : memref<8x19x512x512xf32, #tpu.memory_space<hbm>> -> memref<1x1x8x128xf32, #tpu.memory_space<hbm>>
    %dma_start3A_195 = tpu.memref_squeeze %dma_start3A_194 : memref<1x1x8x128xf32, #tpu.memory_space<hbm>> -> memref<8x128xf32, #tpu.memory_space<hbm>>
    %dma_start3A_196 = arith.constant 128 : i32
    %dma_start3A_197 = arith.constant 0 : i32
    %dma_start3A_198 = tpu.memref_slice %arg7[%dma_start3A_196, %dma_start3A_197] : memref<608x128xf32, #tpu.memory_space<vmem>> -> memref<8x128xf32, #tpu.memory_space<vmem>>
    %dma_start3A_199 = tpu.memref_slice %arg2[%shift_right_logical3A_5, %dma_start3A_190, %mul3A_10, %mul3A_14] : memref<8x19x512x512xf32, #tpu.memory_space<hbm>> -> memref<1x1x8x128xf32, #tpu.memory_space<hbm>>
    %dma_start3A_200 = tpu.memref_squeeze %dma_start3A_199 : memref<1x1x8x128xf32, #tpu.memory_space<hbm>> -> memref<8x128xf32, #tpu.memory_space<hbm>>
    tpu.enqueue_dma source(%dma_start3A_200 : memref<8x128xf32, #tpu.memory_space<hbm>>) target(%dma_start3A_198 : memref<8x128xf32, #tpu.memory_space<vmem>>) target_semaphore(%arg12 : memref<!tpu.dma_semaphore, #tpu.memory_space<semaphore_mem>>)
    %dma_start3A_201 = arith.constant 17 : i32
    %dma_start3A_202 = arith.constant 136 : i32
    %dma_start3A_203 = arith.constant 0 : i32
    %dma_start3A_204 = tpu.memref_slice %arg7[%dma_start3A_202, %dma_start3A_203] : memref<608x128xf32, #tpu.memory_space<vmem>> -> memref<8x128xf32, #tpu.memory_space<vmem>>
    %dma_start3A_205 = tpu.memref_slice %arg2[%shift_right_logical3A_5, %dma_start3A_201, %mul3A_10, %mul3A_14] : memref<8x19x512x512xf32, #tpu.memory_space<hbm>> -> memref<1x1x8x128xf32, #tpu.memory_space<hbm>>
    %dma_start3A_206 = tpu.memref_squeeze %dma_start3A_205 : memref<1x1x8x128xf32, #tpu.memory_space<hbm>> -> memref<8x128xf32, #tpu.memory_space<hbm>>
    %dma_start3A_207 = arith.constant 136 : i32
    %dma_start3A_208 = arith.constant 0 : i32
    %dma_start3A_209 = tpu.memref_slice %arg7[%dma_start3A_207, %dma_start3A_208] : memref<608x128xf32, #tpu.memory_space<vmem>> -> memref<8x128xf32, #tpu.memory_space<vmem>>
    %dma_start3A_210 = tpu.memref_slice %arg2[%shift_right_logical3A_5, %dma_start3A_201, %mul3A_10, %mul3A_14] : memref<8x19x512x512xf32, #tpu.memory_space<hbm>> -> memref<1x1x8x128xf32, #tpu.memory_space<hbm>>
    %dma_start3A_211 = tpu.memref_squeeze %dma_start3A_210 : memref<1x1x8x128xf32, #tpu.memory_space<hbm>> -> memref<8x128xf32, #tpu.memory_space<hbm>>
    tpu.enqueue_dma source(%dma_start3A_211 : memref<8x128xf32, #tpu.memory_space<hbm>>) target(%dma_start3A_209 : memref<8x128xf32, #tpu.memory_space<vmem>>) target_semaphore(%arg12 : memref<!tpu.dma_semaphore, #tpu.memory_space<semaphore_mem>>)
    %dma_start3A_212 = arith.constant 18 : i32
    %dma_start3A_213 = arith.constant 144 : i32
    %dma_start3A_214 = arith.constant 0 : i32
    %dma_start3A_215 = tpu.memref_slice %arg7[%dma_start3A_213, %dma_start3A_214] : memref<608x128xf32, #tpu.memory_space<vmem>> -> memref<8x128xf32, #tpu.memory_space<vmem>>
    %dma_start3A_216 = tpu.memref_slice %arg2[%shift_right_logical3A_5, %dma_start3A_212, %mul3A_10, %mul3A_14] : memref<8x19x512x512xf32, #tpu.memory_space<hbm>> -> memref<1x1x8x128xf32, #tpu.memory_space<hbm>>
    %dma_start3A_217 = tpu.memref_squeeze %dma_start3A_216 : memref<1x1x8x128xf32, #tpu.memory_space<hbm>> -> memref<8x128xf32, #tpu.memory_space<hbm>>
    %dma_start3A_218 = arith.constant 144 : i32
    %dma_start3A_219 = arith.constant 0 : i32
    %dma_start3A_220 = tpu.memref_slice %arg7[%dma_start3A_218, %dma_start3A_219] : memref<608x128xf32, #tpu.memory_space<vmem>> -> memref<8x128xf32, #tpu.memory_space<vmem>>
    %dma_start3A_221 = tpu.memref_slice %arg2[%shift_right_logical3A_5, %dma_start3A_212, %mul3A_10, %mul3A_14] : memref<8x19x512x512xf32, #tpu.memory_space<hbm>> -> memref<1x1x8x128xf32, #tpu.memory_space<hbm>>
    %dma_start3A_222 = tpu.memref_squeeze %dma_start3A_221 : memref<1x1x8x128xf32, #tpu.memory_space<hbm>> -> memref<8x128xf32, #tpu.memory_space<hbm>>
    tpu.enqueue_dma source(%dma_start3A_222 : memref<8x128xf32, #tpu.memory_space<hbm>>) target(%dma_start3A_220 : memref<8x128xf32, #tpu.memory_space<vmem>>) target_semaphore(%arg12 : memref<!tpu.dma_semaphore, #tpu.memory_space<semaphore_mem>>)
    %dma_start3A_223 = arith.constant 0 : i32
    %dma_start3A_224 = arith.constant 0 : i32
    %dma_start3A_225 = arith.constant 0 : i32
    %dma_start3A_226 = tpu.memref_slice %arg8[%dma_start3A_223, %dma_start3A_224, %dma_start3A_225] : memref<4x8x128xi32, #tpu.memory_space<vmem>> -> memref<1x8x128xi32, #tpu.memory_space<vmem>>
    %dma_start3A_227 = tpu.memref_squeeze %dma_start3A_226 : memref<1x8x128xi32, #tpu.memory_space<vmem>> -> memref<8x128xi32, #tpu.memory_space<vmem>>
    %dma_start3A_228 = tpu.memref_slice %arg3[%shift_right_logical3A_5, %mul3A_10, %mul3A_14] : memref<8x512x512xi32, #tpu.memory_space<hbm>> -> memref<1x8x128xi32, #tpu.memory_space<hbm>>
    %dma_start3A_229 = tpu.memref_squeeze %dma_start3A_228 : memref<1x8x128xi32, #tpu.memory_space<hbm>> -> memref<8x128xi32, #tpu.memory_space<hbm>>
    %dma_start3A_230 = arith.constant 0 : i32
    %dma_start3A_231 = arith.constant 0 : i32
    %dma_start3A_232 = tpu.memref_slice %arg8[%dma_start3A_223, %dma_start3A_230, %dma_start3A_231] : memref<4x8x128xi32, #tpu.memory_space<vmem>> -> memref<1x8x128xi32, #tpu.memory_space<vmem>>
    %dma_start3A_233 = tpu.memref_squeeze %dma_start3A_232 : memref<1x8x128xi32, #tpu.memory_space<vmem>> -> memref<8x128xi32, #tpu.memory_space<vmem>>
    %dma_start3A_234 = tpu.memref_slice %arg3[%shift_right_logical3A_5, %mul3A_10, %mul3A_14] : memref<8x512x512xi32, #tpu.memory_space<hbm>> -> memref<1x8x128xi32, #tpu.memory_space<hbm>>
    %dma_start3A_235 = tpu.memref_squeeze %dma_start3A_234 : memref<1x8x128xi32, #tpu.memory_space<hbm>> -> memref<8x128xi32, #tpu.memory_space<hbm>>
    tpu.enqueue_dma source(%dma_start3A_235 : memref<8x128xi32, #tpu.memory_space<hbm>>) target(%dma_start3A_233 : memref<8x128xi32, #tpu.memory_space<vmem>>) target_semaphore(%arg12 : memref<!tpu.dma_semaphore, #tpu.memory_space<semaphore_mem>>)
    %mul3A_236 = arith.constant 40 : i32
    %mul3A_237 = arith.muli %add3A, %mul3A_236 : i32
    %add3A_238 = arith.constant 1 : i32
    %add3A_239 = arith.addi %mul3A_237, %add3A_238 : i32
    %shift_right_logical3A_240 = arith.constant 8 : i32
    %shift_right_logical3A_241 = arith.shrui %add3A_239, %shift_right_logical3A_240 : i32
    %shift_right_logical3A_242 = arith.constant 2 : i32
    %shift_right_logical3A_243 = arith.shrui %add3A_239, %shift_right_logical3A_242 : i32
    %and3A_244 = arith.constant 63 : i32
    %and3A_245 = arith.andi %shift_right_logical3A_243, %and3A_244 : i32
    %mul3A_246 = arith.constant 8 : i32
    %mul3A_247 = arith.muli %and3A_245, %mul3A_246 : i32
    %and3A_248 = arith.constant 3 : i32
    %and3A_249 = arith.andi %add3A_239, %and3A_248 : i32
    %mul3A_250 = arith.constant 128 : i32
    %mul3A_251 = arith.muli %and3A_249, %mul3A_250 : i32
    %dma_start3A_252 = arith.constant 0 : i32
    %dma_start3A_253 = arith.constant 152 : i32
    %dma_start3A_254 = arith.constant 0 : i32
    %dma_start3A_255 = tpu.memref_slice %arg7[%dma_start3A_253, %dma_start3A_254] : memref<608x128xf32, #tpu.memory_space<vmem>> -> memref<8x128xf32, #tpu.memory_space<vmem>>
    %dma_start3A_256 = tpu.memref_slice %arg2[%shift_right_logical3A_241, %dma_start3A_252, %mul3A_247, %mul3A_251] : memref<8x19x512x512xf32, #tpu.memory_space<hbm>> -> memref<1x1x8x128xf32, #tpu.memory_space<hbm>>
    %dma_start3A_257 = tpu.memref_squeeze %dma_start3A_256 : memref<1x1x8x128xf32, #tpu.memory_space<hbm>> -> memref<8x128xf32, #tpu.memory_space<hbm>>
    %dma_start3A_258 = arith.constant 152 : i32
    %dma_start3A_259 = arith.constant 0 : i32
    %dma_start3A_260 = tpu.memref_slice %arg7[%dma_start3A_258, %dma_start3A_259] : memref<608x128xf32, #tpu.memory_space<vmem>> -> memref<8x128xf32, #tpu.memory_space<vmem>>
    %dma_start3A_261 = tpu.memref_slice %arg2[%shift_right_logical3A_241, %dma_start3A_252, %mul3A_247, %mul3A_251] : memref<8x19x512x512xf32, #tpu.memory_space<hbm>> -> memref<1x1x8x128xf32, #tpu.memory_space<hbm>>
    %dma_start3A_262 = tpu.memref_squeeze %dma_start3A_261 : memref<1x1x8x128xf32, #tpu.memory_space<hbm>> -> memref<8x128xf32, #tpu.memory_space<hbm>>
    tpu.enqueue_dma source(%dma_start3A_262 : memref<8x128xf32, #tpu.memory_space<hbm>>) target(%dma_start3A_260 : memref<8x128xf32, #tpu.memory_space<vmem>>) target_semaphore(%arg13 : memref<!tpu.dma_semaphore, #tpu.memory_space<semaphore_mem>>)
    %dma_start3A_263 = arith.constant 1 : i32
    %dma_start3A_264 = arith.constant 160 : i32
    %dma_start3A_265 = arith.constant 0 : i32
    %dma_start3A_266 = tpu.memref_slice %arg7[%dma_start3A_264, %dma_start3A_265] : memref<608x128xf32, #tpu.memory_space<vmem>> -> memref<8x128xf32, #tpu.memory_space<vmem>>
    %dma_start3A_267 = tpu.memref_slice %arg2[%shift_right_logical3A_241, %dma_start3A_263, %mul3A_247, %mul3A_251] : memref<8x19x512x512xf32, #tpu.memory_space<hbm>> -> memref<1x1x8x128xf32, #tpu.memory_space<hbm>>
    %dma_start3A_268 = tpu.memref_squeeze %dma_start3A_267 : memref<1x1x8x128xf32, #tpu.memory_space<hbm>> -> memref<8x128xf32, #tpu.memory_space<hbm>>
    %dma_start3A_269 = arith.constant 160 : i32
    %dma_start3A_270 = arith.constant 0 : i32
    %dma_start3A_271 = tpu.memref_slice %arg7[%dma_start3A_269, %dma_start3A_270] : memref<608x128xf32, #tpu.memory_space<vmem>> -> memref<8x128xf32, #tpu.memory_space<vmem>>
    %dma_start3A_272 = tpu.memref_slice %arg2[%shift_right_logical3A_241, %dma_start3A_263, %mul3A_247, %mul3A_251] : memref<8x19x512x512xf32, #tpu.memory_space<hbm>> -> memref<1x1x8x128xf32, #tpu.memory_space<hbm>>
    %dma_start3A_273 = tpu.memref_squeeze %dma_start3A_272 : memref<1x1x8x128xf32, #tpu.memory_space<hbm>> -> memref<8x128xf32, #tpu.memory_space<hbm>>
    tpu.enqueue_dma source(%dma_start3A_273 : memref<8x128xf32, #tpu.memory_space<hbm>>) target(%dma_start3A_271 : memref<8x128xf32, #tpu.memory_space<vmem>>) target_semaphore(%arg13 : memref<!tpu.dma_semaphore, #tpu.memory_space<semaphore_mem>>)
    %dma_start3A_274 = arith.constant 2 : i32
    %dma_start3A_275 = arith.constant 168 : i32
    %dma_start3A_276 = arith.constant 0 : i32
    %dma_start3A_277 = tpu.memref_slice %arg7[%dma_start3A_275, %dma_start3A_276] : memref<608x128xf32, #tpu.memory_space<vmem>> -> memref<8x128xf32, #tpu.memory_space<vmem>>
    %dma_start3A_278 = tpu.memref_slice %arg2[%shift_right_logical3A_241, %dma_start3A_274, %mul3A_247, %mul3A_251] : memref<8x19x512x512xf32, #tpu.memory_space<hbm>> -> memref<1x1x8x128xf32, #tpu.memory_space<hbm>>
    %dma_start3A_279 = tpu.memref_squeeze %dma_start3A_278 : memref<1x1x8x128xf32, #tpu.memory_space<hbm>> -> memref<8x128xf32, #tpu.memory_space<hbm>>
    %dma_start3A_280 = arith.constant 168 : i32
    %dma_start3A_281 = arith.constant 0 : i32
    %dma_start3A_282 = tpu.memref_slice %arg7[%dma_start3A_280, %dma_start3A_281] : memref<608x128xf32, #tpu.memory_space<vmem>> -> memref<8x128xf32, #tpu.memory_space<vmem>>
    %dma_start3A_283 = tpu.memref_slice %arg2[%shift_right_logical3A_241, %dma_start3A_274, %mul3A_247, %mul3A_251] : memref<8x19x512x512xf32, #tpu.memory_space<hbm>> -> memref<1x1x8x128xf32, #tpu.memory_space<hbm>>
    %dma_start3A_284 = tpu.memref_squeeze %dma_start3A_283 : memref<1x1x8x128xf32, #tpu.memory_space<hbm>> -> memref<8x128xf32, #tpu.memory_space<hbm>>
    tpu.enqueue_dma source(%dma_start3A_284 : memref<8x128xf32, #tpu.memory_space<hbm>>) target(%dma_start3A_282 : memref<8x128xf32, #tpu.memory_space<vmem>>) target_semaphore(%arg13 : memref<!tpu.dma_semaphore, #tpu.memory_space<semaphore_mem>>)
    %dma_start3A_285 = arith.constant 3 : i32
    %dma_start3A_286 = arith.constant 176 : i32
    %dma_start3A_287 = arith.constant 0 : i32
    %dma_start3A_288 = tpu.memref_slice %arg7[%dma_start3A_286, %dma_start3A_287] : memref<608x128xf32, #tpu.memory_space<vmem>> -> memref<8x128xf32, #tpu.memory_space<vmem>>
    %dma_start3A_289 = tpu.memref_slice %arg2[%shift_right_logical3A_241, %dma_start3A_285, %mul3A_247, %mul3A_251] : memref<8x19x512x512xf32, #tpu.memory_space<hbm>> -> memref<1x1x8x128xf32, #tpu.memory_space<hbm>>
    %dma_start3A_290 = tpu.memref_squeeze %dma_start3A_289 : memref<1x1x8x128xf32, #tpu.memory_space<hbm>> -> memref<8x128xf32, #tpu.memory_space<hbm>>
    %dma_start3A_291 = arith.constant 176 : i32
    %dma_start3A_292 = arith.constant 0 : i32
    %dma_start3A_293 = tpu.memref_slice %arg7[%dma_start3A_291, %dma_start3A_292] : memref<608x128xf32, #tpu.memory_space<vmem>> -> memref<8x128xf32, #tpu.memory_space<vmem>>
    %dma_start3A_294 = tpu.memref_slice %arg2[%shift_right_logical3A_241, %dma_start3A_285, %mul3A_247, %mul3A_251] : memref<8x19x512x512xf32, #tpu.memory_space<hbm>> -> memref<1x1x8x128xf32, #tpu.memory_space<hbm>>
    %dma_start3A_295 = tpu.memref_squeeze %dma_start3A_294 : memref<1x1x8x128xf32, #tpu.memory_space<hbm>> -> memref<8x128xf32, #tpu.memory_space<hbm>>
    tpu.enqueue_dma source(%dma_start3A_295 : memref<8x128xf32, #tpu.memory_space<hbm>>) target(%dma_start3A_293 : memref<8x128xf32, #tpu.memory_space<vmem>>) target_semaphore(%arg13 : memref<!tpu.dma_semaphore, #tpu.memory_space<semaphore_mem>>)
    %dma_start3A_296 = arith.constant 4 : i32
    %dma_start3A_297 = arith.constant 184 : i32
    %dma_start3A_298 = arith.constant 0 : i32
    %dma_start3A_299 = tpu.memref_slice %arg7[%dma_start3A_297, %dma_start3A_298] : memref<608x128xf32, #tpu.memory_space<vmem>> -> memref<8x128xf32, #tpu.memory_space<vmem>>
    %dma_start3A_300 = tpu.memref_slice %arg2[%shift_right_logical3A_241, %dma_start3A_296, %mul3A_247, %mul3A_251] : memref<8x19x512x512xf32, #tpu.memory_space<hbm>> -> memref<1x1x8x128xf32, #tpu.memory_space<hbm>>
    %dma_start3A_301 = tpu.memref_squeeze %dma_start3A_300 : memref<1x1x8x128xf32, #tpu.memory_space<hbm>> -> memref<8x128xf32, #tpu.memory_space<hbm>>
    %dma_start3A_302 = arith.constant 184 : i32
    %dma_start3A_303 = arith.constant 0 : i32
    %dma_start3A_304 = tpu.memref_slice %arg7[%dma_start3A_302, %dma_start3A_303] : memref<608x128xf32, #tpu.memory_space<vmem>> -> memref<8x128xf32, #tpu.memory_space<vmem>>
    %dma_start3A_305 = tpu.memref_slice %arg2[%shift_right_logical3A_241, %dma_start3A_296, %mul3A_247, %mul3A_251] : memref<8x19x512x512xf32, #tpu.memory_space<hbm>> -> memref<1x1x8x128xf32, #tpu.memory_space<hbm>>
    %dma_start3A_306 = tpu.memref_squeeze %dma_start3A_305 : memref<1x1x8x128xf32, #tpu.memory_space<hbm>> -> memref<8x128xf32, #tpu.memory_space<hbm>>
    tpu.enqueue_dma source(%dma_start3A_306 : memref<8x128xf32, #tpu.memory_space<hbm>>) target(%dma_start3A_304 : memref<8x128xf32, #tpu.memory_space<vmem>>) target_semaphore(%arg13 : memref<!tpu.dma_semaphore, #tpu.memory_space<semaphore_mem>>)
    %dma_start3A_307 = arith.constant 5 : i32
    %dma_start3A_308 = arith.constant 192 : i32
    %dma_start3A_309 = arith.constant 0 : i32
    %dma_start3A_310 = tpu.memref_slice %arg7[%dma_start3A_308, %dma_start3A_309] : memref<608x128xf32, #tpu.memory_space<vmem>> -> memref<8x128xf32, #tpu.memory_space<vmem>>
    %dma_start3A_311 = tpu.memref_slice %arg2[%shift_right_logical3A_241, %dma_start3A_307, %mul3A_247, %mul3A_251] : memref<8x19x512x512xf32, #tpu.memory_space<hbm>> -> memref<1x1x8x128xf32, #tpu.memory_space<hbm>>
    %dma_start3A_312 = tpu.memref_squeeze %dma_start3A_311 : memref<1x1x8x128xf32, #tpu.memory_space<hbm>> -> memref<8x128xf32, #tpu.memory_space<hbm>>
    %dma_start3A_313 = arith.constant 192 : i32
    %dma_start3A_314 = arith.constant 0 : i32
    %dma_start3A_315 = tpu.memref_slice %arg7[%dma_start3A_313, %dma_start3A_314] : memref<608x128xf32, #tpu.memory_space<vmem>> -> memref<8x128xf32, #tpu.memory_space<vmem>>
    %dma_start3A_316 = tpu.memref_slice %arg2[%shift_right_logical3A_241, %dma_start3A_307, %mul3A_247, %mul3A_251] : memref<8x19x512x512xf32, #tpu.memory_space<hbm>> -> memref<1x1x8x128xf32, #tpu.memory_space<hbm>>
    %dma_start3A_317 = tpu.memref_squeeze %dma_start3A_316 : memref<1x1x8x128xf32, #tpu.memory_space<hbm>> -> memref<8x128xf32, #tpu.memory_space<hbm>>
    tpu.enqueue_dma source(%dma_start3A_317 : memref<8x128xf32, #tpu.memory_space<hbm>>) target(%dma_start3A_315 : memref<8x128xf32, #tpu.memory_space<vmem>>) target_semaphore(%arg13 : memref<!tpu.dma_semaphore, #tpu.memory_space<semaphore_mem>>)
    %dma_start3A_318 = arith.constant 6 : i32
    %dma_start3A_319 = arith.constant 200 : i32
    %dma_start3A_320 = arith.constant 0 : i32
    %dma_start3A_321 = tpu.memref_slice %arg7[%dma_start3A_319, %dma_start3A_320] : memref<608x128xf32, #tpu.memory_space<vmem>> -> memref<8x128xf32, #tpu.memory_space<vmem>>
    %dma_start3A_322 = tpu.memref_slice %arg2[%shift_right_logical3A_241, %dma_start3A_318, %mul3A_247, %mul3A_251] : memref<8x19x512x512xf32, #tpu.memory_space<hbm>> -> memref<1x1x8x128xf32, #tpu.memory_space<hbm>>
    %dma_start3A_323 = tpu.memref_squeeze %dma_start3A_322 : memref<1x1x8x128xf32, #tpu.memory_space<hbm>> -> memref<8x128xf32, #tpu.memory_space<hbm>>
    %dma_start3A_324 = arith.constant 200 : i32
    %dma_start3A_325 = arith.constant 0 : i32
    %dma_start3A_326 = tpu.memref_slice %arg7[%dma_start3A_324, %dma_start3A_325] : memref<608x128xf32, #tpu.memory_space<vmem>> -> memref<8x128xf32, #tpu.memory_space<vmem>>
    %dma_start3A_327 = tpu.memref_slice %arg2[%shift_right_logical3A_241, %dma_start3A_318, %mul3A_247, %mul3A_251] : memref<8x19x512x512xf32, #tpu.memory_space<hbm>> -> memref<1x1x8x128xf32, #tpu.memory_space<hbm>>
    %dma_start3A_328 = tpu.memref_squeeze %dma_start3A_327 : memref<1x1x8x128xf32, #tpu.memory_space<hbm>> -> memref<8x128xf32, #tpu.memory_space<hbm>>
    tpu.enqueue_dma source(%dma_start3A_328 : memref<8x128xf32, #tpu.memory_space<hbm>>) target(%dma_start3A_326 : memref<8x128xf32, #tpu.memory_space<vmem>>) target_semaphore(%arg13 : memref<!tpu.dma_semaphore, #tpu.memory_space<semaphore_mem>>)
    %dma_start3A_329 = arith.constant 7 : i32
    %dma_start3A_330 = arith.constant 208 : i32
    %dma_start3A_331 = arith.constant 0 : i32
    %dma_start3A_332 = tpu.memref_slice %arg7[%dma_start3A_330, %dma_start3A_331] : memref<608x128xf32, #tpu.memory_space<vmem>> -> memref<8x128xf32, #tpu.memory_space<vmem>>
    %dma_start3A_333 = tpu.memref_slice %arg2[%shift_right_logical3A_241, %dma_start3A_329, %mul3A_247, %mul3A_251] : memref<8x19x512x512xf32, #tpu.memory_space<hbm>> -> memref<1x1x8x128xf32, #tpu.memory_space<hbm>>
    %dma_start3A_334 = tpu.memref_squeeze %dma_start3A_333 : memref<1x1x8x128xf32, #tpu.memory_space<hbm>> -> memref<8x128xf32, #tpu.memory_space<hbm>>
    %dma_start3A_335 = arith.constant 208 : i32
    %dma_start3A_336 = arith.constant 0 : i32
    %dma_start3A_337 = tpu.memref_slice %arg7[%dma_start3A_335, %dma_start3A_336] : memref<608x128xf32, #tpu.memory_space<vmem>> -> memref<8x128xf32, #tpu.memory_space<vmem>>
    %dma_start3A_338 = tpu.memref_slice %arg2[%shift_right_logical3A_241, %dma_start3A_329, %mul3A_247, %mul3A_251] : memref<8x19x512x512xf32, #tpu.memory_space<hbm>> -> memref<1x1x8x128xf32, #tpu.memory_space<hbm>>
    %dma_start3A_339 = tpu.memref_squeeze %dma_start3A_338 : memref<1x1x8x128xf32, #tpu.memory_space<hbm>> -> memref<8x128xf32, #tpu.memory_space<hbm>>
    tpu.enqueue_dma source(%dma_start3A_339 : memref<8x128xf32, #tpu.memory_space<hbm>>) target(%dma_start3A_337 : memref<8x128xf32, #tpu.memory_space<vmem>>) target_semaphore(%arg13 : memref<!tpu.dma_semaphore, #tpu.memory_space<semaphore_mem>>)
    %dma_start3A_340 = arith.constant 8 : i32
    %dma_start3A_341 = arith.constant 216 : i32
    %dma_start3A_342 = arith.constant 0 : i32
    %dma_start3A_343 = tpu.memref_slice %arg7[%dma_start3A_341, %dma_start3A_342] : memref<608x128xf32, #tpu.memory_space<vmem>> -> memref<8x128xf32, #tpu.memory_space<vmem>>
    %dma_start3A_344 = tpu.memref_slice %arg2[%shift_right_logical3A_241, %dma_start3A_340, %mul3A_247, %mul3A_251] : memref<8x19x512x512xf32, #tpu.memory_space<hbm>> -> memref<1x1x8x128xf32, #tpu.memory_space<hbm>>
    %dma_start3A_345 = tpu.memref_squeeze %dma_start3A_344 : memref<1x1x8x128xf32, #tpu.memory_space<hbm>> -> memref<8x128xf32, #tpu.memory_space<hbm>>
    %dma_start3A_346 = arith.constant 216 : i32
    %dma_start3A_347 = arith.constant 0 : i32
    %dma_start3A_348 = tpu.memref_slice %arg7[%dma_start3A_346, %dma_start3A_347] : memref<608x128xf32, #tpu.memory_space<vmem>> -> memref<8x128xf32, #tpu.memory_space<vmem>>
    %dma_start3A_349 = tpu.memref_slice %arg2[%shift_right_logical3A_241, %dma_start3A_340, %mul3A_247, %mul3A_251] : memref<8x19x512x512xf32, #tpu.memory_space<hbm>> -> memref<1x1x8x128xf32, #tpu.memory_space<hbm>>
    %dma_start3A_350 = tpu.memref_squeeze %dma_start3A_349 : memref<1x1x8x128xf32, #tpu.memory_space<hbm>> -> memref<8x128xf32, #tpu.memory_space<hbm>>
    tpu.enqueue_dma source(%dma_start3A_350 : memref<8x128xf32, #tpu.memory_space<hbm>>) target(%dma_start3A_348 : memref<8x128xf32, #tpu.memory_space<vmem>>) target_semaphore(%arg13 : memref<!tpu.dma_semaphore, #tpu.memory_space<semaphore_mem>>)
    %dma_start3A_351 = arith.constant 9 : i32
    %dma_start3A_352 = arith.constant 224 : i32
    %dma_start3A_353 = arith.constant 0 : i32
    %dma_start3A_354 = tpu.memref_slice %arg7[%dma_start3A_352, %dma_start3A_353] : memref<608x128xf32, #tpu.memory_space<vmem>> -> memref<8x128xf32, #tpu.memory_space<vmem>>
    %dma_start3A_355 = tpu.memref_slice %arg2[%shift_right_logical3A_241, %dma_start3A_351, %mul3A_247, %mul3A_251] : memref<8x19x512x512xf32, #tpu.memory_space<hbm>> -> memref<1x1x8x128xf32, #tpu.memory_space<hbm>>
    %dma_start3A_356 = tpu.memref_squeeze %dma_start3A_355 : memref<1x1x8x128xf32, #tpu.memory_space<hbm>> -> memref<8x128xf32, #tpu.memory_space<hbm>>
    %dma_start3A_357 = arith.constant 224 : i32
    %dma_start3A_358 = arith.constant 0 : i32
    %dma_start3A_359 = tpu.memref_slice %arg7[%dma_start3A_357, %dma_start3A_358] : memref<608x128xf32, #tpu.memory_space<vmem>> -> memref<8x128xf32, #tpu.memory_space<vmem>>
    %dma_start3A_360 = tpu.memref_slice %arg2[%shift_right_logical3A_241, %dma_start3A_351, %mul3A_247, %mul3A_251] : memref<8x19x512x512xf32, #tpu.memory_space<hbm>> -> memref<1x1x8x128xf32, #tpu.memory_space<hbm>>
    %dma_start3A_361 = tpu.memref_squeeze %dma_start3A_360 : memref<1x1x8x128xf32, #tpu.memory_space<hbm>> -> memref<8x128xf32, #tpu.memory_space<hbm>>
    tpu.enqueue_dma source(%dma_start3A_361 : memref<8x128xf32, #tpu.memory_space<hbm>>) target(%dma_start3A_359 : memref<8x128xf32, #tpu.memory_space<vmem>>) target_semaphore(%arg13 : memref<!tpu.dma_semaphore, #tpu.memory_space<semaphore_mem>>)
    %dma_start3A_362 = arith.constant 10 : i32
    %dma_start3A_363 = arith.constant 232 : i32
    %dma_start3A_364 = arith.constant 0 : i32
    %dma_start3A_365 = tpu.memref_slice %arg7[%dma_start3A_363, %dma_start3A_364] : memref<608x128xf32, #tpu.memory_space<vmem>> -> memref<8x128xf32, #tpu.memory_space<vmem>>
    %dma_start3A_366 = tpu.memref_slice %arg2[%shift_right_logical3A_241, %dma_start3A_362, %mul3A_247, %mul3A_251] : memref<8x19x512x512xf32, #tpu.memory_space<hbm>> -> memref<1x1x8x128xf32, #tpu.memory_space<hbm>>
    %dma_start3A_367 = tpu.memref_squeeze %dma_start3A_366 : memref<1x1x8x128xf32, #tpu.memory_space<hbm>> -> memref<8x128xf32, #tpu.memory_space<hbm>>
    %dma_start3A_368 = arith.constant 232 : i32
    %dma_start3A_369 = arith.constant 0 : i32
    %dma_start3A_370 = tpu.memref_slice %arg7[%dma_start3A_368, %dma_start3A_369] : memref<608x128xf32, #tpu.memory_space<vmem>> -> memref<8x128xf32, #tpu.memory_space<vmem>>
    %dma_start3A_371 = tpu.memref_slice %arg2[%shift_right_logical3A_241, %dma_start3A_362, %mul3A_247, %mul3A_251] : memref<8x19x512x512xf32, #tpu.memory_space<hbm>> -> memref<1x1x8x128xf32, #tpu.memory_space<hbm>>
    %dma_start3A_372 = tpu.memref_squeeze %dma_start3A_371 : memref<1x1x8x128xf32, #tpu.memory_space<hbm>> -> memref<8x128xf32, #tpu.memory_space<hbm>>
    tpu.enqueue_dma source(%dma_start3A_372 : memref<8x128xf32, #tpu.memory_space<hbm>>) target(%dma_start3A_370 : memref<8x128xf32, #tpu.memory_space<vmem>>) target_semaphore(%arg13 : memref<!tpu.dma_semaphore, #tpu.memory_space<semaphore_mem>>)
    %dma_start3A_373 = arith.constant 11 : i32
    %dma_start3A_374 = arith.constant 240 : i32
    %dma_start3A_375 = arith.constant 0 : i32
    %dma_start3A_376 = tpu.memref_slice %arg7[%dma_start3A_374, %dma_start3A_375] : memref<608x128xf32, #tpu.memory_space<vmem>> -> memref<8x128xf32, #tpu.memory_space<vmem>>
    %dma_start3A_377 = tpu.memref_slice %arg2[%shift_right_logical3A_241, %dma_start3A_373, %mul3A_247, %mul3A_251] : memref<8x19x512x512xf32, #tpu.memory_space<hbm>> -> memref<1x1x8x128xf32, #tpu.memory_space<hbm>>
    %dma_start3A_378 = tpu.memref_squeeze %dma_start3A_377 : memref<1x1x8x128xf32, #tpu.memory_space<hbm>> -> memref<8x128xf32, #tpu.memory_space<hbm>>
    %dma_start3A_379 = arith.constant 240 : i32
    %dma_start3A_380 = arith.constant 0 : i32
    %dma_start3A_381 = tpu.memref_slice %arg7[%dma_start3A_379, %dma_start3A_380] : memref<608x128xf32, #tpu.memory_space<vmem>> -> memref<8x128xf32, #tpu.memory_space<vmem>>
    %dma_start3A_382 = tpu.memref_slice %arg2[%shift_right_logical3A_241, %dma_start3A_373, %mul3A_247, %mul3A_251] : memref<8x19x512x512xf32, #tpu.memory_space<hbm>> -> memref<1x1x8x128xf32, #tpu.memory_space<hbm>>
    %dma_start3A_383 = tpu.memref_squeeze %dma_start3A_382 : memref<1x1x8x128xf32, #tpu.memory_space<hbm>> -> memref<8x128xf32, #tpu.memory_space<hbm>>
    tpu.enqueue_dma source(%dma_start3A_383 : memref<8x128xf32, #tpu.memory_space<hbm>>) target(%dma_start3A_381 : memref<8x128xf32, #tpu.memory_space<vmem>>) target_semaphore(%arg13 : memref<!tpu.dma_semaphore, #tpu.memory_space<semaphore_mem>>)
    %dma_start3A_384 = arith.constant 12 : i32
    %dma_start3A_385 = arith.constant 248 : i32
    %dma_start3A_386 = arith.constant 0 : i32
    %dma_start3A_387 = tpu.memref_slice %arg7[%dma_start3A_385, %dma_start3A_386] : memref<608x128xf32, #tpu.memory_space<vmem>> -> memref<8x128xf32, #tpu.memory_space<vmem>>
    %dma_start3A_388 = tpu.memref_slice %arg2[%shift_right_logical3A_241, %dma_start3A_384, %mul3A_247, %mul3A_251] : memref<8x19x512x512xf32, #tpu.memory_space<hbm>> -> memref<1x1x8x128xf32, #tpu.memory_space<hbm>>
    %dma_start3A_389 = tpu.memref_squeeze %dma_start3A_388 : memref<1x1x8x128xf32, #tpu.memory_space<hbm>> -> memref<8x128xf32, #tpu.memory_space<hbm>>
    %dma_start3A_390 = arith.constant 248 : i32
    %dma_start3A_391 = arith.constant 0 : i32
    %dma_start3A_392 = tpu.memref_slice %arg7[%dma_start3A_390, %dma_start3A_391] : memref<608x128xf32, #tpu.memory_space<vmem>> -> memref<8x128xf32, #tpu.memory_space<vmem>>
    %dma_start3A_393 = tpu.memref_slice %arg2[%shift_right_logical3A_241, %dma_start3A_384, %mul3A_247, %mul3A_251] : memref<8x19x512x512xf32, #tpu.memory_space<hbm>> -> memref<1x1x8x128xf32, #tpu.memory_space<hbm>>
    %dma_start3A_394 = tpu.memref_squeeze %dma_start3A_393 : memref<1x1x8x128xf32, #tpu.memory_space<hbm>> -> memref<8x128xf32, #tpu.memory_space<hbm>>
    tpu.enqueue_dma source(%dma_start3A_394 : memref<8x128xf32, #tpu.memory_space<hbm>>) target(%dma_start3A_392 : memref<8x128xf32, #tpu.memory_space<vmem>>) target_semaphore(%arg13 : memref<!tpu.dma_semaphore, #tpu.memory_space<semaphore_mem>>)
    %dma_start3A_395 = arith.constant 13 : i32
    %dma_start3A_396 = arith.constant 256 : i32
    %dma_start3A_397 = arith.constant 0 : i32
    %dma_start3A_398 = tpu.memref_slice %arg7[%dma_start3A_396, %dma_start3A_397] : memref<608x128xf32, #tpu.memory_space<vmem>> -> memref<8x128xf32, #tpu.memory_space<vmem>>
    %dma_start3A_399 = tpu.memref_slice %arg2[%shift_right_logical3A_241, %dma_start3A_395, %mul3A_247, %mul3A_251] : memref<8x19x512x512xf32, #tpu.memory_space<hbm>> -> memref<1x1x8x128xf32, #tpu.memory_space<hbm>>
    %dma_start3A_400 = tpu.memref_squeeze %dma_start3A_399 : memref<1x1x8x128xf32, #tpu.memory_space<hbm>> -> memref<8x128xf32, #tpu.memory_space<hbm>>
    %dma_start3A_401 = arith.constant 256 : i32
    %dma_start3A_402 = arith.constant 0 : i32
    %dma_start3A_403 = tpu.memref_slice %arg7[%dma_start3A_401, %dma_start3A_402] : memref<608x128xf32, #tpu.memory_space<vmem>> -> memref<8x128xf32, #tpu.memory_space<vmem>>
    %dma_start3A_404 = tpu.memref_slice %arg2[%shift_right_logical3A_241, %dma_start3A_395, %mul3A_247, %mul3A_251] : memref<8x19x512x512xf32, #tpu.memory_space<hbm>> -> memref<1x1x8x128xf32, #tpu.memory_space<hbm>>
    %dma_start3A_405 = tpu.memref_squeeze %dma_start3A_404 : memref<1x1x8x128xf32, #tpu.memory_space<hbm>> -> memref<8x128xf32, #tpu.memory_space<hbm>>
    tpu.enqueue_dma source(%dma_start3A_405 : memref<8x128xf32, #tpu.memory_space<hbm>>) target(%dma_start3A_403 : memref<8x128xf32, #tpu.memory_space<vmem>>) target_semaphore(%arg13 : memref<!tpu.dma_semaphore, #tpu.memory_space<semaphore_mem>>)
    %dma_start3A_406 = arith.constant 14 : i32
    %dma_start3A_407 = arith.constant 264 : i32
    %dma_start3A_408 = arith.constant 0 : i32
    %dma_start3A_409 = tpu.memref_slice %arg7[%dma_start3A_407, %dma_start3A_408] : memref<608x128xf32, #tpu.memory_space<vmem>> -> memref<8x128xf32, #tpu.memory_space<vmem>>
    %dma_start3A_410 = tpu.memref_slice %arg2[%shift_right_logical3A_241, %dma_start3A_406, %mul3A_247, %mul3A_251] : memref<8x19x512x512xf32, #tpu.memory_space<hbm>> -> memref<1x1x8x128xf32, #tpu.memory_space<hbm>>
    %dma_start3A_411 = tpu.memref_squeeze %dma_start3A_410 : memref<1x1x8x128xf32, #tpu.memory_space<hbm>> -> memref<8x128xf32, #tpu.memory_space<hbm>>
    %dma_start3A_412 = arith.constant 264 : i32
    %dma_start3A_413 = arith.constant 0 : i32
    %dma_start3A_414 = tpu.memref_slice %arg7[%dma_start3A_412, %dma_start3A_413] : memref<608x128xf32, #tpu.memory_space<vmem>> -> memref<8x128xf32, #tpu.memory_space<vmem>>
    %dma_start3A_415 = tpu.memref_slice %arg2[%shift_right_logical3A_241, %dma_start3A_406, %mul3A_247, %mul3A_251] : memref<8x19x512x512xf32, #tpu.memory_space<hbm>> -> memref<1x1x8x128xf32, #tpu.memory_space<hbm>>
    %dma_start3A_416 = tpu.memref_squeeze %dma_start3A_415 : memref<1x1x8x128xf32, #tpu.memory_space<hbm>> -> memref<8x128xf32, #tpu.memory_space<hbm>>
    tpu.enqueue_dma source(%dma_start3A_416 : memref<8x128xf32, #tpu.memory_space<hbm>>) target(%dma_start3A_414 : memref<8x128xf32, #tpu.memory_space<vmem>>) target_semaphore(%arg13 : memref<!tpu.dma_semaphore, #tpu.memory_space<semaphore_mem>>)
    %dma_start3A_417 = arith.constant 15 : i32
    %dma_start3A_418 = arith.constant 272 : i32
    %dma_start3A_419 = arith.constant 0 : i32
    %dma_start3A_420 = tpu.memref_slice %arg7[%dma_start3A_418, %dma_start3A_419] : memref<608x128xf32, #tpu.memory_space<vmem>> -> memref<8x128xf32, #tpu.memory_space<vmem>>
    %dma_start3A_421 = tpu.memref_slice %arg2[%shift_right_logical3A_241, %dma_start3A_417, %mul3A_247, %mul3A_251] : memref<8x19x512x512xf32, #tpu.memory_space<hbm>> -> memref<1x1x8x128xf32, #tpu.memory_space<hbm>>
    %dma_start3A_422 = tpu.memref_squeeze %dma_start3A_421 : memref<1x1x8x128xf32, #tpu.memory_space<hbm>> -> memref<8x128xf32, #tpu.memory_space<hbm>>
    %dma_start3A_423 = arith.constant 272 : i32
    %dma_start3A_424 = arith.constant 0 : i32
    %dma_start3A_425 = tpu.memref_slice %arg7[%dma_start3A_423, %dma_start3A_424] : memref<608x128xf32, #tpu.memory_space<vmem>> -> memref<8x128xf32, #tpu.memory_space<vmem>>
    %dma_start3A_426 = tpu.memref_slice %arg2[%shift_right_logical3A_241, %dma_start3A_417, %mul3A_247, %mul3A_251] : memref<8x19x512x512xf32, #tpu.memory_space<hbm>> -> memref<1x1x8x128xf32, #tpu.memory_space<hbm>>
    %dma_start3A_427 = tpu.memref_squeeze %dma_start3A_426 : memref<1x1x8x128xf32, #tpu.memory_space<hbm>> -> memref<8x128xf32, #tpu.memory_space<hbm>>
    tpu.enqueue_dma source(%dma_start3A_427 : memref<8x128xf32, #tpu.memory_space<hbm>>) target(%dma_start3A_425 : memref<8x128xf32, #tpu.memory_space<vmem>>) target_semaphore(%arg13 : memref<!tpu.dma_semaphore, #tpu.memory_space<semaphore_mem>>)
    %dma_start3A_428 = arith.constant 16 : i32
    %dma_start3A_429 = arith.constant 280 : i32
    %dma_start3A_430 = arith.constant 0 : i32
    %dma_start3A_431 = tpu.memref_slice %arg7[%dma_start3A_429, %dma_start3A_430] : memref<608x128xf32, #tpu.memory_space<vmem>> -> memref<8x128xf32, #tpu.memory_space<vmem>>
    %dma_start3A_432 = tpu.memref_slice %arg2[%shift_right_logical3A_241, %dma_start3A_428, %mul3A_247, %mul3A_251] : memref<8x19x512x512xf32, #tpu.memory_space<hbm>> -> memref<1x1x8x128xf32, #tpu.memory_space<hbm>>
    %dma_start3A_433 = tpu.memref_squeeze %dma_start3A_432 : memref<1x1x8x128xf32, #tpu.memory_space<hbm>> -> memref<8x128xf32, #tpu.memory_space<hbm>>
    %dma_start3A_434 = arith.constant 280 : i32
    %dma_start3A_435 = arith.constant 0 : i32
    %dma_start3A_436 = tpu.memref_slice %arg7[%dma_start3A_434, %dma_start3A_435] : memref<608x128xf32, #tpu.memory_space<vmem>> -> memref<8x128xf32, #tpu.memory_space<vmem>>
    %dma_start3A_437 = tpu.memref_slice %arg2[%shift_right_logical3A_241, %dma_start3A_428, %mul3A_247, %mul3A_251] : memref<8x19x512x512xf32, #tpu.memory_space<hbm>> -> memref<1x1x8x128xf32, #tpu.memory_space<hbm>>
    %dma_start3A_438 = tpu.memref_squeeze %dma_start3A_437 : memref<1x1x8x128xf32, #tpu.memory_space<hbm>> -> memref<8x128xf32, #tpu.memory_space<hbm>>
    tpu.enqueue_dma source(%dma_start3A_438 : memref<8x128xf32, #tpu.memory_space<hbm>>) target(%dma_start3A_436 : memref<8x128xf32, #tpu.memory_space<vmem>>) target_semaphore(%arg13 : memref<!tpu.dma_semaphore, #tpu.memory_space<semaphore_mem>>)
    %dma_start3A_439 = arith.constant 17 : i32
    %dma_start3A_440 = arith.constant 288 : i32
    %dma_start3A_441 = arith.constant 0 : i32
    %dma_start3A_442 = tpu.memref_slice %arg7[%dma_start3A_440, %dma_start3A_441] : memref<608x128xf32, #tpu.memory_space<vmem>> -> memref<8x128xf32, #tpu.memory_space<vmem>>
    %dma_start3A_443 = tpu.memref_slice %arg2[%shift_right_logical3A_241, %dma_start3A_439, %mul3A_247, %mul3A_251] : memref<8x19x512x512xf32, #tpu.memory_space<hbm>> -> memref<1x1x8x128xf32, #tpu.memory_space<hbm>>
    %dma_start3A_444 = tpu.memref_squeeze %dma_start3A_443 : memref<1x1x8x128xf32, #tpu.memory_space<hbm>> -> memref<8x128xf32, #tpu.memory_space<hbm>>
    %dma_start3A_445 = arith.constant 288 : i32
    %dma_start3A_446 = arith.constant 0 : i32
    %dma_start3A_447 = tpu.memref_slice %arg7[%dma_start3A_445, %dma_start3A_446] : memref<608x128xf32, #tpu.memory_space<vmem>> -> memref<8x128xf32, #tpu.memory_space<vmem>>
    %dma_start3A_448 = tpu.memref_slice %arg2[%shift_right_logical3A_241, %dma_start3A_439, %mul3A_247, %mul3A_251] : memref<8x19x512x512xf32, #tpu.memory_space<hbm>> -> memref<1x1x8x128xf32, #tpu.memory_space<hbm>>
    %dma_start3A_449 = tpu.memref_squeeze %dma_start3A_448 : memref<1x1x8x128xf32, #tpu.memory_space<hbm>> -> memref<8x128xf32, #tpu.memory_space<hbm>>
    tpu.enqueue_dma source(%dma_start3A_449 : memref<8x128xf32, #tpu.memory_space<hbm>>) target(%dma_start3A_447 : memref<8x128xf32, #tpu.memory_space<vmem>>) target_semaphore(%arg13 : memref<!tpu.dma_semaphore, #tpu.memory_space<semaphore_mem>>)
    %dma_start3A_450 = arith.constant 18 : i32
    %dma_start3A_451 = arith.constant 296 : i32
    %dma_start3A_452 = arith.constant 0 : i32
    %dma_start3A_453 = tpu.memref_slice %arg7[%dma_start3A_451, %dma_start3A_452] : memref<608x128xf32, #tpu.memory_space<vmem>> -> memref<8x128xf32, #tpu.memory_space<vmem>>
    %dma_start3A_454 = tpu.memref_slice %arg2[%shift_right_logical3A_241, %dma_start3A_450, %mul3A_247, %mul3A_251] : memref<8x19x512x512xf32, #tpu.memory_space<hbm>> -> memref<1x1x8x128xf32, #tpu.memory_space<hbm>>
    %dma_start3A_455 = tpu.memref_squeeze %dma_start3A_454 : memref<1x1x8x128xf32, #tpu.memory_space<hbm>> -> memref<8x128xf32, #tpu.memory_space<hbm>>
    %dma_start3A_456 = arith.constant 296 : i32
    %dma_start3A_457 = arith.constant 0 : i32
    %dma_start3A_458 = tpu.memref_slice %arg7[%dma_start3A_456, %dma_start3A_457] : memref<608x128xf32, #tpu.memory_space<vmem>> -> memref<8x128xf32, #tpu.memory_space<vmem>>
    %dma_start3A_459 = tpu.memref_slice %arg2[%shift_right_logical3A_241, %dma_start3A_450, %mul3A_247, %mul3A_251] : memref<8x19x512x512xf32, #tpu.memory_space<hbm>> -> memref<1x1x8x128xf32, #tpu.memory_space<hbm>>
    %dma_start3A_460 = tpu.memref_squeeze %dma_start3A_459 : memref<1x1x8x128xf32, #tpu.memory_space<hbm>> -> memref<8x128xf32, #tpu.memory_space<hbm>>
    tpu.enqueue_dma source(%dma_start3A_460 : memref<8x128xf32, #tpu.memory_space<hbm>>) target(%dma_start3A_458 : memref<8x128xf32, #tpu.memory_space<vmem>>) target_semaphore(%arg13 : memref<!tpu.dma_semaphore, #tpu.memory_space<semaphore_mem>>)
    %dma_start3A_461 = arith.constant 1 : i32
    %dma_start3A_462 = arith.constant 0 : i32
    %dma_start3A_463 = arith.constant 0 : i32
    %dma_start3A_464 = tpu.memref_slice %arg8[%dma_start3A_461, %dma_start3A_462, %dma_start3A_463] : memref<4x8x128xi32, #tpu.memory_space<vmem>> -> memref<1x8x128xi32, #tpu.memory_space<vmem>>
    %dma_start3A_465 = tpu.memref_squeeze %dma_start3A_464 : memref<1x8x128xi32, #tpu.memory_space<vmem>> -> memref<8x128xi32, #tpu.memory_space<vmem>>
    %dma_start3A_466 = tpu.memref_slice %arg3[%shift_right_logical3A_241, %mul3A_247, %mul3A_251] : memref<8x512x512xi32, #tpu.memory_space<hbm>> -> memref<1x8x128xi32, #tpu.memory_space<hbm>>
    %dma_start3A_467 = tpu.memref_squeeze %dma_start3A_466 : memref<1x8x128xi32, #tpu.memory_space<hbm>> -> memref<8x128xi32, #tpu.memory_space<hbm>>
    %dma_start3A_468 = arith.constant 0 : i32
    %dma_start3A_469 = arith.constant 0 : i32
    %dma_start3A_470 = tpu.memref_slice %arg8[%dma_start3A_461, %dma_start3A_468, %dma_start3A_469] : memref<4x8x128xi32, #tpu.memory_space<vmem>> -> memref<1x8x128xi32, #tpu.memory_space<vmem>>
    %dma_start3A_471 = tpu.memref_squeeze %dma_start3A_470 : memref<1x8x128xi32, #tpu.memory_space<vmem>> -> memref<8x128xi32, #tpu.memory_space<vmem>>
    %dma_start3A_472 = tpu.memref_slice %arg3[%shift_right_logical3A_241, %mul3A_247, %mul3A_251] : memref<8x512x512xi32, #tpu.memory_space<hbm>> -> memref<1x8x128xi32, #tpu.memory_space<hbm>>
    %dma_start3A_473 = tpu.memref_squeeze %dma_start3A_472 : memref<1x8x128xi32, #tpu.memory_space<hbm>> -> memref<8x128xi32, #tpu.memory_space<hbm>>
    tpu.enqueue_dma source(%dma_start3A_473 : memref<8x128xi32, #tpu.memory_space<hbm>>) target(%dma_start3A_471 : memref<8x128xi32, #tpu.memory_space<vmem>>) target_semaphore(%arg13 : memref<!tpu.dma_semaphore, #tpu.memory_space<semaphore_mem>>)
    %mul3A_474 = arith.constant 40 : i32
    %mul3A_475 = arith.muli %add3A, %mul3A_474 : i32
    %add3A_476 = arith.constant 2 : i32
    %add3A_477 = arith.addi %mul3A_475, %add3A_476 : i32
    %shift_right_logical3A_478 = arith.constant 8 : i32
    %shift_right_logical3A_479 = arith.shrui %add3A_477, %shift_right_logical3A_478 : i32
    %shift_right_logical3A_480 = arith.constant 2 : i32
    %shift_right_logical3A_481 = arith.shrui %add3A_477, %shift_right_logical3A_480 : i32
    %and3A_482 = arith.constant 63 : i32
    %and3A_483 = arith.andi %shift_right_logical3A_481, %and3A_482 : i32
    %mul3A_484 = arith.constant 8 : i32
    %mul3A_485 = arith.muli %and3A_483, %mul3A_484 : i32
    %and3A_486 = arith.constant 3 : i32
    %and3A_487 = arith.andi %add3A_477, %and3A_486 : i32
    %mul3A_488 = arith.constant 128 : i32
    %mul3A_489 = arith.muli %and3A_487, %mul3A_488 : i32
    %dma_start3A_490 = arith.constant 0 : i32
    %dma_start3A_491 = arith.constant 304 : i32
    %dma_start3A_492 = arith.constant 0 : i32
    %dma_start3A_493 = tpu.memref_slice %arg7[%dma_start3A_491, %dma_start3A_492] : memref<608x128xf32, #tpu.memory_space<vmem>> -> memref<8x128xf32, #tpu.memory_space<vmem>>
    %dma_start3A_494 = tpu.memref_slice %arg2[%shift_right_logical3A_479, %dma_start3A_490, %mul3A_485, %mul3A_489] : memref<8x19x512x512xf32, #tpu.memory_space<hbm>> -> memref<1x1x8x128xf32, #tpu.memory_space<hbm>>
    %dma_start3A_495 = tpu.memref_squeeze %dma_start3A_494 : memref<1x1x8x128xf32, #tpu.memory_space<hbm>> -> memref<8x128xf32, #tpu.memory_space<hbm>>
    %dma_start3A_496 = arith.constant 304 : i32
    %dma_start3A_497 = arith.constant 0 : i32
    %dma_start3A_498 = tpu.memref_slice %arg7[%dma_start3A_496, %dma_start3A_497] : memref<608x128xf32, #tpu.memory_space<vmem>> -> memref<8x128xf32, #tpu.memory_space<vmem>>
    %dma_start3A_499 = tpu.memref_slice %arg2[%shift_right_logical3A_479, %dma_start3A_490, %mul3A_485, %mul3A_489] : memref<8x19x512x512xf32, #tpu.memory_space<hbm>> -> memref<1x1x8x128xf32, #tpu.memory_space<hbm>>
    %dma_start3A_500 = tpu.memref_squeeze %dma_start3A_499 : memref<1x1x8x128xf32, #tpu.memory_space<hbm>> -> memref<8x128xf32, #tpu.memory_space<hbm>>
    tpu.enqueue_dma source(%dma_start3A_500 : memref<8x128xf32, #tpu.memory_space<hbm>>) target(%dma_start3A_498 : memref<8x128xf32, #tpu.memory_space<vmem>>) target_semaphore(%arg14 : memref<!tpu.dma_semaphore, #tpu.memory_space<semaphore_mem>>)
    %dma_start3A_501 = arith.constant 1 : i32
    %dma_start3A_502 = arith.constant 312 : i32
    %dma_start3A_503 = arith.constant 0 : i32
    %dma_start3A_504 = tpu.memref_slice %arg7[%dma_start3A_502, %dma_start3A_503] : memref<608x128xf32, #tpu.memory_space<vmem>> -> memref<8x128xf32, #tpu.memory_space<vmem>>
    %dma_start3A_505 = tpu.memref_slice %arg2[%shift_right_logical3A_479, %dma_start3A_501, %mul3A_485, %mul3A_489] : memref<8x19x512x512xf32, #tpu.memory_space<hbm>> -> memref<1x1x8x128xf32, #tpu.memory_space<hbm>>
    %dma_start3A_506 = tpu.memref_squeeze %dma_start3A_505 : memref<1x1x8x128xf32, #tpu.memory_space<hbm>> -> memref<8x128xf32, #tpu.memory_space<hbm>>
    %dma_start3A_507 = arith.constant 312 : i32
    %dma_start3A_508 = arith.constant 0 : i32
    %dma_start3A_509 = tpu.memref_slice %arg7[%dma_start3A_507, %dma_start3A_508] : memref<608x128xf32, #tpu.memory_space<vmem>> -> memref<8x128xf32, #tpu.memory_space<vmem>>
    %dma_start3A_510 = tpu.memref_slice %arg2[%shift_right_logical3A_479, %dma_start3A_501, %mul3A_485, %mul3A_489] : memref<8x19x512x512xf32, #tpu.memory_space<hbm>> -> memref<1x1x8x128xf32, #tpu.memory_space<hbm>>
    %dma_start3A_511 = tpu.memref_squeeze %dma_start3A_510 : memref<1x1x8x128xf32, #tpu.memory_space<hbm>> -> memref<8x128xf32, #tpu.memory_space<hbm>>
    tpu.enqueue_dma source(%dma_start3A_511 : memref<8x128xf32, #tpu.memory_space<hbm>>) target(%dma_start3A_509 : memref<8x128xf32, #tpu.memory_space<vmem>>) target_semaphore(%arg14 : memref<!tpu.dma_semaphore, #tpu.memory_space<semaphore_mem>>)
    %dma_start3A_512 = arith.constant 2 : i32
    %dma_start3A_513 = arith.constant 320 : i32
    %dma_start3A_514 = arith.constant 0 : i32
    %dma_start3A_515 = tpu.memref_slice %arg7[%dma_start3A_513, %dma_start3A_514] : memref<608x128xf32, #tpu.memory_space<vmem>> -> memref<8x128xf32, #tpu.memory_space<vmem>>
    %dma_start3A_516 = tpu.memref_slice %arg2[%shift_right_logical3A_479, %dma_start3A_512, %mul3A_485, %mul3A_489] : memref<8x19x512x512xf32, #tpu.memory_space<hbm>> -> memref<1x1x8x128xf32, #tpu.memory_space<hbm>>
    %dma_start3A_517 = tpu.memref_squeeze %dma_start3A_516 : memref<1x1x8x128xf32, #tpu.memory_space<hbm>> -> memref<8x128xf32, #tpu.memory_space<hbm>>
    %dma_start3A_518 = arith.constant 320 : i32
    %dma_start3A_519 = arith.constant 0 : i32
    %dma_start3A_520 = tpu.memref_slice %arg7[%dma_start3A_518, %dma_start3A_519] : memref<608x128xf32, #tpu.memory_space<vmem>> -> memref<8x128xf32, #tpu.memory_space<vmem>>
    %dma_start3A_521 = tpu.memref_slice %arg2[%shift_right_logical3A_479, %dma_start3A_512, %mul3A_485, %mul3A_489] : memref<8x19x512x512xf32, #tpu.memory_space<hbm>> -> memref<1x1x8x128xf32, #tpu.memory_space<hbm>>
    %dma_start3A_522 = tpu.memref_squeeze %dma_start3A_521 : memref<1x1x8x128xf32, #tpu.memory_space<hbm>> -> memref<8x128xf32, #tpu.memory_space<hbm>>
    tpu.enqueue_dma source(%dma_start3A_522 : memref<8x128xf32, #tpu.memory_space<hbm>>) target(%dma_start3A_520 : memref<8x128xf32, #tpu.memory_space<vmem>>) target_semaphore(%arg14 : memref<!tpu.dma_semaphore, #tpu.memory_space<semaphore_mem>>)
    %dma_start3A_523 = arith.constant 3 : i32
    %dma_start3A_524 = arith.constant 328 : i32
    %dma_start3A_525 = arith.constant 0 : i32
    %dma_start3A_526 = tpu.memref_slice %arg7[%dma_start3A_524, %dma_start3A_525] : memref<608x128xf32, #tpu.memory_space<vmem>> -> memref<8x128xf32, #tpu.memory_space<vmem>>
    %dma_start3A_527 = tpu.memref_slice %arg2[%shift_right_logical3A_479, %dma_start3A_523, %mul3A_485, %mul3A_489] : memref<8x19x512x512xf32, #tpu.memory_space<hbm>> -> memref<1x1x8x128xf32, #tpu.memory_space<hbm>>
    %dma_start3A_528 = tpu.memref_squeeze %dma_start3A_527 : memref<1x1x8x128xf32, #tpu.memory_space<hbm>> -> memref<8x128xf32, #tpu.memory_space<hbm>>
    %dma_start3A_529 = arith.constant 328 : i32
    %dma_start3A_530 = arith.constant 0 : i32
    %dma_start3A_531 = tpu.memref_slice %arg7[%dma_start3A_529, %dma_start3A_530] : memref<608x128xf32, #tpu.memory_space<vmem>> -> memref<8x128xf32, #tpu.memory_space<vmem>>
    %dma_start3A_532 = tpu.memref_slice %arg2[%shift_right_logical3A_479, %dma_start3A_523, %mul3A_485, %mul3A_489] : memref<8x19x512x512xf32, #tpu.memory_space<hbm>> -> memref<1x1x8x128xf32, #tpu.memory_space<hbm>>
    %dma_start3A_533 = tpu.memref_squeeze %dma_start3A_532 : memref<1x1x8x128xf32, #tpu.memory_space<hbm>> -> memref<8x128xf32, #tpu.memory_space<hbm>>
    tpu.enqueue_dma source(%dma_start3A_533 : memref<8x128xf32, #tpu.memory_space<hbm>>) target(%dma_start3A_531 : memref<8x128xf32, #tpu.memory_space<vmem>>) target_semaphore(%arg14 : memref<!tpu.dma_semaphore, #tpu.memory_space<semaphore_mem>>)
    %dma_start3A_534 = arith.constant 4 : i32
    %dma_start3A_535 = arith.constant 336 : i32
    %dma_start3A_536 = arith.constant 0 : i32
    %dma_start3A_537 = tpu.memref_slice %arg7[%dma_start3A_535, %dma_start3A_536] : memref<608x128xf32, #tpu.memory_space<vmem>> -> memref<8x128xf32, #tpu.memory_space<vmem>>
    %dma_start3A_538 = tpu.memref_slice %arg2[%shift_right_logical3A_479, %dma_start3A_534, %mul3A_485, %mul3A_489] : memref<8x19x512x512xf32, #tpu.memory_space<hbm>> -> memref<1x1x8x128xf32, #tpu.memory_space<hbm>>
    %dma_start3A_539 = tpu.memref_squeeze %dma_start3A_538 : memref<1x1x8x128xf32, #tpu.memory_space<hbm>> -> memref<8x128xf32, #tpu.memory_space<hbm>>
    %dma_start3A_540 = arith.constant 336 : i32
    %dma_start3A_541 = arith.constant 0 : i32
    %dma_start3A_542 = tpu.memref_slice %arg7[%dma_start3A_540, %dma_start3A_541] : memref<608x128xf32, #tpu.memory_space<vmem>> -> memref<8x128xf32, #tpu.memory_space<vmem>>
    %dma_start3A_543 = tpu.memref_slice %arg2[%shift_right_logical3A_479, %dma_start3A_534, %mul3A_485, %mul3A_489] : memref<8x19x512x512xf32, #tpu.memory_space<hbm>> -> memref<1x1x8x128xf32, #tpu.memory_space<hbm>>
    %dma_start3A_544 = tpu.memref_squeeze %dma_start3A_543 : memref<1x1x8x128xf32, #tpu.memory_space<hbm>> -> memref<8x128xf32, #tpu.memory_space<hbm>>
    tpu.enqueue_dma source(%dma_start3A_544 : memref<8x128xf32, #tpu.memory_space<hbm>>) target(%dma_start3A_542 : memref<8x128xf32, #tpu.memory_space<vmem>>) target_semaphore(%arg14 : memref<!tpu.dma_semaphore, #tpu.memory_space<semaphore_mem>>)
    %dma_start3A_545 = arith.constant 5 : i32
    %dma_start3A_546 = arith.constant 344 : i32
    %dma_start3A_547 = arith.constant 0 : i32
    %dma_start3A_548 = tpu.memref_slice %arg7[%dma_start3A_546, %dma_start3A_547] : memref<608x128xf32, #tpu.memory_space<vmem>> -> memref<8x128xf32, #tpu.memory_space<vmem>>
    %dma_start3A_549 = tpu.memref_slice %arg2[%shift_right_logical3A_479, %dma_start3A_545, %mul3A_485, %mul3A_489] : memref<8x19x512x512xf32, #tpu.memory_space<hbm>> -> memref<1x1x8x128xf32, #tpu.memory_space<hbm>>
    %dma_start3A_550 = tpu.memref_squeeze %dma_start3A_549 : memref<1x1x8x128xf32, #tpu.memory_space<hbm>> -> memref<8x128xf32, #tpu.memory_space<hbm>>
    %dma_start3A_551 = arith.constant 344 : i32
    %dma_start3A_552 = arith.constant 0 : i32
    %dma_start3A_553 = tpu.memref_slice %arg7[%dma_start3A_551, %dma_start3A_552] : memref<608x128xf32, #tpu.memory_space<vmem>> -> memref<8x128xf32, #tpu.memory_space<vmem>>
    %dma_start3A_554 = tpu.memref_slice %arg2[%shift_right_logical3A_479, %dma_start3A_545, %mul3A_485, %mul3A_489] : memref<8x19x512x512xf32, #tpu.memory_space<hbm>> -> memref<1x1x8x128xf32, #tpu.memory_space<hbm>>
    %dma_start3A_555 = tpu.memref_squeeze %dma_start3A_554 : memref<1x1x8x128xf32, #tpu.memory_space<hbm>> -> memref<8x128xf32, #tpu.memory_space<hbm>>
    tpu.enqueue_dma source(%dma_start3A_555 : memref<8x128xf32, #tpu.memory_space<hbm>>) target(%dma_start3A_553 : memref<8x128xf32, #tpu.memory_space<vmem>>) target_semaphore(%arg14 : memref<!tpu.dma_semaphore, #tpu.memory_space<semaphore_mem>>)
    %dma_start3A_556 = arith.constant 6 : i32
    %dma_start3A_557 = arith.constant 352 : i32
    %dma_start3A_558 = arith.constant 0 : i32
    %dma_start3A_559 = tpu.memref_slice %arg7[%dma_start3A_557, %dma_start3A_558] : memref<608x128xf32, #tpu.memory_space<vmem>> -> memref<8x128xf32, #tpu.memory_space<vmem>>
    %dma_start3A_560 = tpu.memref_slice %arg2[%shift_right_logical3A_479, %dma_start3A_556, %mul3A_485, %mul3A_489] : memref<8x19x512x512xf32, #tpu.memory_space<hbm>> -> memref<1x1x8x128xf32, #tpu.memory_space<hbm>>
    %dma_start3A_561 = tpu.memref_squeeze %dma_start3A_560 : memref<1x1x8x128xf32, #tpu.memory_space<hbm>> -> memref<8x128xf32, #tpu.memory_space<hbm>>
    %dma_start3A_562 = arith.constant 352 : i32
    %dma_start3A_563 = arith.constant 0 : i32
    %dma_start3A_564 = tpu.memref_slice %arg7[%dma_start3A_562, %dma_start3A_563] : memref<608x128xf32, #tpu.memory_space<vmem>> -> memref<8x128xf32, #tpu.memory_space<vmem>>
    %dma_start3A_565 = tpu.memref_slice %arg2[%shift_right_logical3A_479, %dma_start3A_556, %mul3A_485, %mul3A_489] : memref<8x19x512x512xf32, #tpu.memory_space<hbm>> -> memref<1x1x8x128xf32, #tpu.memory_space<hbm>>
    %dma_start3A_566 = tpu.memref_squeeze %dma_start3A_565 : memref<1x1x8x128xf32, #tpu.memory_space<hbm>> -> memref<8x128xf32, #tpu.memory_space<hbm>>
    tpu.enqueue_dma source(%dma_start3A_566 : memref<8x128xf32, #tpu.memory_space<hbm>>) target(%dma_start3A_564 : memref<8x128xf32, #tpu.memory_space<vmem>>) target_semaphore(%arg14 : memref<!tpu.dma_semaphore, #tpu.memory_space<semaphore_mem>>)
    %dma_start3A_567 = arith.constant 7 : i32
    %dma_start3A_568 = arith.constant 360 : i32
    %dma_start3A_569 = arith.constant 0 : i32
    %dma_start3A_570 = tpu.memref_slice %arg7[%dma_start3A_568, %dma_start3A_569] : memref<608x128xf32, #tpu.memory_space<vmem>> -> memref<8x128xf32, #tpu.memory_space<vmem>>
    %dma_start3A_571 = tpu.memref_slice %arg2[%shift_right_logical3A_479, %dma_start3A_567, %mul3A_485, %mul3A_489] : memref<8x19x512x512xf32, #tpu.memory_space<hbm>> -> memref<1x1x8x128xf32, #tpu.memory_space<hbm>>
    %dma_start3A_572 = tpu.memref_squeeze %dma_start3A_571 : memref<1x1x8x128xf32, #tpu.memory_space<hbm>> -> memref<8x128xf32, #tpu.memory_space<hbm>>
    %dma_start3A_573 = arith.constant 360 : i32
    %dma_start3A_574 = arith.constant 0 : i32
    %dma_start3A_575 = tpu.memref_slice %arg7[%dma_start3A_573, %dma_start3A_574] : memref<608x128xf32, #tpu.memory_space<vmem>> -> memref<8x128xf32, #tpu.memory_space<vmem>>
    %dma_start3A_576 = tpu.memref_slice %arg2[%shift_right_logical3A_479, %dma_start3A_567, %mul3A_485, %mul3A_489] : memref<8x19x512x512xf32, #tpu.memory_space<hbm>> -> memref<1x1x8x128xf32, #tpu.memory_space<hbm>>
    %dma_start3A_577 = tpu.memref_squeeze %dma_start3A_576 : memref<1x1x8x128xf32, #tpu.memory_space<hbm>> -> memref<8x128xf32, #tpu.memory_space<hbm>>
    tpu.enqueue_dma source(%dma_start3A_577 : memref<8x128xf32, #tpu.memory_space<hbm>>) target(%dma_start3A_575 : memref<8x128xf32, #tpu.memory_space<vmem>>) target_semaphore(%arg14 : memref<!tpu.dma_semaphore, #tpu.memory_space<semaphore_mem>>)
    %dma_start3A_578 = arith.constant 8 : i32
    %dma_start3A_579 = arith.constant 368 : i32
    %dma_start3A_580 = arith.constant 0 : i32
    %dma_start3A_581 = tpu.memref_slice %arg7[%dma_start3A_579, %dma_start3A_580] : memref<608x128xf32, #tpu.memory_space<vmem>> -> memref<8x128xf32, #tpu.memory_space<vmem>>
    %dma_start3A_582 = tpu.memref_slice %arg2[%shift_right_logical3A_479, %dma_start3A_578, %mul3A_485, %mul3A_489] : memref<8x19x512x512xf32, #tpu.memory_space<hbm>> -> memref<1x1x8x128xf32, #tpu.memory_space<hbm>>
    %dma_start3A_583 = tpu.memref_squeeze %dma_start3A_582 : memref<1x1x8x128xf32, #tpu.memory_space<hbm>> -> memref<8x128xf32, #tpu.memory_space<hbm>>
    %dma_start3A_584 = arith.constant 368 : i32
    %dma_start3A_585 = arith.constant 0 : i32
    %dma_start3A_586 = tpu.memref_slice %arg7[%dma_start3A_584, %dma_start3A_585] : memref<608x128xf32, #tpu.memory_space<vmem>> -> memref<8x128xf32, #tpu.memory_space<vmem>>
    %dma_start3A_587 = tpu.memref_slice %arg2[%shift_right_logical3A_479, %dma_start3A_578, %mul3A_485, %mul3A_489] : memref<8x19x512x512xf32, #tpu.memory_space<hbm>> -> memref<1x1x8x128xf32, #tpu.memory_space<hbm>>
    %dma_start3A_588 = tpu.memref_squeeze %dma_start3A_587 : memref<1x1x8x128xf32, #tpu.memory_space<hbm>> -> memref<8x128xf32, #tpu.memory_space<hbm>>
    tpu.enqueue_dma source(%dma_start3A_588 : memref<8x128xf32, #tpu.memory_space<hbm>>) target(%dma_start3A_586 : memref<8x128xf32, #tpu.memory_space<vmem>>) target_semaphore(%arg14 : memref<!tpu.dma_semaphore, #tpu.memory_space<semaphore_mem>>)
    %dma_start3A_589 = arith.constant 9 : i32
    %dma_start3A_590 = arith.constant 376 : i32
    %dma_start3A_591 = arith.constant 0 : i32
    %dma_start3A_592 = tpu.memref_slice %arg7[%dma_start3A_590, %dma_start3A_591] : memref<608x128xf32, #tpu.memory_space<vmem>> -> memref<8x128xf32, #tpu.memory_space<vmem>>
    %dma_start3A_593 = tpu.memref_slice %arg2[%shift_right_logical3A_479, %dma_start3A_589, %mul3A_485, %mul3A_489] : memref<8x19x512x512xf32, #tpu.memory_space<hbm>> -> memref<1x1x8x128xf32, #tpu.memory_space<hbm>>
    %dma_start3A_594 = tpu.memref_squeeze %dma_start3A_593 : memref<1x1x8x128xf32, #tpu.memory_space<hbm>> -> memref<8x128xf32, #tpu.memory_space<hbm>>
    %dma_start3A_595 = arith.constant 376 : i32
    %dma_start3A_596 = arith.constant 0 : i32
    %dma_start3A_597 = tpu.memref_slice %arg7[%dma_start3A_595, %dma_start3A_596] : memref<608x128xf32, #tpu.memory_space<vmem>> -> memref<8x128xf32, #tpu.memory_space<vmem>>
    %dma_start3A_598 = tpu.memref_slice %arg2[%shift_right_logical3A_479, %dma_start3A_589, %mul3A_485, %mul3A_489] : memref<8x19x512x512xf32, #tpu.memory_space<hbm>> -> memref<1x1x8x128xf32, #tpu.memory_space<hbm>>
    %dma_start3A_599 = tpu.memref_squeeze %dma_start3A_598 : memref<1x1x8x128xf32, #tpu.memory_space<hbm>> -> memref<8x128xf32, #tpu.memory_space<hbm>>
    tpu.enqueue_dma source(%dma_start3A_599 : memref<8x128xf32, #tpu.memory_space<hbm>>) target(%dma_start3A_597 : memref<8x128xf32, #tpu.memory_space<vmem>>) target_semaphore(%arg14 : memref<!tpu.dma_semaphore, #tpu.memory_space<semaphore_mem>>)
    %dma_start3A_600 = arith.constant 10 : i32
    %dma_start3A_601 = arith.constant 384 : i32
    %dma_start3A_602 = arith.constant 0 : i32
    %dma_start3A_603 = tpu.memref_slice %arg7[%dma_start3A_601, %dma_start3A_602] : memref<608x128xf32, #tpu.memory_space<vmem>> -> memref<8x128xf32, #tpu.memory_space<vmem>>
    %dma_start3A_604 = tpu.memref_slice %arg2[%shift_right_logical3A_479, %dma_start3A_600, %mul3A_485, %mul3A_489] : memref<8x19x512x512xf32, #tpu.memory_space<hbm>> -> memref<1x1x8x128xf32, #tpu.memory_space<hbm>>
    %dma_start3A_605 = tpu.memref_squeeze %dma_start3A_604 : memref<1x1x8x128xf32, #tpu.memory_space<hbm>> -> memref<8x128xf32, #tpu.memory_space<hbm>>
    %dma_start3A_606 = arith.constant 384 : i32
    %dma_start3A_607 = arith.constant 0 : i32
    %dma_start3A_608 = tpu.memref_slice %arg7[%dma_start3A_606, %dma_start3A_607] : memref<608x128xf32, #tpu.memory_space<vmem>> -> memref<8x128xf32, #tpu.memory_space<vmem>>
    %dma_start3A_609 = tpu.memref_slice %arg2[%shift_right_logical3A_479, %dma_start3A_600, %mul3A_485, %mul3A_489] : memref<8x19x512x512xf32, #tpu.memory_space<hbm>> -> memref<1x1x8x128xf32, #tpu.memory_space<hbm>>
    %dma_start3A_610 = tpu.memref_squeeze %dma_start3A_609 : memref<1x1x8x128xf32, #tpu.memory_space<hbm>> -> memref<8x128xf32, #tpu.memory_space<hbm>>
    tpu.enqueue_dma source(%dma_start3A_610 : memref<8x128xf32, #tpu.memory_space<hbm>>) target(%dma_start3A_608 : memref<8x128xf32, #tpu.memory_space<vmem>>) target_semaphore(%arg14 : memref<!tpu.dma_semaphore, #tpu.memory_space<semaphore_mem>>)
    %dma_start3A_611 = arith.constant 11 : i32
    %dma_start3A_612 = arith.constant 392 : i32
    %dma_start3A_613 = arith.constant 0 : i32
    %dma_start3A_614 = tpu.memref_slice %arg7[%dma_start3A_612, %dma_start3A_613] : memref<608x128xf32, #tpu.memory_space<vmem>> -> memref<8x128xf32, #tpu.memory_space<vmem>>
    %dma_start3A_615 = tpu.memref_slice %arg2[%shift_right_logical3A_479, %dma_start3A_611, %mul3A_485, %mul3A_489] : memref<8x19x512x512xf32, #tpu.memory_space<hbm>> -> memref<1x1x8x128xf32, #tpu.memory_space<hbm>>
    %dma_start3A_616 = tpu.memref_squeeze %dma_start3A_615 : memref<1x1x8x128xf32, #tpu.memory_space<hbm>> -> memref<8x128xf32, #tpu.memory_space<hbm>>
    %dma_start3A_617 = arith.constant 392 : i32
    %dma_start3A_618 = arith.constant 0 : i32
    %dma_start3A_619 = tpu.memref_slice %arg7[%dma_start3A_617, %dma_start3A_618] : memref<608x128xf32, #tpu.memory_space<vmem>> -> memref<8x128xf32, #tpu.memory_space<vmem>>
    %dma_start3A_620 = tpu.memref_slice %arg2[%shift_right_logical3A_479, %dma_start3A_611, %mul3A_485, %mul3A_489] : memref<8x19x512x512xf32, #tpu.memory_space<hbm>> -> memref<1x1x8x128xf32, #tpu.memory_space<hbm>>
    %dma_start3A_621 = tpu.memref_squeeze %dma_start3A_620 : memref<1x1x8x128xf32, #tpu.memory_space<hbm>> -> memref<8x128xf32, #tpu.memory_space<hbm>>
    tpu.enqueue_dma source(%dma_start3A_621 : memref<8x128xf32, #tpu.memory_space<hbm>>) target(%dma_start3A_619 : memref<8x128xf32, #tpu.memory_space<vmem>>) target_semaphore(%arg14 : memref<!tpu.dma_semaphore, #tpu.memory_space<semaphore_mem>>)
    %dma_start3A_622 = arith.constant 12 : i32
    %dma_start3A_623 = arith.constant 400 : i32
    %dma_start3A_624 = arith.constant 0 : i32
    %dma_start3A_625 = tpu.memref_slice %arg7[%dma_start3A_623, %dma_start3A_624] : memref<608x128xf32, #tpu.memory_space<vmem>> -> memref<8x128xf32, #tpu.memory_space<vmem>>
    %dma_start3A_626 = tpu.memref_slice %arg2[%shift_right_logical3A_479, %dma_start3A_622, %mul3A_485, %mul3A_489] : memref<8x19x512x512xf32, #tpu.memory_space<hbm>> -> memref<1x1x8x128xf32, #tpu.memory_space<hbm>>
    %dma_start3A_627 = tpu.memref_squeeze %dma_start3A_626 : memref<1x1x8x128xf32, #tpu.memory_space<hbm>> -> memref<8x128xf32, #tpu.memory_space<hbm>>
    %dma_start3A_628 = arith.constant 400 : i32
    %dma_start3A_629 = arith.constant 0 : i32
    %dma_start3A_630 = tpu.memref_slice %arg7[%dma_start3A_628, %dma_start3A_629] : memref<608x128xf32, #tpu.memory_space<vmem>> -> memref<8x128xf32, #tpu.memory_space<vmem>>
    %dma_start3A_631 = tpu.memref_slice %arg2[%shift_right_logical3A_479, %dma_start3A_622, %mul3A_485, %mul3A_489] : memref<8x19x512x512xf32, #tpu.memory_space<hbm>> -> memref<1x1x8x128xf32, #tpu.memory_space<hbm>>
    %dma_start3A_632 = tpu.memref_squeeze %dma_start3A_631 : memref<1x1x8x128xf32, #tpu.memory_space<hbm>> -> memref<8x128xf32, #tpu.memory_space<hbm>>
    tpu.enqueue_dma source(%dma_start3A_632 : memref<8x128xf32, #tpu.memory_space<hbm>>) target(%dma_start3A_630 : memref<8x128xf32, #tpu.memory_space<vmem>>) target_semaphore(%arg14 : memref<!tpu.dma_semaphore, #tpu.memory_space<semaphore_mem>>)
    %dma_start3A_633 = arith.constant 13 : i32
    %dma_start3A_634 = arith.constant 408 : i32
    %dma_start3A_635 = arith.constant 0 : i32
    %dma_start3A_636 = tpu.memref_slice %arg7[%dma_start3A_634, %dma_start3A_635] : memref<608x128xf32, #tpu.memory_space<vmem>> -> memref<8x128xf32, #tpu.memory_space<vmem>>
    %dma_start3A_637 = tpu.memref_slice %arg2[%shift_right_logical3A_479, %dma_start3A_633, %mul3A_485, %mul3A_489] : memref<8x19x512x512xf32, #tpu.memory_space<hbm>> -> memref<1x1x8x128xf32, #tpu.memory_space<hbm>>
    %dma_start3A_638 = tpu.memref_squeeze %dma_start3A_637 : memref<1x1x8x128xf32, #tpu.memory_space<hbm>> -> memref<8x128xf32, #tpu.memory_space<hbm>>
    %dma_start3A_639 = arith.constant 408 : i32
    %dma_start3A_640 = arith.constant 0 : i32
    %dma_start3A_641 = tpu.memref_slice %arg7[%dma_start3A_639, %dma_start3A_640] : memref<608x128xf32, #tpu.memory_space<vmem>> -> memref<8x128xf32, #tpu.memory_space<vmem>>
    %dma_start3A_642 = tpu.memref_slice %arg2[%shift_right_logical3A_479, %dma_start3A_633, %mul3A_485, %mul3A_489] : memref<8x19x512x512xf32, #tpu.memory_space<hbm>> -> memref<1x1x8x128xf32, #tpu.memory_space<hbm>>
    %dma_start3A_643 = tpu.memref_squeeze %dma_start3A_642 : memref<1x1x8x128xf32, #tpu.memory_space<hbm>> -> memref<8x128xf32, #tpu.memory_space<hbm>>
    tpu.enqueue_dma source(%dma_start3A_643 : memref<8x128xf32, #tpu.memory_space<hbm>>) target(%dma_start3A_641 : memref<8x128xf32, #tpu.memory_space<vmem>>) target_semaphore(%arg14 : memref<!tpu.dma_semaphore, #tpu.memory_space<semaphore_mem>>)
    %dma_start3A_644 = arith.constant 14 : i32
    %dma_start3A_645 = arith.constant 416 : i32
    %dma_start3A_646 = arith.constant 0 : i32
    %dma_start3A_647 = tpu.memref_slice %arg7[%dma_start3A_645, %dma_start3A_646] : memref<608x128xf32, #tpu.memory_space<vmem>> -> memref<8x128xf32, #tpu.memory_space<vmem>>
    %dma_start3A_648 = tpu.memref_slice %arg2[%shift_right_logical3A_479, %dma_start3A_644, %mul3A_485, %mul3A_489] : memref<8x19x512x512xf32, #tpu.memory_space<hbm>> -> memref<1x1x8x128xf32, #tpu.memory_space<hbm>>
    %dma_start3A_649 = tpu.memref_squeeze %dma_start3A_648 : memref<1x1x8x128xf32, #tpu.memory_space<hbm>> -> memref<8x128xf32, #tpu.memory_space<hbm>>
    %dma_start3A_650 = arith.constant 416 : i32
    %dma_start3A_651 = arith.constant 0 : i32
    %dma_start3A_652 = tpu.memref_slice %arg7[%dma_start3A_650, %dma_start3A_651] : memref<608x128xf32, #tpu.memory_space<vmem>> -> memref<8x128xf32, #tpu.memory_space<vmem>>
    %dma_start3A_653 = tpu.memref_slice %arg2[%shift_right_logical3A_479, %dma_start3A_644, %mul3A_485, %mul3A_489] : memref<8x19x512x512xf32, #tpu.memory_space<hbm>> -> memref<1x1x8x128xf32, #tpu.memory_space<hbm>>
    %dma_start3A_654 = tpu.memref_squeeze %dma_start3A_653 : memref<1x1x8x128xf32, #tpu.memory_space<hbm>> -> memref<8x128xf32, #tpu.memory_space<hbm>>
    tpu.enqueue_dma source(%dma_start3A_654 : memref<8x128xf32, #tpu.memory_space<hbm>>) target(%dma_start3A_652 : memref<8x128xf32, #tpu.memory_space<vmem>>) target_semaphore(%arg14 : memref<!tpu.dma_semaphore, #tpu.memory_space<semaphore_mem>>)
    %dma_start3A_655 = arith.constant 15 : i32
    %dma_start3A_656 = arith.constant 424 : i32
    %dma_start3A_657 = arith.constant 0 : i32
    %dma_start3A_658 = tpu.memref_slice %arg7[%dma_start3A_656, %dma_start3A_657] : memref<608x128xf32, #tpu.memory_space<vmem>> -> memref<8x128xf32, #tpu.memory_space<vmem>>
    %dma_start3A_659 = tpu.memref_slice %arg2[%shift_right_logical3A_479, %dma_start3A_655, %mul3A_485, %mul3A_489] : memref<8x19x512x512xf32, #tpu.memory_space<hbm>> -> memref<1x1x8x128xf32, #tpu.memory_space<hbm>>
    %dma_start3A_660 = tpu.memref_squeeze %dma_start3A_659 : memref<1x1x8x128xf32, #tpu.memory_space<hbm>> -> memref<8x128xf32, #tpu.memory_space<hbm>>
    %dma_start3A_661 = arith.constant 424 : i32
    %dma_start3A_662 = arith.constant 0 : i32
    %dma_start3A_663 = tpu.memref_slice %arg7[%dma_start3A_661, %dma_start3A_662] : memref<608x128xf32, #tpu.memory_space<vmem>> -> memref<8x128xf32, #tpu.memory_space<vmem>>
    %dma_start3A_664 = tpu.memref_slice %arg2[%shift_right_logical3A_479, %dma_start3A_655, %mul3A_485, %mul3A_489] : memref<8x19x512x512xf32, #tpu.memory_space<hbm>> -> memref<1x1x8x128xf32, #tpu.memory_space<hbm>>
    %dma_start3A_665 = tpu.memref_squeeze %dma_start3A_664 : memref<1x1x8x128xf32, #tpu.memory_space<hbm>> -> memref<8x128xf32, #tpu.memory_space<hbm>>
    tpu.enqueue_dma source(%dma_start3A_665 : memref<8x128xf32, #tpu.memory_space<hbm>>) target(%dma_start3A_663 : memref<8x128xf32, #tpu.memory_space<vmem>>) target_semaphore(%arg14 : memref<!tpu.dma_semaphore, #tpu.memory_space<semaphore_mem>>)
    %dma_start3A_666 = arith.constant 16 : i32
    %dma_start3A_667 = arith.constant 432 : i32
    %dma_start3A_668 = arith.constant 0 : i32
    %dma_start3A_669 = tpu.memref_slice %arg7[%dma_start3A_667, %dma_start3A_668] : memref<608x128xf32, #tpu.memory_space<vmem>> -> memref<8x128xf32, #tpu.memory_space<vmem>>
    %dma_start3A_670 = tpu.memref_slice %arg2[%shift_right_logical3A_479, %dma_start3A_666, %mul3A_485, %mul3A_489] : memref<8x19x512x512xf32, #tpu.memory_space<hbm>> -> memref<1x1x8x128xf32, #tpu.memory_space<hbm>>
    %dma_start3A_671 = tpu.memref_squeeze %dma_start3A_670 : memref<1x1x8x128xf32, #tpu.memory_space<hbm>> -> memref<8x128xf32, #tpu.memory_space<hbm>>
    %dma_start3A_672 = arith.constant 432 : i32
    %dma_start3A_673 = arith.constant 0 : i32
    %dma_start3A_674 = tpu.memref_slice %arg7[%dma_start3A_672, %dma_start3A_673] : memref<608x128xf32, #tpu.memory_space<vmem>> -> memref<8x128xf32, #tpu.memory_space<vmem>>
    %dma_start3A_675 = tpu.memref_slice %arg2[%shift_right_logical3A_479, %dma_start3A_666, %mul3A_485, %mul3A_489] : memref<8x19x512x512xf32, #tpu.memory_space<hbm>> -> memref<1x1x8x128xf32, #tpu.memory_space<hbm>>
    %dma_start3A_676 = tpu.memref_squeeze %dma_start3A_675 : memref<1x1x8x128xf32, #tpu.memory_space<hbm>> -> memref<8x128xf32, #tpu.memory_space<hbm>>
    tpu.enqueue_dma source(%dma_start3A_676 : memref<8x128xf32, #tpu.memory_space<hbm>>) target(%dma_start3A_674 : memref<8x128xf32, #tpu.memory_space<vmem>>) target_semaphore(%arg14 : memref<!tpu.dma_semaphore, #tpu.memory_space<semaphore_mem>>)
    %dma_start3A_677 = arith.constant 17 : i32
    %dma_start3A_678 = arith.constant 440 : i32
    %dma_start3A_679 = arith.constant 0 : i32
    %dma_start3A_680 = tpu.memref_slice %arg7[%dma_start3A_678, %dma_start3A_679] : memref<608x128xf32, #tpu.memory_space<vmem>> -> memref<8x128xf32, #tpu.memory_space<vmem>>
    %dma_start3A_681 = tpu.memref_slice %arg2[%shift_right_logical3A_479, %dma_start3A_677, %mul3A_485, %mul3A_489] : memref<8x19x512x512xf32, #tpu.memory_space<hbm>> -> memref<1x1x8x128xf32, #tpu.memory_space<hbm>>
    %dma_start3A_682 = tpu.memref_squeeze %dma_start3A_681 : memref<1x1x8x128xf32, #tpu.memory_space<hbm>> -> memref<8x128xf32, #tpu.memory_space<hbm>>
    %dma_start3A_683 = arith.constant 440 : i32
    %dma_start3A_684 = arith.constant 0 : i32
    %dma_start3A_685 = tpu.memref_slice %arg7[%dma_start3A_683, %dma_start3A_684] : memref<608x128xf32, #tpu.memory_space<vmem>> -> memref<8x128xf32, #tpu.memory_space<vmem>>
    %dma_start3A_686 = tpu.memref_slice %arg2[%shift_right_logical3A_479, %dma_start3A_677, %mul3A_485, %mul3A_489] : memref<8x19x512x512xf32, #tpu.memory_space<hbm>> -> memref<1x1x8x128xf32, #tpu.memory_space<hbm>>
    %dma_start3A_687 = tpu.memref_squeeze %dma_start3A_686 : memref<1x1x8x128xf32, #tpu.memory_space<hbm>> -> memref<8x128xf32, #tpu.memory_space<hbm>>
    tpu.enqueue_dma source(%dma_start3A_687 : memref<8x128xf32, #tpu.memory_space<hbm>>) target(%dma_start3A_685 : memref<8x128xf32, #tpu.memory_space<vmem>>) target_semaphore(%arg14 : memref<!tpu.dma_semaphore, #tpu.memory_space<semaphore_mem>>)
    %dma_start3A_688 = arith.constant 18 : i32
    %dma_start3A_689 = arith.constant 448 : i32
    %dma_start3A_690 = arith.constant 0 : i32
    %dma_start3A_691 = tpu.memref_slice %arg7[%dma_start3A_689, %dma_start3A_690] : memref<608x128xf32, #tpu.memory_space<vmem>> -> memref<8x128xf32, #tpu.memory_space<vmem>>
    %dma_start3A_692 = tpu.memref_slice %arg2[%shift_right_logical3A_479, %dma_start3A_688, %mul3A_485, %mul3A_489] : memref<8x19x512x512xf32, #tpu.memory_space<hbm>> -> memref<1x1x8x128xf32, #tpu.memory_space<hbm>>
    %dma_start3A_693 = tpu.memref_squeeze %dma_start3A_692 : memref<1x1x8x128xf32, #tpu.memory_space<hbm>> -> memref<8x128xf32, #tpu.memory_space<hbm>>
    %dma_start3A_694 = arith.constant 448 : i32
    %dma_start3A_695 = arith.constant 0 : i32
    %dma_start3A_696 = tpu.memref_slice %arg7[%dma_start3A_694, %dma_start3A_695] : memref<608x128xf32, #tpu.memory_space<vmem>> -> memref<8x128xf32, #tpu.memory_space<vmem>>
    %dma_start3A_697 = tpu.memref_slice %arg2[%shift_right_logical3A_479, %dma_start3A_688, %mul3A_485, %mul3A_489] : memref<8x19x512x512xf32, #tpu.memory_space<hbm>> -> memref<1x1x8x128xf32, #tpu.memory_space<hbm>>
    %dma_start3A_698 = tpu.memref_squeeze %dma_start3A_697 : memref<1x1x8x128xf32, #tpu.memory_space<hbm>> -> memref<8x128xf32, #tpu.memory_space<hbm>>
    tpu.enqueue_dma source(%dma_start3A_698 : memref<8x128xf32, #tpu.memory_space<hbm>>) target(%dma_start3A_696 : memref<8x128xf32, #tpu.memory_space<vmem>>) target_semaphore(%arg14 : memref<!tpu.dma_semaphore, #tpu.memory_space<semaphore_mem>>)
    %dma_start3A_699 = arith.constant 2 : i32
    %dma_start3A_700 = arith.constant 0 : i32
    %dma_start3A_701 = arith.constant 0 : i32
    %dma_start3A_702 = tpu.memref_slice %arg8[%dma_start3A_699, %dma_start3A_700, %dma_start3A_701] : memref<4x8x128xi32, #tpu.memory_space<vmem>> -> memref<1x8x128xi32, #tpu.memory_space<vmem>>
    %dma_start3A_703 = tpu.memref_squeeze %dma_start3A_702 : memref<1x8x128xi32, #tpu.memory_space<vmem>> -> memref<8x128xi32, #tpu.memory_space<vmem>>
    %dma_start3A_704 = tpu.memref_slice %arg3[%shift_right_logical3A_479, %mul3A_485, %mul3A_489] : memref<8x512x512xi32, #tpu.memory_space<hbm>> -> memref<1x8x128xi32, #tpu.memory_space<hbm>>
    %dma_start3A_705 = tpu.memref_squeeze %dma_start3A_704 : memref<1x8x128xi32, #tpu.memory_space<hbm>> -> memref<8x128xi32, #tpu.memory_space<hbm>>
    %dma_start3A_706 = arith.constant 0 : i32
    %dma_start3A_707 = arith.constant 0 : i32
    %dma_start3A_708 = tpu.memref_slice %arg8[%dma_start3A_699, %dma_start3A_706, %dma_start3A_707] : memref<4x8x128xi32, #tpu.memory_space<vmem>> -> memref<1x8x128xi32, #tpu.memory_space<vmem>>
    %dma_start3A_709 = tpu.memref_squeeze %dma_start3A_708 : memref<1x8x128xi32, #tpu.memory_space<vmem>> -> memref<8x128xi32, #tpu.memory_space<vmem>>
    %dma_start3A_710 = tpu.memref_slice %arg3[%shift_right_logical3A_479, %mul3A_485, %mul3A_489] : memref<8x512x512xi32, #tpu.memory_space<hbm>> -> memref<1x8x128xi32, #tpu.memory_space<hbm>>
    %dma_start3A_711 = tpu.memref_squeeze %dma_start3A_710 : memref<1x8x128xi32, #tpu.memory_space<hbm>> -> memref<8x128xi32, #tpu.memory_space<hbm>>
    tpu.enqueue_dma source(%dma_start3A_711 : memref<8x128xi32, #tpu.memory_space<hbm>>) target(%dma_start3A_709 : memref<8x128xi32, #tpu.memory_space<vmem>>) target_semaphore(%arg14 : memref<!tpu.dma_semaphore, #tpu.memory_space<semaphore_mem>>)
    %broadcast_in_dim3A = arith.constant 0.000000e+00 : f32
    %broadcast_in_dim3A_712 = vector.broadcast %broadcast_in_dim3A : f32 to vector<16xf32>
    %broadcast_in_dim3A_713 = arith.constant 0 : i32
    %broadcast_in_dim3A_714 = vector.broadcast %broadcast_in_dim3A_713 : i32 to vector<16xi32>
    %scan3A = arith.constant 0 : i32
    %scan3A_715 = arith.constant 10 : i32
    %scan3A_716 = arith.addi %scan3A, %scan3A_715 : i32
    %scan3A_717 = arith.constant 1 : i32
    %scan3A_718:3 = scf.for %scan3A_725 = %scan3A to %scan3A_716 step %scan3A_717 iter_args(%scan3A_726 = %broadcast_in_dim3A_712, %scan3A_727 = %broadcast_in_dim3A_714, %scan3A_728 = %broadcast_in_dim3A_712) -> (vector<16xf32>, vector<16xi32>, vector<16xf32>)  : i32 {
      %mul3A_729 = arith.constant 4 : i32
      %mul3A_730 = arith.muli %scan3A_725, %mul3A_729 : i32
      %add3A_731 = arith.constant 0 : i32
      %add3A_732 = arith.addi %mul3A_730, %add3A_731 : i32
      %add3A_733 = arith.constant 3 : i32
      %add3A_734 = arith.addi %add3A_732, %add3A_733 : i32
      %lt3A = arith.constant 40 : i32
      %lt3A_735 = arith.cmpi slt, %add3A_734, %lt3A : i32
      %convert_element_type3A = arith.extui %lt3A_735 : i1 to i32
      %cond3A = arith.constant 0 : i32
      %cond3A_736 = arith.cmpi ne, %convert_element_type3A, %cond3A : i32
      scf.if %cond3A_736 {
        %mul3A_920 = arith.constant 40 : i32
        %mul3A_921 = arith.muli %add3A, %mul3A_920 : i32
        %add3A_922 = arith.addi %mul3A_921, %add3A_734 : i32
        %shift_right_logical3A_923 = arith.constant 8 : i32
        %shift_right_logical3A_924 = arith.shrui %add3A_922, %shift_right_logical3A_923 : i32
        %shift_right_logical3A_925 = arith.constant 2 : i32
        %shift_right_logical3A_926 = arith.shrui %add3A_922, %shift_right_logical3A_925 : i32
        %and3A_927 = arith.constant 63 : i32
        %and3A_928 = arith.andi %shift_right_logical3A_926, %and3A_927 : i32
        %mul3A_929 = arith.constant 8 : i32
        %mul3A_930 = arith.muli %and3A_928, %mul3A_929 : i32
        %and3A_931 = arith.constant 3 : i32
        %and3A_932 = arith.andi %add3A_922, %and3A_931 : i32
        %mul3A_933 = arith.constant 128 : i32
        %mul3A_934 = arith.muli %and3A_932, %mul3A_933 : i32
        %dma_start3A_935 = arith.constant 0 : i32
        %dma_start3A_936 = arith.constant 456 : i32
        %dma_start3A_937 = arith.constant 0 : i32
        %dma_start3A_938 = tpu.memref_slice %arg7[%dma_start3A_936, %dma_start3A_937] : memref<608x128xf32, #tpu.memory_space<vmem>> -> memref<8x128xf32, #tpu.memory_space<vmem>>
        %dma_start3A_939 = tpu.memref_slice %arg2[%shift_right_logical3A_924, %dma_start3A_935, %mul3A_930, %mul3A_934] : memref<8x19x512x512xf32, #tpu.memory_space<hbm>> -> memref<1x1x8x128xf32, #tpu.memory_space<hbm>>
        %dma_start3A_940 = tpu.memref_squeeze %dma_start3A_939 : memref<1x1x8x128xf32, #tpu.memory_space<hbm>> -> memref<8x128xf32, #tpu.memory_space<hbm>>
        %dma_start3A_941 = arith.constant 456 : i32
        %dma_start3A_942 = arith.constant 0 : i32
        %dma_start3A_943 = tpu.memref_slice %arg7[%dma_start3A_941, %dma_start3A_942] : memref<608x128xf32, #tpu.memory_space<vmem>> -> memref<8x128xf32, #tpu.memory_space<vmem>>
        %dma_start3A_944 = tpu.memref_slice %arg2[%shift_right_logical3A_924, %dma_start3A_935, %mul3A_930, %mul3A_934] : memref<8x19x512x512xf32, #tpu.memory_space<hbm>> -> memref<1x1x8x128xf32, #tpu.memory_space<hbm>>
        %dma_start3A_945 = tpu.memref_squeeze %dma_start3A_944 : memref<1x1x8x128xf32, #tpu.memory_space<hbm>> -> memref<8x128xf32, #tpu.memory_space<hbm>>
        tpu.enqueue_dma source(%dma_start3A_945 : memref<8x128xf32, #tpu.memory_space<hbm>>) target(%dma_start3A_943 : memref<8x128xf32, #tpu.memory_space<vmem>>) target_semaphore(%arg15 : memref<!tpu.dma_semaphore, #tpu.memory_space<semaphore_mem>>)
        %dma_start3A_946 = arith.constant 1 : i32
        %dma_start3A_947 = arith.constant 464 : i32
        %dma_start3A_948 = arith.constant 0 : i32
        %dma_start3A_949 = tpu.memref_slice %arg7[%dma_start3A_947, %dma_start3A_948] : memref<608x128xf32, #tpu.memory_space<vmem>> -> memref<8x128xf32, #tpu.memory_space<vmem>>
        %dma_start3A_950 = tpu.memref_slice %arg2[%shift_right_logical3A_924, %dma_start3A_946, %mul3A_930, %mul3A_934] : memref<8x19x512x512xf32, #tpu.memory_space<hbm>> -> memref<1x1x8x128xf32, #tpu.memory_space<hbm>>
        %dma_start3A_951 = tpu.memref_squeeze %dma_start3A_950 : memref<1x1x8x128xf32, #tpu.memory_space<hbm>> -> memref<8x128xf32, #tpu.memory_space<hbm>>
        %dma_start3A_952 = arith.constant 464 : i32
        %dma_start3A_953 = arith.constant 0 : i32
        %dma_start3A_954 = tpu.memref_slice %arg7[%dma_start3A_952, %dma_start3A_953] : memref<608x128xf32, #tpu.memory_space<vmem>> -> memref<8x128xf32, #tpu.memory_space<vmem>>
        %dma_start3A_955 = tpu.memref_slice %arg2[%shift_right_logical3A_924, %dma_start3A_946, %mul3A_930, %mul3A_934] : memref<8x19x512x512xf32, #tpu.memory_space<hbm>> -> memref<1x1x8x128xf32, #tpu.memory_space<hbm>>
        %dma_start3A_956 = tpu.memref_squeeze %dma_start3A_955 : memref<1x1x8x128xf32, #tpu.memory_space<hbm>> -> memref<8x128xf32, #tpu.memory_space<hbm>>
        tpu.enqueue_dma source(%dma_start3A_956 : memref<8x128xf32, #tpu.memory_space<hbm>>) target(%dma_start3A_954 : memref<8x128xf32, #tpu.memory_space<vmem>>) target_semaphore(%arg15 : memref<!tpu.dma_semaphore, #tpu.memory_space<semaphore_mem>>)
        %dma_start3A_957 = arith.constant 2 : i32
        %dma_start3A_958 = arith.constant 472 : i32
        %dma_start3A_959 = arith.constant 0 : i32
        %dma_start3A_960 = tpu.memref_slice %arg7[%dma_start3A_958, %dma_start3A_959] : memref<608x128xf32, #tpu.memory_space<vmem>> -> memref<8x128xf32, #tpu.memory_space<vmem>>
        %dma_start3A_961 = tpu.memref_slice %arg2[%shift_right_logical3A_924, %dma_start3A_957, %mul3A_930, %mul3A_934] : memref<8x19x512x512xf32, #tpu.memory_space<hbm>> -> memref<1x1x8x128xf32, #tpu.memory_space<hbm>>
        %dma_start3A_962 = tpu.memref_squeeze %dma_start3A_961 : memref<1x1x8x128xf32, #tpu.memory_space<hbm>> -> memref<8x128xf32, #tpu.memory_space<hbm>>
        %dma_start3A_963 = arith.constant 472 : i32
        %dma_start3A_964 = arith.constant 0 : i32
        %dma_start3A_965 = tpu.memref_slice %arg7[%dma_start3A_963, %dma_start3A_964] : memref<608x128xf32, #tpu.memory_space<vmem>> -> memref<8x128xf32, #tpu.memory_space<vmem>>
        %dma_start3A_966 = tpu.memref_slice %arg2[%shift_right_logical3A_924, %dma_start3A_957, %mul3A_930, %mul3A_934] : memref<8x19x512x512xf32, #tpu.memory_space<hbm>> -> memref<1x1x8x128xf32, #tpu.memory_space<hbm>>
        %dma_start3A_967 = tpu.memref_squeeze %dma_start3A_966 : memref<1x1x8x128xf32, #tpu.memory_space<hbm>> -> memref<8x128xf32, #tpu.memory_space<hbm>>
        tpu.enqueue_dma source(%dma_start3A_967 : memref<8x128xf32, #tpu.memory_space<hbm>>) target(%dma_start3A_965 : memref<8x128xf32, #tpu.memory_space<vmem>>) target_semaphore(%arg15 : memref<!tpu.dma_semaphore, #tpu.memory_space<semaphore_mem>>)
        %dma_start3A_968 = arith.constant 3 : i32
        %dma_start3A_969 = arith.constant 480 : i32
        %dma_start3A_970 = arith.constant 0 : i32
        %dma_start3A_971 = tpu.memref_slice %arg7[%dma_start3A_969, %dma_start3A_970] : memref<608x128xf32, #tpu.memory_space<vmem>> -> memref<8x128xf32, #tpu.memory_space<vmem>>
        %dma_start3A_972 = tpu.memref_slice %arg2[%shift_right_logical3A_924, %dma_start3A_968, %mul3A_930, %mul3A_934] : memref<8x19x512x512xf32, #tpu.memory_space<hbm>> -> memref<1x1x8x128xf32, #tpu.memory_space<hbm>>
        %dma_start3A_973 = tpu.memref_squeeze %dma_start3A_972 : memref<1x1x8x128xf32, #tpu.memory_space<hbm>> -> memref<8x128xf32, #tpu.memory_space<hbm>>
        %dma_start3A_974 = arith.constant 480 : i32
        %dma_start3A_975 = arith.constant 0 : i32
        %dma_start3A_976 = tpu.memref_slice %arg7[%dma_start3A_974, %dma_start3A_975] : memref<608x128xf32, #tpu.memory_space<vmem>> -> memref<8x128xf32, #tpu.memory_space<vmem>>
        %dma_start3A_977 = tpu.memref_slice %arg2[%shift_right_logical3A_924, %dma_start3A_968, %mul3A_930, %mul3A_934] : memref<8x19x512x512xf32, #tpu.memory_space<hbm>> -> memref<1x1x8x128xf32, #tpu.memory_space<hbm>>
        %dma_start3A_978 = tpu.memref_squeeze %dma_start3A_977 : memref<1x1x8x128xf32, #tpu.memory_space<hbm>> -> memref<8x128xf32, #tpu.memory_space<hbm>>
        tpu.enqueue_dma source(%dma_start3A_978 : memref<8x128xf32, #tpu.memory_space<hbm>>) target(%dma_start3A_976 : memref<8x128xf32, #tpu.memory_space<vmem>>) target_semaphore(%arg15 : memref<!tpu.dma_semaphore, #tpu.memory_space<semaphore_mem>>)
        %dma_start3A_979 = arith.constant 4 : i32
        %dma_start3A_980 = arith.constant 488 : i32
        %dma_start3A_981 = arith.constant 0 : i32
        %dma_start3A_982 = tpu.memref_slice %arg7[%dma_start3A_980, %dma_start3A_981] : memref<608x128xf32, #tpu.memory_space<vmem>> -> memref<8x128xf32, #tpu.memory_space<vmem>>
        %dma_start3A_983 = tpu.memref_slice %arg2[%shift_right_logical3A_924, %dma_start3A_979, %mul3A_930, %mul3A_934] : memref<8x19x512x512xf32, #tpu.memory_space<hbm>> -> memref<1x1x8x128xf32, #tpu.memory_space<hbm>>
        %dma_start3A_984 = tpu.memref_squeeze %dma_start3A_983 : memref<1x1x8x128xf32, #tpu.memory_space<hbm>> -> memref<8x128xf32, #tpu.memory_space<hbm>>
        %dma_start3A_985 = arith.constant 488 : i32
        %dma_start3A_986 = arith.constant 0 : i32
        %dma_start3A_987 = tpu.memref_slice %arg7[%dma_start3A_985, %dma_start3A_986] : memref<608x128xf32, #tpu.memory_space<vmem>> -> memref<8x128xf32, #tpu.memory_space<vmem>>
        %dma_start3A_988 = tpu.memref_slice %arg2[%shift_right_logical3A_924, %dma_start3A_979, %mul3A_930, %mul3A_934] : memref<8x19x512x512xf32, #tpu.memory_space<hbm>> -> memref<1x1x8x128xf32, #tpu.memory_space<hbm>>
        %dma_start3A_989 = tpu.memref_squeeze %dma_start3A_988 : memref<1x1x8x128xf32, #tpu.memory_space<hbm>> -> memref<8x128xf32, #tpu.memory_space<hbm>>
        tpu.enqueue_dma source(%dma_start3A_989 : memref<8x128xf32, #tpu.memory_space<hbm>>) target(%dma_start3A_987 : memref<8x128xf32, #tpu.memory_space<vmem>>) target_semaphore(%arg15 : memref<!tpu.dma_semaphore, #tpu.memory_space<semaphore_mem>>)
        %dma_start3A_990 = arith.constant 5 : i32
        %dma_start3A_991 = arith.constant 496 : i32
        %dma_start3A_992 = arith.constant 0 : i32
        %dma_start3A_993 = tpu.memref_slice %arg7[%dma_start3A_991, %dma_start3A_992] : memref<608x128xf32, #tpu.memory_space<vmem>> -> memref<8x128xf32, #tpu.memory_space<vmem>>
        %dma_start3A_994 = tpu.memref_slice %arg2[%shift_right_logical3A_924, %dma_start3A_990, %mul3A_930, %mul3A_934] : memref<8x19x512x512xf32, #tpu.memory_space<hbm>> -> memref<1x1x8x128xf32, #tpu.memory_space<hbm>>
        %dma_start3A_995 = tpu.memref_squeeze %dma_start3A_994 : memref<1x1x8x128xf32, #tpu.memory_space<hbm>> -> memref<8x128xf32, #tpu.memory_space<hbm>>
        %dma_start3A_996 = arith.constant 496 : i32
        %dma_start3A_997 = arith.constant 0 : i32
        %dma_start3A_998 = tpu.memref_slice %arg7[%dma_start3A_996, %dma_start3A_997] : memref<608x128xf32, #tpu.memory_space<vmem>> -> memref<8x128xf32, #tpu.memory_space<vmem>>
        %dma_start3A_999 = tpu.memref_slice %arg2[%shift_right_logical3A_924, %dma_start3A_990, %mul3A_930, %mul3A_934] : memref<8x19x512x512xf32, #tpu.memory_space<hbm>> -> memref<1x1x8x128xf32, #tpu.memory_space<hbm>>
        %dma_start3A_1000 = tpu.memref_squeeze %dma_start3A_999 : memref<1x1x8x128xf32, #tpu.memory_space<hbm>> -> memref<8x128xf32, #tpu.memory_space<hbm>>
        tpu.enqueue_dma source(%dma_start3A_1000 : memref<8x128xf32, #tpu.memory_space<hbm>>) target(%dma_start3A_998 : memref<8x128xf32, #tpu.memory_space<vmem>>) target_semaphore(%arg15 : memref<!tpu.dma_semaphore, #tpu.memory_space<semaphore_mem>>)
        %dma_start3A_1001 = arith.constant 6 : i32
        %dma_start3A_1002 = arith.constant 504 : i32
        %dma_start3A_1003 = arith.constant 0 : i32
        %dma_start3A_1004 = tpu.memref_slice %arg7[%dma_start3A_1002, %dma_start3A_1003] : memref<608x128xf32, #tpu.memory_space<vmem>> -> memref<8x128xf32, #tpu.memory_space<vmem>>
        %dma_start3A_1005 = tpu.memref_slice %arg2[%shift_right_logical3A_924, %dma_start3A_1001, %mul3A_930, %mul3A_934] : memref<8x19x512x512xf32, #tpu.memory_space<hbm>> -> memref<1x1x8x128xf32, #tpu.memory_space<hbm>>
        %dma_start3A_1006 = tpu.memref_squeeze %dma_start3A_1005 : memref<1x1x8x128xf32, #tpu.memory_space<hbm>> -> memref<8x128xf32, #tpu.memory_space<hbm>>
        %dma_start3A_1007 = arith.constant 504 : i32
        %dma_start3A_1008 = arith.constant 0 : i32
        %dma_start3A_1009 = tpu.memref_slice %arg7[%dma_start3A_1007, %dma_start3A_1008] : memref<608x128xf32, #tpu.memory_space<vmem>> -> memref<8x128xf32, #tpu.memory_space<vmem>>
        %dma_start3A_1010 = tpu.memref_slice %arg2[%shift_right_logical3A_924, %dma_start3A_1001, %mul3A_930, %mul3A_934] : memref<8x19x512x512xf32, #tpu.memory_space<hbm>> -> memref<1x1x8x128xf32, #tpu.memory_space<hbm>>
        %dma_start3A_1011 = tpu.memref_squeeze %dma_start3A_1010 : memref<1x1x8x128xf32, #tpu.memory_space<hbm>> -> memref<8x128xf32, #tpu.memory_space<hbm>>
        tpu.enqueue_dma source(%dma_start3A_1011 : memref<8x128xf32, #tpu.memory_space<hbm>>) target(%dma_start3A_1009 : memref<8x128xf32, #tpu.memory_space<vmem>>) target_semaphore(%arg15 : memref<!tpu.dma_semaphore, #tpu.memory_space<semaphore_mem>>)
        %dma_start3A_1012 = arith.constant 7 : i32
        %dma_start3A_1013 = arith.constant 512 : i32
        %dma_start3A_1014 = arith.constant 0 : i32
        %dma_start3A_1015 = tpu.memref_slice %arg7[%dma_start3A_1013, %dma_start3A_1014] : memref<608x128xf32, #tpu.memory_space<vmem>> -> memref<8x128xf32, #tpu.memory_space<vmem>>
        %dma_start3A_1016 = tpu.memref_slice %arg2[%shift_right_logical3A_924, %dma_start3A_1012, %mul3A_930, %mul3A_934] : memref<8x19x512x512xf32, #tpu.memory_space<hbm>> -> memref<1x1x8x128xf32, #tpu.memory_space<hbm>>
        %dma_start3A_1017 = tpu.memref_squeeze %dma_start3A_1016 : memref<1x1x8x128xf32, #tpu.memory_space<hbm>> -> memref<8x128xf32, #tpu.memory_space<hbm>>
        %dma_start3A_1018 = arith.constant 512 : i32
        %dma_start3A_1019 = arith.constant 0 : i32
        %dma_start3A_1020 = tpu.memref_slice %arg7[%dma_start3A_1018, %dma_start3A_1019] : memref<608x128xf32, #tpu.memory_space<vmem>> -> memref<8x128xf32, #tpu.memory_space<vmem>>
        %dma_start3A_1021 = tpu.memref_slice %arg2[%shift_right_logical3A_924, %dma_start3A_1012, %mul3A_930, %mul3A_934] : memref<8x19x512x512xf32, #tpu.memory_space<hbm>> -> memref<1x1x8x128xf32, #tpu.memory_space<hbm>>
        %dma_start3A_1022 = tpu.memref_squeeze %dma_start3A_1021 : memref<1x1x8x128xf32, #tpu.memory_space<hbm>> -> memref<8x128xf32, #tpu.memory_space<hbm>>
        tpu.enqueue_dma source(%dma_start3A_1022 : memref<8x128xf32, #tpu.memory_space<hbm>>) target(%dma_start3A_1020 : memref<8x128xf32, #tpu.memory_space<vmem>>) target_semaphore(%arg15 : memref<!tpu.dma_semaphore, #tpu.memory_space<semaphore_mem>>)
        %dma_start3A_1023 = arith.constant 8 : i32
        %dma_start3A_1024 = arith.constant 520 : i32
        %dma_start3A_1025 = arith.constant 0 : i32
        %dma_start3A_1026 = tpu.memref_slice %arg7[%dma_start3A_1024, %dma_start3A_1025] : memref<608x128xf32, #tpu.memory_space<vmem>> -> memref<8x128xf32, #tpu.memory_space<vmem>>
        %dma_start3A_1027 = tpu.memref_slice %arg2[%shift_right_logical3A_924, %dma_start3A_1023, %mul3A_930, %mul3A_934] : memref<8x19x512x512xf32, #tpu.memory_space<hbm>> -> memref<1x1x8x128xf32, #tpu.memory_space<hbm>>
        %dma_start3A_1028 = tpu.memref_squeeze %dma_start3A_1027 : memref<1x1x8x128xf32, #tpu.memory_space<hbm>> -> memref<8x128xf32, #tpu.memory_space<hbm>>
        %dma_start3A_1029 = arith.constant 520 : i32
        %dma_start3A_1030 = arith.constant 0 : i32
        %dma_start3A_1031 = tpu.memref_slice %arg7[%dma_start3A_1029, %dma_start3A_1030] : memref<608x128xf32, #tpu.memory_space<vmem>> -> memref<8x128xf32, #tpu.memory_space<vmem>>
        %dma_start3A_1032 = tpu.memref_slice %arg2[%shift_right_logical3A_924, %dma_start3A_1023, %mul3A_930, %mul3A_934] : memref<8x19x512x512xf32, #tpu.memory_space<hbm>> -> memref<1x1x8x128xf32, #tpu.memory_space<hbm>>
        %dma_start3A_1033 = tpu.memref_squeeze %dma_start3A_1032 : memref<1x1x8x128xf32, #tpu.memory_space<hbm>> -> memref<8x128xf32, #tpu.memory_space<hbm>>
        tpu.enqueue_dma source(%dma_start3A_1033 : memref<8x128xf32, #tpu.memory_space<hbm>>) target(%dma_start3A_1031 : memref<8x128xf32, #tpu.memory_space<vmem>>) target_semaphore(%arg15 : memref<!tpu.dma_semaphore, #tpu.memory_space<semaphore_mem>>)
        %dma_start3A_1034 = arith.constant 9 : i32
        %dma_start3A_1035 = arith.constant 528 : i32
        %dma_start3A_1036 = arith.constant 0 : i32
        %dma_start3A_1037 = tpu.memref_slice %arg7[%dma_start3A_1035, %dma_start3A_1036] : memref<608x128xf32, #tpu.memory_space<vmem>> -> memref<8x128xf32, #tpu.memory_space<vmem>>
        %dma_start3A_1038 = tpu.memref_slice %arg2[%shift_right_logical3A_924, %dma_start3A_1034, %mul3A_930, %mul3A_934] : memref<8x19x512x512xf32, #tpu.memory_space<hbm>> -> memref<1x1x8x128xf32, #tpu.memory_space<hbm>>
        %dma_start3A_1039 = tpu.memref_squeeze %dma_start3A_1038 : memref<1x1x8x128xf32, #tpu.memory_space<hbm>> -> memref<8x128xf32, #tpu.memory_space<hbm>>
        %dma_start3A_1040 = arith.constant 528 : i32
        %dma_start3A_1041 = arith.constant 0 : i32
        %dma_start3A_1042 = tpu.memref_slice %arg7[%dma_start3A_1040, %dma_start3A_1041] : memref<608x128xf32, #tpu.memory_space<vmem>> -> memref<8x128xf32, #tpu.memory_space<vmem>>
        %dma_start3A_1043 = tpu.memref_slice %arg2[%shift_right_logical3A_924, %dma_start3A_1034, %mul3A_930, %mul3A_934] : memref<8x19x512x512xf32, #tpu.memory_space<hbm>> -> memref<1x1x8x128xf32, #tpu.memory_space<hbm>>
        %dma_start3A_1044 = tpu.memref_squeeze %dma_start3A_1043 : memref<1x1x8x128xf32, #tpu.memory_space<hbm>> -> memref<8x128xf32, #tpu.memory_space<hbm>>
        tpu.enqueue_dma source(%dma_start3A_1044 : memref<8x128xf32, #tpu.memory_space<hbm>>) target(%dma_start3A_1042 : memref<8x128xf32, #tpu.memory_space<vmem>>) target_semaphore(%arg15 : memref<!tpu.dma_semaphore, #tpu.memory_space<semaphore_mem>>)
        %dma_start3A_1045 = arith.constant 10 : i32
        %dma_start3A_1046 = arith.constant 536 : i32
        %dma_start3A_1047 = arith.constant 0 : i32
        %dma_start3A_1048 = tpu.memref_slice %arg7[%dma_start3A_1046, %dma_start3A_1047] : memref<608x128xf32, #tpu.memory_space<vmem>> -> memref<8x128xf32, #tpu.memory_space<vmem>>
        %dma_start3A_1049 = tpu.memref_slice %arg2[%shift_right_logical3A_924, %dma_start3A_1045, %mul3A_930, %mul3A_934] : memref<8x19x512x512xf32, #tpu.memory_space<hbm>> -> memref<1x1x8x128xf32, #tpu.memory_space<hbm>>
        %dma_start3A_1050 = tpu.memref_squeeze %dma_start3A_1049 : memref<1x1x8x128xf32, #tpu.memory_space<hbm>> -> memref<8x128xf32, #tpu.memory_space<hbm>>
        %dma_start3A_1051 = arith.constant 536 : i32
        %dma_start3A_1052 = arith.constant 0 : i32
        %dma_start3A_1053 = tpu.memref_slice %arg7[%dma_start3A_1051, %dma_start3A_1052] : memref<608x128xf32, #tpu.memory_space<vmem>> -> memref<8x128xf32, #tpu.memory_space<vmem>>
        %dma_start3A_1054 = tpu.memref_slice %arg2[%shift_right_logical3A_924, %dma_start3A_1045, %mul3A_930, %mul3A_934] : memref<8x19x512x512xf32, #tpu.memory_space<hbm>> -> memref<1x1x8x128xf32, #tpu.memory_space<hbm>>
        %dma_start3A_1055 = tpu.memref_squeeze %dma_start3A_1054 : memref<1x1x8x128xf32, #tpu.memory_space<hbm>> -> memref<8x128xf32, #tpu.memory_space<hbm>>
        tpu.enqueue_dma source(%dma_start3A_1055 : memref<8x128xf32, #tpu.memory_space<hbm>>) target(%dma_start3A_1053 : memref<8x128xf32, #tpu.memory_space<vmem>>) target_semaphore(%arg15 : memref<!tpu.dma_semaphore, #tpu.memory_space<semaphore_mem>>)
        %dma_start3A_1056 = arith.constant 11 : i32
        %dma_start3A_1057 = arith.constant 544 : i32
        %dma_start3A_1058 = arith.constant 0 : i32
        %dma_start3A_1059 = tpu.memref_slice %arg7[%dma_start3A_1057, %dma_start3A_1058] : memref<608x128xf32, #tpu.memory_space<vmem>> -> memref<8x128xf32, #tpu.memory_space<vmem>>
        %dma_start3A_1060 = tpu.memref_slice %arg2[%shift_right_logical3A_924, %dma_start3A_1056, %mul3A_930, %mul3A_934] : memref<8x19x512x512xf32, #tpu.memory_space<hbm>> -> memref<1x1x8x128xf32, #tpu.memory_space<hbm>>
        %dma_start3A_1061 = tpu.memref_squeeze %dma_start3A_1060 : memref<1x1x8x128xf32, #tpu.memory_space<hbm>> -> memref<8x128xf32, #tpu.memory_space<hbm>>
        %dma_start3A_1062 = arith.constant 544 : i32
        %dma_start3A_1063 = arith.constant 0 : i32
        %dma_start3A_1064 = tpu.memref_slice %arg7[%dma_start3A_1062, %dma_start3A_1063] : memref<608x128xf32, #tpu.memory_space<vmem>> -> memref<8x128xf32, #tpu.memory_space<vmem>>
        %dma_start3A_1065 = tpu.memref_slice %arg2[%shift_right_logical3A_924, %dma_start3A_1056, %mul3A_930, %mul3A_934] : memref<8x19x512x512xf32, #tpu.memory_space<hbm>> -> memref<1x1x8x128xf32, #tpu.memory_space<hbm>>
        %dma_start3A_1066 = tpu.memref_squeeze %dma_start3A_1065 : memref<1x1x8x128xf32, #tpu.memory_space<hbm>> -> memref<8x128xf32, #tpu.memory_space<hbm>>
        tpu.enqueue_dma source(%dma_start3A_1066 : memref<8x128xf32, #tpu.memory_space<hbm>>) target(%dma_start3A_1064 : memref<8x128xf32, #tpu.memory_space<vmem>>) target_semaphore(%arg15 : memref<!tpu.dma_semaphore, #tpu.memory_space<semaphore_mem>>)
        %dma_start3A_1067 = arith.constant 12 : i32
        %dma_start3A_1068 = arith.constant 552 : i32
        %dma_start3A_1069 = arith.constant 0 : i32
        %dma_start3A_1070 = tpu.memref_slice %arg7[%dma_start3A_1068, %dma_start3A_1069] : memref<608x128xf32, #tpu.memory_space<vmem>> -> memref<8x128xf32, #tpu.memory_space<vmem>>
        %dma_start3A_1071 = tpu.memref_slice %arg2[%shift_right_logical3A_924, %dma_start3A_1067, %mul3A_930, %mul3A_934] : memref<8x19x512x512xf32, #tpu.memory_space<hbm>> -> memref<1x1x8x128xf32, #tpu.memory_space<hbm>>
        %dma_start3A_1072 = tpu.memref_squeeze %dma_start3A_1071 : memref<1x1x8x128xf32, #tpu.memory_space<hbm>> -> memref<8x128xf32, #tpu.memory_space<hbm>>
        %dma_start3A_1073 = arith.constant 552 : i32
        %dma_start3A_1074 = arith.constant 0 : i32
        %dma_start3A_1075 = tpu.memref_slice %arg7[%dma_start3A_1073, %dma_start3A_1074] : memref<608x128xf32, #tpu.memory_space<vmem>> -> memref<8x128xf32, #tpu.memory_space<vmem>>
        %dma_start3A_1076 = tpu.memref_slice %arg2[%shift_right_logical3A_924, %dma_start3A_1067, %mul3A_930, %mul3A_934] : memref<8x19x512x512xf32, #tpu.memory_space<hbm>> -> memref<1x1x8x128xf32, #tpu.memory_space<hbm>>
        %dma_start3A_1077 = tpu.memref_squeeze %dma_start3A_1076 : memref<1x1x8x128xf32, #tpu.memory_space<hbm>> -> memref<8x128xf32, #tpu.memory_space<hbm>>
        tpu.enqueue_dma source(%dma_start3A_1077 : memref<8x128xf32, #tpu.memory_space<hbm>>) target(%dma_start3A_1075 : memref<8x128xf32, #tpu.memory_space<vmem>>) target_semaphore(%arg15 : memref<!tpu.dma_semaphore, #tpu.memory_space<semaphore_mem>>)
        %dma_start3A_1078 = arith.constant 13 : i32
        %dma_start3A_1079 = arith.constant 560 : i32
        %dma_start3A_1080 = arith.constant 0 : i32
        %dma_start3A_1081 = tpu.memref_slice %arg7[%dma_start3A_1079, %dma_start3A_1080] : memref<608x128xf32, #tpu.memory_space<vmem>> -> memref<8x128xf32, #tpu.memory_space<vmem>>
        %dma_start3A_1082 = tpu.memref_slice %arg2[%shift_right_logical3A_924, %dma_start3A_1078, %mul3A_930, %mul3A_934] : memref<8x19x512x512xf32, #tpu.memory_space<hbm>> -> memref<1x1x8x128xf32, #tpu.memory_space<hbm>>
        %dma_start3A_1083 = tpu.memref_squeeze %dma_start3A_1082 : memref<1x1x8x128xf32, #tpu.memory_space<hbm>> -> memref<8x128xf32, #tpu.memory_space<hbm>>
        %dma_start3A_1084 = arith.constant 560 : i32
        %dma_start3A_1085 = arith.constant 0 : i32
        %dma_start3A_1086 = tpu.memref_slice %arg7[%dma_start3A_1084, %dma_start3A_1085] : memref<608x128xf32, #tpu.memory_space<vmem>> -> memref<8x128xf32, #tpu.memory_space<vmem>>
        %dma_start3A_1087 = tpu.memref_slice %arg2[%shift_right_logical3A_924, %dma_start3A_1078, %mul3A_930, %mul3A_934] : memref<8x19x512x512xf32, #tpu.memory_space<hbm>> -> memref<1x1x8x128xf32, #tpu.memory_space<hbm>>
        %dma_start3A_1088 = tpu.memref_squeeze %dma_start3A_1087 : memref<1x1x8x128xf32, #tpu.memory_space<hbm>> -> memref<8x128xf32, #tpu.memory_space<hbm>>
        tpu.enqueue_dma source(%dma_start3A_1088 : memref<8x128xf32, #tpu.memory_space<hbm>>) target(%dma_start3A_1086 : memref<8x128xf32, #tpu.memory_space<vmem>>) target_semaphore(%arg15 : memref<!tpu.dma_semaphore, #tpu.memory_space<semaphore_mem>>)
        %dma_start3A_1089 = arith.constant 14 : i32
        %dma_start3A_1090 = arith.constant 568 : i32
        %dma_start3A_1091 = arith.constant 0 : i32
        %dma_start3A_1092 = tpu.memref_slice %arg7[%dma_start3A_1090, %dma_start3A_1091] : memref<608x128xf32, #tpu.memory_space<vmem>> -> memref<8x128xf32, #tpu.memory_space<vmem>>
        %dma_start3A_1093 = tpu.memref_slice %arg2[%shift_right_logical3A_924, %dma_start3A_1089, %mul3A_930, %mul3A_934] : memref<8x19x512x512xf32, #tpu.memory_space<hbm>> -> memref<1x1x8x128xf32, #tpu.memory_space<hbm>>
        %dma_start3A_1094 = tpu.memref_squeeze %dma_start3A_1093 : memref<1x1x8x128xf32, #tpu.memory_space<hbm>> -> memref<8x128xf32, #tpu.memory_space<hbm>>
        %dma_start3A_1095 = arith.constant 568 : i32
        %dma_start3A_1096 = arith.constant 0 : i32
        %dma_start3A_1097 = tpu.memref_slice %arg7[%dma_start3A_1095, %dma_start3A_1096] : memref<608x128xf32, #tpu.memory_space<vmem>> -> memref<8x128xf32, #tpu.memory_space<vmem>>
        %dma_start3A_1098 = tpu.memref_slice %arg2[%shift_right_logical3A_924, %dma_start3A_1089, %mul3A_930, %mul3A_934] : memref<8x19x512x512xf32, #tpu.memory_space<hbm>> -> memref<1x1x8x128xf32, #tpu.memory_space<hbm>>
        %dma_start3A_1099 = tpu.memref_squeeze %dma_start3A_1098 : memref<1x1x8x128xf32, #tpu.memory_space<hbm>> -> memref<8x128xf32, #tpu.memory_space<hbm>>
        tpu.enqueue_dma source(%dma_start3A_1099 : memref<8x128xf32, #tpu.memory_space<hbm>>) target(%dma_start3A_1097 : memref<8x128xf32, #tpu.memory_space<vmem>>) target_semaphore(%arg15 : memref<!tpu.dma_semaphore, #tpu.memory_space<semaphore_mem>>)
        %dma_start3A_1100 = arith.constant 15 : i32
        %dma_start3A_1101 = arith.constant 576 : i32
        %dma_start3A_1102 = arith.constant 0 : i32
        %dma_start3A_1103 = tpu.memref_slice %arg7[%dma_start3A_1101, %dma_start3A_1102] : memref<608x128xf32, #tpu.memory_space<vmem>> -> memref<8x128xf32, #tpu.memory_space<vmem>>
        %dma_start3A_1104 = tpu.memref_slice %arg2[%shift_right_logical3A_924, %dma_start3A_1100, %mul3A_930, %mul3A_934] : memref<8x19x512x512xf32, #tpu.memory_space<hbm>> -> memref<1x1x8x128xf32, #tpu.memory_space<hbm>>
        %dma_start3A_1105 = tpu.memref_squeeze %dma_start3A_1104 : memref<1x1x8x128xf32, #tpu.memory_space<hbm>> -> memref<8x128xf32, #tpu.memory_space<hbm>>
        %dma_start3A_1106 = arith.constant 576 : i32
        %dma_start3A_1107 = arith.constant 0 : i32
        %dma_start3A_1108 = tpu.memref_slice %arg7[%dma_start3A_1106, %dma_start3A_1107] : memref<608x128xf32, #tpu.memory_space<vmem>> -> memref<8x128xf32, #tpu.memory_space<vmem>>
        %dma_start3A_1109 = tpu.memref_slice %arg2[%shift_right_logical3A_924, %dma_start3A_1100, %mul3A_930, %mul3A_934] : memref<8x19x512x512xf32, #tpu.memory_space<hbm>> -> memref<1x1x8x128xf32, #tpu.memory_space<hbm>>
        %dma_start3A_1110 = tpu.memref_squeeze %dma_start3A_1109 : memref<1x1x8x128xf32, #tpu.memory_space<hbm>> -> memref<8x128xf32, #tpu.memory_space<hbm>>
        tpu.enqueue_dma source(%dma_start3A_1110 : memref<8x128xf32, #tpu.memory_space<hbm>>) target(%dma_start3A_1108 : memref<8x128xf32, #tpu.memory_space<vmem>>) target_semaphore(%arg15 : memref<!tpu.dma_semaphore, #tpu.memory_space<semaphore_mem>>)
        %dma_start3A_1111 = arith.constant 16 : i32
        %dma_start3A_1112 = arith.constant 584 : i32
        %dma_start3A_1113 = arith.constant 0 : i32
        %dma_start3A_1114 = tpu.memref_slice %arg7[%dma_start3A_1112, %dma_start3A_1113] : memref<608x128xf32, #tpu.memory_space<vmem>> -> memref<8x128xf32, #tpu.memory_space<vmem>>
        %dma_start3A_1115 = tpu.memref_slice %arg2[%shift_right_logical3A_924, %dma_start3A_1111, %mul3A_930, %mul3A_934] : memref<8x19x512x512xf32, #tpu.memory_space<hbm>> -> memref<1x1x8x128xf32, #tpu.memory_space<hbm>>
        %dma_start3A_1116 = tpu.memref_squeeze %dma_start3A_1115 : memref<1x1x8x128xf32, #tpu.memory_space<hbm>> -> memref<8x128xf32, #tpu.memory_space<hbm>>
        %dma_start3A_1117 = arith.constant 584 : i32
        %dma_start3A_1118 = arith.constant 0 : i32
        %dma_start3A_1119 = tpu.memref_slice %arg7[%dma_start3A_1117, %dma_start3A_1118] : memref<608x128xf32, #tpu.memory_space<vmem>> -> memref<8x128xf32, #tpu.memory_space<vmem>>
        %dma_start3A_1120 = tpu.memref_slice %arg2[%shift_right_logical3A_924, %dma_start3A_1111, %mul3A_930, %mul3A_934] : memref<8x19x512x512xf32, #tpu.memory_space<hbm>> -> memref<1x1x8x128xf32, #tpu.memory_space<hbm>>
        %dma_start3A_1121 = tpu.memref_squeeze %dma_start3A_1120 : memref<1x1x8x128xf32, #tpu.memory_space<hbm>> -> memref<8x128xf32, #tpu.memory_space<hbm>>
        tpu.enqueue_dma source(%dma_start3A_1121 : memref<8x128xf32, #tpu.memory_space<hbm>>) target(%dma_start3A_1119 : memref<8x128xf32, #tpu.memory_space<vmem>>) target_semaphore(%arg15 : memref<!tpu.dma_semaphore, #tpu.memory_space<semaphore_mem>>)
        %dma_start3A_1122 = arith.constant 17 : i32
        %dma_start3A_1123 = arith.constant 592 : i32
        %dma_start3A_1124 = arith.constant 0 : i32
        %dma_start3A_1125 = tpu.memref_slice %arg7[%dma_start3A_1123, %dma_start3A_1124] : memref<608x128xf32, #tpu.memory_space<vmem>> -> memref<8x128xf32, #tpu.memory_space<vmem>>
        %dma_start3A_1126 = tpu.memref_slice %arg2[%shift_right_logical3A_924, %dma_start3A_1122, %mul3A_930, %mul3A_934] : memref<8x19x512x512xf32, #tpu.memory_space<hbm>> -> memref<1x1x8x128xf32, #tpu.memory_space<hbm>>
        %dma_start3A_1127 = tpu.memref_squeeze %dma_start3A_1126 : memref<1x1x8x128xf32, #tpu.memory_space<hbm>> -> memref<8x128xf32, #tpu.memory_space<hbm>>
        %dma_start3A_1128 = arith.constant 592 : i32
        %dma_start3A_1129 = arith.constant 0 : i32
        %dma_start3A_1130 = tpu.memref_slice %arg7[%dma_start3A_1128, %dma_start3A_1129] : memref<608x128xf32, #tpu.memory_space<vmem>> -> memref<8x128xf32, #tpu.memory_space<vmem>>
        %dma_start3A_1131 = tpu.memref_slice %arg2[%shift_right_logical3A_924, %dma_start3A_1122, %mul3A_930, %mul3A_934] : memref<8x19x512x512xf32, #tpu.memory_space<hbm>> -> memref<1x1x8x128xf32, #tpu.memory_space<hbm>>
        %dma_start3A_1132 = tpu.memref_squeeze %dma_start3A_1131 : memref<1x1x8x128xf32, #tpu.memory_space<hbm>> -> memref<8x128xf32, #tpu.memory_space<hbm>>
        tpu.enqueue_dma source(%dma_start3A_1132 : memref<8x128xf32, #tpu.memory_space<hbm>>) target(%dma_start3A_1130 : memref<8x128xf32, #tpu.memory_space<vmem>>) target_semaphore(%arg15 : memref<!tpu.dma_semaphore, #tpu.memory_space<semaphore_mem>>)
        %dma_start3A_1133 = arith.constant 18 : i32
        %dma_start3A_1134 = arith.constant 600 : i32
        %dma_start3A_1135 = arith.constant 0 : i32
        %dma_start3A_1136 = tpu.memref_slice %arg7[%dma_start3A_1134, %dma_start3A_1135] : memref<608x128xf32, #tpu.memory_space<vmem>> -> memref<8x128xf32, #tpu.memory_space<vmem>>
        %dma_start3A_1137 = tpu.memref_slice %arg2[%shift_right_logical3A_924, %dma_start3A_1133, %mul3A_930, %mul3A_934] : memref<8x19x512x512xf32, #tpu.memory_space<hbm>> -> memref<1x1x8x128xf32, #tpu.memory_space<hbm>>
        %dma_start3A_1138 = tpu.memref_squeeze %dma_start3A_1137 : memref<1x1x8x128xf32, #tpu.memory_space<hbm>> -> memref<8x128xf32, #tpu.memory_space<hbm>>
        %dma_start3A_1139 = arith.constant 600 : i32
        %dma_start3A_1140 = arith.constant 0 : i32
        %dma_start3A_1141 = tpu.memref_slice %arg7[%dma_start3A_1139, %dma_start3A_1140] : memref<608x128xf32, #tpu.memory_space<vmem>> -> memref<8x128xf32, #tpu.memory_space<vmem>>
        %dma_start3A_1142 = tpu.memref_slice %arg2[%shift_right_logical3A_924, %dma_start3A_1133, %mul3A_930, %mul3A_934] : memref<8x19x512x512xf32, #tpu.memory_space<hbm>> -> memref<1x1x8x128xf32, #tpu.memory_space<hbm>>
        %dma_start3A_1143 = tpu.memref_squeeze %dma_start3A_1142 : memref<1x1x8x128xf32, #tpu.memory_space<hbm>> -> memref<8x128xf32, #tpu.memory_space<hbm>>
        tpu.enqueue_dma source(%dma_start3A_1143 : memref<8x128xf32, #tpu.memory_space<hbm>>) target(%dma_start3A_1141 : memref<8x128xf32, #tpu.memory_space<vmem>>) target_semaphore(%arg15 : memref<!tpu.dma_semaphore, #tpu.memory_space<semaphore_mem>>)
        %dma_start3A_1144 = arith.constant 3 : i32
        %dma_start3A_1145 = arith.constant 0 : i32
        %dma_start3A_1146 = arith.constant 0 : i32
        %dma_start3A_1147 = tpu.memref_slice %arg8[%dma_start3A_1144, %dma_start3A_1145, %dma_start3A_1146] : memref<4x8x128xi32, #tpu.memory_space<vmem>> -> memref<1x8x128xi32, #tpu.memory_space<vmem>>
        %dma_start3A_1148 = tpu.memref_squeeze %dma_start3A_1147 : memref<1x8x128xi32, #tpu.memory_space<vmem>> -> memref<8x128xi32, #tpu.memory_space<vmem>>
        %dma_start3A_1149 = tpu.memref_slice %arg3[%shift_right_logical3A_924, %mul3A_930, %mul3A_934] : memref<8x512x512xi32, #tpu.memory_space<hbm>> -> memref<1x8x128xi32, #tpu.memory_space<hbm>>
        %dma_start3A_1150 = tpu.memref_squeeze %dma_start3A_1149 : memref<1x8x128xi32, #tpu.memory_space<hbm>> -> memref<8x128xi32, #tpu.memory_space<hbm>>
        %dma_start3A_1151 = arith.constant 0 : i32
        %dma_start3A_1152 = arith.constant 0 : i32
        %dma_start3A_1153 = tpu.memref_slice %arg8[%dma_start3A_1144, %dma_start3A_1151, %dma_start3A_1152] : memref<4x8x128xi32, #tpu.memory_space<vmem>> -> memref<1x8x128xi32, #tpu.memory_space<vmem>>
        %dma_start3A_1154 = tpu.memref_squeeze %dma_start3A_1153 : memref<1x8x128xi32, #tpu.memory_space<vmem>> -> memref<8x128xi32, #tpu.memory_space<vmem>>
        %dma_start3A_1155 = tpu.memref_slice %arg3[%shift_right_logical3A_924, %mul3A_930, %mul3A_934] : memref<8x512x512xi32, #tpu.memory_space<hbm>> -> memref<1x8x128xi32, #tpu.memory_space<hbm>>
        %dma_start3A_1156 = tpu.memref_squeeze %dma_start3A_1155 : memref<1x8x128xi32, #tpu.memory_space<hbm>> -> memref<8x128xi32, #tpu.memory_space<hbm>>
        tpu.enqueue_dma source(%dma_start3A_1156 : memref<8x128xi32, #tpu.memory_space<hbm>>) target(%dma_start3A_1154 : memref<8x128xi32, #tpu.memory_space<vmem>>) target_semaphore(%arg15 : memref<!tpu.dma_semaphore, #tpu.memory_space<semaphore_mem>>)
      } else {
      }
      %dma_wait3A = arith.constant 0 : i32
      %dma_wait3A_737 = arith.constant 0 : i32
      %dma_wait3A_738 = arith.constant 0 : i32
      %dma_wait3A_739 = arith.constant 0 : i32
      %dma_wait3A_740 = tpu.memref_slice %arg7[%dma_wait3A_738, %dma_wait3A_739] : memref<608x128xf32, #tpu.memory_space<vmem>> -> memref<152x128xf32, #tpu.memory_space<vmem>>
      %dma_wait3A_741 = arith.constant 0 : i32
      %dma_wait3A_742 = arith.constant 0 : i32
      %dma_wait3A_743 = tpu.memref_slice %arg2[%dma_wait3A, %dma_wait3A_737, %dma_wait3A_741, %dma_wait3A_742] : memref<8x19x512x512xf32, #tpu.memory_space<hbm>> -> memref<1x1x152x128xf32, #tpu.memory_space<hbm>>
      %dma_wait3A_744 = tpu.memref_squeeze %dma_wait3A_743 : memref<1x1x152x128xf32, #tpu.memory_space<hbm>> -> memref<152x128xf32, #tpu.memory_space<hbm>>
      %dma_wait3A_745 = arith.constant 0 : i32
      %dma_wait3A_746 = arith.constant 0 : i32
      %dma_wait3A_747 = tpu.memref_slice %arg7[%dma_wait3A_745, %dma_wait3A_746] : memref<608x128xf32, #tpu.memory_space<vmem>> -> memref<152x128xf32, #tpu.memory_space<vmem>>
      %dma_wait3A_748 = arith.constant 0 : i32
      %dma_wait3A_749 = arith.constant 0 : i32
      %dma_wait3A_750 = tpu.memref_slice %arg2[%dma_wait3A, %dma_wait3A_737, %dma_wait3A_748, %dma_wait3A_749] : memref<8x19x512x512xf32, #tpu.memory_space<hbm>> -> memref<1x1x152x128xf32, #tpu.memory_space<hbm>>
      %dma_wait3A_751 = tpu.memref_squeeze %dma_wait3A_750 : memref<1x1x152x128xf32, #tpu.memory_space<hbm>> -> memref<152x128xf32, #tpu.memory_space<hbm>>
      tpu.wait_dma2 semaphore(%arg12 : memref<!tpu.dma_semaphore, #tpu.memory_space<semaphore_mem>>) src(%dma_wait3A_751 : memref<152x128xf32, #tpu.memory_space<hbm>>) dst(%dma_wait3A_747 : memref<152x128xf32, #tpu.memory_space<vmem>>)
      %dma_wait3A_752 = arith.constant 0 : i32
      %dma_wait3A_753 = arith.constant 0 : i32
      %dma_wait3A_754 = arith.constant 0 : i32
      %dma_wait3A_755 = arith.constant 0 : i32
      %dma_wait3A_756 = tpu.memref_slice %arg8[%dma_wait3A_753, %dma_wait3A_754, %dma_wait3A_755] : memref<4x8x128xi32, #tpu.memory_space<vmem>> -> memref<1x8x128xi32, #tpu.memory_space<vmem>>
      %dma_wait3A_757 = tpu.memref_squeeze %dma_wait3A_756 : memref<1x8x128xi32, #tpu.memory_space<vmem>> -> memref<8x128xi32, #tpu.memory_space<vmem>>
      %dma_wait3A_758 = arith.constant 0 : i32
      %dma_wait3A_759 = arith.constant 0 : i32
      %dma_wait3A_760 = tpu.memref_slice %arg3[%dma_wait3A_752, %dma_wait3A_758, %dma_wait3A_759] : memref<8x512x512xi32, #tpu.memory_space<hbm>> -> memref<1x8x128xi32, #tpu.memory_space<hbm>>
      %dma_wait3A_761 = tpu.memref_squeeze %dma_wait3A_760 : memref<1x8x128xi32, #tpu.memory_space<hbm>> -> memref<8x128xi32, #tpu.memory_space<hbm>>
      %dma_wait3A_762 = arith.constant 0 : i32
      %dma_wait3A_763 = arith.constant 0 : i32
      %dma_wait3A_764 = tpu.memref_slice %arg8[%dma_wait3A_753, %dma_wait3A_762, %dma_wait3A_763] : memref<4x8x128xi32, #tpu.memory_space<vmem>> -> memref<1x8x128xi32, #tpu.memory_space<vmem>>
      %dma_wait3A_765 = tpu.memref_squeeze %dma_wait3A_764 : memref<1x8x128xi32, #tpu.memory_space<vmem>> -> memref<8x128xi32, #tpu.memory_space<vmem>>
      %dma_wait3A_766 = arith.constant 0 : i32
      %dma_wait3A_767 = arith.constant 0 : i32
      %dma_wait3A_768 = tpu.memref_slice %arg3[%dma_wait3A_752, %dma_wait3A_766, %dma_wait3A_767] : memref<8x512x512xi32, #tpu.memory_space<hbm>> -> memref<1x8x128xi32, #tpu.memory_space<hbm>>
      %dma_wait3A_769 = tpu.memref_squeeze %dma_wait3A_768 : memref<1x8x128xi32, #tpu.memory_space<hbm>> -> memref<8x128xi32, #tpu.memory_space<hbm>>
      tpu.wait_dma2 semaphore(%arg12 : memref<!tpu.dma_semaphore, #tpu.memory_space<semaphore_mem>>) src(%dma_wait3A_769 : memref<8x128xi32, #tpu.memory_space<hbm>>) dst(%dma_wait3A_765 : memref<8x128xi32, #tpu.memory_space<vmem>>)
      %parallel_loop3A = arith.constant 0 : i32
      %parallel_loop3A_770 = arith.constant 64 : i32
      %parallel_loop3A_771 = arith.constant 1 : i32
      %parallel_loop3A_772:3 = scf.for %parallel_loop3A_920 = %parallel_loop3A to %parallel_loop3A_770 step %parallel_loop3A_771 iter_args(%parallel_loop3A_921 = %scan3A_726, %parallel_loop3A_922 = %scan3A_727, %parallel_loop3A_923 = %scan3A_728) -> (vector<16xf32>, vector<16xi32>, vector<16xf32>)  : i32 {
        %parallel_loop3A_924 = arith.constant 3 : i32
        %parallel_loop3A_925 = arith.shrui %parallel_loop3A_920, %parallel_loop3A_924 : i32
        %parallel_loop3A_926 = arith.constant 7 : i32
        %parallel_loop3A_927 = arith.andi %parallel_loop3A_920, %parallel_loop3A_926 : i32
        %parallel_loop3A_928 = arith.constant 16 : i32
        %parallel_loop3A_929 = arith.muli %parallel_loop3A_927, %parallel_loop3A_928 : i32
        %parallel_loop3A_930 = arith.constant 0 : i32
        %parallel_loop3A_931 = arith.index_cast %parallel_loop3A_930 : i32 to index
        %parallel_loop3A_932 = arith.index_cast %parallel_loop3A_925 : i32 to index
        %parallel_loop3A_933 = arith.index_cast %parallel_loop3A_929 : i32 to index
        %parallel_loop3A_934 = tpu.vector_load %arg8[%parallel_loop3A_931, %parallel_loop3A_932, %parallel_loop3A_933] {strides = array<i32>} : memref<4x8x128xi32, #tpu.memory_space<vmem>>, vector<16xi32>,
        %parallel_loop3A_935 = arith.constant 0 : i32
        %parallel_loop3A_936 = arith.addi %parallel_loop3A_935, %parallel_loop3A_925 : i32
        %parallel_loop3A_937 = arith.constant 8 : i32
        %parallel_loop3A_938 = vector.broadcast %parallel_loop3A_937 : i32 to vector<16xi32>
        %parallel_loop3A_939 = arith.muli %parallel_loop3A_934, %parallel_loop3A_938 : vector<16xi32>
        %parallel_loop3A_940 = vector.broadcast %parallel_loop3A_936 : i32 to vector<16xi32>
        %parallel_loop3A_941 = arith.addi %parallel_loop3A_940, %parallel_loop3A_939 : vector<16xi32>
        %parallel_loop3A_942 = arith.constant 16 : i32
        %parallel_loop3A_943 = arith.muli %parallel_loop3A_927, %parallel_loop3A_942 : i32
        %parallel_loop3A_944 = vector.broadcast %parallel_loop3A_943 : i32 to vector<16xi32>
        %parallel_loop3A_945 = arith.addi %parallel_loop3A_944, %iota3A : vector<16xi32>
        %parallel_loop3A_946 = tpu.vector_load_idx %arg7[%parallel_loop3A_941, %parallel_loop3A_945] : memref<608x128xf32, #tpu.memory_space<vmem>>[vector<16xi32>, vector<16xi32>], vector<16xf32>,
        %parallel_loop3A_947 = tpu.bitcast %parallel_loop3A_946 : vector<16xf32> -> vector<16xi32>
        %parallel_loop3A_948 = arith.constant 1060439283 : i32
        %parallel_loop3A_949 = vector.broadcast %parallel_loop3A_948 : i32 to vector<16xi32>
        %parallel_loop3A_950 = arith.subi %parallel_loop3A_947, %parallel_loop3A_949 : vector<16xi32>
        %parallel_loop3A_951 = arith.constant 23 : i32
        %parallel_loop3A_952 = vector.broadcast %parallel_loop3A_951 : i32 to vector<16xi32>
        %parallel_loop3A_953 = arith.shrsi %parallel_loop3A_950, %parallel_loop3A_952 : vector<16xi32>
        %parallel_loop3A_954 = arith.constant 8388607 : i32
        %parallel_loop3A_955 = vector.broadcast %parallel_loop3A_954 : i32 to vector<16xi32>
        %parallel_loop3A_956 = arith.andi %parallel_loop3A_950, %parallel_loop3A_955 : vector<16xi32>
        %parallel_loop3A_957 = arith.constant 1060439283 : i32
        %parallel_loop3A_958 = vector.broadcast %parallel_loop3A_957 : i32 to vector<16xi32>
        %parallel_loop3A_959 = arith.addi %parallel_loop3A_956, %parallel_loop3A_958 : vector<16xi32>
        %parallel_loop3A_960 = tpu.bitcast %parallel_loop3A_959 : vector<16xi32> -> vector<16xf32>
        %parallel_loop3A_961 = arith.constant 1.000000e+00 : f32
        %parallel_loop3A_962 = vector.broadcast %parallel_loop3A_961 : f32 to vector<16xf32>
        %parallel_loop3A_963 = arith.subf %parallel_loop3A_960, %parallel_loop3A_962 : vector<16xf32>
        %parallel_loop3A_964 = arith.mulf %parallel_loop3A_963, %parallel_loop3A_963 : vector<16xf32>
        %parallel_loop3A_965 = arith.constant -0.166680574 : f32
        %parallel_loop3A_966 = vector.broadcast %parallel_loop3A_965 : f32 to vector<16xf32>
        %parallel_loop3A_967 = arith.mulf %parallel_loop3A_963, %parallel_loop3A_966 : vector<16xf32>
        %parallel_loop3A_968 = arith.constant 0.200007141 : f32
        %parallel_loop3A_969 = vector.broadcast %parallel_loop3A_968 : f32 to vector<16xf32>
        %parallel_loop3A_970 = arith.addf %parallel_loop3A_967, %parallel_loop3A_969 : vector<16xf32>
        %parallel_loop3A_971 = arith.mulf %parallel_loop3A_970, %parallel_loop3A_963 : vector<16xf32>
        %parallel_loop3A_972 = arith.constant -0.24999994 : f32
        %parallel_loop3A_973 = vector.broadcast %parallel_loop3A_972 : f32 to vector<16xf32>
        %parallel_loop3A_974 = arith.addf %parallel_loop3A_971, %parallel_loop3A_973 : vector<16xf32>
        %parallel_loop3A_975 = arith.mulf %parallel_loop3A_974, %parallel_loop3A_963 : vector<16xf32>
        %parallel_loop3A_976 = arith.constant 0.333333313 : f32
        %parallel_loop3A_977 = vector.broadcast %parallel_loop3A_976 : f32 to vector<16xf32>
        %parallel_loop3A_978 = arith.addf %parallel_loop3A_975, %parallel_loop3A_977 : vector<16xf32>
        %parallel_loop3A_979 = arith.mulf %parallel_loop3A_978, %parallel_loop3A_963 : vector<16xf32>
        %parallel_loop3A_980 = arith.mulf %parallel_loop3A_979, %parallel_loop3A_964 : vector<16xf32>
        %parallel_loop3A_981 = arith.constant 5.000000e-01 : f32
        %parallel_loop3A_982 = vector.broadcast %parallel_loop3A_981 : f32 to vector<16xf32>
        %parallel_loop3A_983 = arith.mulf %parallel_loop3A_982, %parallel_loop3A_964 : vector<16xf32>
        %parallel_loop3A_984 = arith.subf %parallel_loop3A_980, %parallel_loop3A_983 : vector<16xf32>
        %parallel_loop3A_985 = arith.addf %parallel_loop3A_963, %parallel_loop3A_984 : vector<16xf32>
        %parallel_loop3A_986 = arith.addf %parallel_loop3A_921, %parallel_loop3A_985 : vector<16xf32>
        %parallel_loop3A_987 = arith.addi %parallel_loop3A_922, %parallel_loop3A_953 : vector<16xi32>
        %parallel_loop3A_988 = arith.constant 1.000000e+00 : f32
        %parallel_loop3A_989 = vector.broadcast %parallel_loop3A_988 : f32 to vector<16xf32>
        %parallel_loop3A_990 = arith.cmpf one, %parallel_loop3A_946, %parallel_loop3A_989 : vector<16xf32>
        %parallel_loop3A_991 = arith.constant 1.000000e+00 : f32
        %parallel_loop3A_992 = arith.constant 0.000000e+00 : f32
        %parallel_loop3A_993 = vector.broadcast %parallel_loop3A_991 : f32 to vector<16xf32>
        %parallel_loop3A_994 = vector.broadcast %parallel_loop3A_992 : f32 to vector<16xf32>
        %parallel_loop3A_995 = arith.select %parallel_loop3A_990, %parallel_loop3A_993, %parallel_loop3A_994 : vector<16xi1>, vector<16xf32>
        %parallel_loop3A_996 = arith.addf %parallel_loop3A_923, %parallel_loop3A_995 : vector<16xf32>
        scf.yield %parallel_loop3A_986, %parallel_loop3A_987, %parallel_loop3A_996 : vector<16xf32>, vector<16xi32>, vector<16xf32>
      } {sc.loop_unroll_factor = 8 : i64, sc.parallel_access}
      %mul3A_773 = arith.constant 4 : i32
      %mul3A_774 = arith.muli %scan3A_725, %mul3A_773 : i32
      %add3A_775 = arith.constant 1 : i32
      %add3A_776 = arith.addi %mul3A_774, %add3A_775 : i32
      %add3A_777 = arith.constant 3 : i32
      %add3A_778 = arith.addi %add3A_776, %add3A_777 : i32
      %lt3A_779 = arith.constant 40 : i32
      %lt3A_780 = arith.cmpi slt, %add3A_778, %lt3A_779 : i32
      %convert_element_type3A_781 = arith.extui %lt3A_780 : i1 to i32
      %cond3A_782 = arith.constant 0 : i32
      %cond3A_783 = arith.cmpi ne, %convert_element_type3A_781, %cond3A_782 : i32
      scf.if %cond3A_783 {
        %mul3A_920 = arith.constant 40 : i32
        %mul3A_921 = arith.muli %add3A, %mul3A_920 : i32
        %add3A_922 = arith.addi %mul3A_921, %add3A_778 : i32
        %shift_right_logical3A_923 = arith.constant 8 : i32
        %shift_right_logical3A_924 = arith.shrui %add3A_922, %shift_right_logical3A_923 : i32
        %shift_right_logical3A_925 = arith.constant 2 : i32
        %shift_right_logical3A_926 = arith.shrui %add3A_922, %shift_right_logical3A_925 : i32
        %and3A_927 = arith.constant 63 : i32
        %and3A_928 = arith.andi %shift_right_logical3A_926, %and3A_927 : i32
        %mul3A_929 = arith.constant 8 : i32
        %mul3A_930 = arith.muli %and3A_928, %mul3A_929 : i32
        %and3A_931 = arith.constant 3 : i32
        %and3A_932 = arith.andi %add3A_922, %and3A_931 : i32
        %mul3A_933 = arith.constant 128 : i32
        %mul3A_934 = arith.muli %and3A_932, %mul3A_933 : i32
        %dma_start3A_935 = arith.constant 0 : i32
        %dma_start3A_936 = arith.constant 0 : i32
        %dma_start3A_937 = arith.constant 0 : i32
        %dma_start3A_938 = tpu.memref_slice %arg7[%dma_start3A_936, %dma_start3A_937] : memref<608x128xf32, #tpu.memory_space<vmem>> -> memref<8x128xf32, #tpu.memory_space<vmem>>
        %dma_start3A_939 = tpu.memref_slice %arg2[%shift_right_logical3A_924, %dma_start3A_935, %mul3A_930, %mul3A_934] : memref<8x19x512x512xf32, #tpu.memory_space<hbm>> -> memref<1x1x8x128xf32, #tpu.memory_space<hbm>>
        %dma_start3A_940 = tpu.memref_squeeze %dma_start3A_939 : memref<1x1x8x128xf32, #tpu.memory_space<hbm>> -> memref<8x128xf32, #tpu.memory_space<hbm>>
        %dma_start3A_941 = arith.constant 0 : i32
        %dma_start3A_942 = arith.constant 0 : i32
        %dma_start3A_943 = tpu.memref_slice %arg7[%dma_start3A_941, %dma_start3A_942] : memref<608x128xf32, #tpu.memory_space<vmem>> -> memref<8x128xf32, #tpu.memory_space<vmem>>
        %dma_start3A_944 = tpu.memref_slice %arg2[%shift_right_logical3A_924, %dma_start3A_935, %mul3A_930, %mul3A_934] : memref<8x19x512x512xf32, #tpu.memory_space<hbm>> -> memref<1x1x8x128xf32, #tpu.memory_space<hbm>>
        %dma_start3A_945 = tpu.memref_squeeze %dma_start3A_944 : memref<1x1x8x128xf32, #tpu.memory_space<hbm>> -> memref<8x128xf32, #tpu.memory_space<hbm>>
        tpu.enqueue_dma source(%dma_start3A_945 : memref<8x128xf32, #tpu.memory_space<hbm>>) target(%dma_start3A_943 : memref<8x128xf32, #tpu.memory_space<vmem>>) target_semaphore(%arg12 : memref<!tpu.dma_semaphore, #tpu.memory_space<semaphore_mem>>)
        %dma_start3A_946 = arith.constant 1 : i32
        %dma_start3A_947 = arith.constant 8 : i32
        %dma_start3A_948 = arith.constant 0 : i32
        %dma_start3A_949 = tpu.memref_slice %arg7[%dma_start3A_947, %dma_start3A_948] : memref<608x128xf32, #tpu.memory_space<vmem>> -> memref<8x128xf32, #tpu.memory_space<vmem>>
        %dma_start3A_950 = tpu.memref_slice %arg2[%shift_right_logical3A_924, %dma_start3A_946, %mul3A_930, %mul3A_934] : memref<8x19x512x512xf32, #tpu.memory_space<hbm>> -> memref<1x1x8x128xf32, #tpu.memory_space<hbm>>
        %dma_start3A_951 = tpu.memref_squeeze %dma_start3A_950 : memref<1x1x8x128xf32, #tpu.memory_space<hbm>> -> memref<8x128xf32, #tpu.memory_space<hbm>>
        %dma_start3A_952 = arith.constant 8 : i32
        %dma_start3A_953 = arith.constant 0 : i32
        %dma_start3A_954 = tpu.memref_slice %arg7[%dma_start3A_952, %dma_start3A_953] : memref<608x128xf32, #tpu.memory_space<vmem>> -> memref<8x128xf32, #tpu.memory_space<vmem>>
        %dma_start3A_955 = tpu.memref_slice %arg2[%shift_right_logical3A_924, %dma_start3A_946, %mul3A_930, %mul3A_934] : memref<8x19x512x512xf32, #tpu.memory_space<hbm>> -> memref<1x1x8x128xf32, #tpu.memory_space<hbm>>
        %dma_start3A_956 = tpu.memref_squeeze %dma_start3A_955 : memref<1x1x8x128xf32, #tpu.memory_space<hbm>> -> memref<8x128xf32, #tpu.memory_space<hbm>>
        tpu.enqueue_dma source(%dma_start3A_956 : memref<8x128xf32, #tpu.memory_space<hbm>>) target(%dma_start3A_954 : memref<8x128xf32, #tpu.memory_space<vmem>>) target_semaphore(%arg12 : memref<!tpu.dma_semaphore, #tpu.memory_space<semaphore_mem>>)
        %dma_start3A_957 = arith.constant 2 : i32
        %dma_start3A_958 = arith.constant 16 : i32
        %dma_start3A_959 = arith.constant 0 : i32
        %dma_start3A_960 = tpu.memref_slice %arg7[%dma_start3A_958, %dma_start3A_959] : memref<608x128xf32, #tpu.memory_space<vmem>> -> memref<8x128xf32, #tpu.memory_space<vmem>>
        %dma_start3A_961 = tpu.memref_slice %arg2[%shift_right_logical3A_924, %dma_start3A_957, %mul3A_930, %mul3A_934] : memref<8x19x512x512xf32, #tpu.memory_space<hbm>> -> memref<1x1x8x128xf32, #tpu.memory_space<hbm>>
        %dma_start3A_962 = tpu.memref_squeeze %dma_start3A_961 : memref<1x1x8x128xf32, #tpu.memory_space<hbm>> -> memref<8x128xf32, #tpu.memory_space<hbm>>
        %dma_start3A_963 = arith.constant 16 : i32
        %dma_start3A_964 = arith.constant 0 : i32
        %dma_start3A_965 = tpu.memref_slice %arg7[%dma_start3A_963, %dma_start3A_964] : memref<608x128xf32, #tpu.memory_space<vmem>> -> memref<8x128xf32, #tpu.memory_space<vmem>>
        %dma_start3A_966 = tpu.memref_slice %arg2[%shift_right_logical3A_924, %dma_start3A_957, %mul3A_930, %mul3A_934] : memref<8x19x512x512xf32, #tpu.memory_space<hbm>> -> memref<1x1x8x128xf32, #tpu.memory_space<hbm>>
        %dma_start3A_967 = tpu.memref_squeeze %dma_start3A_966 : memref<1x1x8x128xf32, #tpu.memory_space<hbm>> -> memref<8x128xf32, #tpu.memory_space<hbm>>
        tpu.enqueue_dma source(%dma_start3A_967 : memref<8x128xf32, #tpu.memory_space<hbm>>) target(%dma_start3A_965 : memref<8x128xf32, #tpu.memory_space<vmem>>) target_semaphore(%arg12 : memref<!tpu.dma_semaphore, #tpu.memory_space<semaphore_mem>>)
        %dma_start3A_968 = arith.constant 3 : i32
        %dma_start3A_969 = arith.constant 24 : i32
        %dma_start3A_970 = arith.constant 0 : i32
        %dma_start3A_971 = tpu.memref_slice %arg7[%dma_start3A_969, %dma_start3A_970] : memref<608x128xf32, #tpu.memory_space<vmem>> -> memref<8x128xf32, #tpu.memory_space<vmem>>
        %dma_start3A_972 = tpu.memref_slice %arg2[%shift_right_logical3A_924, %dma_start3A_968, %mul3A_930, %mul3A_934] : memref<8x19x512x512xf32, #tpu.memory_space<hbm>> -> memref<1x1x8x128xf32, #tpu.memory_space<hbm>>
        %dma_start3A_973 = tpu.memref_squeeze %dma_start3A_972 : memref<1x1x8x128xf32, #tpu.memory_space<hbm>> -> memref<8x128xf32, #tpu.memory_space<hbm>>
        %dma_start3A_974 = arith.constant 24 : i32
        %dma_start3A_975 = arith.constant 0 : i32
        %dma_start3A_976 = tpu.memref_slice %arg7[%dma_start3A_974, %dma_start3A_975] : memref<608x128xf32, #tpu.memory_space<vmem>> -> memref<8x128xf32, #tpu.memory_space<vmem>>
        %dma_start3A_977 = tpu.memref_slice %arg2[%shift_right_logical3A_924, %dma_start3A_968, %mul3A_930, %mul3A_934] : memref<8x19x512x512xf32, #tpu.memory_space<hbm>> -> memref<1x1x8x128xf32, #tpu.memory_space<hbm>>
        %dma_start3A_978 = tpu.memref_squeeze %dma_start3A_977 : memref<1x1x8x128xf32, #tpu.memory_space<hbm>> -> memref<8x128xf32, #tpu.memory_space<hbm>>
        tpu.enqueue_dma source(%dma_start3A_978 : memref<8x128xf32, #tpu.memory_space<hbm>>) target(%dma_start3A_976 : memref<8x128xf32, #tpu.memory_space<vmem>>) target_semaphore(%arg12 : memref<!tpu.dma_semaphore, #tpu.memory_space<semaphore_mem>>)
        %dma_start3A_979 = arith.constant 4 : i32
        %dma_start3A_980 = arith.constant 32 : i32
        %dma_start3A_981 = arith.constant 0 : i32
        %dma_start3A_982 = tpu.memref_slice %arg7[%dma_start3A_980, %dma_start3A_981] : memref<608x128xf32, #tpu.memory_space<vmem>> -> memref<8x128xf32, #tpu.memory_space<vmem>>
        %dma_start3A_983 = tpu.memref_slice %arg2[%shift_right_logical3A_924, %dma_start3A_979, %mul3A_930, %mul3A_934] : memref<8x19x512x512xf32, #tpu.memory_space<hbm>> -> memref<1x1x8x128xf32, #tpu.memory_space<hbm>>
        %dma_start3A_984 = tpu.memref_squeeze %dma_start3A_983 : memref<1x1x8x128xf32, #tpu.memory_space<hbm>> -> memref<8x128xf32, #tpu.memory_space<hbm>>
        %dma_start3A_985 = arith.constant 32 : i32
        %dma_start3A_986 = arith.constant 0 : i32
        %dma_start3A_987 = tpu.memref_slice %arg7[%dma_start3A_985, %dma_start3A_986] : memref<608x128xf32, #tpu.memory_space<vmem>> -> memref<8x128xf32, #tpu.memory_space<vmem>>
        %dma_start3A_988 = tpu.memref_slice %arg2[%shift_right_logical3A_924, %dma_start3A_979, %mul3A_930, %mul3A_934] : memref<8x19x512x512xf32, #tpu.memory_space<hbm>> -> memref<1x1x8x128xf32, #tpu.memory_space<hbm>>
        %dma_start3A_989 = tpu.memref_squeeze %dma_start3A_988 : memref<1x1x8x128xf32, #tpu.memory_space<hbm>> -> memref<8x128xf32, #tpu.memory_space<hbm>>
        tpu.enqueue_dma source(%dma_start3A_989 : memref<8x128xf32, #tpu.memory_space<hbm>>) target(%dma_start3A_987 : memref<8x128xf32, #tpu.memory_space<vmem>>) target_semaphore(%arg12 : memref<!tpu.dma_semaphore, #tpu.memory_space<semaphore_mem>>)
        %dma_start3A_990 = arith.constant 5 : i32
        %dma_start3A_991 = arith.constant 40 : i32
        %dma_start3A_992 = arith.constant 0 : i32
        %dma_start3A_993 = tpu.memref_slice %arg7[%dma_start3A_991, %dma_start3A_992] : memref<608x128xf32, #tpu.memory_space<vmem>> -> memref<8x128xf32, #tpu.memory_space<vmem>>
        %dma_start3A_994 = tpu.memref_slice %arg2[%shift_right_logical3A_924, %dma_start3A_990, %mul3A_930, %mul3A_934] : memref<8x19x512x512xf32, #tpu.memory_space<hbm>> -> memref<1x1x8x128xf32, #tpu.memory_space<hbm>>
        %dma_start3A_995 = tpu.memref_squeeze %dma_start3A_994 : memref<1x1x8x128xf32, #tpu.memory_space<hbm>> -> memref<8x128xf32, #tpu.memory_space<hbm>>
        %dma_start3A_996 = arith.constant 40 : i32
        %dma_start3A_997 = arith.constant 0 : i32
        %dma_start3A_998 = tpu.memref_slice %arg7[%dma_start3A_996, %dma_start3A_997] : memref<608x128xf32, #tpu.memory_space<vmem>> -> memref<8x128xf32, #tpu.memory_space<vmem>>
        %dma_start3A_999 = tpu.memref_slice %arg2[%shift_right_logical3A_924, %dma_start3A_990, %mul3A_930, %mul3A_934] : memref<8x19x512x512xf32, #tpu.memory_space<hbm>> -> memref<1x1x8x128xf32, #tpu.memory_space<hbm>>
        %dma_start3A_1000 = tpu.memref_squeeze %dma_start3A_999 : memref<1x1x8x128xf32, #tpu.memory_space<hbm>> -> memref<8x128xf32, #tpu.memory_space<hbm>>
        tpu.enqueue_dma source(%dma_start3A_1000 : memref<8x128xf32, #tpu.memory_space<hbm>>) target(%dma_start3A_998 : memref<8x128xf32, #tpu.memory_space<vmem>>) target_semaphore(%arg12 : memref<!tpu.dma_semaphore, #tpu.memory_space<semaphore_mem>>)
        %dma_start3A_1001 = arith.constant 6 : i32
        %dma_start3A_1002 = arith.constant 48 : i32
        %dma_start3A_1003 = arith.constant 0 : i32
        %dma_start3A_1004 = tpu.memref_slice %arg7[%dma_start3A_1002, %dma_start3A_1003] : memref<608x128xf32, #tpu.memory_space<vmem>> -> memref<8x128xf32, #tpu.memory_space<vmem>>
        %dma_start3A_1005 = tpu.memref_slice %arg2[%shift_right_logical3A_924, %dma_start3A_1001, %mul3A_930, %mul3A_934] : memref<8x19x512x512xf32, #tpu.memory_space<hbm>> -> memref<1x1x8x128xf32, #tpu.memory_space<hbm>>
        %dma_start3A_1006 = tpu.memref_squeeze %dma_start3A_1005 : memref<1x1x8x128xf32, #tpu.memory_space<hbm>> -> memref<8x128xf32, #tpu.memory_space<hbm>>
        %dma_start3A_1007 = arith.constant 48 : i32
        %dma_start3A_1008 = arith.constant 0 : i32
        %dma_start3A_1009 = tpu.memref_slice %arg7[%dma_start3A_1007, %dma_start3A_1008] : memref<608x128xf32, #tpu.memory_space<vmem>> -> memref<8x128xf32, #tpu.memory_space<vmem>>
        %dma_start3A_1010 = tpu.memref_slice %arg2[%shift_right_logical3A_924, %dma_start3A_1001, %mul3A_930, %mul3A_934] : memref<8x19x512x512xf32, #tpu.memory_space<hbm>> -> memref<1x1x8x128xf32, #tpu.memory_space<hbm>>
        %dma_start3A_1011 = tpu.memref_squeeze %dma_start3A_1010 : memref<1x1x8x128xf32, #tpu.memory_space<hbm>> -> memref<8x128xf32, #tpu.memory_space<hbm>>
        tpu.enqueue_dma source(%dma_start3A_1011 : memref<8x128xf32, #tpu.memory_space<hbm>>) target(%dma_start3A_1009 : memref<8x128xf32, #tpu.memory_space<vmem>>) target_semaphore(%arg12 : memref<!tpu.dma_semaphore, #tpu.memory_space<semaphore_mem>>)
        %dma_start3A_1012 = arith.constant 7 : i32
        %dma_start3A_1013 = arith.constant 56 : i32
        %dma_start3A_1014 = arith.constant 0 : i32
        %dma_start3A_1015 = tpu.memref_slice %arg7[%dma_start3A_1013, %dma_start3A_1014] : memref<608x128xf32, #tpu.memory_space<vmem>> -> memref<8x128xf32, #tpu.memory_space<vmem>>
        %dma_start3A_1016 = tpu.memref_slice %arg2[%shift_right_logical3A_924, %dma_start3A_1012, %mul3A_930, %mul3A_934] : memref<8x19x512x512xf32, #tpu.memory_space<hbm>> -> memref<1x1x8x128xf32, #tpu.memory_space<hbm>>
        %dma_start3A_1017 = tpu.memref_squeeze %dma_start3A_1016 : memref<1x1x8x128xf32, #tpu.memory_space<hbm>> -> memref<8x128xf32, #tpu.memory_space<hbm>>
        %dma_start3A_1018 = arith.constant 56 : i32
        %dma_start3A_1019 = arith.constant 0 : i32
        %dma_start3A_1020 = tpu.memref_slice %arg7[%dma_start3A_1018, %dma_start3A_1019] : memref<608x128xf32, #tpu.memory_space<vmem>> -> memref<8x128xf32, #tpu.memory_space<vmem>>
        %dma_start3A_1021 = tpu.memref_slice %arg2[%shift_right_logical3A_924, %dma_start3A_1012, %mul3A_930, %mul3A_934] : memref<8x19x512x512xf32, #tpu.memory_space<hbm>> -> memref<1x1x8x128xf32, #tpu.memory_space<hbm>>
        %dma_start3A_1022 = tpu.memref_squeeze %dma_start3A_1021 : memref<1x1x8x128xf32, #tpu.memory_space<hbm>> -> memref<8x128xf32, #tpu.memory_space<hbm>>
        tpu.enqueue_dma source(%dma_start3A_1022 : memref<8x128xf32, #tpu.memory_space<hbm>>) target(%dma_start3A_1020 : memref<8x128xf32, #tpu.memory_space<vmem>>) target_semaphore(%arg12 : memref<!tpu.dma_semaphore, #tpu.memory_space<semaphore_mem>>)
        %dma_start3A_1023 = arith.constant 8 : i32
        %dma_start3A_1024 = arith.constant 64 : i32
        %dma_start3A_1025 = arith.constant 0 : i32
        %dma_start3A_1026 = tpu.memref_slice %arg7[%dma_start3A_1024, %dma_start3A_1025] : memref<608x128xf32, #tpu.memory_space<vmem>> -> memref<8x128xf32, #tpu.memory_space<vmem>>
        %dma_start3A_1027 = tpu.memref_slice %arg2[%shift_right_logical3A_924, %dma_start3A_1023, %mul3A_930, %mul3A_934] : memref<8x19x512x512xf32, #tpu.memory_space<hbm>> -> memref<1x1x8x128xf32, #tpu.memory_space<hbm>>
        %dma_start3A_1028 = tpu.memref_squeeze %dma_start3A_1027 : memref<1x1x8x128xf32, #tpu.memory_space<hbm>> -> memref<8x128xf32, #tpu.memory_space<hbm>>
        %dma_start3A_1029 = arith.constant 64 : i32
        %dma_start3A_1030 = arith.constant 0 : i32
        %dma_start3A_1031 = tpu.memref_slice %arg7[%dma_start3A_1029, %dma_start3A_1030] : memref<608x128xf32, #tpu.memory_space<vmem>> -> memref<8x128xf32, #tpu.memory_space<vmem>>
        %dma_start3A_1032 = tpu.memref_slice %arg2[%shift_right_logical3A_924, %dma_start3A_1023, %mul3A_930, %mul3A_934] : memref<8x19x512x512xf32, #tpu.memory_space<hbm>> -> memref<1x1x8x128xf32, #tpu.memory_space<hbm>>
        %dma_start3A_1033 = tpu.memref_squeeze %dma_start3A_1032 : memref<1x1x8x128xf32, #tpu.memory_space<hbm>> -> memref<8x128xf32, #tpu.memory_space<hbm>>
        tpu.enqueue_dma source(%dma_start3A_1033 : memref<8x128xf32, #tpu.memory_space<hbm>>) target(%dma_start3A_1031 : memref<8x128xf32, #tpu.memory_space<vmem>>) target_semaphore(%arg12 : memref<!tpu.dma_semaphore, #tpu.memory_space<semaphore_mem>>)
        %dma_start3A_1034 = arith.constant 9 : i32
        %dma_start3A_1035 = arith.constant 72 : i32
        %dma_start3A_1036 = arith.constant 0 : i32
        %dma_start3A_1037 = tpu.memref_slice %arg7[%dma_start3A_1035, %dma_start3A_1036] : memref<608x128xf32, #tpu.memory_space<vmem>> -> memref<8x128xf32, #tpu.memory_space<vmem>>
        %dma_start3A_1038 = tpu.memref_slice %arg2[%shift_right_logical3A_924, %dma_start3A_1034, %mul3A_930, %mul3A_934] : memref<8x19x512x512xf32, #tpu.memory_space<hbm>> -> memref<1x1x8x128xf32, #tpu.memory_space<hbm>>
        %dma_start3A_1039 = tpu.memref_squeeze %dma_start3A_1038 : memref<1x1x8x128xf32, #tpu.memory_space<hbm>> -> memref<8x128xf32, #tpu.memory_space<hbm>>
        %dma_start3A_1040 = arith.constant 72 : i32
        %dma_start3A_1041 = arith.constant 0 : i32
        %dma_start3A_1042 = tpu.memref_slice %arg7[%dma_start3A_1040, %dma_start3A_1041] : memref<608x128xf32, #tpu.memory_space<vmem>> -> memref<8x128xf32, #tpu.memory_space<vmem>>
        %dma_start3A_1043 = tpu.memref_slice %arg2[%shift_right_logical3A_924, %dma_start3A_1034, %mul3A_930, %mul3A_934] : memref<8x19x512x512xf32, #tpu.memory_space<hbm>> -> memref<1x1x8x128xf32, #tpu.memory_space<hbm>>
        %dma_start3A_1044 = tpu.memref_squeeze %dma_start3A_1043 : memref<1x1x8x128xf32, #tpu.memory_space<hbm>> -> memref<8x128xf32, #tpu.memory_space<hbm>>
        tpu.enqueue_dma source(%dma_start3A_1044 : memref<8x128xf32, #tpu.memory_space<hbm>>) target(%dma_start3A_1042 : memref<8x128xf32, #tpu.memory_space<vmem>>) target_semaphore(%arg12 : memref<!tpu.dma_semaphore, #tpu.memory_space<semaphore_mem>>)
        %dma_start3A_1045 = arith.constant 10 : i32
        %dma_start3A_1046 = arith.constant 80 : i32
        %dma_start3A_1047 = arith.constant 0 : i32
        %dma_start3A_1048 = tpu.memref_slice %arg7[%dma_start3A_1046, %dma_start3A_1047] : memref<608x128xf32, #tpu.memory_space<vmem>> -> memref<8x128xf32, #tpu.memory_space<vmem>>
        %dma_start3A_1049 = tpu.memref_slice %arg2[%shift_right_logical3A_924, %dma_start3A_1045, %mul3A_930, %mul3A_934] : memref<8x19x512x512xf32, #tpu.memory_space<hbm>> -> memref<1x1x8x128xf32, #tpu.memory_space<hbm>>
        %dma_start3A_1050 = tpu.memref_squeeze %dma_start3A_1049 : memref<1x1x8x128xf32, #tpu.memory_space<hbm>> -> memref<8x128xf32, #tpu.memory_space<hbm>>
        %dma_start3A_1051 = arith.constant 80 : i32
        %dma_start3A_1052 = arith.constant 0 : i32
        %dma_start3A_1053 = tpu.memref_slice %arg7[%dma_start3A_1051, %dma_start3A_1052] : memref<608x128xf32, #tpu.memory_space<vmem>> -> memref<8x128xf32, #tpu.memory_space<vmem>>
        %dma_start3A_1054 = tpu.memref_slice %arg2[%shift_right_logical3A_924, %dma_start3A_1045, %mul3A_930, %mul3A_934] : memref<8x19x512x512xf32, #tpu.memory_space<hbm>> -> memref<1x1x8x128xf32, #tpu.memory_space<hbm>>
        %dma_start3A_1055 = tpu.memref_squeeze %dma_start3A_1054 : memref<1x1x8x128xf32, #tpu.memory_space<hbm>> -> memref<8x128xf32, #tpu.memory_space<hbm>>
        tpu.enqueue_dma source(%dma_start3A_1055 : memref<8x128xf32, #tpu.memory_space<hbm>>) target(%dma_start3A_1053 : memref<8x128xf32, #tpu.memory_space<vmem>>) target_semaphore(%arg12 : memref<!tpu.dma_semaphore, #tpu.memory_space<semaphore_mem>>)
        %dma_start3A_1056 = arith.constant 11 : i32
        %dma_start3A_1057 = arith.constant 88 : i32
        %dma_start3A_1058 = arith.constant 0 : i32
        %dma_start3A_1059 = tpu.memref_slice %arg7[%dma_start3A_1057, %dma_start3A_1058] : memref<608x128xf32, #tpu.memory_space<vmem>> -> memref<8x128xf32, #tpu.memory_space<vmem>>
        %dma_start3A_1060 = tpu.memref_slice %arg2[%shift_right_logical3A_924, %dma_start3A_1056, %mul3A_930, %mul3A_934] : memref<8x19x512x512xf32, #tpu.memory_space<hbm>> -> memref<1x1x8x128xf32, #tpu.memory_space<hbm>>
        %dma_start3A_1061 = tpu.memref_squeeze %dma_start3A_1060 : memref<1x1x8x128xf32, #tpu.memory_space<hbm>> -> memref<8x128xf32, #tpu.memory_space<hbm>>
        %dma_start3A_1062 = arith.constant 88 : i32
        %dma_start3A_1063 = arith.constant 0 : i32
        %dma_start3A_1064 = tpu.memref_slice %arg7[%dma_start3A_1062, %dma_start3A_1063] : memref<608x128xf32, #tpu.memory_space<vmem>> -> memref<8x128xf32, #tpu.memory_space<vmem>>
        %dma_start3A_1065 = tpu.memref_slice %arg2[%shift_right_logical3A_924, %dma_start3A_1056, %mul3A_930, %mul3A_934] : memref<8x19x512x512xf32, #tpu.memory_space<hbm>> -> memref<1x1x8x128xf32, #tpu.memory_space<hbm>>
        %dma_start3A_1066 = tpu.memref_squeeze %dma_start3A_1065 : memref<1x1x8x128xf32, #tpu.memory_space<hbm>> -> memref<8x128xf32, #tpu.memory_space<hbm>>
        tpu.enqueue_dma source(%dma_start3A_1066 : memref<8x128xf32, #tpu.memory_space<hbm>>) target(%dma_start3A_1064 : memref<8x128xf32, #tpu.memory_space<vmem>>) target_semaphore(%arg12 : memref<!tpu.dma_semaphore, #tpu.memory_space<semaphore_mem>>)
        %dma_start3A_1067 = arith.constant 12 : i32
        %dma_start3A_1068 = arith.constant 96 : i32
        %dma_start3A_1069 = arith.constant 0 : i32
        %dma_start3A_1070 = tpu.memref_slice %arg7[%dma_start3A_1068, %dma_start3A_1069] : memref<608x128xf32, #tpu.memory_space<vmem>> -> memref<8x128xf32, #tpu.memory_space<vmem>>
        %dma_start3A_1071 = tpu.memref_slice %arg2[%shift_right_logical3A_924, %dma_start3A_1067, %mul3A_930, %mul3A_934] : memref<8x19x512x512xf32, #tpu.memory_space<hbm>> -> memref<1x1x8x128xf32, #tpu.memory_space<hbm>>
        %dma_start3A_1072 = tpu.memref_squeeze %dma_start3A_1071 : memref<1x1x8x128xf32, #tpu.memory_space<hbm>> -> memref<8x128xf32, #tpu.memory_space<hbm>>
        %dma_start3A_1073 = arith.constant 96 : i32
        %dma_start3A_1074 = arith.constant 0 : i32
        %dma_start3A_1075 = tpu.memref_slice %arg7[%dma_start3A_1073, %dma_start3A_1074] : memref<608x128xf32, #tpu.memory_space<vmem>> -> memref<8x128xf32, #tpu.memory_space<vmem>>
        %dma_start3A_1076 = tpu.memref_slice %arg2[%shift_right_logical3A_924, %dma_start3A_1067, %mul3A_930, %mul3A_934] : memref<8x19x512x512xf32, #tpu.memory_space<hbm>> -> memref<1x1x8x128xf32, #tpu.memory_space<hbm>>
        %dma_start3A_1077 = tpu.memref_squeeze %dma_start3A_1076 : memref<1x1x8x128xf32, #tpu.memory_space<hbm>> -> memref<8x128xf32, #tpu.memory_space<hbm>>
        tpu.enqueue_dma source(%dma_start3A_1077 : memref<8x128xf32, #tpu.memory_space<hbm>>) target(%dma_start3A_1075 : memref<8x128xf32, #tpu.memory_space<vmem>>) target_semaphore(%arg12 : memref<!tpu.dma_semaphore, #tpu.memory_space<semaphore_mem>>)
        %dma_start3A_1078 = arith.constant 13 : i32
        %dma_start3A_1079 = arith.constant 104 : i32
        %dma_start3A_1080 = arith.constant 0 : i32
        %dma_start3A_1081 = tpu.memref_slice %arg7[%dma_start3A_1079, %dma_start3A_1080] : memref<608x128xf32, #tpu.memory_space<vmem>> -> memref<8x128xf32, #tpu.memory_space<vmem>>
        %dma_start3A_1082 = tpu.memref_slice %arg2[%shift_right_logical3A_924, %dma_start3A_1078, %mul3A_930, %mul3A_934] : memref<8x19x512x512xf32, #tpu.memory_space<hbm>> -> memref<1x1x8x128xf32, #tpu.memory_space<hbm>>
        %dma_start3A_1083 = tpu.memref_squeeze %dma_start3A_1082 : memref<1x1x8x128xf32, #tpu.memory_space<hbm>> -> memref<8x128xf32, #tpu.memory_space<hbm>>
        %dma_start3A_1084 = arith.constant 104 : i32
        %dma_start3A_1085 = arith.constant 0 : i32
        %dma_start3A_1086 = tpu.memref_slice %arg7[%dma_start3A_1084, %dma_start3A_1085] : memref<608x128xf32, #tpu.memory_space<vmem>> -> memref<8x128xf32, #tpu.memory_space<vmem>>
        %dma_start3A_1087 = tpu.memref_slice %arg2[%shift_right_logical3A_924, %dma_start3A_1078, %mul3A_930, %mul3A_934] : memref<8x19x512x512xf32, #tpu.memory_space<hbm>> -> memref<1x1x8x128xf32, #tpu.memory_space<hbm>>
        %dma_start3A_1088 = tpu.memref_squeeze %dma_start3A_1087 : memref<1x1x8x128xf32, #tpu.memory_space<hbm>> -> memref<8x128xf32, #tpu.memory_space<hbm>>
        tpu.enqueue_dma source(%dma_start3A_1088 : memref<8x128xf32, #tpu.memory_space<hbm>>) target(%dma_start3A_1086 : memref<8x128xf32, #tpu.memory_space<vmem>>) target_semaphore(%arg12 : memref<!tpu.dma_semaphore, #tpu.memory_space<semaphore_mem>>)
        %dma_start3A_1089 = arith.constant 14 : i32
        %dma_start3A_1090 = arith.constant 112 : i32
        %dma_start3A_1091 = arith.constant 0 : i32
        %dma_start3A_1092 = tpu.memref_slice %arg7[%dma_start3A_1090, %dma_start3A_1091] : memref<608x128xf32, #tpu.memory_space<vmem>> -> memref<8x128xf32, #tpu.memory_space<vmem>>
        %dma_start3A_1093 = tpu.memref_slice %arg2[%shift_right_logical3A_924, %dma_start3A_1089, %mul3A_930, %mul3A_934] : memref<8x19x512x512xf32, #tpu.memory_space<hbm>> -> memref<1x1x8x128xf32, #tpu.memory_space<hbm>>
        %dma_start3A_1094 = tpu.memref_squeeze %dma_start3A_1093 : memref<1x1x8x128xf32, #tpu.memory_space<hbm>> -> memref<8x128xf32, #tpu.memory_space<hbm>>
        %dma_start3A_1095 = arith.constant 112 : i32
        %dma_start3A_1096 = arith.constant 0 : i32
        %dma_start3A_1097 = tpu.memref_slice %arg7[%dma_start3A_1095, %dma_start3A_1096] : memref<608x128xf32, #tpu.memory_space<vmem>> -> memref<8x128xf32, #tpu.memory_space<vmem>>
        %dma_start3A_1098 = tpu.memref_slice %arg2[%shift_right_logical3A_924, %dma_start3A_1089, %mul3A_930, %mul3A_934] : memref<8x19x512x512xf32, #tpu.memory_space<hbm>> -> memref<1x1x8x128xf32, #tpu.memory_space<hbm>>
        %dma_start3A_1099 = tpu.memref_squeeze %dma_start3A_1098 : memref<1x1x8x128xf32, #tpu.memory_space<hbm>> -> memref<8x128xf32, #tpu.memory_space<hbm>>
        tpu.enqueue_dma source(%dma_start3A_1099 : memref<8x128xf32, #tpu.memory_space<hbm>>) target(%dma_start3A_1097 : memref<8x128xf32, #tpu.memory_space<vmem>>) target_semaphore(%arg12 : memref<!tpu.dma_semaphore, #tpu.memory_space<semaphore_mem>>)
        %dma_start3A_1100 = arith.constant 15 : i32
        %dma_start3A_1101 = arith.constant 120 : i32
        %dma_start3A_1102 = arith.constant 0 : i32
        %dma_start3A_1103 = tpu.memref_slice %arg7[%dma_start3A_1101, %dma_start3A_1102] : memref<608x128xf32, #tpu.memory_space<vmem>> -> memref<8x128xf32, #tpu.memory_space<vmem>>
        %dma_start3A_1104 = tpu.memref_slice %arg2[%shift_right_logical3A_924, %dma_start3A_1100, %mul3A_930, %mul3A_934] : memref<8x19x512x512xf32, #tpu.memory_space<hbm>> -> memref<1x1x8x128xf32, #tpu.memory_space<hbm>>
        %dma_start3A_1105 = tpu.memref_squeeze %dma_start3A_1104 : memref<1x1x8x128xf32, #tpu.memory_space<hbm>> -> memref<8x128xf32, #tpu.memory_space<hbm>>
        %dma_start3A_1106 = arith.constant 120 : i32
        %dma_start3A_1107 = arith.constant 0 : i32
        %dma_start3A_1108 = tpu.memref_slice %arg7[%dma_start3A_1106, %dma_start3A_1107] : memref<608x128xf32, #tpu.memory_space<vmem>> -> memref<8x128xf32, #tpu.memory_space<vmem>>
        %dma_start3A_1109 = tpu.memref_slice %arg2[%shift_right_logical3A_924, %dma_start3A_1100, %mul3A_930, %mul3A_934] : memref<8x19x512x512xf32, #tpu.memory_space<hbm>> -> memref<1x1x8x128xf32, #tpu.memory_space<hbm>>
        %dma_start3A_1110 = tpu.memref_squeeze %dma_start3A_1109 : memref<1x1x8x128xf32, #tpu.memory_space<hbm>> -> memref<8x128xf32, #tpu.memory_space<hbm>>
        tpu.enqueue_dma source(%dma_start3A_1110 : memref<8x128xf32, #tpu.memory_space<hbm>>) target(%dma_start3A_1108 : memref<8x128xf32, #tpu.memory_space<vmem>>) target_semaphore(%arg12 : memref<!tpu.dma_semaphore, #tpu.memory_space<semaphore_mem>>)
        %dma_start3A_1111 = arith.constant 16 : i32
        %dma_start3A_1112 = arith.constant 128 : i32
        %dma_start3A_1113 = arith.constant 0 : i32
        %dma_start3A_1114 = tpu.memref_slice %arg7[%dma_start3A_1112, %dma_start3A_1113] : memref<608x128xf32, #tpu.memory_space<vmem>> -> memref<8x128xf32, #tpu.memory_space<vmem>>
        %dma_start3A_1115 = tpu.memref_slice %arg2[%shift_right_logical3A_924, %dma_start3A_1111, %mul3A_930, %mul3A_934] : memref<8x19x512x512xf32, #tpu.memory_space<hbm>> -> memref<1x1x8x128xf32, #tpu.memory_space<hbm>>
        %dma_start3A_1116 = tpu.memref_squeeze %dma_start3A_1115 : memref<1x1x8x128xf32, #tpu.memory_space<hbm>> -> memref<8x128xf32, #tpu.memory_space<hbm>>
        %dma_start3A_1117 = arith.constant 128 : i32
        %dma_start3A_1118 = arith.constant 0 : i32
        %dma_start3A_1119 = tpu.memref_slice %arg7[%dma_start3A_1117, %dma_start3A_1118] : memref<608x128xf32, #tpu.memory_space<vmem>> -> memref<8x128xf32, #tpu.memory_space<vmem>>
        %dma_start3A_1120 = tpu.memref_slice %arg2[%shift_right_logical3A_924, %dma_start3A_1111, %mul3A_930, %mul3A_934] : memref<8x19x512x512xf32, #tpu.memory_space<hbm>> -> memref<1x1x8x128xf32, #tpu.memory_space<hbm>>
        %dma_start3A_1121 = tpu.memref_squeeze %dma_start3A_1120 : memref<1x1x8x128xf32, #tpu.memory_space<hbm>> -> memref<8x128xf32, #tpu.memory_space<hbm>>
        tpu.enqueue_dma source(%dma_start3A_1121 : memref<8x128xf32, #tpu.memory_space<hbm>>) target(%dma_start3A_1119 : memref<8x128xf32, #tpu.memory_space<vmem>>) target_semaphore(%arg12 : memref<!tpu.dma_semaphore, #tpu.memory_space<semaphore_mem>>)
        %dma_start3A_1122 = arith.constant 17 : i32
        %dma_start3A_1123 = arith.constant 136 : i32
        %dma_start3A_1124 = arith.constant 0 : i32
        %dma_start3A_1125 = tpu.memref_slice %arg7[%dma_start3A_1123, %dma_start3A_1124] : memref<608x128xf32, #tpu.memory_space<vmem>> -> memref<8x128xf32, #tpu.memory_space<vmem>>
        %dma_start3A_1126 = tpu.memref_slice %arg2[%shift_right_logical3A_924, %dma_start3A_1122, %mul3A_930, %mul3A_934] : memref<8x19x512x512xf32, #tpu.memory_space<hbm>> -> memref<1x1x8x128xf32, #tpu.memory_space<hbm>>
        %dma_start3A_1127 = tpu.memref_squeeze %dma_start3A_1126 : memref<1x1x8x128xf32, #tpu.memory_space<hbm>> -> memref<8x128xf32, #tpu.memory_space<hbm>>
        %dma_start3A_1128 = arith.constant 136 : i32
        %dma_start3A_1129 = arith.constant 0 : i32
        %dma_start3A_1130 = tpu.memref_slice %arg7[%dma_start3A_1128, %dma_start3A_1129] : memref<608x128xf32, #tpu.memory_space<vmem>> -> memref<8x128xf32, #tpu.memory_space<vmem>>
        %dma_start3A_1131 = tpu.memref_slice %arg2[%shift_right_logical3A_924, %dma_start3A_1122, %mul3A_930, %mul3A_934] : memref<8x19x512x512xf32, #tpu.memory_space<hbm>> -> memref<1x1x8x128xf32, #tpu.memory_space<hbm>>
        %dma_start3A_1132 = tpu.memref_squeeze %dma_start3A_1131 : memref<1x1x8x128xf32, #tpu.memory_space<hbm>> -> memref<8x128xf32, #tpu.memory_space<hbm>>
        tpu.enqueue_dma source(%dma_start3A_1132 : memref<8x128xf32, #tpu.memory_space<hbm>>) target(%dma_start3A_1130 : memref<8x128xf32, #tpu.memory_space<vmem>>) target_semaphore(%arg12 : memref<!tpu.dma_semaphore, #tpu.memory_space<semaphore_mem>>)
        %dma_start3A_1133 = arith.constant 18 : i32
        %dma_start3A_1134 = arith.constant 144 : i32
        %dma_start3A_1135 = arith.constant 0 : i32
        %dma_start3A_1136 = tpu.memref_slice %arg7[%dma_start3A_1134, %dma_start3A_1135] : memref<608x128xf32, #tpu.memory_space<vmem>> -> memref<8x128xf32, #tpu.memory_space<vmem>>
        %dma_start3A_1137 = tpu.memref_slice %arg2[%shift_right_logical3A_924, %dma_start3A_1133, %mul3A_930, %mul3A_934] : memref<8x19x512x512xf32, #tpu.memory_space<hbm>> -> memref<1x1x8x128xf32, #tpu.memory_space<hbm>>
        %dma_start3A_1138 = tpu.memref_squeeze %dma_start3A_1137 : memref<1x1x8x128xf32, #tpu.memory_space<hbm>> -> memref<8x128xf32, #tpu.memory_space<hbm>>
        %dma_start3A_1139 = arith.constant 144 : i32
        %dma_start3A_1140 = arith.constant 0 : i32
        %dma_start3A_1141 = tpu.memref_slice %arg7[%dma_start3A_1139, %dma_start3A_1140] : memref<608x128xf32, #tpu.memory_space<vmem>> -> memref<8x128xf32, #tpu.memory_space<vmem>>
        %dma_start3A_1142 = tpu.memref_slice %arg2[%shift_right_logical3A_924, %dma_start3A_1133, %mul3A_930, %mul3A_934] : memref<8x19x512x512xf32, #tpu.memory_space<hbm>> -> memref<1x1x8x128xf32, #tpu.memory_space<hbm>>
        %dma_start3A_1143 = tpu.memref_squeeze %dma_start3A_1142 : memref<1x1x8x128xf32, #tpu.memory_space<hbm>> -> memref<8x128xf32, #tpu.memory_space<hbm>>
        tpu.enqueue_dma source(%dma_start3A_1143 : memref<8x128xf32, #tpu.memory_space<hbm>>) target(%dma_start3A_1141 : memref<8x128xf32, #tpu.memory_space<vmem>>) target_semaphore(%arg12 : memref<!tpu.dma_semaphore, #tpu.memory_space<semaphore_mem>>)
        %dma_start3A_1144 = arith.constant 0 : i32
        %dma_start3A_1145 = arith.constant 0 : i32
        %dma_start3A_1146 = arith.constant 0 : i32
        %dma_start3A_1147 = tpu.memref_slice %arg8[%dma_start3A_1144, %dma_start3A_1145, %dma_start3A_1146] : memref<4x8x128xi32, #tpu.memory_space<vmem>> -> memref<1x8x128xi32, #tpu.memory_space<vmem>>
        %dma_start3A_1148 = tpu.memref_squeeze %dma_start3A_1147 : memref<1x8x128xi32, #tpu.memory_space<vmem>> -> memref<8x128xi32, #tpu.memory_space<vmem>>
        %dma_start3A_1149 = tpu.memref_slice %arg3[%shift_right_logical3A_924, %mul3A_930, %mul3A_934] : memref<8x512x512xi32, #tpu.memory_space<hbm>> -> memref<1x8x128xi32, #tpu.memory_space<hbm>>
        %dma_start3A_1150 = tpu.memref_squeeze %dma_start3A_1149 : memref<1x8x128xi32, #tpu.memory_space<hbm>> -> memref<8x128xi32, #tpu.memory_space<hbm>>
        %dma_start3A_1151 = arith.constant 0 : i32
        %dma_start3A_1152 = arith.constant 0 : i32
        %dma_start3A_1153 = tpu.memref_slice %arg8[%dma_start3A_1144, %dma_start3A_1151, %dma_start3A_1152] : memref<4x8x128xi32, #tpu.memory_space<vmem>> -> memref<1x8x128xi32, #tpu.memory_space<vmem>>
        %dma_start3A_1154 = tpu.memref_squeeze %dma_start3A_1153 : memref<1x8x128xi32, #tpu.memory_space<vmem>> -> memref<8x128xi32, #tpu.memory_space<vmem>>
        %dma_start3A_1155 = tpu.memref_slice %arg3[%shift_right_logical3A_924, %mul3A_930, %mul3A_934] : memref<8x512x512xi32, #tpu.memory_space<hbm>> -> memref<1x8x128xi32, #tpu.memory_space<hbm>>
        %dma_start3A_1156 = tpu.memref_squeeze %dma_start3A_1155 : memref<1x8x128xi32, #tpu.memory_space<hbm>> -> memref<8x128xi32, #tpu.memory_space<hbm>>
        tpu.enqueue_dma source(%dma_start3A_1156 : memref<8x128xi32, #tpu.memory_space<hbm>>) target(%dma_start3A_1154 : memref<8x128xi32, #tpu.memory_space<vmem>>) target_semaphore(%arg12 : memref<!tpu.dma_semaphore, #tpu.memory_space<semaphore_mem>>)
      } else {
      }
      %dma_wait3A_784 = arith.constant 0 : i32
      %dma_wait3A_785 = arith.constant 0 : i32
      %dma_wait3A_786 = arith.constant 152 : i32
      %dma_wait3A_787 = arith.constant 0 : i32
      %dma_wait3A_788 = tpu.memref_slice %arg7[%dma_wait3A_786, %dma_wait3A_787] : memref<608x128xf32, #tpu.memory_space<vmem>> -> memref<152x128xf32, #tpu.memory_space<vmem>>
      %dma_wait3A_789 = arith.constant 0 : i32
      %dma_wait3A_790 = arith.constant 0 : i32
      %dma_wait3A_791 = tpu.memref_slice %arg2[%dma_wait3A_784, %dma_wait3A_785, %dma_wait3A_789, %dma_wait3A_790] : memref<8x19x512x512xf32, #tpu.memory_space<hbm>> -> memref<1x1x152x128xf32, #tpu.memory_space<hbm>>
      %dma_wait3A_792 = tpu.memref_squeeze %dma_wait3A_791 : memref<1x1x152x128xf32, #tpu.memory_space<hbm>> -> memref<152x128xf32, #tpu.memory_space<hbm>>
      %dma_wait3A_793 = arith.constant 152 : i32
      %dma_wait3A_794 = arith.constant 0 : i32
      %dma_wait3A_795 = tpu.memref_slice %arg7[%dma_wait3A_793, %dma_wait3A_794] : memref<608x128xf32, #tpu.memory_space<vmem>> -> memref<152x128xf32, #tpu.memory_space<vmem>>
      %dma_wait3A_796 = arith.constant 0 : i32
      %dma_wait3A_797 = arith.constant 0 : i32
      %dma_wait3A_798 = tpu.memref_slice %arg2[%dma_wait3A_784, %dma_wait3A_785, %dma_wait3A_796, %dma_wait3A_797] : memref<8x19x512x512xf32, #tpu.memory_space<hbm>> -> memref<1x1x152x128xf32, #tpu.memory_space<hbm>>
      %dma_wait3A_799 = tpu.memref_squeeze %dma_wait3A_798 : memref<1x1x152x128xf32, #tpu.memory_space<hbm>> -> memref<152x128xf32, #tpu.memory_space<hbm>>
      tpu.wait_dma2 semaphore(%arg13 : memref<!tpu.dma_semaphore, #tpu.memory_space<semaphore_mem>>) src(%dma_wait3A_799 : memref<152x128xf32, #tpu.memory_space<hbm>>) dst(%dma_wait3A_795 : memref<152x128xf32, #tpu.memory_space<vmem>>)
      %dma_wait3A_800 = arith.constant 0 : i32
      %dma_wait3A_801 = arith.constant 1 : i32
      %dma_wait3A_802 = arith.constant 0 : i32
      %dma_wait3A_803 = arith.constant 0 : i32
      %dma_wait3A_804 = tpu.memref_slice %arg8[%dma_wait3A_801, %dma_wait3A_802, %dma_wait3A_803] : memref<4x8x128xi32, #tpu.memory_space<vmem>> -> memref<1x8x128xi32, #tpu.memory_space<vmem>>
      %dma_wait3A_805 = tpu.memref_squeeze %dma_wait3A_804 : memref<1x8x128xi32, #tpu.memory_space<vmem>> -> memref<8x128xi32, #tpu.memory_space<vmem>>
      %dma_wait3A_806 = arith.constant 0 : i32
      %dma_wait3A_807 = arith.constant 0 : i32
      %dma_wait3A_808 = tpu.memref_slice %arg3[%dma_wait3A_800, %dma_wait3A_806, %dma_wait3A_807] : memref<8x512x512xi32, #tpu.memory_space<hbm>> -> memref<1x8x128xi32, #tpu.memory_space<hbm>>
      %dma_wait3A_809 = tpu.memref_squeeze %dma_wait3A_808 : memref<1x8x128xi32, #tpu.memory_space<hbm>> -> memref<8x128xi32, #tpu.memory_space<hbm>>
      %dma_wait3A_810 = arith.constant 0 : i32
      %dma_wait3A_811 = arith.constant 0 : i32
      %dma_wait3A_812 = tpu.memref_slice %arg8[%dma_wait3A_801, %dma_wait3A_810, %dma_wait3A_811] : memref<4x8x128xi32, #tpu.memory_space<vmem>> -> memref<1x8x128xi32, #tpu.memory_space<vmem>>
      %dma_wait3A_813 = tpu.memref_squeeze %dma_wait3A_812 : memref<1x8x128xi32, #tpu.memory_space<vmem>> -> memref<8x128xi32, #tpu.memory_space<vmem>>
      %dma_wait3A_814 = arith.constant 0 : i32
      %dma_wait3A_815 = arith.constant 0 : i32
      %dma_wait3A_816 = tpu.memref_slice %arg3[%dma_wait3A_800, %dma_wait3A_814, %dma_wait3A_815] : memref<8x512x512xi32, #tpu.memory_space<hbm>> -> memref<1x8x128xi32, #tpu.memory_space<hbm>>
      %dma_wait3A_817 = tpu.memref_squeeze %dma_wait3A_816 : memref<1x8x128xi32, #tpu.memory_space<hbm>> -> memref<8x128xi32, #tpu.memory_space<hbm>>
      tpu.wait_dma2 semaphore(%arg13 : memref<!tpu.dma_semaphore, #tpu.memory_space<semaphore_mem>>) src(%dma_wait3A_817 : memref<8x128xi32, #tpu.memory_space<hbm>>) dst(%dma_wait3A_813 : memref<8x128xi32, #tpu.memory_space<vmem>>)
      %parallel_loop3A_818 = arith.constant 0 : i32
      %parallel_loop3A_819 = arith.constant 64 : i32
      %parallel_loop3A_820 = arith.constant 1 : i32
      %parallel_loop3A_821:3 = scf.for %parallel_loop3A_920 = %parallel_loop3A_818 to %parallel_loop3A_819 step %parallel_loop3A_820 iter_args(%parallel_loop3A_921 = %parallel_loop3A_772#0, %parallel_loop3A_922 = %parallel_loop3A_772#1, %parallel_loop3A_923 = %parallel_loop3A_772#2) -> (vector<16xf32>, vector<16xi32>, vector<16xf32>)  : i32 {
        %parallel_loop3A_924 = arith.constant 3 : i32
        %parallel_loop3A_925 = arith.shrui %parallel_loop3A_920, %parallel_loop3A_924 : i32
        %parallel_loop3A_926 = arith.constant 7 : i32
        %parallel_loop3A_927 = arith.andi %parallel_loop3A_920, %parallel_loop3A_926 : i32
        %parallel_loop3A_928 = arith.constant 16 : i32
        %parallel_loop3A_929 = arith.muli %parallel_loop3A_927, %parallel_loop3A_928 : i32
        %parallel_loop3A_930 = arith.constant 1 : i32
        %parallel_loop3A_931 = arith.index_cast %parallel_loop3A_930 : i32 to index
        %parallel_loop3A_932 = arith.index_cast %parallel_loop3A_925 : i32 to index
        %parallel_loop3A_933 = arith.index_cast %parallel_loop3A_929 : i32 to index
        %parallel_loop3A_934 = tpu.vector_load %arg8[%parallel_loop3A_931, %parallel_loop3A_932, %parallel_loop3A_933] {strides = array<i32>} : memref<4x8x128xi32, #tpu.memory_space<vmem>>, vector<16xi32>,
        %parallel_loop3A_935 = arith.constant 152 : i32
        %parallel_loop3A_936 = arith.addi %parallel_loop3A_935, %parallel_loop3A_925 : i32
        %parallel_loop3A_937 = arith.constant 8 : i32
        %parallel_loop3A_938 = vector.broadcast %parallel_loop3A_937 : i32 to vector<16xi32>
        %parallel_loop3A_939 = arith.muli %parallel_loop3A_934, %parallel_loop3A_938 : vector<16xi32>
        %parallel_loop3A_940 = vector.broadcast %parallel_loop3A_936 : i32 to vector<16xi32>
        %parallel_loop3A_941 = arith.addi %parallel_loop3A_940, %parallel_loop3A_939 : vector<16xi32>
        %parallel_loop3A_942 = arith.constant 16 : i32
        %parallel_loop3A_943 = arith.muli %parallel_loop3A_927, %parallel_loop3A_942 : i32
        %parallel_loop3A_944 = vector.broadcast %parallel_loop3A_943 : i32 to vector<16xi32>
        %parallel_loop3A_945 = arith.addi %parallel_loop3A_944, %iota3A : vector<16xi32>
        %parallel_loop3A_946 = tpu.vector_load_idx %arg7[%parallel_loop3A_941, %parallel_loop3A_945] : memref<608x128xf32, #tpu.memory_space<vmem>>[vector<16xi32>, vector<16xi32>], vector<16xf32>,
        %parallel_loop3A_947 = tpu.bitcast %parallel_loop3A_946 : vector<16xf32> -> vector<16xi32>
        %parallel_loop3A_948 = arith.constant 1060439283 : i32
        %parallel_loop3A_949 = vector.broadcast %parallel_loop3A_948 : i32 to vector<16xi32>
        %parallel_loop3A_950 = arith.subi %parallel_loop3A_947, %parallel_loop3A_949 : vector<16xi32>
        %parallel_loop3A_951 = arith.constant 23 : i32
        %parallel_loop3A_952 = vector.broadcast %parallel_loop3A_951 : i32 to vector<16xi32>
        %parallel_loop3A_953 = arith.shrsi %parallel_loop3A_950, %parallel_loop3A_952 : vector<16xi32>
        %parallel_loop3A_954 = arith.constant 8388607 : i32
        %parallel_loop3A_955 = vector.broadcast %parallel_loop3A_954 : i32 to vector<16xi32>
        %parallel_loop3A_956 = arith.andi %parallel_loop3A_950, %parallel_loop3A_955 : vector<16xi32>
        %parallel_loop3A_957 = arith.constant 1060439283 : i32
        %parallel_loop3A_958 = vector.broadcast %parallel_loop3A_957 : i32 to vector<16xi32>
        %parallel_loop3A_959 = arith.addi %parallel_loop3A_956, %parallel_loop3A_958 : vector<16xi32>
        %parallel_loop3A_960 = tpu.bitcast %parallel_loop3A_959 : vector<16xi32> -> vector<16xf32>
        %parallel_loop3A_961 = arith.constant 1.000000e+00 : f32
        %parallel_loop3A_962 = vector.broadcast %parallel_loop3A_961 : f32 to vector<16xf32>
        %parallel_loop3A_963 = arith.subf %parallel_loop3A_960, %parallel_loop3A_962 : vector<16xf32>
        %parallel_loop3A_964 = arith.mulf %parallel_loop3A_963, %parallel_loop3A_963 : vector<16xf32>
        %parallel_loop3A_965 = arith.constant -0.166680574 : f32
        %parallel_loop3A_966 = vector.broadcast %parallel_loop3A_965 : f32 to vector<16xf32>
        %parallel_loop3A_967 = arith.mulf %parallel_loop3A_963, %parallel_loop3A_966 : vector<16xf32>
        %parallel_loop3A_968 = arith.constant 0.200007141 : f32
        %parallel_loop3A_969 = vector.broadcast %parallel_loop3A_968 : f32 to vector<16xf32>
        %parallel_loop3A_970 = arith.addf %parallel_loop3A_967, %parallel_loop3A_969 : vector<16xf32>
        %parallel_loop3A_971 = arith.mulf %parallel_loop3A_970, %parallel_loop3A_963 : vector<16xf32>
        %parallel_loop3A_972 = arith.constant -0.24999994 : f32
        %parallel_loop3A_973 = vector.broadcast %parallel_loop3A_972 : f32 to vector<16xf32>
        %parallel_loop3A_974 = arith.addf %parallel_loop3A_971, %parallel_loop3A_973 : vector<16xf32>
        %parallel_loop3A_975 = arith.mulf %parallel_loop3A_974, %parallel_loop3A_963 : vector<16xf32>
        %parallel_loop3A_976 = arith.constant 0.333333313 : f32
        %parallel_loop3A_977 = vector.broadcast %parallel_loop3A_976 : f32 to vector<16xf32>
        %parallel_loop3A_978 = arith.addf %parallel_loop3A_975, %parallel_loop3A_977 : vector<16xf32>
        %parallel_loop3A_979 = arith.mulf %parallel_loop3A_978, %parallel_loop3A_963 : vector<16xf32>
        %parallel_loop3A_980 = arith.mulf %parallel_loop3A_979, %parallel_loop3A_964 : vector<16xf32>
        %parallel_loop3A_981 = arith.constant 5.000000e-01 : f32
        %parallel_loop3A_982 = vector.broadcast %parallel_loop3A_981 : f32 to vector<16xf32>
        %parallel_loop3A_983 = arith.mulf %parallel_loop3A_982, %parallel_loop3A_964 : vector<16xf32>
        %parallel_loop3A_984 = arith.subf %parallel_loop3A_980, %parallel_loop3A_983 : vector<16xf32>
        %parallel_loop3A_985 = arith.addf %parallel_loop3A_963, %parallel_loop3A_984 : vector<16xf32>
        %parallel_loop3A_986 = arith.addf %parallel_loop3A_921, %parallel_loop3A_985 : vector<16xf32>
        %parallel_loop3A_987 = arith.addi %parallel_loop3A_922, %parallel_loop3A_953 : vector<16xi32>
        %parallel_loop3A_988 = arith.constant 1.000000e+00 : f32
        %parallel_loop3A_989 = vector.broadcast %parallel_loop3A_988 : f32 to vector<16xf32>
        %parallel_loop3A_990 = arith.cmpf one, %parallel_loop3A_946, %parallel_loop3A_989 : vector<16xf32>
        %parallel_loop3A_991 = arith.constant 1.000000e+00 : f32
        %parallel_loop3A_992 = arith.constant 0.000000e+00 : f32
        %parallel_loop3A_993 = vector.broadcast %parallel_loop3A_991 : f32 to vector<16xf32>
        %parallel_loop3A_994 = vector.broadcast %parallel_loop3A_992 : f32 to vector<16xf32>
        %parallel_loop3A_995 = arith.select %parallel_loop3A_990, %parallel_loop3A_993, %parallel_loop3A_994 : vector<16xi1>, vector<16xf32>
        %parallel_loop3A_996 = arith.addf %parallel_loop3A_923, %parallel_loop3A_995 : vector<16xf32>
        scf.yield %parallel_loop3A_986, %parallel_loop3A_987, %parallel_loop3A_996 : vector<16xf32>, vector<16xi32>, vector<16xf32>
      } {sc.loop_unroll_factor = 8 : i64, sc.parallel_access}
      %mul3A_822 = arith.constant 4 : i32
      %mul3A_823 = arith.muli %scan3A_725, %mul3A_822 : i32
      %add3A_824 = arith.constant 2 : i32
      %add3A_825 = arith.addi %mul3A_823, %add3A_824 : i32
      %add3A_826 = arith.constant 3 : i32
      %add3A_827 = arith.addi %add3A_825, %add3A_826 : i32
      %lt3A_828 = arith.constant 40 : i32
      %lt3A_829 = arith.cmpi slt, %add3A_827, %lt3A_828 : i32
      %convert_element_type3A_830 = arith.extui %lt3A_829 : i1 to i32
      %cond3A_831 = arith.constant 0 : i32
      %cond3A_832 = arith.cmpi ne, %convert_element_type3A_830, %cond3A_831 : i32
      scf.if %cond3A_832 {
        %mul3A_920 = arith.constant 40 : i32
        %mul3A_921 = arith.muli %add3A, %mul3A_920 : i32
        %add3A_922 = arith.addi %mul3A_921, %add3A_827 : i32
        %shift_right_logical3A_923 = arith.constant 8 : i32
        %shift_right_logical3A_924 = arith.shrui %add3A_922, %shift_right_logical3A_923 : i32
        %shift_right_logical3A_925 = arith.constant 2 : i32
        %shift_right_logical3A_926 = arith.shrui %add3A_922, %shift_right_logical3A_925 : i32
        %and3A_927 = arith.constant 63 : i32
        %and3A_928 = arith.andi %shift_right_logical3A_926, %and3A_927 : i32
        %mul3A_929 = arith.constant 8 : i32
        %mul3A_930 = arith.muli %and3A_928, %mul3A_929 : i32
        %and3A_931 = arith.constant 3 : i32
        %and3A_932 = arith.andi %add3A_922, %and3A_931 : i32
        %mul3A_933 = arith.constant 128 : i32
        %mul3A_934 = arith.muli %and3A_932, %mul3A_933 : i32
        %dma_start3A_935 = arith.constant 0 : i32
        %dma_start3A_936 = arith.constant 152 : i32
        %dma_start3A_937 = arith.constant 0 : i32
        %dma_start3A_938 = tpu.memref_slice %arg7[%dma_start3A_936, %dma_start3A_937] : memref<608x128xf32, #tpu.memory_space<vmem>> -> memref<8x128xf32, #tpu.memory_space<vmem>>
        %dma_start3A_939 = tpu.memref_slice %arg2[%shift_right_logical3A_924, %dma_start3A_935, %mul3A_930, %mul3A_934] : memref<8x19x512x512xf32, #tpu.memory_space<hbm>> -> memref<1x1x8x128xf32, #tpu.memory_space<hbm>>
        %dma_start3A_940 = tpu.memref_squeeze %dma_start3A_939 : memref<1x1x8x128xf32, #tpu.memory_space<hbm>> -> memref<8x128xf32, #tpu.memory_space<hbm>>
        %dma_start3A_941 = arith.constant 152 : i32
        %dma_start3A_942 = arith.constant 0 : i32
        %dma_start3A_943 = tpu.memref_slice %arg7[%dma_start3A_941, %dma_start3A_942] : memref<608x128xf32, #tpu.memory_space<vmem>> -> memref<8x128xf32, #tpu.memory_space<vmem>>
        %dma_start3A_944 = tpu.memref_slice %arg2[%shift_right_logical3A_924, %dma_start3A_935, %mul3A_930, %mul3A_934] : memref<8x19x512x512xf32, #tpu.memory_space<hbm>> -> memref<1x1x8x128xf32, #tpu.memory_space<hbm>>
        %dma_start3A_945 = tpu.memref_squeeze %dma_start3A_944 : memref<1x1x8x128xf32, #tpu.memory_space<hbm>> -> memref<8x128xf32, #tpu.memory_space<hbm>>
        tpu.enqueue_dma source(%dma_start3A_945 : memref<8x128xf32, #tpu.memory_space<hbm>>) target(%dma_start3A_943 : memref<8x128xf32, #tpu.memory_space<vmem>>) target_semaphore(%arg13 : memref<!tpu.dma_semaphore, #tpu.memory_space<semaphore_mem>>)
        %dma_start3A_946 = arith.constant 1 : i32
        %dma_start3A_947 = arith.constant 160 : i32
        %dma_start3A_948 = arith.constant 0 : i32
        %dma_start3A_949 = tpu.memref_slice %arg7[%dma_start3A_947, %dma_start3A_948] : memref<608x128xf32, #tpu.memory_space<vmem>> -> memref<8x128xf32, #tpu.memory_space<vmem>>
        %dma_start3A_950 = tpu.memref_slice %arg2[%shift_right_logical3A_924, %dma_start3A_946, %mul3A_930, %mul3A_934] : memref<8x19x512x512xf32, #tpu.memory_space<hbm>> -> memref<1x1x8x128xf32, #tpu.memory_space<hbm>>
        %dma_start3A_951 = tpu.memref_squeeze %dma_start3A_950 : memref<1x1x8x128xf32, #tpu.memory_space<hbm>> -> memref<8x128xf32, #tpu.memory_space<hbm>>
        %dma_start3A_952 = arith.constant 160 : i32
        %dma_start3A_953 = arith.constant 0 : i32
        %dma_start3A_954 = tpu.memref_slice %arg7[%dma_start3A_952, %dma_start3A_953] : memref<608x128xf32, #tpu.memory_space<vmem>> -> memref<8x128xf32, #tpu.memory_space<vmem>>
        %dma_start3A_955 = tpu.memref_slice %arg2[%shift_right_logical3A_924, %dma_start3A_946, %mul3A_930, %mul3A_934] : memref<8x19x512x512xf32, #tpu.memory_space<hbm>> -> memref<1x1x8x128xf32, #tpu.memory_space<hbm>>
        %dma_start3A_956 = tpu.memref_squeeze %dma_start3A_955 : memref<1x1x8x128xf32, #tpu.memory_space<hbm>> -> memref<8x128xf32, #tpu.memory_space<hbm>>
        tpu.enqueue_dma source(%dma_start3A_956 : memref<8x128xf32, #tpu.memory_space<hbm>>) target(%dma_start3A_954 : memref<8x128xf32, #tpu.memory_space<vmem>>) target_semaphore(%arg13 : memref<!tpu.dma_semaphore, #tpu.memory_space<semaphore_mem>>)
        %dma_start3A_957 = arith.constant 2 : i32
        %dma_start3A_958 = arith.constant 168 : i32
        %dma_start3A_959 = arith.constant 0 : i32
        %dma_start3A_960 = tpu.memref_slice %arg7[%dma_start3A_958, %dma_start3A_959] : memref<608x128xf32, #tpu.memory_space<vmem>> -> memref<8x128xf32, #tpu.memory_space<vmem>>
        %dma_start3A_961 = tpu.memref_slice %arg2[%shift_right_logical3A_924, %dma_start3A_957, %mul3A_930, %mul3A_934] : memref<8x19x512x512xf32, #tpu.memory_space<hbm>> -> memref<1x1x8x128xf32, #tpu.memory_space<hbm>>
        %dma_start3A_962 = tpu.memref_squeeze %dma_start3A_961 : memref<1x1x8x128xf32, #tpu.memory_space<hbm>> -> memref<8x128xf32, #tpu.memory_space<hbm>>
        %dma_start3A_963 = arith.constant 168 : i32
        %dma_start3A_964 = arith.constant 0 : i32
        %dma_start3A_965 = tpu.memref_slice %arg7[%dma_start3A_963, %dma_start3A_964] : memref<608x128xf32, #tpu.memory_space<vmem>> -> memref<8x128xf32, #tpu.memory_space<vmem>>
        %dma_start3A_966 = tpu.memref_slice %arg2[%shift_right_logical3A_924, %dma_start3A_957, %mul3A_930, %mul3A_934] : memref<8x19x512x512xf32, #tpu.memory_space<hbm>> -> memref<1x1x8x128xf32, #tpu.memory_space<hbm>>
        %dma_start3A_967 = tpu.memref_squeeze %dma_start3A_966 : memref<1x1x8x128xf32, #tpu.memory_space<hbm>> -> memref<8x128xf32, #tpu.memory_space<hbm>>
        tpu.enqueue_dma source(%dma_start3A_967 : memref<8x128xf32, #tpu.memory_space<hbm>>) target(%dma_start3A_965 : memref<8x128xf32, #tpu.memory_space<vmem>>) target_semaphore(%arg13 : memref<!tpu.dma_semaphore, #tpu.memory_space<semaphore_mem>>)
        %dma_start3A_968 = arith.constant 3 : i32
        %dma_start3A_969 = arith.constant 176 : i32
        %dma_start3A_970 = arith.constant 0 : i32
        %dma_start3A_971 = tpu.memref_slice %arg7[%dma_start3A_969, %dma_start3A_970] : memref<608x128xf32, #tpu.memory_space<vmem>> -> memref<8x128xf32, #tpu.memory_space<vmem>>
        %dma_start3A_972 = tpu.memref_slice %arg2[%shift_right_logical3A_924, %dma_start3A_968, %mul3A_930, %mul3A_934] : memref<8x19x512x512xf32, #tpu.memory_space<hbm>> -> memref<1x1x8x128xf32, #tpu.memory_space<hbm>>
        %dma_start3A_973 = tpu.memref_squeeze %dma_start3A_972 : memref<1x1x8x128xf32, #tpu.memory_space<hbm>> -> memref<8x128xf32, #tpu.memory_space<hbm>>
        %dma_start3A_974 = arith.constant 176 : i32
        %dma_start3A_975 = arith.constant 0 : i32
        %dma_start3A_976 = tpu.memref_slice %arg7[%dma_start3A_974, %dma_start3A_975] : memref<608x128xf32, #tpu.memory_space<vmem>> -> memref<8x128xf32, #tpu.memory_space<vmem>>
        %dma_start3A_977 = tpu.memref_slice %arg2[%shift_right_logical3A_924, %dma_start3A_968, %mul3A_930, %mul3A_934] : memref<8x19x512x512xf32, #tpu.memory_space<hbm>> -> memref<1x1x8x128xf32, #tpu.memory_space<hbm>>
        %dma_start3A_978 = tpu.memref_squeeze %dma_start3A_977 : memref<1x1x8x128xf32, #tpu.memory_space<hbm>> -> memref<8x128xf32, #tpu.memory_space<hbm>>
        tpu.enqueue_dma source(%dma_start3A_978 : memref<8x128xf32, #tpu.memory_space<hbm>>) target(%dma_start3A_976 : memref<8x128xf32, #tpu.memory_space<vmem>>) target_semaphore(%arg13 : memref<!tpu.dma_semaphore, #tpu.memory_space<semaphore_mem>>)
        %dma_start3A_979 = arith.constant 4 : i32
        %dma_start3A_980 = arith.constant 184 : i32
        %dma_start3A_981 = arith.constant 0 : i32
        %dma_start3A_982 = tpu.memref_slice %arg7[%dma_start3A_980, %dma_start3A_981] : memref<608x128xf32, #tpu.memory_space<vmem>> -> memref<8x128xf32, #tpu.memory_space<vmem>>
        %dma_start3A_983 = tpu.memref_slice %arg2[%shift_right_logical3A_924, %dma_start3A_979, %mul3A_930, %mul3A_934] : memref<8x19x512x512xf32, #tpu.memory_space<hbm>> -> memref<1x1x8x128xf32, #tpu.memory_space<hbm>>
        %dma_start3A_984 = tpu.memref_squeeze %dma_start3A_983 : memref<1x1x8x128xf32, #tpu.memory_space<hbm>> -> memref<8x128xf32, #tpu.memory_space<hbm>>
        %dma_start3A_985 = arith.constant 184 : i32
        %dma_start3A_986 = arith.constant 0 : i32
        %dma_start3A_987 = tpu.memref_slice %arg7[%dma_start3A_985, %dma_start3A_986] : memref<608x128xf32, #tpu.memory_space<vmem>> -> memref<8x128xf32, #tpu.memory_space<vmem>>
        %dma_start3A_988 = tpu.memref_slice %arg2[%shift_right_logical3A_924, %dma_start3A_979, %mul3A_930, %mul3A_934] : memref<8x19x512x512xf32, #tpu.memory_space<hbm>> -> memref<1x1x8x128xf32, #tpu.memory_space<hbm>>
        %dma_start3A_989 = tpu.memref_squeeze %dma_start3A_988 : memref<1x1x8x128xf32, #tpu.memory_space<hbm>> -> memref<8x128xf32, #tpu.memory_space<hbm>>
        tpu.enqueue_dma source(%dma_start3A_989 : memref<8x128xf32, #tpu.memory_space<hbm>>) target(%dma_start3A_987 : memref<8x128xf32, #tpu.memory_space<vmem>>) target_semaphore(%arg13 : memref<!tpu.dma_semaphore, #tpu.memory_space<semaphore_mem>>)
        %dma_start3A_990 = arith.constant 5 : i32
        %dma_start3A_991 = arith.constant 192 : i32
        %dma_start3A_992 = arith.constant 0 : i32
        %dma_start3A_993 = tpu.memref_slice %arg7[%dma_start3A_991, %dma_start3A_992] : memref<608x128xf32, #tpu.memory_space<vmem>> -> memref<8x128xf32, #tpu.memory_space<vmem>>
        %dma_start3A_994 = tpu.memref_slice %arg2[%shift_right_logical3A_924, %dma_start3A_990, %mul3A_930, %mul3A_934] : memref<8x19x512x512xf32, #tpu.memory_space<hbm>> -> memref<1x1x8x128xf32, #tpu.memory_space<hbm>>
        %dma_start3A_995 = tpu.memref_squeeze %dma_start3A_994 : memref<1x1x8x128xf32, #tpu.memory_space<hbm>> -> memref<8x128xf32, #tpu.memory_space<hbm>>
        %dma_start3A_996 = arith.constant 192 : i32
        %dma_start3A_997 = arith.constant 0 : i32
        %dma_start3A_998 = tpu.memref_slice %arg7[%dma_start3A_996, %dma_start3A_997] : memref<608x128xf32, #tpu.memory_space<vmem>> -> memref<8x128xf32, #tpu.memory_space<vmem>>
        %dma_start3A_999 = tpu.memref_slice %arg2[%shift_right_logical3A_924, %dma_start3A_990, %mul3A_930, %mul3A_934] : memref<8x19x512x512xf32, #tpu.memory_space<hbm>> -> memref<1x1x8x128xf32, #tpu.memory_space<hbm>>
        %dma_start3A_1000 = tpu.memref_squeeze %dma_start3A_999 : memref<1x1x8x128xf32, #tpu.memory_space<hbm>> -> memref<8x128xf32, #tpu.memory_space<hbm>>
        tpu.enqueue_dma source(%dma_start3A_1000 : memref<8x128xf32, #tpu.memory_space<hbm>>) target(%dma_start3A_998 : memref<8x128xf32, #tpu.memory_space<vmem>>) target_semaphore(%arg13 : memref<!tpu.dma_semaphore, #tpu.memory_space<semaphore_mem>>)
        %dma_start3A_1001 = arith.constant 6 : i32
        %dma_start3A_1002 = arith.constant 200 : i32
        %dma_start3A_1003 = arith.constant 0 : i32
        %dma_start3A_1004 = tpu.memref_slice %arg7[%dma_start3A_1002, %dma_start3A_1003] : memref<608x128xf32, #tpu.memory_space<vmem>> -> memref<8x128xf32, #tpu.memory_space<vmem>>
        %dma_start3A_1005 = tpu.memref_slice %arg2[%shift_right_logical3A_924, %dma_start3A_1001, %mul3A_930, %mul3A_934] : memref<8x19x512x512xf32, #tpu.memory_space<hbm>> -> memref<1x1x8x128xf32, #tpu.memory_space<hbm>>
        %dma_start3A_1006 = tpu.memref_squeeze %dma_start3A_1005 : memref<1x1x8x128xf32, #tpu.memory_space<hbm>> -> memref<8x128xf32, #tpu.memory_space<hbm>>
        %dma_start3A_1007 = arith.constant 200 : i32
        %dma_start3A_1008 = arith.constant 0 : i32
        %dma_start3A_1009 = tpu.memref_slice %arg7[%dma_start3A_1007, %dma_start3A_1008] : memref<608x128xf32, #tpu.memory_space<vmem>> -> memref<8x128xf32, #tpu.memory_space<vmem>>
        %dma_start3A_1010 = tpu.memref_slice %arg2[%shift_right_logical3A_924, %dma_start3A_1001, %mul3A_930, %mul3A_934] : memref<8x19x512x512xf32, #tpu.memory_space<hbm>> -> memref<1x1x8x128xf32, #tpu.memory_space<hbm>>
        %dma_start3A_1011 = tpu.memref_squeeze %dma_start3A_1010 : memref<1x1x8x128xf32, #tpu.memory_space<hbm>> -> memref<8x128xf32, #tpu.memory_space<hbm>>
        tpu.enqueue_dma source(%dma_start3A_1011 : memref<8x128xf32, #tpu.memory_space<hbm>>) target(%dma_start3A_1009 : memref<8x128xf32, #tpu.memory_space<vmem>>) target_semaphore(%arg13 : memref<!tpu.dma_semaphore, #tpu.memory_space<semaphore_mem>>)
        %dma_start3A_1012 = arith.constant 7 : i32
        %dma_start3A_1013 = arith.constant 208 : i32
        %dma_start3A_1014 = arith.constant 0 : i32
        %dma_start3A_1015 = tpu.memref_slice %arg7[%dma_start3A_1013, %dma_start3A_1014] : memref<608x128xf32, #tpu.memory_space<vmem>> -> memref<8x128xf32, #tpu.memory_space<vmem>>
        %dma_start3A_1016 = tpu.memref_slice %arg2[%shift_right_logical3A_924, %dma_start3A_1012, %mul3A_930, %mul3A_934] : memref<8x19x512x512xf32, #tpu.memory_space<hbm>> -> memref<1x1x8x128xf32, #tpu.memory_space<hbm>>
        %dma_start3A_1017 = tpu.memref_squeeze %dma_start3A_1016 : memref<1x1x8x128xf32, #tpu.memory_space<hbm>> -> memref<8x128xf32, #tpu.memory_space<hbm>>
        %dma_start3A_1018 = arith.constant 208 : i32
        %dma_start3A_1019 = arith.constant 0 : i32
        %dma_start3A_1020 = tpu.memref_slice %arg7[%dma_start3A_1018, %dma_start3A_1019] : memref<608x128xf32, #tpu.memory_space<vmem>> -> memref<8x128xf32, #tpu.memory_space<vmem>>
        %dma_start3A_1021 = tpu.memref_slice %arg2[%shift_right_logical3A_924, %dma_start3A_1012, %mul3A_930, %mul3A_934] : memref<8x19x512x512xf32, #tpu.memory_space<hbm>> -> memref<1x1x8x128xf32, #tpu.memory_space<hbm>>
        %dma_start3A_1022 = tpu.memref_squeeze %dma_start3A_1021 : memref<1x1x8x128xf32, #tpu.memory_space<hbm>> -> memref<8x128xf32, #tpu.memory_space<hbm>>
        tpu.enqueue_dma source(%dma_start3A_1022 : memref<8x128xf32, #tpu.memory_space<hbm>>) target(%dma_start3A_1020 : memref<8x128xf32, #tpu.memory_space<vmem>>) target_semaphore(%arg13 : memref<!tpu.dma_semaphore, #tpu.memory_space<semaphore_mem>>)
        %dma_start3A_1023 = arith.constant 8 : i32
        %dma_start3A_1024 = arith.constant 216 : i32
        %dma_start3A_1025 = arith.constant 0 : i32
        %dma_start3A_1026 = tpu.memref_slice %arg7[%dma_start3A_1024, %dma_start3A_1025] : memref<608x128xf32, #tpu.memory_space<vmem>> -> memref<8x128xf32, #tpu.memory_space<vmem>>
        %dma_start3A_1027 = tpu.memref_slice %arg2[%shift_right_logical3A_924, %dma_start3A_1023, %mul3A_930, %mul3A_934] : memref<8x19x512x512xf32, #tpu.memory_space<hbm>> -> memref<1x1x8x128xf32, #tpu.memory_space<hbm>>
        %dma_start3A_1028 = tpu.memref_squeeze %dma_start3A_1027 : memref<1x1x8x128xf32, #tpu.memory_space<hbm>> -> memref<8x128xf32, #tpu.memory_space<hbm>>
        %dma_start3A_1029 = arith.constant 216 : i32
        %dma_start3A_1030 = arith.constant 0 : i32
        %dma_start3A_1031 = tpu.memref_slice %arg7[%dma_start3A_1029, %dma_start3A_1030] : memref<608x128xf32, #tpu.memory_space<vmem>> -> memref<8x128xf32, #tpu.memory_space<vmem>>
        %dma_start3A_1032 = tpu.memref_slice %arg2[%shift_right_logical3A_924, %dma_start3A_1023, %mul3A_930, %mul3A_934] : memref<8x19x512x512xf32, #tpu.memory_space<hbm>> -> memref<1x1x8x128xf32, #tpu.memory_space<hbm>>
        %dma_start3A_1033 = tpu.memref_squeeze %dma_start3A_1032 : memref<1x1x8x128xf32, #tpu.memory_space<hbm>> -> memref<8x128xf32, #tpu.memory_space<hbm>>
        tpu.enqueue_dma source(%dma_start3A_1033 : memref<8x128xf32, #tpu.memory_space<hbm>>) target(%dma_start3A_1031 : memref<8x128xf32, #tpu.memory_space<vmem>>) target_semaphore(%arg13 : memref<!tpu.dma_semaphore, #tpu.memory_space<semaphore_mem>>)
        %dma_start3A_1034 = arith.constant 9 : i32
        %dma_start3A_1035 = arith.constant 224 : i32
        %dma_start3A_1036 = arith.constant 0 : i32
        %dma_start3A_1037 = tpu.memref_slice %arg7[%dma_start3A_1035, %dma_start3A_1036] : memref<608x128xf32, #tpu.memory_space<vmem>> -> memref<8x128xf32, #tpu.memory_space<vmem>>
        %dma_start3A_1038 = tpu.memref_slice %arg2[%shift_right_logical3A_924, %dma_start3A_1034, %mul3A_930, %mul3A_934] : memref<8x19x512x512xf32, #tpu.memory_space<hbm>> -> memref<1x1x8x128xf32, #tpu.memory_space<hbm>>
        %dma_start3A_1039 = tpu.memref_squeeze %dma_start3A_1038 : memref<1x1x8x128xf32, #tpu.memory_space<hbm>> -> memref<8x128xf32, #tpu.memory_space<hbm>>
        %dma_start3A_1040 = arith.constant 224 : i32
        %dma_start3A_1041 = arith.constant 0 : i32
        %dma_start3A_1042 = tpu.memref_slice %arg7[%dma_start3A_1040, %dma_start3A_1041] : memref<608x128xf32, #tpu.memory_space<vmem>> -> memref<8x128xf32, #tpu.memory_space<vmem>>
        %dma_start3A_1043 = tpu.memref_slice %arg2[%shift_right_logical3A_924, %dma_start3A_1034, %mul3A_930, %mul3A_934] : memref<8x19x512x512xf32, #tpu.memory_space<hbm>> -> memref<1x1x8x128xf32, #tpu.memory_space<hbm>>
        %dma_start3A_1044 = tpu.memref_squeeze %dma_start3A_1043 : memref<1x1x8x128xf32, #tpu.memory_space<hbm>> -> memref<8x128xf32, #tpu.memory_space<hbm>>
        tpu.enqueue_dma source(%dma_start3A_1044 : memref<8x128xf32, #tpu.memory_space<hbm>>) target(%dma_start3A_1042 : memref<8x128xf32, #tpu.memory_space<vmem>>) target_semaphore(%arg13 : memref<!tpu.dma_semaphore, #tpu.memory_space<semaphore_mem>>)
        %dma_start3A_1045 = arith.constant 10 : i32
        %dma_start3A_1046 = arith.constant 232 : i32
        %dma_start3A_1047 = arith.constant 0 : i32
        %dma_start3A_1048 = tpu.memref_slice %arg7[%dma_start3A_1046, %dma_start3A_1047] : memref<608x128xf32, #tpu.memory_space<vmem>> -> memref<8x128xf32, #tpu.memory_space<vmem>>
        %dma_start3A_1049 = tpu.memref_slice %arg2[%shift_right_logical3A_924, %dma_start3A_1045, %mul3A_930, %mul3A_934] : memref<8x19x512x512xf32, #tpu.memory_space<hbm>> -> memref<1x1x8x128xf32, #tpu.memory_space<hbm>>
        %dma_start3A_1050 = tpu.memref_squeeze %dma_start3A_1049 : memref<1x1x8x128xf32, #tpu.memory_space<hbm>> -> memref<8x128xf32, #tpu.memory_space<hbm>>
        %dma_start3A_1051 = arith.constant 232 : i32
        %dma_start3A_1052 = arith.constant 0 : i32
        %dma_start3A_1053 = tpu.memref_slice %arg7[%dma_start3A_1051, %dma_start3A_1052] : memref<608x128xf32, #tpu.memory_space<vmem>> -> memref<8x128xf32, #tpu.memory_space<vmem>>
        %dma_start3A_1054 = tpu.memref_slice %arg2[%shift_right_logical3A_924, %dma_start3A_1045, %mul3A_930, %mul3A_934] : memref<8x19x512x512xf32, #tpu.memory_space<hbm>> -> memref<1x1x8x128xf32, #tpu.memory_space<hbm>>
        %dma_start3A_1055 = tpu.memref_squeeze %dma_start3A_1054 : memref<1x1x8x128xf32, #tpu.memory_space<hbm>> -> memref<8x128xf32, #tpu.memory_space<hbm>>
        tpu.enqueue_dma source(%dma_start3A_1055 : memref<8x128xf32, #tpu.memory_space<hbm>>) target(%dma_start3A_1053 : memref<8x128xf32, #tpu.memory_space<vmem>>) target_semaphore(%arg13 : memref<!tpu.dma_semaphore, #tpu.memory_space<semaphore_mem>>)
        %dma_start3A_1056 = arith.constant 11 : i32
        %dma_start3A_1057 = arith.constant 240 : i32
        %dma_start3A_1058 = arith.constant 0 : i32
        %dma_start3A_1059 = tpu.memref_slice %arg7[%dma_start3A_1057, %dma_start3A_1058] : memref<608x128xf32, #tpu.memory_space<vmem>> -> memref<8x128xf32, #tpu.memory_space<vmem>>
        %dma_start3A_1060 = tpu.memref_slice %arg2[%shift_right_logical3A_924, %dma_start3A_1056, %mul3A_930, %mul3A_934] : memref<8x19x512x512xf32, #tpu.memory_space<hbm>> -> memref<1x1x8x128xf32, #tpu.memory_space<hbm>>
        %dma_start3A_1061 = tpu.memref_squeeze %dma_start3A_1060 : memref<1x1x8x128xf32, #tpu.memory_space<hbm>> -> memref<8x128xf32, #tpu.memory_space<hbm>>
        %dma_start3A_1062 = arith.constant 240 : i32
        %dma_start3A_1063 = arith.constant 0 : i32
        %dma_start3A_1064 = tpu.memref_slice %arg7[%dma_start3A_1062, %dma_start3A_1063] : memref<608x128xf32, #tpu.memory_space<vmem>> -> memref<8x128xf32, #tpu.memory_space<vmem>>
        %dma_start3A_1065 = tpu.memref_slice %arg2[%shift_right_logical3A_924, %dma_start3A_1056, %mul3A_930, %mul3A_934] : memref<8x19x512x512xf32, #tpu.memory_space<hbm>> -> memref<1x1x8x128xf32, #tpu.memory_space<hbm>>
        %dma_start3A_1066 = tpu.memref_squeeze %dma_start3A_1065 : memref<1x1x8x128xf32, #tpu.memory_space<hbm>> -> memref<8x128xf32, #tpu.memory_space<hbm>>
        tpu.enqueue_dma source(%dma_start3A_1066 : memref<8x128xf32, #tpu.memory_space<hbm>>) target(%dma_start3A_1064 : memref<8x128xf32, #tpu.memory_space<vmem>>) target_semaphore(%arg13 : memref<!tpu.dma_semaphore, #tpu.memory_space<semaphore_mem>>)
        %dma_start3A_1067 = arith.constant 12 : i32
        %dma_start3A_1068 = arith.constant 248 : i32
        %dma_start3A_1069 = arith.constant 0 : i32
        %dma_start3A_1070 = tpu.memref_slice %arg7[%dma_start3A_1068, %dma_start3A_1069] : memref<608x128xf32, #tpu.memory_space<vmem>> -> memref<8x128xf32, #tpu.memory_space<vmem>>
        %dma_start3A_1071 = tpu.memref_slice %arg2[%shift_right_logical3A_924, %dma_start3A_1067, %mul3A_930, %mul3A_934] : memref<8x19x512x512xf32, #tpu.memory_space<hbm>> -> memref<1x1x8x128xf32, #tpu.memory_space<hbm>>
        %dma_start3A_1072 = tpu.memref_squeeze %dma_start3A_1071 : memref<1x1x8x128xf32, #tpu.memory_space<hbm>> -> memref<8x128xf32, #tpu.memory_space<hbm>>
        %dma_start3A_1073 = arith.constant 248 : i32
        %dma_start3A_1074 = arith.constant 0 : i32
        %dma_start3A_1075 = tpu.memref_slice %arg7[%dma_start3A_1073, %dma_start3A_1074] : memref<608x128xf32, #tpu.memory_space<vmem>> -> memref<8x128xf32, #tpu.memory_space<vmem>>
        %dma_start3A_1076 = tpu.memref_slice %arg2[%shift_right_logical3A_924, %dma_start3A_1067, %mul3A_930, %mul3A_934] : memref<8x19x512x512xf32, #tpu.memory_space<hbm>> -> memref<1x1x8x128xf32, #tpu.memory_space<hbm>>
        %dma_start3A_1077 = tpu.memref_squeeze %dma_start3A_1076 : memref<1x1x8x128xf32, #tpu.memory_space<hbm>> -> memref<8x128xf32, #tpu.memory_space<hbm>>
        tpu.enqueue_dma source(%dma_start3A_1077 : memref<8x128xf32, #tpu.memory_space<hbm>>) target(%dma_start3A_1075 : memref<8x128xf32, #tpu.memory_space<vmem>>) target_semaphore(%arg13 : memref<!tpu.dma_semaphore, #tpu.memory_space<semaphore_mem>>)
        %dma_start3A_1078 = arith.constant 13 : i32
        %dma_start3A_1079 = arith.constant 256 : i32
        %dma_start3A_1080 = arith.constant 0 : i32
        %dma_start3A_1081 = tpu.memref_slice %arg7[%dma_start3A_1079, %dma_start3A_1080] : memref<608x128xf32, #tpu.memory_space<vmem>> -> memref<8x128xf32, #tpu.memory_space<vmem>>
        %dma_start3A_1082 = tpu.memref_slice %arg2[%shift_right_logical3A_924, %dma_start3A_1078, %mul3A_930, %mul3A_934] : memref<8x19x512x512xf32, #tpu.memory_space<hbm>> -> memref<1x1x8x128xf32, #tpu.memory_space<hbm>>
        %dma_start3A_1083 = tpu.memref_squeeze %dma_start3A_1082 : memref<1x1x8x128xf32, #tpu.memory_space<hbm>> -> memref<8x128xf32, #tpu.memory_space<hbm>>
        %dma_start3A_1084 = arith.constant 256 : i32
        %dma_start3A_1085 = arith.constant 0 : i32
        %dma_start3A_1086 = tpu.memref_slice %arg7[%dma_start3A_1084, %dma_start3A_1085] : memref<608x128xf32, #tpu.memory_space<vmem>> -> memref<8x128xf32, #tpu.memory_space<vmem>>
        %dma_start3A_1087 = tpu.memref_slice %arg2[%shift_right_logical3A_924, %dma_start3A_1078, %mul3A_930, %mul3A_934] : memref<8x19x512x512xf32, #tpu.memory_space<hbm>> -> memref<1x1x8x128xf32, #tpu.memory_space<hbm>>
        %dma_start3A_1088 = tpu.memref_squeeze %dma_start3A_1087 : memref<1x1x8x128xf32, #tpu.memory_space<hbm>> -> memref<8x128xf32, #tpu.memory_space<hbm>>
        tpu.enqueue_dma source(%dma_start3A_1088 : memref<8x128xf32, #tpu.memory_space<hbm>>) target(%dma_start3A_1086 : memref<8x128xf32, #tpu.memory_space<vmem>>) target_semaphore(%arg13 : memref<!tpu.dma_semaphore, #tpu.memory_space<semaphore_mem>>)
        %dma_start3A_1089 = arith.constant 14 : i32
        %dma_start3A_1090 = arith.constant 264 : i32
        %dma_start3A_1091 = arith.constant 0 : i32
        %dma_start3A_1092 = tpu.memref_slice %arg7[%dma_start3A_1090, %dma_start3A_1091] : memref<608x128xf32, #tpu.memory_space<vmem>> -> memref<8x128xf32, #tpu.memory_space<vmem>>
        %dma_start3A_1093 = tpu.memref_slice %arg2[%shift_right_logical3A_924, %dma_start3A_1089, %mul3A_930, %mul3A_934] : memref<8x19x512x512xf32, #tpu.memory_space<hbm>> -> memref<1x1x8x128xf32, #tpu.memory_space<hbm>>
        %dma_start3A_1094 = tpu.memref_squeeze %dma_start3A_1093 : memref<1x1x8x128xf32, #tpu.memory_space<hbm>> -> memref<8x128xf32, #tpu.memory_space<hbm>>
        %dma_start3A_1095 = arith.constant 264 : i32
        %dma_start3A_1096 = arith.constant 0 : i32
        %dma_start3A_1097 = tpu.memref_slice %arg7[%dma_start3A_1095, %dma_start3A_1096] : memref<608x128xf32, #tpu.memory_space<vmem>> -> memref<8x128xf32, #tpu.memory_space<vmem>>
        %dma_start3A_1098 = tpu.memref_slice %arg2[%shift_right_logical3A_924, %dma_start3A_1089, %mul3A_930, %mul3A_934] : memref<8x19x512x512xf32, #tpu.memory_space<hbm>> -> memref<1x1x8x128xf32, #tpu.memory_space<hbm>>
        %dma_start3A_1099 = tpu.memref_squeeze %dma_start3A_1098 : memref<1x1x8x128xf32, #tpu.memory_space<hbm>> -> memref<8x128xf32, #tpu.memory_space<hbm>>
        tpu.enqueue_dma source(%dma_start3A_1099 : memref<8x128xf32, #tpu.memory_space<hbm>>) target(%dma_start3A_1097 : memref<8x128xf32, #tpu.memory_space<vmem>>) target_semaphore(%arg13 : memref<!tpu.dma_semaphore, #tpu.memory_space<semaphore_mem>>)
        %dma_start3A_1100 = arith.constant 15 : i32
        %dma_start3A_1101 = arith.constant 272 : i32
        %dma_start3A_1102 = arith.constant 0 : i32
        %dma_start3A_1103 = tpu.memref_slice %arg7[%dma_start3A_1101, %dma_start3A_1102] : memref<608x128xf32, #tpu.memory_space<vmem>> -> memref<8x128xf32, #tpu.memory_space<vmem>>
        %dma_start3A_1104 = tpu.memref_slice %arg2[%shift_right_logical3A_924, %dma_start3A_1100, %mul3A_930, %mul3A_934] : memref<8x19x512x512xf32, #tpu.memory_space<hbm>> -> memref<1x1x8x128xf32, #tpu.memory_space<hbm>>
        %dma_start3A_1105 = tpu.memref_squeeze %dma_start3A_1104 : memref<1x1x8x128xf32, #tpu.memory_space<hbm>> -> memref<8x128xf32, #tpu.memory_space<hbm>>
        %dma_start3A_1106 = arith.constant 272 : i32
        %dma_start3A_1107 = arith.constant 0 : i32
        %dma_start3A_1108 = tpu.memref_slice %arg7[%dma_start3A_1106, %dma_start3A_1107] : memref<608x128xf32, #tpu.memory_space<vmem>> -> memref<8x128xf32, #tpu.memory_space<vmem>>
        %dma_start3A_1109 = tpu.memref_slice %arg2[%shift_right_logical3A_924, %dma_start3A_1100, %mul3A_930, %mul3A_934] : memref<8x19x512x512xf32, #tpu.memory_space<hbm>> -> memref<1x1x8x128xf32, #tpu.memory_space<hbm>>
        %dma_start3A_1110 = tpu.memref_squeeze %dma_start3A_1109 : memref<1x1x8x128xf32, #tpu.memory_space<hbm>> -> memref<8x128xf32, #tpu.memory_space<hbm>>
        tpu.enqueue_dma source(%dma_start3A_1110 : memref<8x128xf32, #tpu.memory_space<hbm>>) target(%dma_start3A_1108 : memref<8x128xf32, #tpu.memory_space<vmem>>) target_semaphore(%arg13 : memref<!tpu.dma_semaphore, #tpu.memory_space<semaphore_mem>>)
        %dma_start3A_1111 = arith.constant 16 : i32
        %dma_start3A_1112 = arith.constant 280 : i32
        %dma_start3A_1113 = arith.constant 0 : i32
        %dma_start3A_1114 = tpu.memref_slice %arg7[%dma_start3A_1112, %dma_start3A_1113] : memref<608x128xf32, #tpu.memory_space<vmem>> -> memref<8x128xf32, #tpu.memory_space<vmem>>
        %dma_start3A_1115 = tpu.memref_slice %arg2[%shift_right_logical3A_924, %dma_start3A_1111, %mul3A_930, %mul3A_934] : memref<8x19x512x512xf32, #tpu.memory_space<hbm>> -> memref<1x1x8x128xf32, #tpu.memory_space<hbm>>
        %dma_start3A_1116 = tpu.memref_squeeze %dma_start3A_1115 : memref<1x1x8x128xf32, #tpu.memory_space<hbm>> -> memref<8x128xf32, #tpu.memory_space<hbm>>
        %dma_start3A_1117 = arith.constant 280 : i32
        %dma_start3A_1118 = arith.constant 0 : i32
        %dma_start3A_1119 = tpu.memref_slice %arg7[%dma_start3A_1117, %dma_start3A_1118] : memref<608x128xf32, #tpu.memory_space<vmem>> -> memref<8x128xf32, #tpu.memory_space<vmem>>
        %dma_start3A_1120 = tpu.memref_slice %arg2[%shift_right_logical3A_924, %dma_start3A_1111, %mul3A_930, %mul3A_934] : memref<8x19x512x512xf32, #tpu.memory_space<hbm>> -> memref<1x1x8x128xf32, #tpu.memory_space<hbm>>
        %dma_start3A_1121 = tpu.memref_squeeze %dma_start3A_1120 : memref<1x1x8x128xf32, #tpu.memory_space<hbm>> -> memref<8x128xf32, #tpu.memory_space<hbm>>
        tpu.enqueue_dma source(%dma_start3A_1121 : memref<8x128xf32, #tpu.memory_space<hbm>>) target(%dma_start3A_1119 : memref<8x128xf32, #tpu.memory_space<vmem>>) target_semaphore(%arg13 : memref<!tpu.dma_semaphore, #tpu.memory_space<semaphore_mem>>)
        %dma_start3A_1122 = arith.constant 17 : i32
        %dma_start3A_1123 = arith.constant 288 : i32
        %dma_start3A_1124 = arith.constant 0 : i32
        %dma_start3A_1125 = tpu.memref_slice %arg7[%dma_start3A_1123, %dma_start3A_1124] : memref<608x128xf32, #tpu.memory_space<vmem>> -> memref<8x128xf32, #tpu.memory_space<vmem>>
        %dma_start3A_1126 = tpu.memref_slice %arg2[%shift_right_logical3A_924, %dma_start3A_1122, %mul3A_930, %mul3A_934] : memref<8x19x512x512xf32, #tpu.memory_space<hbm>> -> memref<1x1x8x128xf32, #tpu.memory_space<hbm>>
        %dma_start3A_1127 = tpu.memref_squeeze %dma_start3A_1126 : memref<1x1x8x128xf32, #tpu.memory_space<hbm>> -> memref<8x128xf32, #tpu.memory_space<hbm>>
        %dma_start3A_1128 = arith.constant 288 : i32
        %dma_start3A_1129 = arith.constant 0 : i32
        %dma_start3A_1130 = tpu.memref_slice %arg7[%dma_start3A_1128, %dma_start3A_1129] : memref<608x128xf32, #tpu.memory_space<vmem>> -> memref<8x128xf32, #tpu.memory_space<vmem>>
        %dma_start3A_1131 = tpu.memref_slice %arg2[%shift_right_logical3A_924, %dma_start3A_1122, %mul3A_930, %mul3A_934] : memref<8x19x512x512xf32, #tpu.memory_space<hbm>> -> memref<1x1x8x128xf32, #tpu.memory_space<hbm>>
        %dma_start3A_1132 = tpu.memref_squeeze %dma_start3A_1131 : memref<1x1x8x128xf32, #tpu.memory_space<hbm>> -> memref<8x128xf32, #tpu.memory_space<hbm>>
        tpu.enqueue_dma source(%dma_start3A_1132 : memref<8x128xf32, #tpu.memory_space<hbm>>) target(%dma_start3A_1130 : memref<8x128xf32, #tpu.memory_space<vmem>>) target_semaphore(%arg13 : memref<!tpu.dma_semaphore, #tpu.memory_space<semaphore_mem>>)
        %dma_start3A_1133 = arith.constant 18 : i32
        %dma_start3A_1134 = arith.constant 296 : i32
        %dma_start3A_1135 = arith.constant 0 : i32
        %dma_start3A_1136 = tpu.memref_slice %arg7[%dma_start3A_1134, %dma_start3A_1135] : memref<608x128xf32, #tpu.memory_space<vmem>> -> memref<8x128xf32, #tpu.memory_space<vmem>>
        %dma_start3A_1137 = tpu.memref_slice %arg2[%shift_right_logical3A_924, %dma_start3A_1133, %mul3A_930, %mul3A_934] : memref<8x19x512x512xf32, #tpu.memory_space<hbm>> -> memref<1x1x8x128xf32, #tpu.memory_space<hbm>>
        %dma_start3A_1138 = tpu.memref_squeeze %dma_start3A_1137 : memref<1x1x8x128xf32, #tpu.memory_space<hbm>> -> memref<8x128xf32, #tpu.memory_space<hbm>>
        %dma_start3A_1139 = arith.constant 296 : i32
        %dma_start3A_1140 = arith.constant 0 : i32
        %dma_start3A_1141 = tpu.memref_slice %arg7[%dma_start3A_1139, %dma_start3A_1140] : memref<608x128xf32, #tpu.memory_space<vmem>> -> memref<8x128xf32, #tpu.memory_space<vmem>>
        %dma_start3A_1142 = tpu.memref_slice %arg2[%shift_right_logical3A_924, %dma_start3A_1133, %mul3A_930, %mul3A_934] : memref<8x19x512x512xf32, #tpu.memory_space<hbm>> -> memref<1x1x8x128xf32, #tpu.memory_space<hbm>>
        %dma_start3A_1143 = tpu.memref_squeeze %dma_start3A_1142 : memref<1x1x8x128xf32, #tpu.memory_space<hbm>> -> memref<8x128xf32, #tpu.memory_space<hbm>>
        tpu.enqueue_dma source(%dma_start3A_1143 : memref<8x128xf32, #tpu.memory_space<hbm>>) target(%dma_start3A_1141 : memref<8x128xf32, #tpu.memory_space<vmem>>) target_semaphore(%arg13 : memref<!tpu.dma_semaphore, #tpu.memory_space<semaphore_mem>>)
        %dma_start3A_1144 = arith.constant 1 : i32
        %dma_start3A_1145 = arith.constant 0 : i32
        %dma_start3A_1146 = arith.constant 0 : i32
        %dma_start3A_1147 = tpu.memref_slice %arg8[%dma_start3A_1144, %dma_start3A_1145, %dma_start3A_1146] : memref<4x8x128xi32, #tpu.memory_space<vmem>> -> memref<1x8x128xi32, #tpu.memory_space<vmem>>
        %dma_start3A_1148 = tpu.memref_squeeze %dma_start3A_1147 : memref<1x8x128xi32, #tpu.memory_space<vmem>> -> memref<8x128xi32, #tpu.memory_space<vmem>>
        %dma_start3A_1149 = tpu.memref_slice %arg3[%shift_right_logical3A_924, %mul3A_930, %mul3A_934] : memref<8x512x512xi32, #tpu.memory_space<hbm>> -> memref<1x8x128xi32, #tpu.memory_space<hbm>>
        %dma_start3A_1150 = tpu.memref_squeeze %dma_start3A_1149 : memref<1x8x128xi32, #tpu.memory_space<hbm>> -> memref<8x128xi32, #tpu.memory_space<hbm>>
        %dma_start3A_1151 = arith.constant 0 : i32
        %dma_start3A_1152 = arith.constant 0 : i32
        %dma_start3A_1153 = tpu.memref_slice %arg8[%dma_start3A_1144, %dma_start3A_1151, %dma_start3A_1152] : memref<4x8x128xi32, #tpu.memory_space<vmem>> -> memref<1x8x128xi32, #tpu.memory_space<vmem>>
        %dma_start3A_1154 = tpu.memref_squeeze %dma_start3A_1153 : memref<1x8x128xi32, #tpu.memory_space<vmem>> -> memref<8x128xi32, #tpu.memory_space<vmem>>
        %dma_start3A_1155 = tpu.memref_slice %arg3[%shift_right_logical3A_924, %mul3A_930, %mul3A_934] : memref<8x512x512xi32, #tpu.memory_space<hbm>> -> memref<1x8x128xi32, #tpu.memory_space<hbm>>
        %dma_start3A_1156 = tpu.memref_squeeze %dma_start3A_1155 : memref<1x8x128xi32, #tpu.memory_space<hbm>> -> memref<8x128xi32, #tpu.memory_space<hbm>>
        tpu.enqueue_dma source(%dma_start3A_1156 : memref<8x128xi32, #tpu.memory_space<hbm>>) target(%dma_start3A_1154 : memref<8x128xi32, #tpu.memory_space<vmem>>) target_semaphore(%arg13 : memref<!tpu.dma_semaphore, #tpu.memory_space<semaphore_mem>>)
      } else {
      }
      %dma_wait3A_833 = arith.constant 0 : i32
      %dma_wait3A_834 = arith.constant 0 : i32
      %dma_wait3A_835 = arith.constant 304 : i32
      %dma_wait3A_836 = arith.constant 0 : i32
      %dma_wait3A_837 = tpu.memref_slice %arg7[%dma_wait3A_835, %dma_wait3A_836] : memref<608x128xf32, #tpu.memory_space<vmem>> -> memref<152x128xf32, #tpu.memory_space<vmem>>
      %dma_wait3A_838 = arith.constant 0 : i32
      %dma_wait3A_839 = arith.constant 0 : i32
      %dma_wait3A_840 = tpu.memref_slice %arg2[%dma_wait3A_833, %dma_wait3A_834, %dma_wait3A_838, %dma_wait3A_839] : memref<8x19x512x512xf32, #tpu.memory_space<hbm>> -> memref<1x1x152x128xf32, #tpu.memory_space<hbm>>
      %dma_wait3A_841 = tpu.memref_squeeze %dma_wait3A_840 : memref<1x1x152x128xf32, #tpu.memory_space<hbm>> -> memref<152x128xf32, #tpu.memory_space<hbm>>
      %dma_wait3A_842 = arith.constant 304 : i32
      %dma_wait3A_843 = arith.constant 0 : i32
      %dma_wait3A_844 = tpu.memref_slice %arg7[%dma_wait3A_842, %dma_wait3A_843] : memref<608x128xf32, #tpu.memory_space<vmem>> -> memref<152x128xf32, #tpu.memory_space<vmem>>
      %dma_wait3A_845 = arith.constant 0 : i32
      %dma_wait3A_846 = arith.constant 0 : i32
      %dma_wait3A_847 = tpu.memref_slice %arg2[%dma_wait3A_833, %dma_wait3A_834, %dma_wait3A_845, %dma_wait3A_846] : memref<8x19x512x512xf32, #tpu.memory_space<hbm>> -> memref<1x1x152x128xf32, #tpu.memory_space<hbm>>
      %dma_wait3A_848 = tpu.memref_squeeze %dma_wait3A_847 : memref<1x1x152x128xf32, #tpu.memory_space<hbm>> -> memref<152x128xf32, #tpu.memory_space<hbm>>
      tpu.wait_dma2 semaphore(%arg14 : memref<!tpu.dma_semaphore, #tpu.memory_space<semaphore_mem>>) src(%dma_wait3A_848 : memref<152x128xf32, #tpu.memory_space<hbm>>) dst(%dma_wait3A_844 : memref<152x128xf32, #tpu.memory_space<vmem>>)
      %dma_wait3A_849 = arith.constant 0 : i32
      %dma_wait3A_850 = arith.constant 2 : i32
      %dma_wait3A_851 = arith.constant 0 : i32
      %dma_wait3A_852 = arith.constant 0 : i32
      %dma_wait3A_853 = tpu.memref_slice %arg8[%dma_wait3A_850, %dma_wait3A_851, %dma_wait3A_852] : memref<4x8x128xi32, #tpu.memory_space<vmem>> -> memref<1x8x128xi32, #tpu.memory_space<vmem>>
      %dma_wait3A_854 = tpu.memref_squeeze %dma_wait3A_853 : memref<1x8x128xi32, #tpu.memory_space<vmem>> -> memref<8x128xi32, #tpu.memory_space<vmem>>
      %dma_wait3A_855 = arith.constant 0 : i32
      %dma_wait3A_856 = arith.constant 0 : i32
      %dma_wait3A_857 = tpu.memref_slice %arg3[%dma_wait3A_849, %dma_wait3A_855, %dma_wait3A_856] : memref<8x512x512xi32, #tpu.memory_space<hbm>> -> memref<1x8x128xi32, #tpu.memory_space<hbm>>
      %dma_wait3A_858 = tpu.memref_squeeze %dma_wait3A_857 : memref<1x8x128xi32, #tpu.memory_space<hbm>> -> memref<8x128xi32, #tpu.memory_space<hbm>>
      %dma_wait3A_859 = arith.constant 0 : i32
      %dma_wait3A_860 = arith.constant 0 : i32
      %dma_wait3A_861 = tpu.memref_slice %arg8[%dma_wait3A_850, %dma_wait3A_859, %dma_wait3A_860] : memref<4x8x128xi32, #tpu.memory_space<vmem>> -> memref<1x8x128xi32, #tpu.memory_space<vmem>>
      %dma_wait3A_862 = tpu.memref_squeeze %dma_wait3A_861 : memref<1x8x128xi32, #tpu.memory_space<vmem>> -> memref<8x128xi32, #tpu.memory_space<vmem>>
      %dma_wait3A_863 = arith.constant 0 : i32
      %dma_wait3A_864 = arith.constant 0 : i32
      %dma_wait3A_865 = tpu.memref_slice %arg3[%dma_wait3A_849, %dma_wait3A_863, %dma_wait3A_864] : memref<8x512x512xi32, #tpu.memory_space<hbm>> -> memref<1x8x128xi32, #tpu.memory_space<hbm>>
      %dma_wait3A_866 = tpu.memref_squeeze %dma_wait3A_865 : memref<1x8x128xi32, #tpu.memory_space<hbm>> -> memref<8x128xi32, #tpu.memory_space<hbm>>
      tpu.wait_dma2 semaphore(%arg14 : memref<!tpu.dma_semaphore, #tpu.memory_space<semaphore_mem>>) src(%dma_wait3A_866 : memref<8x128xi32, #tpu.memory_space<hbm>>) dst(%dma_wait3A_862 : memref<8x128xi32, #tpu.memory_space<vmem>>)
      %parallel_loop3A_867 = arith.constant 0 : i32
      %parallel_loop3A_868 = arith.constant 64 : i32
      %parallel_loop3A_869 = arith.constant 1 : i32
      %parallel_loop3A_870:3 = scf.for %parallel_loop3A_920 = %parallel_loop3A_867 to %parallel_loop3A_868 step %parallel_loop3A_869 iter_args(%parallel_loop3A_921 = %parallel_loop3A_821#0, %parallel_loop3A_922 = %parallel_loop3A_821#1, %parallel_loop3A_923 = %parallel_loop3A_821#2) -> (vector<16xf32>, vector<16xi32>, vector<16xf32>)  : i32 {
        %parallel_loop3A_924 = arith.constant 3 : i32
        %parallel_loop3A_925 = arith.shrui %parallel_loop3A_920, %parallel_loop3A_924 : i32
        %parallel_loop3A_926 = arith.constant 7 : i32
        %parallel_loop3A_927 = arith.andi %parallel_loop3A_920, %parallel_loop3A_926 : i32
        %parallel_loop3A_928 = arith.constant 16 : i32
        %parallel_loop3A_929 = arith.muli %parallel_loop3A_927, %parallel_loop3A_928 : i32
        %parallel_loop3A_930 = arith.constant 2 : i32
        %parallel_loop3A_931 = arith.index_cast %parallel_loop3A_930 : i32 to index
        %parallel_loop3A_932 = arith.index_cast %parallel_loop3A_925 : i32 to index
        %parallel_loop3A_933 = arith.index_cast %parallel_loop3A_929 : i32 to index
        %parallel_loop3A_934 = tpu.vector_load %arg8[%parallel_loop3A_931, %parallel_loop3A_932, %parallel_loop3A_933] {strides = array<i32>} : memref<4x8x128xi32, #tpu.memory_space<vmem>>, vector<16xi32>,
        %parallel_loop3A_935 = arith.constant 304 : i32
        %parallel_loop3A_936 = arith.addi %parallel_loop3A_935, %parallel_loop3A_925 : i32
        %parallel_loop3A_937 = arith.constant 8 : i32
        %parallel_loop3A_938 = vector.broadcast %parallel_loop3A_937 : i32 to vector<16xi32>
        %parallel_loop3A_939 = arith.muli %parallel_loop3A_934, %parallel_loop3A_938 : vector<16xi32>
        %parallel_loop3A_940 = vector.broadcast %parallel_loop3A_936 : i32 to vector<16xi32>
        %parallel_loop3A_941 = arith.addi %parallel_loop3A_940, %parallel_loop3A_939 : vector<16xi32>
        %parallel_loop3A_942 = arith.constant 16 : i32
        %parallel_loop3A_943 = arith.muli %parallel_loop3A_927, %parallel_loop3A_942 : i32
        %parallel_loop3A_944 = vector.broadcast %parallel_loop3A_943 : i32 to vector<16xi32>
        %parallel_loop3A_945 = arith.addi %parallel_loop3A_944, %iota3A : vector<16xi32>
        %parallel_loop3A_946 = tpu.vector_load_idx %arg7[%parallel_loop3A_941, %parallel_loop3A_945] : memref<608x128xf32, #tpu.memory_space<vmem>>[vector<16xi32>, vector<16xi32>], vector<16xf32>,
        %parallel_loop3A_947 = tpu.bitcast %parallel_loop3A_946 : vector<16xf32> -> vector<16xi32>
        %parallel_loop3A_948 = arith.constant 1060439283 : i32
        %parallel_loop3A_949 = vector.broadcast %parallel_loop3A_948 : i32 to vector<16xi32>
        %parallel_loop3A_950 = arith.subi %parallel_loop3A_947, %parallel_loop3A_949 : vector<16xi32>
        %parallel_loop3A_951 = arith.constant 23 : i32
        %parallel_loop3A_952 = vector.broadcast %parallel_loop3A_951 : i32 to vector<16xi32>
        %parallel_loop3A_953 = arith.shrsi %parallel_loop3A_950, %parallel_loop3A_952 : vector<16xi32>
        %parallel_loop3A_954 = arith.constant 8388607 : i32
        %parallel_loop3A_955 = vector.broadcast %parallel_loop3A_954 : i32 to vector<16xi32>
        %parallel_loop3A_956 = arith.andi %parallel_loop3A_950, %parallel_loop3A_955 : vector<16xi32>
        %parallel_loop3A_957 = arith.constant 1060439283 : i32
        %parallel_loop3A_958 = vector.broadcast %parallel_loop3A_957 : i32 to vector<16xi32>
        %parallel_loop3A_959 = arith.addi %parallel_loop3A_956, %parallel_loop3A_958 : vector<16xi32>
        %parallel_loop3A_960 = tpu.bitcast %parallel_loop3A_959 : vector<16xi32> -> vector<16xf32>
        %parallel_loop3A_961 = arith.constant 1.000000e+00 : f32
        %parallel_loop3A_962 = vector.broadcast %parallel_loop3A_961 : f32 to vector<16xf32>
        %parallel_loop3A_963 = arith.subf %parallel_loop3A_960, %parallel_loop3A_962 : vector<16xf32>
        %parallel_loop3A_964 = arith.mulf %parallel_loop3A_963, %parallel_loop3A_963 : vector<16xf32>
        %parallel_loop3A_965 = arith.constant -0.166680574 : f32
        %parallel_loop3A_966 = vector.broadcast %parallel_loop3A_965 : f32 to vector<16xf32>
        %parallel_loop3A_967 = arith.mulf %parallel_loop3A_963, %parallel_loop3A_966 : vector<16xf32>
        %parallel_loop3A_968 = arith.constant 0.200007141 : f32
        %parallel_loop3A_969 = vector.broadcast %parallel_loop3A_968 : f32 to vector<16xf32>
        %parallel_loop3A_970 = arith.addf %parallel_loop3A_967, %parallel_loop3A_969 : vector<16xf32>
        %parallel_loop3A_971 = arith.mulf %parallel_loop3A_970, %parallel_loop3A_963 : vector<16xf32>
        %parallel_loop3A_972 = arith.constant -0.24999994 : f32
        %parallel_loop3A_973 = vector.broadcast %parallel_loop3A_972 : f32 to vector<16xf32>
        %parallel_loop3A_974 = arith.addf %parallel_loop3A_971, %parallel_loop3A_973 : vector<16xf32>
        %parallel_loop3A_975 = arith.mulf %parallel_loop3A_974, %parallel_loop3A_963 : vector<16xf32>
        %parallel_loop3A_976 = arith.constant 0.333333313 : f32
        %parallel_loop3A_977 = vector.broadcast %parallel_loop3A_976 : f32 to vector<16xf32>
        %parallel_loop3A_978 = arith.addf %parallel_loop3A_975, %parallel_loop3A_977 : vector<16xf32>
        %parallel_loop3A_979 = arith.mulf %parallel_loop3A_978, %parallel_loop3A_963 : vector<16xf32>
        %parallel_loop3A_980 = arith.mulf %parallel_loop3A_979, %parallel_loop3A_964 : vector<16xf32>
        %parallel_loop3A_981 = arith.constant 5.000000e-01 : f32
        %parallel_loop3A_982 = vector.broadcast %parallel_loop3A_981 : f32 to vector<16xf32>
        %parallel_loop3A_983 = arith.mulf %parallel_loop3A_982, %parallel_loop3A_964 : vector<16xf32>
        %parallel_loop3A_984 = arith.subf %parallel_loop3A_980, %parallel_loop3A_983 : vector<16xf32>
        %parallel_loop3A_985 = arith.addf %parallel_loop3A_963, %parallel_loop3A_984 : vector<16xf32>
        %parallel_loop3A_986 = arith.addf %parallel_loop3A_921, %parallel_loop3A_985 : vector<16xf32>
        %parallel_loop3A_987 = arith.addi %parallel_loop3A_922, %parallel_loop3A_953 : vector<16xi32>
        %parallel_loop3A_988 = arith.constant 1.000000e+00 : f32
        %parallel_loop3A_989 = vector.broadcast %parallel_loop3A_988 : f32 to vector<16xf32>
        %parallel_loop3A_990 = arith.cmpf one, %parallel_loop3A_946, %parallel_loop3A_989 : vector<16xf32>
        %parallel_loop3A_991 = arith.constant 1.000000e+00 : f32
        %parallel_loop3A_992 = arith.constant 0.000000e+00 : f32
        %parallel_loop3A_993 = vector.broadcast %parallel_loop3A_991 : f32 to vector<16xf32>
        %parallel_loop3A_994 = vector.broadcast %parallel_loop3A_992 : f32 to vector<16xf32>
        %parallel_loop3A_995 = arith.select %parallel_loop3A_990, %parallel_loop3A_993, %parallel_loop3A_994 : vector<16xi1>, vector<16xf32>
        %parallel_loop3A_996 = arith.addf %parallel_loop3A_923, %parallel_loop3A_995 : vector<16xf32>
        scf.yield %parallel_loop3A_986, %parallel_loop3A_987, %parallel_loop3A_996 : vector<16xf32>, vector<16xi32>, vector<16xf32>
      } {sc.loop_unroll_factor = 8 : i64, sc.parallel_access}
      %mul3A_871 = arith.constant 4 : i32
      %mul3A_872 = arith.muli %scan3A_725, %mul3A_871 : i32
      %add3A_873 = arith.constant 3 : i32
      %add3A_874 = arith.addi %mul3A_872, %add3A_873 : i32
      %add3A_875 = arith.constant 3 : i32
      %add3A_876 = arith.addi %add3A_874, %add3A_875 : i32
      %lt3A_877 = arith.constant 40 : i32
      %lt3A_878 = arith.cmpi slt, %add3A_876, %lt3A_877 : i32
      %convert_element_type3A_879 = arith.extui %lt3A_878 : i1 to i32
      %cond3A_880 = arith.constant 0 : i32
      %cond3A_881 = arith.cmpi ne, %convert_element_type3A_879, %cond3A_880 : i32
      scf.if %cond3A_881 {
        %mul3A_920 = arith.constant 40 : i32
        %mul3A_921 = arith.muli %add3A, %mul3A_920 : i32
        %add3A_922 = arith.addi %mul3A_921, %add3A_876 : i32
        %shift_right_logical3A_923 = arith.constant 8 : i32
        %shift_right_logical3A_924 = arith.shrui %add3A_922, %shift_right_logical3A_923 : i32
        %shift_right_logical3A_925 = arith.constant 2 : i32
        %shift_right_logical3A_926 = arith.shrui %add3A_922, %shift_right_logical3A_925 : i32
        %and3A_927 = arith.constant 63 : i32
        %and3A_928 = arith.andi %shift_right_logical3A_926, %and3A_927 : i32
        %mul3A_929 = arith.constant 8 : i32
        %mul3A_930 = arith.muli %and3A_928, %mul3A_929 : i32
        %and3A_931 = arith.constant 3 : i32
        %and3A_932 = arith.andi %add3A_922, %and3A_931 : i32
        %mul3A_933 = arith.constant 128 : i32
        %mul3A_934 = arith.muli %and3A_932, %mul3A_933 : i32
        %dma_start3A_935 = arith.constant 0 : i32
        %dma_start3A_936 = arith.constant 304 : i32
        %dma_start3A_937 = arith.constant 0 : i32
        %dma_start3A_938 = tpu.memref_slice %arg7[%dma_start3A_936, %dma_start3A_937] : memref<608x128xf32, #tpu.memory_space<vmem>> -> memref<8x128xf32, #tpu.memory_space<vmem>>
        %dma_start3A_939 = tpu.memref_slice %arg2[%shift_right_logical3A_924, %dma_start3A_935, %mul3A_930, %mul3A_934] : memref<8x19x512x512xf32, #tpu.memory_space<hbm>> -> memref<1x1x8x128xf32, #tpu.memory_space<hbm>>
        %dma_start3A_940 = tpu.memref_squeeze %dma_start3A_939 : memref<1x1x8x128xf32, #tpu.memory_space<hbm>> -> memref<8x128xf32, #tpu.memory_space<hbm>>
        %dma_start3A_941 = arith.constant 304 : i32
        %dma_start3A_942 = arith.constant 0 : i32
        %dma_start3A_943 = tpu.memref_slice %arg7[%dma_start3A_941, %dma_start3A_942] : memref<608x128xf32, #tpu.memory_space<vmem>> -> memref<8x128xf32, #tpu.memory_space<vmem>>
        %dma_start3A_944 = tpu.memref_slice %arg2[%shift_right_logical3A_924, %dma_start3A_935, %mul3A_930, %mul3A_934] : memref<8x19x512x512xf32, #tpu.memory_space<hbm>> -> memref<1x1x8x128xf32, #tpu.memory_space<hbm>>
        %dma_start3A_945 = tpu.memref_squeeze %dma_start3A_944 : memref<1x1x8x128xf32, #tpu.memory_space<hbm>> -> memref<8x128xf32, #tpu.memory_space<hbm>>
        tpu.enqueue_dma source(%dma_start3A_945 : memref<8x128xf32, #tpu.memory_space<hbm>>) target(%dma_start3A_943 : memref<8x128xf32, #tpu.memory_space<vmem>>) target_semaphore(%arg14 : memref<!tpu.dma_semaphore, #tpu.memory_space<semaphore_mem>>)
        %dma_start3A_946 = arith.constant 1 : i32
        %dma_start3A_947 = arith.constant 312 : i32
        %dma_start3A_948 = arith.constant 0 : i32
        %dma_start3A_949 = tpu.memref_slice %arg7[%dma_start3A_947, %dma_start3A_948] : memref<608x128xf32, #tpu.memory_space<vmem>> -> memref<8x128xf32, #tpu.memory_space<vmem>>
        %dma_start3A_950 = tpu.memref_slice %arg2[%shift_right_logical3A_924, %dma_start3A_946, %mul3A_930, %mul3A_934] : memref<8x19x512x512xf32, #tpu.memory_space<hbm>> -> memref<1x1x8x128xf32, #tpu.memory_space<hbm>>
        %dma_start3A_951 = tpu.memref_squeeze %dma_start3A_950 : memref<1x1x8x128xf32, #tpu.memory_space<hbm>> -> memref<8x128xf32, #tpu.memory_space<hbm>>
        %dma_start3A_952 = arith.constant 312 : i32
        %dma_start3A_953 = arith.constant 0 : i32
        %dma_start3A_954 = tpu.memref_slice %arg7[%dma_start3A_952, %dma_start3A_953] : memref<608x128xf32, #tpu.memory_space<vmem>> -> memref<8x128xf32, #tpu.memory_space<vmem>>
        %dma_start3A_955 = tpu.memref_slice %arg2[%shift_right_logical3A_924, %dma_start3A_946, %mul3A_930, %mul3A_934] : memref<8x19x512x512xf32, #tpu.memory_space<hbm>> -> memref<1x1x8x128xf32, #tpu.memory_space<hbm>>
        %dma_start3A_956 = tpu.memref_squeeze %dma_start3A_955 : memref<1x1x8x128xf32, #tpu.memory_space<hbm>> -> memref<8x128xf32, #tpu.memory_space<hbm>>
        tpu.enqueue_dma source(%dma_start3A_956 : memref<8x128xf32, #tpu.memory_space<hbm>>) target(%dma_start3A_954 : memref<8x128xf32, #tpu.memory_space<vmem>>) target_semaphore(%arg14 : memref<!tpu.dma_semaphore, #tpu.memory_space<semaphore_mem>>)
        %dma_start3A_957 = arith.constant 2 : i32
        %dma_start3A_958 = arith.constant 320 : i32
        %dma_start3A_959 = arith.constant 0 : i32
        %dma_start3A_960 = tpu.memref_slice %arg7[%dma_start3A_958, %dma_start3A_959] : memref<608x128xf32, #tpu.memory_space<vmem>> -> memref<8x128xf32, #tpu.memory_space<vmem>>
        %dma_start3A_961 = tpu.memref_slice %arg2[%shift_right_logical3A_924, %dma_start3A_957, %mul3A_930, %mul3A_934] : memref<8x19x512x512xf32, #tpu.memory_space<hbm>> -> memref<1x1x8x128xf32, #tpu.memory_space<hbm>>
        %dma_start3A_962 = tpu.memref_squeeze %dma_start3A_961 : memref<1x1x8x128xf32, #tpu.memory_space<hbm>> -> memref<8x128xf32, #tpu.memory_space<hbm>>
        %dma_start3A_963 = arith.constant 320 : i32
        %dma_start3A_964 = arith.constant 0 : i32
        %dma_start3A_965 = tpu.memref_slice %arg7[%dma_start3A_963, %dma_start3A_964] : memref<608x128xf32, #tpu.memory_space<vmem>> -> memref<8x128xf32, #tpu.memory_space<vmem>>
        %dma_start3A_966 = tpu.memref_slice %arg2[%shift_right_logical3A_924, %dma_start3A_957, %mul3A_930, %mul3A_934] : memref<8x19x512x512xf32, #tpu.memory_space<hbm>> -> memref<1x1x8x128xf32, #tpu.memory_space<hbm>>
        %dma_start3A_967 = tpu.memref_squeeze %dma_start3A_966 : memref<1x1x8x128xf32, #tpu.memory_space<hbm>> -> memref<8x128xf32, #tpu.memory_space<hbm>>
        tpu.enqueue_dma source(%dma_start3A_967 : memref<8x128xf32, #tpu.memory_space<hbm>>) target(%dma_start3A_965 : memref<8x128xf32, #tpu.memory_space<vmem>>) target_semaphore(%arg14 : memref<!tpu.dma_semaphore, #tpu.memory_space<semaphore_mem>>)
        %dma_start3A_968 = arith.constant 3 : i32
        %dma_start3A_969 = arith.constant 328 : i32
        %dma_start3A_970 = arith.constant 0 : i32
        %dma_start3A_971 = tpu.memref_slice %arg7[%dma_start3A_969, %dma_start3A_970] : memref<608x128xf32, #tpu.memory_space<vmem>> -> memref<8x128xf32, #tpu.memory_space<vmem>>
        %dma_start3A_972 = tpu.memref_slice %arg2[%shift_right_logical3A_924, %dma_start3A_968, %mul3A_930, %mul3A_934] : memref<8x19x512x512xf32, #tpu.memory_space<hbm>> -> memref<1x1x8x128xf32, #tpu.memory_space<hbm>>
        %dma_start3A_973 = tpu.memref_squeeze %dma_start3A_972 : memref<1x1x8x128xf32, #tpu.memory_space<hbm>> -> memref<8x128xf32, #tpu.memory_space<hbm>>
        %dma_start3A_974 = arith.constant 328 : i32
        %dma_start3A_975 = arith.constant 0 : i32
        %dma_start3A_976 = tpu.memref_slice %arg7[%dma_start3A_974, %dma_start3A_975] : memref<608x128xf32, #tpu.memory_space<vmem>> -> memref<8x128xf32, #tpu.memory_space<vmem>>
        %dma_start3A_977 = tpu.memref_slice %arg2[%shift_right_logical3A_924, %dma_start3A_968, %mul3A_930, %mul3A_934] : memref<8x19x512x512xf32, #tpu.memory_space<hbm>> -> memref<1x1x8x128xf32, #tpu.memory_space<hbm>>
        %dma_start3A_978 = tpu.memref_squeeze %dma_start3A_977 : memref<1x1x8x128xf32, #tpu.memory_space<hbm>> -> memref<8x128xf32, #tpu.memory_space<hbm>>
        tpu.enqueue_dma source(%dma_start3A_978 : memref<8x128xf32, #tpu.memory_space<hbm>>) target(%dma_start3A_976 : memref<8x128xf32, #tpu.memory_space<vmem>>) target_semaphore(%arg14 : memref<!tpu.dma_semaphore, #tpu.memory_space<semaphore_mem>>)
        %dma_start3A_979 = arith.constant 4 : i32
        %dma_start3A_980 = arith.constant 336 : i32
        %dma_start3A_981 = arith.constant 0 : i32
        %dma_start3A_982 = tpu.memref_slice %arg7[%dma_start3A_980, %dma_start3A_981] : memref<608x128xf32, #tpu.memory_space<vmem>> -> memref<8x128xf32, #tpu.memory_space<vmem>>
        %dma_start3A_983 = tpu.memref_slice %arg2[%shift_right_logical3A_924, %dma_start3A_979, %mul3A_930, %mul3A_934] : memref<8x19x512x512xf32, #tpu.memory_space<hbm>> -> memref<1x1x8x128xf32, #tpu.memory_space<hbm>>
        %dma_start3A_984 = tpu.memref_squeeze %dma_start3A_983 : memref<1x1x8x128xf32, #tpu.memory_space<hbm>> -> memref<8x128xf32, #tpu.memory_space<hbm>>
        %dma_start3A_985 = arith.constant 336 : i32
        %dma_start3A_986 = arith.constant 0 : i32
        %dma_start3A_987 = tpu.memref_slice %arg7[%dma_start3A_985, %dma_start3A_986] : memref<608x128xf32, #tpu.memory_space<vmem>> -> memref<8x128xf32, #tpu.memory_space<vmem>>
        %dma_start3A_988 = tpu.memref_slice %arg2[%shift_right_logical3A_924, %dma_start3A_979, %mul3A_930, %mul3A_934] : memref<8x19x512x512xf32, #tpu.memory_space<hbm>> -> memref<1x1x8x128xf32, #tpu.memory_space<hbm>>
        %dma_start3A_989 = tpu.memref_squeeze %dma_start3A_988 : memref<1x1x8x128xf32, #tpu.memory_space<hbm>> -> memref<8x128xf32, #tpu.memory_space<hbm>>
        tpu.enqueue_dma source(%dma_start3A_989 : memref<8x128xf32, #tpu.memory_space<hbm>>) target(%dma_start3A_987 : memref<8x128xf32, #tpu.memory_space<vmem>>) target_semaphore(%arg14 : memref<!tpu.dma_semaphore, #tpu.memory_space<semaphore_mem>>)
        %dma_start3A_990 = arith.constant 5 : i32
        %dma_start3A_991 = arith.constant 344 : i32
        %dma_start3A_992 = arith.constant 0 : i32
        %dma_start3A_993 = tpu.memref_slice %arg7[%dma_start3A_991, %dma_start3A_992] : memref<608x128xf32, #tpu.memory_space<vmem>> -> memref<8x128xf32, #tpu.memory_space<vmem>>
        %dma_start3A_994 = tpu.memref_slice %arg2[%shift_right_logical3A_924, %dma_start3A_990, %mul3A_930, %mul3A_934] : memref<8x19x512x512xf32, #tpu.memory_space<hbm>> -> memref<1x1x8x128xf32, #tpu.memory_space<hbm>>
        %dma_start3A_995 = tpu.memref_squeeze %dma_start3A_994 : memref<1x1x8x128xf32, #tpu.memory_space<hbm>> -> memref<8x128xf32, #tpu.memory_space<hbm>>
        %dma_start3A_996 = arith.constant 344 : i32
        %dma_start3A_997 = arith.constant 0 : i32
        %dma_start3A_998 = tpu.memref_slice %arg7[%dma_start3A_996, %dma_start3A_997] : memref<608x128xf32, #tpu.memory_space<vmem>> -> memref<8x128xf32, #tpu.memory_space<vmem>>
        %dma_start3A_999 = tpu.memref_slice %arg2[%shift_right_logical3A_924, %dma_start3A_990, %mul3A_930, %mul3A_934] : memref<8x19x512x512xf32, #tpu.memory_space<hbm>> -> memref<1x1x8x128xf32, #tpu.memory_space<hbm>>
        %dma_start3A_1000 = tpu.memref_squeeze %dma_start3A_999 : memref<1x1x8x128xf32, #tpu.memory_space<hbm>> -> memref<8x128xf32, #tpu.memory_space<hbm>>
        tpu.enqueue_dma source(%dma_start3A_1000 : memref<8x128xf32, #tpu.memory_space<hbm>>) target(%dma_start3A_998 : memref<8x128xf32, #tpu.memory_space<vmem>>) target_semaphore(%arg14 : memref<!tpu.dma_semaphore, #tpu.memory_space<semaphore_mem>>)
        %dma_start3A_1001 = arith.constant 6 : i32
        %dma_start3A_1002 = arith.constant 352 : i32
        %dma_start3A_1003 = arith.constant 0 : i32
        %dma_start3A_1004 = tpu.memref_slice %arg7[%dma_start3A_1002, %dma_start3A_1003] : memref<608x128xf32, #tpu.memory_space<vmem>> -> memref<8x128xf32, #tpu.memory_space<vmem>>
        %dma_start3A_1005 = tpu.memref_slice %arg2[%shift_right_logical3A_924, %dma_start3A_1001, %mul3A_930, %mul3A_934] : memref<8x19x512x512xf32, #tpu.memory_space<hbm>> -> memref<1x1x8x128xf32, #tpu.memory_space<hbm>>
        %dma_start3A_1006 = tpu.memref_squeeze %dma_start3A_1005 : memref<1x1x8x128xf32, #tpu.memory_space<hbm>> -> memref<8x128xf32, #tpu.memory_space<hbm>>
        %dma_start3A_1007 = arith.constant 352 : i32
        %dma_start3A_1008 = arith.constant 0 : i32
        %dma_start3A_1009 = tpu.memref_slice %arg7[%dma_start3A_1007, %dma_start3A_1008] : memref<608x128xf32, #tpu.memory_space<vmem>> -> memref<8x128xf32, #tpu.memory_space<vmem>>
        %dma_start3A_1010 = tpu.memref_slice %arg2[%shift_right_logical3A_924, %dma_start3A_1001, %mul3A_930, %mul3A_934] : memref<8x19x512x512xf32, #tpu.memory_space<hbm>> -> memref<1x1x8x128xf32, #tpu.memory_space<hbm>>
        %dma_start3A_1011 = tpu.memref_squeeze %dma_start3A_1010 : memref<1x1x8x128xf32, #tpu.memory_space<hbm>> -> memref<8x128xf32, #tpu.memory_space<hbm>>
        tpu.enqueue_dma source(%dma_start3A_1011 : memref<8x128xf32, #tpu.memory_space<hbm>>) target(%dma_start3A_1009 : memref<8x128xf32, #tpu.memory_space<vmem>>) target_semaphore(%arg14 : memref<!tpu.dma_semaphore, #tpu.memory_space<semaphore_mem>>)
        %dma_start3A_1012 = arith.constant 7 : i32
        %dma_start3A_1013 = arith.constant 360 : i32
        %dma_start3A_1014 = arith.constant 0 : i32
        %dma_start3A_1015 = tpu.memref_slice %arg7[%dma_start3A_1013, %dma_start3A_1014] : memref<608x128xf32, #tpu.memory_space<vmem>> -> memref<8x128xf32, #tpu.memory_space<vmem>>
        %dma_start3A_1016 = tpu.memref_slice %arg2[%shift_right_logical3A_924, %dma_start3A_1012, %mul3A_930, %mul3A_934] : memref<8x19x512x512xf32, #tpu.memory_space<hbm>> -> memref<1x1x8x128xf32, #tpu.memory_space<hbm>>
        %dma_start3A_1017 = tpu.memref_squeeze %dma_start3A_1016 : memref<1x1x8x128xf32, #tpu.memory_space<hbm>> -> memref<8x128xf32, #tpu.memory_space<hbm>>
        %dma_start3A_1018 = arith.constant 360 : i32
        %dma_start3A_1019 = arith.constant 0 : i32
        %dma_start3A_1020 = tpu.memref_slice %arg7[%dma_start3A_1018, %dma_start3A_1019] : memref<608x128xf32, #tpu.memory_space<vmem>> -> memref<8x128xf32, #tpu.memory_space<vmem>>
        %dma_start3A_1021 = tpu.memref_slice %arg2[%shift_right_logical3A_924, %dma_start3A_1012, %mul3A_930, %mul3A_934] : memref<8x19x512x512xf32, #tpu.memory_space<hbm>> -> memref<1x1x8x128xf32, #tpu.memory_space<hbm>>
        %dma_start3A_1022 = tpu.memref_squeeze %dma_start3A_1021 : memref<1x1x8x128xf32, #tpu.memory_space<hbm>> -> memref<8x128xf32, #tpu.memory_space<hbm>>
        tpu.enqueue_dma source(%dma_start3A_1022 : memref<8x128xf32, #tpu.memory_space<hbm>>) target(%dma_start3A_1020 : memref<8x128xf32, #tpu.memory_space<vmem>>) target_semaphore(%arg14 : memref<!tpu.dma_semaphore, #tpu.memory_space<semaphore_mem>>)
        %dma_start3A_1023 = arith.constant 8 : i32
        %dma_start3A_1024 = arith.constant 368 : i32
        %dma_start3A_1025 = arith.constant 0 : i32
        %dma_start3A_1026 = tpu.memref_slice %arg7[%dma_start3A_1024, %dma_start3A_1025] : memref<608x128xf32, #tpu.memory_space<vmem>> -> memref<8x128xf32, #tpu.memory_space<vmem>>
        %dma_start3A_1027 = tpu.memref_slice %arg2[%shift_right_logical3A_924, %dma_start3A_1023, %mul3A_930, %mul3A_934] : memref<8x19x512x512xf32, #tpu.memory_space<hbm>> -> memref<1x1x8x128xf32, #tpu.memory_space<hbm>>
        %dma_start3A_1028 = tpu.memref_squeeze %dma_start3A_1027 : memref<1x1x8x128xf32, #tpu.memory_space<hbm>> -> memref<8x128xf32, #tpu.memory_space<hbm>>
        %dma_start3A_1029 = arith.constant 368 : i32
        %dma_start3A_1030 = arith.constant 0 : i32
        %dma_start3A_1031 = tpu.memref_slice %arg7[%dma_start3A_1029, %dma_start3A_1030] : memref<608x128xf32, #tpu.memory_space<vmem>> -> memref<8x128xf32, #tpu.memory_space<vmem>>
        %dma_start3A_1032 = tpu.memref_slice %arg2[%shift_right_logical3A_924, %dma_start3A_1023, %mul3A_930, %mul3A_934] : memref<8x19x512x512xf32, #tpu.memory_space<hbm>> -> memref<1x1x8x128xf32, #tpu.memory_space<hbm>>
        %dma_start3A_1033 = tpu.memref_squeeze %dma_start3A_1032 : memref<1x1x8x128xf32, #tpu.memory_space<hbm>> -> memref<8x128xf32, #tpu.memory_space<hbm>>
        tpu.enqueue_dma source(%dma_start3A_1033 : memref<8x128xf32, #tpu.memory_space<hbm>>) target(%dma_start3A_1031 : memref<8x128xf32, #tpu.memory_space<vmem>>) target_semaphore(%arg14 : memref<!tpu.dma_semaphore, #tpu.memory_space<semaphore_mem>>)
        %dma_start3A_1034 = arith.constant 9 : i32
        %dma_start3A_1035 = arith.constant 376 : i32
        %dma_start3A_1036 = arith.constant 0 : i32
        %dma_start3A_1037 = tpu.memref_slice %arg7[%dma_start3A_1035, %dma_start3A_1036] : memref<608x128xf32, #tpu.memory_space<vmem>> -> memref<8x128xf32, #tpu.memory_space<vmem>>
        %dma_start3A_1038 = tpu.memref_slice %arg2[%shift_right_logical3A_924, %dma_start3A_1034, %mul3A_930, %mul3A_934] : memref<8x19x512x512xf32, #tpu.memory_space<hbm>> -> memref<1x1x8x128xf32, #tpu.memory_space<hbm>>
        %dma_start3A_1039 = tpu.memref_squeeze %dma_start3A_1038 : memref<1x1x8x128xf32, #tpu.memory_space<hbm>> -> memref<8x128xf32, #tpu.memory_space<hbm>>
        %dma_start3A_1040 = arith.constant 376 : i32
        %dma_start3A_1041 = arith.constant 0 : i32
        %dma_start3A_1042 = tpu.memref_slice %arg7[%dma_start3A_1040, %dma_start3A_1041] : memref<608x128xf32, #tpu.memory_space<vmem>> -> memref<8x128xf32, #tpu.memory_space<vmem>>
        %dma_start3A_1043 = tpu.memref_slice %arg2[%shift_right_logical3A_924, %dma_start3A_1034, %mul3A_930, %mul3A_934] : memref<8x19x512x512xf32, #tpu.memory_space<hbm>> -> memref<1x1x8x128xf32, #tpu.memory_space<hbm>>
        %dma_start3A_1044 = tpu.memref_squeeze %dma_start3A_1043 : memref<1x1x8x128xf32, #tpu.memory_space<hbm>> -> memref<8x128xf32, #tpu.memory_space<hbm>>
        tpu.enqueue_dma source(%dma_start3A_1044 : memref<8x128xf32, #tpu.memory_space<hbm>>) target(%dma_start3A_1042 : memref<8x128xf32, #tpu.memory_space<vmem>>) target_semaphore(%arg14 : memref<!tpu.dma_semaphore, #tpu.memory_space<semaphore_mem>>)
        %dma_start3A_1045 = arith.constant 10 : i32
        %dma_start3A_1046 = arith.constant 384 : i32
        %dma_start3A_1047 = arith.constant 0 : i32
        %dma_start3A_1048 = tpu.memref_slice %arg7[%dma_start3A_1046, %dma_start3A_1047] : memref<608x128xf32, #tpu.memory_space<vmem>> -> memref<8x128xf32, #tpu.memory_space<vmem>>
        %dma_start3A_1049 = tpu.memref_slice %arg2[%shift_right_logical3A_924, %dma_start3A_1045, %mul3A_930, %mul3A_934] : memref<8x19x512x512xf32, #tpu.memory_space<hbm>> -> memref<1x1x8x128xf32, #tpu.memory_space<hbm>>
        %dma_start3A_1050 = tpu.memref_squeeze %dma_start3A_1049 : memref<1x1x8x128xf32, #tpu.memory_space<hbm>> -> memref<8x128xf32, #tpu.memory_space<hbm>>
        %dma_start3A_1051 = arith.constant 384 : i32
        %dma_start3A_1052 = arith.constant 0 : i32
        %dma_start3A_1053 = tpu.memref_slice %arg7[%dma_start3A_1051, %dma_start3A_1052] : memref<608x128xf32, #tpu.memory_space<vmem>> -> memref<8x128xf32, #tpu.memory_space<vmem>>
        %dma_start3A_1054 = tpu.memref_slice %arg2[%shift_right_logical3A_924, %dma_start3A_1045, %mul3A_930, %mul3A_934] : memref<8x19x512x512xf32, #tpu.memory_space<hbm>> -> memref<1x1x8x128xf32, #tpu.memory_space<hbm>>
        %dma_start3A_1055 = tpu.memref_squeeze %dma_start3A_1054 : memref<1x1x8x128xf32, #tpu.memory_space<hbm>> -> memref<8x128xf32, #tpu.memory_space<hbm>>
        tpu.enqueue_dma source(%dma_start3A_1055 : memref<8x128xf32, #tpu.memory_space<hbm>>) target(%dma_start3A_1053 : memref<8x128xf32, #tpu.memory_space<vmem>>) target_semaphore(%arg14 : memref<!tpu.dma_semaphore, #tpu.memory_space<semaphore_mem>>)
        %dma_start3A_1056 = arith.constant 11 : i32
        %dma_start3A_1057 = arith.constant 392 : i32
        %dma_start3A_1058 = arith.constant 0 : i32
        %dma_start3A_1059 = tpu.memref_slice %arg7[%dma_start3A_1057, %dma_start3A_1058] : memref<608x128xf32, #tpu.memory_space<vmem>> -> memref<8x128xf32, #tpu.memory_space<vmem>>
        %dma_start3A_1060 = tpu.memref_slice %arg2[%shift_right_logical3A_924, %dma_start3A_1056, %mul3A_930, %mul3A_934] : memref<8x19x512x512xf32, #tpu.memory_space<hbm>> -> memref<1x1x8x128xf32, #tpu.memory_space<hbm>>
        %dma_start3A_1061 = tpu.memref_squeeze %dma_start3A_1060 : memref<1x1x8x128xf32, #tpu.memory_space<hbm>> -> memref<8x128xf32, #tpu.memory_space<hbm>>
        %dma_start3A_1062 = arith.constant 392 : i32
        %dma_start3A_1063 = arith.constant 0 : i32
        %dma_start3A_1064 = tpu.memref_slice %arg7[%dma_start3A_1062, %dma_start3A_1063] : memref<608x128xf32, #tpu.memory_space<vmem>> -> memref<8x128xf32, #tpu.memory_space<vmem>>
        %dma_start3A_1065 = tpu.memref_slice %arg2[%shift_right_logical3A_924, %dma_start3A_1056, %mul3A_930, %mul3A_934] : memref<8x19x512x512xf32, #tpu.memory_space<hbm>> -> memref<1x1x8x128xf32, #tpu.memory_space<hbm>>
        %dma_start3A_1066 = tpu.memref_squeeze %dma_start3A_1065 : memref<1x1x8x128xf32, #tpu.memory_space<hbm>> -> memref<8x128xf32, #tpu.memory_space<hbm>>
        tpu.enqueue_dma source(%dma_start3A_1066 : memref<8x128xf32, #tpu.memory_space<hbm>>) target(%dma_start3A_1064 : memref<8x128xf32, #tpu.memory_space<vmem>>) target_semaphore(%arg14 : memref<!tpu.dma_semaphore, #tpu.memory_space<semaphore_mem>>)
        %dma_start3A_1067 = arith.constant 12 : i32
        %dma_start3A_1068 = arith.constant 400 : i32
        %dma_start3A_1069 = arith.constant 0 : i32
        %dma_start3A_1070 = tpu.memref_slice %arg7[%dma_start3A_1068, %dma_start3A_1069] : memref<608x128xf32, #tpu.memory_space<vmem>> -> memref<8x128xf32, #tpu.memory_space<vmem>>
        %dma_start3A_1071 = tpu.memref_slice %arg2[%shift_right_logical3A_924, %dma_start3A_1067, %mul3A_930, %mul3A_934] : memref<8x19x512x512xf32, #tpu.memory_space<hbm>> -> memref<1x1x8x128xf32, #tpu.memory_space<hbm>>
        %dma_start3A_1072 = tpu.memref_squeeze %dma_start3A_1071 : memref<1x1x8x128xf32, #tpu.memory_space<hbm>> -> memref<8x128xf32, #tpu.memory_space<hbm>>
        %dma_start3A_1073 = arith.constant 400 : i32
        %dma_start3A_1074 = arith.constant 0 : i32
        %dma_start3A_1075 = tpu.memref_slice %arg7[%dma_start3A_1073, %dma_start3A_1074] : memref<608x128xf32, #tpu.memory_space<vmem>> -> memref<8x128xf32, #tpu.memory_space<vmem>>
        %dma_start3A_1076 = tpu.memref_slice %arg2[%shift_right_logical3A_924, %dma_start3A_1067, %mul3A_930, %mul3A_934] : memref<8x19x512x512xf32, #tpu.memory_space<hbm>> -> memref<1x1x8x128xf32, #tpu.memory_space<hbm>>
        %dma_start3A_1077 = tpu.memref_squeeze %dma_start3A_1076 : memref<1x1x8x128xf32, #tpu.memory_space<hbm>> -> memref<8x128xf32, #tpu.memory_space<hbm>>
        tpu.enqueue_dma source(%dma_start3A_1077 : memref<8x128xf32, #tpu.memory_space<hbm>>) target(%dma_start3A_1075 : memref<8x128xf32, #tpu.memory_space<vmem>>) target_semaphore(%arg14 : memref<!tpu.dma_semaphore, #tpu.memory_space<semaphore_mem>>)
        %dma_start3A_1078 = arith.constant 13 : i32
        %dma_start3A_1079 = arith.constant 408 : i32
        %dma_start3A_1080 = arith.constant 0 : i32
        %dma_start3A_1081 = tpu.memref_slice %arg7[%dma_start3A_1079, %dma_start3A_1080] : memref<608x128xf32, #tpu.memory_space<vmem>> -> memref<8x128xf32, #tpu.memory_space<vmem>>
        %dma_start3A_1082 = tpu.memref_slice %arg2[%shift_right_logical3A_924, %dma_start3A_1078, %mul3A_930, %mul3A_934] : memref<8x19x512x512xf32, #tpu.memory_space<hbm>> -> memref<1x1x8x128xf32, #tpu.memory_space<hbm>>
        %dma_start3A_1083 = tpu.memref_squeeze %dma_start3A_1082 : memref<1x1x8x128xf32, #tpu.memory_space<hbm>> -> memref<8x128xf32, #tpu.memory_space<hbm>>
        %dma_start3A_1084 = arith.constant 408 : i32
        %dma_start3A_1085 = arith.constant 0 : i32
        %dma_start3A_1086 = tpu.memref_slice %arg7[%dma_start3A_1084, %dma_start3A_1085] : memref<608x128xf32, #tpu.memory_space<vmem>> -> memref<8x128xf32, #tpu.memory_space<vmem>>
        %dma_start3A_1087 = tpu.memref_slice %arg2[%shift_right_logical3A_924, %dma_start3A_1078, %mul3A_930, %mul3A_934] : memref<8x19x512x512xf32, #tpu.memory_space<hbm>> -> memref<1x1x8x128xf32, #tpu.memory_space<hbm>>
        %dma_start3A_1088 = tpu.memref_squeeze %dma_start3A_1087 : memref<1x1x8x128xf32, #tpu.memory_space<hbm>> -> memref<8x128xf32, #tpu.memory_space<hbm>>
        tpu.enqueue_dma source(%dma_start3A_1088 : memref<8x128xf32, #tpu.memory_space<hbm>>) target(%dma_start3A_1086 : memref<8x128xf32, #tpu.memory_space<vmem>>) target_semaphore(%arg14 : memref<!tpu.dma_semaphore, #tpu.memory_space<semaphore_mem>>)
        %dma_start3A_1089 = arith.constant 14 : i32
        %dma_start3A_1090 = arith.constant 416 : i32
        %dma_start3A_1091 = arith.constant 0 : i32
        %dma_start3A_1092 = tpu.memref_slice %arg7[%dma_start3A_1090, %dma_start3A_1091] : memref<608x128xf32, #tpu.memory_space<vmem>> -> memref<8x128xf32, #tpu.memory_space<vmem>>
        %dma_start3A_1093 = tpu.memref_slice %arg2[%shift_right_logical3A_924, %dma_start3A_1089, %mul3A_930, %mul3A_934] : memref<8x19x512x512xf32, #tpu.memory_space<hbm>> -> memref<1x1x8x128xf32, #tpu.memory_space<hbm>>
        %dma_start3A_1094 = tpu.memref_squeeze %dma_start3A_1093 : memref<1x1x8x128xf32, #tpu.memory_space<hbm>> -> memref<8x128xf32, #tpu.memory_space<hbm>>
        %dma_start3A_1095 = arith.constant 416 : i32
        %dma_start3A_1096 = arith.constant 0 : i32
        %dma_start3A_1097 = tpu.memref_slice %arg7[%dma_start3A_1095, %dma_start3A_1096] : memref<608x128xf32, #tpu.memory_space<vmem>> -> memref<8x128xf32, #tpu.memory_space<vmem>>
        %dma_start3A_1098 = tpu.memref_slice %arg2[%shift_right_logical3A_924, %dma_start3A_1089, %mul3A_930, %mul3A_934] : memref<8x19x512x512xf32, #tpu.memory_space<hbm>> -> memref<1x1x8x128xf32, #tpu.memory_space<hbm>>
        %dma_start3A_1099 = tpu.memref_squeeze %dma_start3A_1098 : memref<1x1x8x128xf32, #tpu.memory_space<hbm>> -> memref<8x128xf32, #tpu.memory_space<hbm>>
        tpu.enqueue_dma source(%dma_start3A_1099 : memref<8x128xf32, #tpu.memory_space<hbm>>) target(%dma_start3A_1097 : memref<8x128xf32, #tpu.memory_space<vmem>>) target_semaphore(%arg14 : memref<!tpu.dma_semaphore, #tpu.memory_space<semaphore_mem>>)
        %dma_start3A_1100 = arith.constant 15 : i32
        %dma_start3A_1101 = arith.constant 424 : i32
        %dma_start3A_1102 = arith.constant 0 : i32
        %dma_start3A_1103 = tpu.memref_slice %arg7[%dma_start3A_1101, %dma_start3A_1102] : memref<608x128xf32, #tpu.memory_space<vmem>> -> memref<8x128xf32, #tpu.memory_space<vmem>>
        %dma_start3A_1104 = tpu.memref_slice %arg2[%shift_right_logical3A_924, %dma_start3A_1100, %mul3A_930, %mul3A_934] : memref<8x19x512x512xf32, #tpu.memory_space<hbm>> -> memref<1x1x8x128xf32, #tpu.memory_space<hbm>>
        %dma_start3A_1105 = tpu.memref_squeeze %dma_start3A_1104 : memref<1x1x8x128xf32, #tpu.memory_space<hbm>> -> memref<8x128xf32, #tpu.memory_space<hbm>>
        %dma_start3A_1106 = arith.constant 424 : i32
        %dma_start3A_1107 = arith.constant 0 : i32
        %dma_start3A_1108 = tpu.memref_slice %arg7[%dma_start3A_1106, %dma_start3A_1107] : memref<608x128xf32, #tpu.memory_space<vmem>> -> memref<8x128xf32, #tpu.memory_space<vmem>>
        %dma_start3A_1109 = tpu.memref_slice %arg2[%shift_right_logical3A_924, %dma_start3A_1100, %mul3A_930, %mul3A_934] : memref<8x19x512x512xf32, #tpu.memory_space<hbm>> -> memref<1x1x8x128xf32, #tpu.memory_space<hbm>>
        %dma_start3A_1110 = tpu.memref_squeeze %dma_start3A_1109 : memref<1x1x8x128xf32, #tpu.memory_space<hbm>> -> memref<8x128xf32, #tpu.memory_space<hbm>>
        tpu.enqueue_dma source(%dma_start3A_1110 : memref<8x128xf32, #tpu.memory_space<hbm>>) target(%dma_start3A_1108 : memref<8x128xf32, #tpu.memory_space<vmem>>) target_semaphore(%arg14 : memref<!tpu.dma_semaphore, #tpu.memory_space<semaphore_mem>>)
        %dma_start3A_1111 = arith.constant 16 : i32
        %dma_start3A_1112 = arith.constant 432 : i32
        %dma_start3A_1113 = arith.constant 0 : i32
        %dma_start3A_1114 = tpu.memref_slice %arg7[%dma_start3A_1112, %dma_start3A_1113] : memref<608x128xf32, #tpu.memory_space<vmem>> -> memref<8x128xf32, #tpu.memory_space<vmem>>
        %dma_start3A_1115 = tpu.memref_slice %arg2[%shift_right_logical3A_924, %dma_start3A_1111, %mul3A_930, %mul3A_934] : memref<8x19x512x512xf32, #tpu.memory_space<hbm>> -> memref<1x1x8x128xf32, #tpu.memory_space<hbm>>
        %dma_start3A_1116 = tpu.memref_squeeze %dma_start3A_1115 : memref<1x1x8x128xf32, #tpu.memory_space<hbm>> -> memref<8x128xf32, #tpu.memory_space<hbm>>
        %dma_start3A_1117 = arith.constant 432 : i32
        %dma_start3A_1118 = arith.constant 0 : i32
        %dma_start3A_1119 = tpu.memref_slice %arg7[%dma_start3A_1117, %dma_start3A_1118] : memref<608x128xf32, #tpu.memory_space<vmem>> -> memref<8x128xf32, #tpu.memory_space<vmem>>
        %dma_start3A_1120 = tpu.memref_slice %arg2[%shift_right_logical3A_924, %dma_start3A_1111, %mul3A_930, %mul3A_934] : memref<8x19x512x512xf32, #tpu.memory_space<hbm>> -> memref<1x1x8x128xf32, #tpu.memory_space<hbm>>
        %dma_start3A_1121 = tpu.memref_squeeze %dma_start3A_1120 : memref<1x1x8x128xf32, #tpu.memory_space<hbm>> -> memref<8x128xf32, #tpu.memory_space<hbm>>
        tpu.enqueue_dma source(%dma_start3A_1121 : memref<8x128xf32, #tpu.memory_space<hbm>>) target(%dma_start3A_1119 : memref<8x128xf32, #tpu.memory_space<vmem>>) target_semaphore(%arg14 : memref<!tpu.dma_semaphore, #tpu.memory_space<semaphore_mem>>)
        %dma_start3A_1122 = arith.constant 17 : i32
        %dma_start3A_1123 = arith.constant 440 : i32
        %dma_start3A_1124 = arith.constant 0 : i32
        %dma_start3A_1125 = tpu.memref_slice %arg7[%dma_start3A_1123, %dma_start3A_1124] : memref<608x128xf32, #tpu.memory_space<vmem>> -> memref<8x128xf32, #tpu.memory_space<vmem>>
        %dma_start3A_1126 = tpu.memref_slice %arg2[%shift_right_logical3A_924, %dma_start3A_1122, %mul3A_930, %mul3A_934] : memref<8x19x512x512xf32, #tpu.memory_space<hbm>> -> memref<1x1x8x128xf32, #tpu.memory_space<hbm>>
        %dma_start3A_1127 = tpu.memref_squeeze %dma_start3A_1126 : memref<1x1x8x128xf32, #tpu.memory_space<hbm>> -> memref<8x128xf32, #tpu.memory_space<hbm>>
        %dma_start3A_1128 = arith.constant 440 : i32
        %dma_start3A_1129 = arith.constant 0 : i32
        %dma_start3A_1130 = tpu.memref_slice %arg7[%dma_start3A_1128, %dma_start3A_1129] : memref<608x128xf32, #tpu.memory_space<vmem>> -> memref<8x128xf32, #tpu.memory_space<vmem>>
        %dma_start3A_1131 = tpu.memref_slice %arg2[%shift_right_logical3A_924, %dma_start3A_1122, %mul3A_930, %mul3A_934] : memref<8x19x512x512xf32, #tpu.memory_space<hbm>> -> memref<1x1x8x128xf32, #tpu.memory_space<hbm>>
        %dma_start3A_1132 = tpu.memref_squeeze %dma_start3A_1131 : memref<1x1x8x128xf32, #tpu.memory_space<hbm>> -> memref<8x128xf32, #tpu.memory_space<hbm>>
        tpu.enqueue_dma source(%dma_start3A_1132 : memref<8x128xf32, #tpu.memory_space<hbm>>) target(%dma_start3A_1130 : memref<8x128xf32, #tpu.memory_space<vmem>>) target_semaphore(%arg14 : memref<!tpu.dma_semaphore, #tpu.memory_space<semaphore_mem>>)
        %dma_start3A_1133 = arith.constant 18 : i32
        %dma_start3A_1134 = arith.constant 448 : i32
        %dma_start3A_1135 = arith.constant 0 : i32
        %dma_start3A_1136 = tpu.memref_slice %arg7[%dma_start3A_1134, %dma_start3A_1135] : memref<608x128xf32, #tpu.memory_space<vmem>> -> memref<8x128xf32, #tpu.memory_space<vmem>>
        %dma_start3A_1137 = tpu.memref_slice %arg2[%shift_right_logical3A_924, %dma_start3A_1133, %mul3A_930, %mul3A_934] : memref<8x19x512x512xf32, #tpu.memory_space<hbm>> -> memref<1x1x8x128xf32, #tpu.memory_space<hbm>>
        %dma_start3A_1138 = tpu.memref_squeeze %dma_start3A_1137 : memref<1x1x8x128xf32, #tpu.memory_space<hbm>> -> memref<8x128xf32, #tpu.memory_space<hbm>>
        %dma_start3A_1139 = arith.constant 448 : i32
        %dma_start3A_1140 = arith.constant 0 : i32
        %dma_start3A_1141 = tpu.memref_slice %arg7[%dma_start3A_1139, %dma_start3A_1140] : memref<608x128xf32, #tpu.memory_space<vmem>> -> memref<8x128xf32, #tpu.memory_space<vmem>>
        %dma_start3A_1142 = tpu.memref_slice %arg2[%shift_right_logical3A_924, %dma_start3A_1133, %mul3A_930, %mul3A_934] : memref<8x19x512x512xf32, #tpu.memory_space<hbm>> -> memref<1x1x8x128xf32, #tpu.memory_space<hbm>>
        %dma_start3A_1143 = tpu.memref_squeeze %dma_start3A_1142 : memref<1x1x8x128xf32, #tpu.memory_space<hbm>> -> memref<8x128xf32, #tpu.memory_space<hbm>>
        tpu.enqueue_dma source(%dma_start3A_1143 : memref<8x128xf32, #tpu.memory_space<hbm>>) target(%dma_start3A_1141 : memref<8x128xf32, #tpu.memory_space<vmem>>) target_semaphore(%arg14 : memref<!tpu.dma_semaphore, #tpu.memory_space<semaphore_mem>>)
        %dma_start3A_1144 = arith.constant 2 : i32
        %dma_start3A_1145 = arith.constant 0 : i32
        %dma_start3A_1146 = arith.constant 0 : i32
        %dma_start3A_1147 = tpu.memref_slice %arg8[%dma_start3A_1144, %dma_start3A_1145, %dma_start3A_1146] : memref<4x8x128xi32, #tpu.memory_space<vmem>> -> memref<1x8x128xi32, #tpu.memory_space<vmem>>
        %dma_start3A_1148 = tpu.memref_squeeze %dma_start3A_1147 : memref<1x8x128xi32, #tpu.memory_space<vmem>> -> memref<8x128xi32, #tpu.memory_space<vmem>>
        %dma_start3A_1149 = tpu.memref_slice %arg3[%shift_right_logical3A_924, %mul3A_930, %mul3A_934] : memref<8x512x512xi32, #tpu.memory_space<hbm>> -> memref<1x8x128xi32, #tpu.memory_space<hbm>>
        %dma_start3A_1150 = tpu.memref_squeeze %dma_start3A_1149 : memref<1x8x128xi32, #tpu.memory_space<hbm>> -> memref<8x128xi32, #tpu.memory_space<hbm>>
        %dma_start3A_1151 = arith.constant 0 : i32
        %dma_start3A_1152 = arith.constant 0 : i32
        %dma_start3A_1153 = tpu.memref_slice %arg8[%dma_start3A_1144, %dma_start3A_1151, %dma_start3A_1152] : memref<4x8x128xi32, #tpu.memory_space<vmem>> -> memref<1x8x128xi32, #tpu.memory_space<vmem>>
        %dma_start3A_1154 = tpu.memref_squeeze %dma_start3A_1153 : memref<1x8x128xi32, #tpu.memory_space<vmem>> -> memref<8x128xi32, #tpu.memory_space<vmem>>
        %dma_start3A_1155 = tpu.memref_slice %arg3[%shift_right_logical3A_924, %mul3A_930, %mul3A_934] : memref<8x512x512xi32, #tpu.memory_space<hbm>> -> memref<1x8x128xi32, #tpu.memory_space<hbm>>
        %dma_start3A_1156 = tpu.memref_squeeze %dma_start3A_1155 : memref<1x8x128xi32, #tpu.memory_space<hbm>> -> memref<8x128xi32, #tpu.memory_space<hbm>>
        tpu.enqueue_dma source(%dma_start3A_1156 : memref<8x128xi32, #tpu.memory_space<hbm>>) target(%dma_start3A_1154 : memref<8x128xi32, #tpu.memory_space<vmem>>) target_semaphore(%arg14 : memref<!tpu.dma_semaphore, #tpu.memory_space<semaphore_mem>>)
      } else {
      }
      %dma_wait3A_882 = arith.constant 0 : i32
      %dma_wait3A_883 = arith.constant 0 : i32
      %dma_wait3A_884 = arith.constant 456 : i32
      %dma_wait3A_885 = arith.constant 0 : i32
      %dma_wait3A_886 = tpu.memref_slice %arg7[%dma_wait3A_884, %dma_wait3A_885] : memref<608x128xf32, #tpu.memory_space<vmem>> -> memref<152x128xf32, #tpu.memory_space<vmem>>
      %dma_wait3A_887 = arith.constant 0 : i32
      %dma_wait3A_888 = arith.constant 0 : i32
      %dma_wait3A_889 = tpu.memref_slice %arg2[%dma_wait3A_882, %dma_wait3A_883, %dma_wait3A_887, %dma_wait3A_888] : memref<8x19x512x512xf32, #tpu.memory_space<hbm>> -> memref<1x1x152x128xf32, #tpu.memory_space<hbm>>
      %dma_wait3A_890 = tpu.memref_squeeze %dma_wait3A_889 : memref<1x1x152x128xf32, #tpu.memory_space<hbm>> -> memref<152x128xf32, #tpu.memory_space<hbm>>
      %dma_wait3A_891 = arith.constant 456 : i32
      %dma_wait3A_892 = arith.constant 0 : i32
      %dma_wait3A_893 = tpu.memref_slice %arg7[%dma_wait3A_891, %dma_wait3A_892] : memref<608x128xf32, #tpu.memory_space<vmem>> -> memref<152x128xf32, #tpu.memory_space<vmem>>
      %dma_wait3A_894 = arith.constant 0 : i32
      %dma_wait3A_895 = arith.constant 0 : i32
      %dma_wait3A_896 = tpu.memref_slice %arg2[%dma_wait3A_882, %dma_wait3A_883, %dma_wait3A_894, %dma_wait3A_895] : memref<8x19x512x512xf32, #tpu.memory_space<hbm>> -> memref<1x1x152x128xf32, #tpu.memory_space<hbm>>
      %dma_wait3A_897 = tpu.memref_squeeze %dma_wait3A_896 : memref<1x1x152x128xf32, #tpu.memory_space<hbm>> -> memref<152x128xf32, #tpu.memory_space<hbm>>
      tpu.wait_dma2 semaphore(%arg15 : memref<!tpu.dma_semaphore, #tpu.memory_space<semaphore_mem>>) src(%dma_wait3A_897 : memref<152x128xf32, #tpu.memory_space<hbm>>) dst(%dma_wait3A_893 : memref<152x128xf32, #tpu.memory_space<vmem>>)
      %dma_wait3A_898 = arith.constant 0 : i32
      %dma_wait3A_899 = arith.constant 3 : i32
      %dma_wait3A_900 = arith.constant 0 : i32
      %dma_wait3A_901 = arith.constant 0 : i32
      %dma_wait3A_902 = tpu.memref_slice %arg8[%dma_wait3A_899, %dma_wait3A_900, %dma_wait3A_901] : memref<4x8x128xi32, #tpu.memory_space<vmem>> -> memref<1x8x128xi32, #tpu.memory_space<vmem>>
      %dma_wait3A_903 = tpu.memref_squeeze %dma_wait3A_902 : memref<1x8x128xi32, #tpu.memory_space<vmem>> -> memref<8x128xi32, #tpu.memory_space<vmem>>
      %dma_wait3A_904 = arith.constant 0 : i32
      %dma_wait3A_905 = arith.constant 0 : i32
      %dma_wait3A_906 = tpu.memref_slice %arg3[%dma_wait3A_898, %dma_wait3A_904, %dma_wait3A_905] : memref<8x512x512xi32, #tpu.memory_space<hbm>> -> memref<1x8x128xi32, #tpu.memory_space<hbm>>
      %dma_wait3A_907 = tpu.memref_squeeze %dma_wait3A_906 : memref<1x8x128xi32, #tpu.memory_space<hbm>> -> memref<8x128xi32, #tpu.memory_space<hbm>>
      %dma_wait3A_908 = arith.constant 0 : i32
      %dma_wait3A_909 = arith.constant 0 : i32
      %dma_wait3A_910 = tpu.memref_slice %arg8[%dma_wait3A_899, %dma_wait3A_908, %dma_wait3A_909] : memref<4x8x128xi32, #tpu.memory_space<vmem>> -> memref<1x8x128xi32, #tpu.memory_space<vmem>>
      %dma_wait3A_911 = tpu.memref_squeeze %dma_wait3A_910 : memref<1x8x128xi32, #tpu.memory_space<vmem>> -> memref<8x128xi32, #tpu.memory_space<vmem>>
      %dma_wait3A_912 = arith.constant 0 : i32
      %dma_wait3A_913 = arith.constant 0 : i32
      %dma_wait3A_914 = tpu.memref_slice %arg3[%dma_wait3A_898, %dma_wait3A_912, %dma_wait3A_913] : memref<8x512x512xi32, #tpu.memory_space<hbm>> -> memref<1x8x128xi32, #tpu.memory_space<hbm>>
      %dma_wait3A_915 = tpu.memref_squeeze %dma_wait3A_914 : memref<1x8x128xi32, #tpu.memory_space<hbm>> -> memref<8x128xi32, #tpu.memory_space<hbm>>
      tpu.wait_dma2 semaphore(%arg15 : memref<!tpu.dma_semaphore, #tpu.memory_space<semaphore_mem>>) src(%dma_wait3A_915 : memref<8x128xi32, #tpu.memory_space<hbm>>) dst(%dma_wait3A_911 : memref<8x128xi32, #tpu.memory_space<vmem>>)
      %parallel_loop3A_916 = arith.constant 0 : i32
      %parallel_loop3A_917 = arith.constant 64 : i32
      %parallel_loop3A_918 = arith.constant 1 : i32
      %parallel_loop3A_919:3 = scf.for %parallel_loop3A_920 = %parallel_loop3A_916 to %parallel_loop3A_917 step %parallel_loop3A_918 iter_args(%parallel_loop3A_921 = %parallel_loop3A_870#0, %parallel_loop3A_922 = %parallel_loop3A_870#1, %parallel_loop3A_923 = %parallel_loop3A_870#2) -> (vector<16xf32>, vector<16xi32>, vector<16xf32>)  : i32 {
        %parallel_loop3A_924 = arith.constant 3 : i32
        %parallel_loop3A_925 = arith.shrui %parallel_loop3A_920, %parallel_loop3A_924 : i32
        %parallel_loop3A_926 = arith.constant 7 : i32
        %parallel_loop3A_927 = arith.andi %parallel_loop3A_920, %parallel_loop3A_926 : i32
        %parallel_loop3A_928 = arith.constant 16 : i32
        %parallel_loop3A_929 = arith.muli %parallel_loop3A_927, %parallel_loop3A_928 : i32
        %parallel_loop3A_930 = arith.constant 3 : i32
        %parallel_loop3A_931 = arith.index_cast %parallel_loop3A_930 : i32 to index
        %parallel_loop3A_932 = arith.index_cast %parallel_loop3A_925 : i32 to index
        %parallel_loop3A_933 = arith.index_cast %parallel_loop3A_929 : i32 to index
        %parallel_loop3A_934 = tpu.vector_load %arg8[%parallel_loop3A_931, %parallel_loop3A_932, %parallel_loop3A_933] {strides = array<i32>} : memref<4x8x128xi32, #tpu.memory_space<vmem>>, vector<16xi32>,
        %parallel_loop3A_935 = arith.constant 456 : i32
        %parallel_loop3A_936 = arith.addi %parallel_loop3A_935, %parallel_loop3A_925 : i32
        %parallel_loop3A_937 = arith.constant 8 : i32
        %parallel_loop3A_938 = vector.broadcast %parallel_loop3A_937 : i32 to vector<16xi32>
        %parallel_loop3A_939 = arith.muli %parallel_loop3A_934, %parallel_loop3A_938 : vector<16xi32>
        %parallel_loop3A_940 = vector.broadcast %parallel_loop3A_936 : i32 to vector<16xi32>
        %parallel_loop3A_941 = arith.addi %parallel_loop3A_940, %parallel_loop3A_939 : vector<16xi32>
        %parallel_loop3A_942 = arith.constant 16 : i32
        %parallel_loop3A_943 = arith.muli %parallel_loop3A_927, %parallel_loop3A_942 : i32
        %parallel_loop3A_944 = vector.broadcast %parallel_loop3A_943 : i32 to vector<16xi32>
        %parallel_loop3A_945 = arith.addi %parallel_loop3A_944, %iota3A : vector<16xi32>
        %parallel_loop3A_946 = tpu.vector_load_idx %arg7[%parallel_loop3A_941, %parallel_loop3A_945] : memref<608x128xf32, #tpu.memory_space<vmem>>[vector<16xi32>, vector<16xi32>], vector<16xf32>,
        %parallel_loop3A_947 = tpu.bitcast %parallel_loop3A_946 : vector<16xf32> -> vector<16xi32>
        %parallel_loop3A_948 = arith.constant 1060439283 : i32
        %parallel_loop3A_949 = vector.broadcast %parallel_loop3A_948 : i32 to vector<16xi32>
        %parallel_loop3A_950 = arith.subi %parallel_loop3A_947, %parallel_loop3A_949 : vector<16xi32>
        %parallel_loop3A_951 = arith.constant 23 : i32
        %parallel_loop3A_952 = vector.broadcast %parallel_loop3A_951 : i32 to vector<16xi32>
        %parallel_loop3A_953 = arith.shrsi %parallel_loop3A_950, %parallel_loop3A_952 : vector<16xi32>
        %parallel_loop3A_954 = arith.constant 8388607 : i32
        %parallel_loop3A_955 = vector.broadcast %parallel_loop3A_954 : i32 to vector<16xi32>
        %parallel_loop3A_956 = arith.andi %parallel_loop3A_950, %parallel_loop3A_955 : vector<16xi32>
        %parallel_loop3A_957 = arith.constant 1060439283 : i32
        %parallel_loop3A_958 = vector.broadcast %parallel_loop3A_957 : i32 to vector<16xi32>
        %parallel_loop3A_959 = arith.addi %parallel_loop3A_956, %parallel_loop3A_958 : vector<16xi32>
        %parallel_loop3A_960 = tpu.bitcast %parallel_loop3A_959 : vector<16xi32> -> vector<16xf32>
        %parallel_loop3A_961 = arith.constant 1.000000e+00 : f32
        %parallel_loop3A_962 = vector.broadcast %parallel_loop3A_961 : f32 to vector<16xf32>
        %parallel_loop3A_963 = arith.subf %parallel_loop3A_960, %parallel_loop3A_962 : vector<16xf32>
        %parallel_loop3A_964 = arith.mulf %parallel_loop3A_963, %parallel_loop3A_963 : vector<16xf32>
        %parallel_loop3A_965 = arith.constant -0.166680574 : f32
        %parallel_loop3A_966 = vector.broadcast %parallel_loop3A_965 : f32 to vector<16xf32>
        %parallel_loop3A_967 = arith.mulf %parallel_loop3A_963, %parallel_loop3A_966 : vector<16xf32>
        %parallel_loop3A_968 = arith.constant 0.200007141 : f32
        %parallel_loop3A_969 = vector.broadcast %parallel_loop3A_968 : f32 to vector<16xf32>
        %parallel_loop3A_970 = arith.addf %parallel_loop3A_967, %parallel_loop3A_969 : vector<16xf32>
        %parallel_loop3A_971 = arith.mulf %parallel_loop3A_970, %parallel_loop3A_963 : vector<16xf32>
        %parallel_loop3A_972 = arith.constant -0.24999994 : f32
        %parallel_loop3A_973 = vector.broadcast %parallel_loop3A_972 : f32 to vector<16xf32>
        %parallel_loop3A_974 = arith.addf %parallel_loop3A_971, %parallel_loop3A_973 : vector<16xf32>
        %parallel_loop3A_975 = arith.mulf %parallel_loop3A_974, %parallel_loop3A_963 : vector<16xf32>
        %parallel_loop3A_976 = arith.constant 0.333333313 : f32
        %parallel_loop3A_977 = vector.broadcast %parallel_loop3A_976 : f32 to vector<16xf32>
        %parallel_loop3A_978 = arith.addf %parallel_loop3A_975, %parallel_loop3A_977 : vector<16xf32>
        %parallel_loop3A_979 = arith.mulf %parallel_loop3A_978, %parallel_loop3A_963 : vector<16xf32>
        %parallel_loop3A_980 = arith.mulf %parallel_loop3A_979, %parallel_loop3A_964 : vector<16xf32>
        %parallel_loop3A_981 = arith.constant 5.000000e-01 : f32
        %parallel_loop3A_982 = vector.broadcast %parallel_loop3A_981 : f32 to vector<16xf32>
        %parallel_loop3A_983 = arith.mulf %parallel_loop3A_982, %parallel_loop3A_964 : vector<16xf32>
        %parallel_loop3A_984 = arith.subf %parallel_loop3A_980, %parallel_loop3A_983 : vector<16xf32>
        %parallel_loop3A_985 = arith.addf %parallel_loop3A_963, %parallel_loop3A_984 : vector<16xf32>
        %parallel_loop3A_986 = arith.addf %parallel_loop3A_921, %parallel_loop3A_985 : vector<16xf32>
        %parallel_loop3A_987 = arith.addi %parallel_loop3A_922, %parallel_loop3A_953 : vector<16xi32>
        %parallel_loop3A_988 = arith.constant 1.000000e+00 : f32
        %parallel_loop3A_989 = vector.broadcast %parallel_loop3A_988 : f32 to vector<16xf32>
        %parallel_loop3A_990 = arith.cmpf one, %parallel_loop3A_946, %parallel_loop3A_989 : vector<16xf32>
        %parallel_loop3A_991 = arith.constant 1.000000e+00 : f32
        %parallel_loop3A_992 = arith.constant 0.000000e+00 : f32
        %parallel_loop3A_993 = vector.broadcast %parallel_loop3A_991 : f32 to vector<16xf32>
        %parallel_loop3A_994 = vector.broadcast %parallel_loop3A_992 : f32 to vector<16xf32>
        %parallel_loop3A_995 = arith.select %parallel_loop3A_990, %parallel_loop3A_993, %parallel_loop3A_994 : vector<16xi1>, vector<16xf32>
        %parallel_loop3A_996 = arith.addf %parallel_loop3A_923, %parallel_loop3A_995 : vector<16xf32>
        scf.yield %parallel_loop3A_986, %parallel_loop3A_987, %parallel_loop3A_996 : vector<16xf32>, vector<16xi32>, vector<16xf32>
      } {sc.loop_unroll_factor = 8 : i64, sc.parallel_access}
      scf.yield %parallel_loop3A_919#0, %parallel_loop3A_919#1, %parallel_loop3A_919#2 : vector<16xf32>, vector<16xi32>, vector<16xf32>
    }
    %scan3A_719 = arith.constant 10 : i32
    %swap3A = arith.constant 0 : index
    %swap3A_720 = tpu.vector_load %arg9[%swap3A] {strides = array<i32>} : memref<16xf32, #tpu.memory_space<vmem>>, vector<16xf32>,
    tpu.vector_store %arg9[%swap3A], %scan3A_718#0 {strides = array<i32>} : memref<16xf32, #tpu.memory_space<vmem>>, vector<16xf32>,
    %swap3A_721 = arith.constant 0 : index
    %swap3A_722 = tpu.vector_load %arg10[%swap3A_721] {strides = array<i32>} : memref<16xi32, #tpu.memory_space<vmem>>, vector<16xi32>,
    tpu.vector_store %arg10[%swap3A_721], %scan3A_718#1 {strides = array<i32>} : memref<16xi32, #tpu.memory_space<vmem>>, vector<16xi32>,
    %swap3A_723 = arith.constant 0 : index
    %swap3A_724 = tpu.vector_load %arg11[%swap3A_723] {strides = array<i32>} : memref<16xf32, #tpu.memory_space<vmem>>, vector<16xf32>,
    tpu.vector_store %arg11[%swap3A_723], %scan3A_718#2 {strides = array<i32>} : memref<16xf32, #tpu.memory_space<vmem>>, vector<16xf32>,
    "tpu.region"() ({
      %run_scoped3A = tpu.sem_alloc : memref<!tpu.dma_semaphore, #tpu.memory_space<semaphore_mem>>
      %dma_start3A_725 = arith.constant 0 : i32
      %dma_start3A_726 = tpu.memref_slice %arg4[%add3A, %dma_start3A_725] : memref<32x16xf32, #tpu.memory_space<hbm>> -> memref<1x16xf32, #tpu.memory_space<hbm>>
      %dma_start3A_727 = tpu.memref_squeeze %dma_start3A_726 : memref<1x16xf32, #tpu.memory_space<hbm>> -> memref<16xf32, #tpu.memory_space<hbm>>
      %dma_start3A_728 = arith.constant 0 : i32
      %dma_start3A_729 = tpu.memref_slice %arg4[%add3A, %dma_start3A_728] : memref<32x16xf32, #tpu.memory_space<hbm>> -> memref<1x16xf32, #tpu.memory_space<hbm>>
      %dma_start3A_730 = tpu.memref_squeeze %dma_start3A_729 : memref<1x16xf32, #tpu.memory_space<hbm>> -> memref<16xf32, #tpu.memory_space<hbm>>
      tpu.enqueue_dma source(%arg9 : memref<16xf32, #tpu.memory_space<vmem>>) target(%dma_start3A_730 : memref<16xf32, #tpu.memory_space<hbm>>) target_semaphore(%run_scoped3A : memref<!tpu.dma_semaphore, #tpu.memory_space<semaphore_mem>>)
      %dma_wait3A = arith.constant 0 : i32
      %dma_wait3A_731 = tpu.memref_slice %arg4[%add3A, %dma_wait3A] : memref<32x16xf32, #tpu.memory_space<hbm>> -> memref<1x16xf32, #tpu.memory_space<hbm>>
      %dma_wait3A_732 = tpu.memref_squeeze %dma_wait3A_731 : memref<1x16xf32, #tpu.memory_space<hbm>> -> memref<16xf32, #tpu.memory_space<hbm>>
      %dma_wait3A_733 = arith.constant 0 : i32
      %dma_wait3A_734 = tpu.memref_slice %arg4[%add3A, %dma_wait3A_733] : memref<32x16xf32, #tpu.memory_space<hbm>> -> memref<1x16xf32, #tpu.memory_space<hbm>>
      %dma_wait3A_735 = tpu.memref_squeeze %dma_wait3A_734 : memref<1x16xf32, #tpu.memory_space<hbm>> -> memref<16xf32, #tpu.memory_space<hbm>>
      tpu.wait_dma2 semaphore(%run_scoped3A : memref<!tpu.dma_semaphore, #tpu.memory_space<semaphore_mem>>) src(%arg9 : memref<16xf32, #tpu.memory_space<vmem>>) dst(%dma_wait3A_735 : memref<16xf32, #tpu.memory_space<hbm>>)
      tpu.yield
    }) : () -> ()
    "tpu.region"() ({
      %run_scoped3A = tpu.sem_alloc : memref<!tpu.dma_semaphore, #tpu.memory_space<semaphore_mem>>
      %dma_start3A_725 = arith.constant 0 : i32
      %dma_start3A_726 = tpu.memref_slice %arg5[%add3A, %dma_start3A_725] : memref<32x16xi32, #tpu.memory_space<hbm>> -> memref<1x16xi32, #tpu.memory_space<hbm>>
      %dma_start3A_727 = tpu.memref_squeeze %dma_start3A_726 : memref<1x16xi32, #tpu.memory_space<hbm>> -> memref<16xi32, #tpu.memory_space<hbm>>
      %dma_start3A_728 = arith.constant 0 : i32
      %dma_start3A_729 = tpu.memref_slice %arg5[%add3A, %dma_start3A_728] : memref<32x16xi32, #tpu.memory_space<hbm>> -> memref<1x16xi32, #tpu.memory_space<hbm>>
      %dma_start3A_730 = tpu.memref_squeeze %dma_start3A_729 : memref<1x16xi32, #tpu.memory_space<hbm>> -> memref<16xi32, #tpu.memory_space<hbm>>
      tpu.enqueue_dma source(%arg10 : memref<16xi32, #tpu.memory_space<vmem>>) target(%dma_start3A_730 : memref<16xi32, #tpu.memory_space<hbm>>) target_semaphore(%run_scoped3A : memref<!tpu.dma_semaphore, #tpu.memory_space<semaphore_mem>>)
      %dma_wait3A = arith.constant 0 : i32
      %dma_wait3A_731 = tpu.memref_slice %arg5[%add3A, %dma_wait3A] : memref<32x16xi32, #tpu.memory_space<hbm>> -> memref<1x16xi32, #tpu.memory_space<hbm>>
      %dma_wait3A_732 = tpu.memref_squeeze %dma_wait3A_731 : memref<1x16xi32, #tpu.memory_space<hbm>> -> memref<16xi32, #tpu.memory_space<hbm>>
      %dma_wait3A_733 = arith.constant 0 : i32
      %dma_wait3A_734 = tpu.memref_slice %arg5[%add3A, %dma_wait3A_733] : memref<32x16xi32, #tpu.memory_space<hbm>> -> memref<1x16xi32, #tpu.memory_space<hbm>>
      %dma_wait3A_735 = tpu.memref_squeeze %dma_wait3A_734 : memref<1x16xi32, #tpu.memory_space<hbm>> -> memref<16xi32, #tpu.memory_space<hbm>>
      tpu.wait_dma2 semaphore(%run_scoped3A : memref<!tpu.dma_semaphore, #tpu.memory_space<semaphore_mem>>) src(%arg10 : memref<16xi32, #tpu.memory_space<vmem>>) dst(%dma_wait3A_735 : memref<16xi32, #tpu.memory_space<hbm>>)
      tpu.yield
    }) : () -> ()
    "tpu.region"() ({
      %run_scoped3A = tpu.sem_alloc : memref<!tpu.dma_semaphore, #tpu.memory_space<semaphore_mem>>
      %dma_start3A_725 = arith.constant 0 : i32
      %dma_start3A_726 = tpu.memref_slice %arg6[%add3A, %dma_start3A_725] : memref<32x16xf32, #tpu.memory_space<hbm>> -> memref<1x16xf32, #tpu.memory_space<hbm>>
      %dma_start3A_727 = tpu.memref_squeeze %dma_start3A_726 : memref<1x16xf32, #tpu.memory_space<hbm>> -> memref<16xf32, #tpu.memory_space<hbm>>
      %dma_start3A_728 = arith.constant 0 : i32
      %dma_start3A_729 = tpu.memref_slice %arg6[%add3A, %dma_start3A_728] : memref<32x16xf32, #tpu.memory_space<hbm>> -> memref<1x16xf32, #tpu.memory_space<hbm>>
      %dma_start3A_730 = tpu.memref_squeeze %dma_start3A_729 : memref<1x16xf32, #tpu.memory_space<hbm>> -> memref<16xf32, #tpu.memory_space<hbm>>
      tpu.enqueue_dma source(%arg11 : memref<16xf32, #tpu.memory_space<vmem>>) target(%dma_start3A_730 : memref<16xf32, #tpu.memory_space<hbm>>) target_semaphore(%run_scoped3A : memref<!tpu.dma_semaphore, #tpu.memory_space<semaphore_mem>>)
      %dma_wait3A = arith.constant 0 : i32
      %dma_wait3A_731 = tpu.memref_slice %arg6[%add3A, %dma_wait3A] : memref<32x16xf32, #tpu.memory_space<hbm>> -> memref<1x16xf32, #tpu.memory_space<hbm>>
      %dma_wait3A_732 = tpu.memref_squeeze %dma_wait3A_731 : memref<1x16xf32, #tpu.memory_space<hbm>> -> memref<16xf32, #tpu.memory_space<hbm>>
      %dma_wait3A_733 = arith.constant 0 : i32
      %dma_wait3A_734 = tpu.memref_slice %arg6[%add3A, %dma_wait3A_733] : memref<32x16xf32, #tpu.memory_space<hbm>> -> memref<1x16xf32, #tpu.memory_space<hbm>>
      %dma_wait3A_735 = tpu.memref_squeeze %dma_wait3A_734 : memref<1x16xf32, #tpu.memory_space<hbm>> -> memref<16xf32, #tpu.memory_space<hbm>>
      tpu.wait_dma2 semaphore(%run_scoped3A : memref<!tpu.dma_semaphore, #tpu.memory_space<semaphore_mem>>) src(%arg11 : memref<16xf32, #tpu.memory_space<vmem>>) dst(%dma_wait3A_735 : memref<16xf32, #tpu.memory_space<hbm>>)
      tpu.yield
    }) : () -> ()
    return
  }
}

module attributes {stable_mosaic.version = 14 : i64} {
  func.func @_tc_body(%arg0: i32, %arg1: memref<1x19x128x512xf32, #tpu.memory_space<vmem>>, %arg2: memref<1x128x512xi32, #tpu.memory_space<vmem>>, %arg3: memref<128x512xf32, #tpu.memory_space<vmem>>, %arg4: memref<128x512xf32, #tpu.memory_space<vmem>>) attributes {dimension_semantics = [#tpu.dimension_semantics<arbitrary>], iteration_bounds = array<i64: 12>, scalar_prefetch = 0 : i64, scratch_operands = 0 : i64, tpu.core_type = #tpu.core_type<tc>, window_params = [{transform_indices = @transform_0, window_bounds = array<i64: 1, 19, 128, 512>}, {transform_indices = @transform_1, window_bounds = array<i64: 1, 128, 512>}, {pipeline_mode = #tpu.pipeline_mode<synchronous>, transform_indices = @transform_2, window_bounds = array<i64: 128, 512>}, {pipeline_mode = #tpu.pipeline_mode<synchronous>, transform_indices = @transform_3, window_bounds = array<i64: 128, 512>}]} {
    %get3A = arith.constant 0 : index
    %get3A_0 = arith.constant 0 : index
    %get3A_1 = arith.constant 0 : index
    %get3A_2 = vector.load %arg2[%get3A, %get3A_0, %get3A_1] : memref<1x128x512xi32, #tpu.memory_space<vmem>>, vector<1x128x512xi32>
    %get3A_3 = vector.shape_cast %get3A_2 : vector<1x128x512xi32> to vector<128x512xi32>
    %broadcast_in_dim3A = arith.constant 0.000000e+00 : f32
    %broadcast_in_dim3A_4 = vector.broadcast %broadcast_in_dim3A : f32 to vector<128x512xf32>
    %eq3A = arith.constant 0 : i32
    %eq3A_5 = vector.broadcast %eq3A : i32 to vector<128x512xi32>
    %eq3A_6 = arith.cmpi eq, %get3A_3, %eq3A_5 : vector<128x512xi32>
    %get3A_7 = arith.constant 0 : index
    %get3A_8 = arith.constant 0 : index
    %get3A_9 = arith.constant 0 : index
    %get3A_10 = arith.constant 0 : index
    %get3A_11 = vector.load %arg1[%get3A_7, %get3A_8, %get3A_9, %get3A_10] : memref<1x19x128x512xf32, #tpu.memory_space<vmem>>, vector<1x1x128x512xf32>
    %get3A_12 = vector.shape_cast %get3A_11 : vector<1x1x128x512xf32> to vector<128x512xf32>
    %jit3A = arith.constant 0.000000e+00 : f32
    %broadcast_in_dim3A_13 = vector.broadcast %jit3A : f32 to vector<128x512xf32>
    %select_n3A = arith.select %eq3A_6, %get3A_12, %broadcast_in_dim3A_13 : vector<128x512xi1>, vector<128x512xf32>
    %add3A = arith.addf %broadcast_in_dim3A_4, %select_n3A : vector<128x512xf32>
    %eq3A_14 = arith.constant 1 : i32
    %eq3A_15 = vector.broadcast %eq3A_14 : i32 to vector<128x512xi32>
    %eq3A_16 = arith.cmpi eq, %get3A_3, %eq3A_15 : vector<128x512xi32>
    %get3A_17 = arith.constant 0 : index
    %get3A_18 = arith.constant 1 : index
    %get3A_19 = arith.constant 0 : index
    %get3A_20 = arith.constant 0 : index
    %get3A_21 = vector.load %arg1[%get3A_17, %get3A_18, %get3A_19, %get3A_20] : memref<1x19x128x512xf32, #tpu.memory_space<vmem>>, vector<1x1x128x512xf32>
    %get3A_22 = vector.shape_cast %get3A_21 : vector<1x1x128x512xf32> to vector<128x512xf32>
    %jit3A_23 = arith.constant 0.000000e+00 : f32
    %broadcast_in_dim3A_24 = vector.broadcast %jit3A_23 : f32 to vector<128x512xf32>
    %select_n3A_25 = arith.select %eq3A_16, %get3A_22, %broadcast_in_dim3A_24 : vector<128x512xi1>, vector<128x512xf32>
    %add3A_26 = arith.addf %add3A, %select_n3A_25 : vector<128x512xf32>
    %eq3A_27 = arith.constant 2 : i32
    %eq3A_28 = vector.broadcast %eq3A_27 : i32 to vector<128x512xi32>
    %eq3A_29 = arith.cmpi eq, %get3A_3, %eq3A_28 : vector<128x512xi32>
    %get3A_30 = arith.constant 0 : index
    %get3A_31 = arith.constant 2 : index
    %get3A_32 = arith.constant 0 : index
    %get3A_33 = arith.constant 0 : index
    %get3A_34 = vector.load %arg1[%get3A_30, %get3A_31, %get3A_32, %get3A_33] : memref<1x19x128x512xf32, #tpu.memory_space<vmem>>, vector<1x1x128x512xf32>
    %get3A_35 = vector.shape_cast %get3A_34 : vector<1x1x128x512xf32> to vector<128x512xf32>
    %jit3A_36 = arith.constant 0.000000e+00 : f32
    %broadcast_in_dim3A_37 = vector.broadcast %jit3A_36 : f32 to vector<128x512xf32>
    %select_n3A_38 = arith.select %eq3A_29, %get3A_35, %broadcast_in_dim3A_37 : vector<128x512xi1>, vector<128x512xf32>
    %add3A_39 = arith.addf %add3A_26, %select_n3A_38 : vector<128x512xf32>
    %eq3A_40 = arith.constant 3 : i32
    %eq3A_41 = vector.broadcast %eq3A_40 : i32 to vector<128x512xi32>
    %eq3A_42 = arith.cmpi eq, %get3A_3, %eq3A_41 : vector<128x512xi32>
    %get3A_43 = arith.constant 0 : index
    %get3A_44 = arith.constant 3 : index
    %get3A_45 = arith.constant 0 : index
    %get3A_46 = arith.constant 0 : index
    %get3A_47 = vector.load %arg1[%get3A_43, %get3A_44, %get3A_45, %get3A_46] : memref<1x19x128x512xf32, #tpu.memory_space<vmem>>, vector<1x1x128x512xf32>
    %get3A_48 = vector.shape_cast %get3A_47 : vector<1x1x128x512xf32> to vector<128x512xf32>
    %jit3A_49 = arith.constant 0.000000e+00 : f32
    %broadcast_in_dim3A_50 = vector.broadcast %jit3A_49 : f32 to vector<128x512xf32>
    %select_n3A_51 = arith.select %eq3A_42, %get3A_48, %broadcast_in_dim3A_50 : vector<128x512xi1>, vector<128x512xf32>
    %add3A_52 = arith.addf %add3A_39, %select_n3A_51 : vector<128x512xf32>
    %eq3A_53 = arith.constant 4 : i32
    %eq3A_54 = vector.broadcast %eq3A_53 : i32 to vector<128x512xi32>
    %eq3A_55 = arith.cmpi eq, %get3A_3, %eq3A_54 : vector<128x512xi32>
    %get3A_56 = arith.constant 0 : index
    %get3A_57 = arith.constant 4 : index
    %get3A_58 = arith.constant 0 : index
    %get3A_59 = arith.constant 0 : index
    %get3A_60 = vector.load %arg1[%get3A_56, %get3A_57, %get3A_58, %get3A_59] : memref<1x19x128x512xf32, #tpu.memory_space<vmem>>, vector<1x1x128x512xf32>
    %get3A_61 = vector.shape_cast %get3A_60 : vector<1x1x128x512xf32> to vector<128x512xf32>
    %jit3A_62 = arith.constant 0.000000e+00 : f32
    %broadcast_in_dim3A_63 = vector.broadcast %jit3A_62 : f32 to vector<128x512xf32>
    %select_n3A_64 = arith.select %eq3A_55, %get3A_61, %broadcast_in_dim3A_63 : vector<128x512xi1>, vector<128x512xf32>
    %add3A_65 = arith.addf %add3A_52, %select_n3A_64 : vector<128x512xf32>
    %eq3A_66 = arith.constant 5 : i32
    %eq3A_67 = vector.broadcast %eq3A_66 : i32 to vector<128x512xi32>
    %eq3A_68 = arith.cmpi eq, %get3A_3, %eq3A_67 : vector<128x512xi32>
    %get3A_69 = arith.constant 0 : index
    %get3A_70 = arith.constant 5 : index
    %get3A_71 = arith.constant 0 : index
    %get3A_72 = arith.constant 0 : index
    %get3A_73 = vector.load %arg1[%get3A_69, %get3A_70, %get3A_71, %get3A_72] : memref<1x19x128x512xf32, #tpu.memory_space<vmem>>, vector<1x1x128x512xf32>
    %get3A_74 = vector.shape_cast %get3A_73 : vector<1x1x128x512xf32> to vector<128x512xf32>
    %jit3A_75 = arith.constant 0.000000e+00 : f32
    %broadcast_in_dim3A_76 = vector.broadcast %jit3A_75 : f32 to vector<128x512xf32>
    %select_n3A_77 = arith.select %eq3A_68, %get3A_74, %broadcast_in_dim3A_76 : vector<128x512xi1>, vector<128x512xf32>
    %add3A_78 = arith.addf %add3A_65, %select_n3A_77 : vector<128x512xf32>
    %eq3A_79 = arith.constant 6 : i32
    %eq3A_80 = vector.broadcast %eq3A_79 : i32 to vector<128x512xi32>
    %eq3A_81 = arith.cmpi eq, %get3A_3, %eq3A_80 : vector<128x512xi32>
    %get3A_82 = arith.constant 0 : index
    %get3A_83 = arith.constant 6 : index
    %get3A_84 = arith.constant 0 : index
    %get3A_85 = arith.constant 0 : index
    %get3A_86 = vector.load %arg1[%get3A_82, %get3A_83, %get3A_84, %get3A_85] : memref<1x19x128x512xf32, #tpu.memory_space<vmem>>, vector<1x1x128x512xf32>
    %get3A_87 = vector.shape_cast %get3A_86 : vector<1x1x128x512xf32> to vector<128x512xf32>
    %jit3A_88 = arith.constant 0.000000e+00 : f32
    %broadcast_in_dim3A_89 = vector.broadcast %jit3A_88 : f32 to vector<128x512xf32>
    %select_n3A_90 = arith.select %eq3A_81, %get3A_87, %broadcast_in_dim3A_89 : vector<128x512xi1>, vector<128x512xf32>
    %add3A_91 = arith.addf %add3A_78, %select_n3A_90 : vector<128x512xf32>
    %eq3A_92 = arith.constant 7 : i32
    %eq3A_93 = vector.broadcast %eq3A_92 : i32 to vector<128x512xi32>
    %eq3A_94 = arith.cmpi eq, %get3A_3, %eq3A_93 : vector<128x512xi32>
    %get3A_95 = arith.constant 0 : index
    %get3A_96 = arith.constant 7 : index
    %get3A_97 = arith.constant 0 : index
    %get3A_98 = arith.constant 0 : index
    %get3A_99 = vector.load %arg1[%get3A_95, %get3A_96, %get3A_97, %get3A_98] : memref<1x19x128x512xf32, #tpu.memory_space<vmem>>, vector<1x1x128x512xf32>
    %get3A_100 = vector.shape_cast %get3A_99 : vector<1x1x128x512xf32> to vector<128x512xf32>
    %jit3A_101 = arith.constant 0.000000e+00 : f32
    %broadcast_in_dim3A_102 = vector.broadcast %jit3A_101 : f32 to vector<128x512xf32>
    %select_n3A_103 = arith.select %eq3A_94, %get3A_100, %broadcast_in_dim3A_102 : vector<128x512xi1>, vector<128x512xf32>
    %add3A_104 = arith.addf %add3A_91, %select_n3A_103 : vector<128x512xf32>
    %eq3A_105 = arith.constant 8 : i32
    %eq3A_106 = vector.broadcast %eq3A_105 : i32 to vector<128x512xi32>
    %eq3A_107 = arith.cmpi eq, %get3A_3, %eq3A_106 : vector<128x512xi32>
    %get3A_108 = arith.constant 0 : index
    %get3A_109 = arith.constant 8 : index
    %get3A_110 = arith.constant 0 : index
    %get3A_111 = arith.constant 0 : index
    %get3A_112 = vector.load %arg1[%get3A_108, %get3A_109, %get3A_110, %get3A_111] : memref<1x19x128x512xf32, #tpu.memory_space<vmem>>, vector<1x1x128x512xf32>
    %get3A_113 = vector.shape_cast %get3A_112 : vector<1x1x128x512xf32> to vector<128x512xf32>
    %jit3A_114 = arith.constant 0.000000e+00 : f32
    %broadcast_in_dim3A_115 = vector.broadcast %jit3A_114 : f32 to vector<128x512xf32>
    %select_n3A_116 = arith.select %eq3A_107, %get3A_113, %broadcast_in_dim3A_115 : vector<128x512xi1>, vector<128x512xf32>
    %add3A_117 = arith.addf %add3A_104, %select_n3A_116 : vector<128x512xf32>
    %eq3A_118 = arith.constant 9 : i32
    %eq3A_119 = vector.broadcast %eq3A_118 : i32 to vector<128x512xi32>
    %eq3A_120 = arith.cmpi eq, %get3A_3, %eq3A_119 : vector<128x512xi32>
    %get3A_121 = arith.constant 0 : index
    %get3A_122 = arith.constant 9 : index
    %get3A_123 = arith.constant 0 : index
    %get3A_124 = arith.constant 0 : index
    %get3A_125 = vector.load %arg1[%get3A_121, %get3A_122, %get3A_123, %get3A_124] : memref<1x19x128x512xf32, #tpu.memory_space<vmem>>, vector<1x1x128x512xf32>
    %get3A_126 = vector.shape_cast %get3A_125 : vector<1x1x128x512xf32> to vector<128x512xf32>
    %jit3A_127 = arith.constant 0.000000e+00 : f32
    %broadcast_in_dim3A_128 = vector.broadcast %jit3A_127 : f32 to vector<128x512xf32>
    %select_n3A_129 = arith.select %eq3A_120, %get3A_126, %broadcast_in_dim3A_128 : vector<128x512xi1>, vector<128x512xf32>
    %add3A_130 = arith.addf %add3A_117, %select_n3A_129 : vector<128x512xf32>
    %eq3A_131 = arith.constant 10 : i32
    %eq3A_132 = vector.broadcast %eq3A_131 : i32 to vector<128x512xi32>
    %eq3A_133 = arith.cmpi eq, %get3A_3, %eq3A_132 : vector<128x512xi32>
    %get3A_134 = arith.constant 0 : index
    %get3A_135 = arith.constant 10 : index
    %get3A_136 = arith.constant 0 : index
    %get3A_137 = arith.constant 0 : index
    %get3A_138 = vector.load %arg1[%get3A_134, %get3A_135, %get3A_136, %get3A_137] : memref<1x19x128x512xf32, #tpu.memory_space<vmem>>, vector<1x1x128x512xf32>
    %get3A_139 = vector.shape_cast %get3A_138 : vector<1x1x128x512xf32> to vector<128x512xf32>
    %jit3A_140 = arith.constant 0.000000e+00 : f32
    %broadcast_in_dim3A_141 = vector.broadcast %jit3A_140 : f32 to vector<128x512xf32>
    %select_n3A_142 = arith.select %eq3A_133, %get3A_139, %broadcast_in_dim3A_141 : vector<128x512xi1>, vector<128x512xf32>
    %add3A_143 = arith.addf %add3A_130, %select_n3A_142 : vector<128x512xf32>
    %eq3A_144 = arith.constant 11 : i32
    %eq3A_145 = vector.broadcast %eq3A_144 : i32 to vector<128x512xi32>
    %eq3A_146 = arith.cmpi eq, %get3A_3, %eq3A_145 : vector<128x512xi32>
    %get3A_147 = arith.constant 0 : index
    %get3A_148 = arith.constant 11 : index
    %get3A_149 = arith.constant 0 : index
    %get3A_150 = arith.constant 0 : index
    %get3A_151 = vector.load %arg1[%get3A_147, %get3A_148, %get3A_149, %get3A_150] : memref<1x19x128x512xf32, #tpu.memory_space<vmem>>, vector<1x1x128x512xf32>
    %get3A_152 = vector.shape_cast %get3A_151 : vector<1x1x128x512xf32> to vector<128x512xf32>
    %jit3A_153 = arith.constant 0.000000e+00 : f32
    %broadcast_in_dim3A_154 = vector.broadcast %jit3A_153 : f32 to vector<128x512xf32>
    %select_n3A_155 = arith.select %eq3A_146, %get3A_152, %broadcast_in_dim3A_154 : vector<128x512xi1>, vector<128x512xf32>
    %add3A_156 = arith.addf %add3A_143, %select_n3A_155 : vector<128x512xf32>
    %eq3A_157 = arith.constant 12 : i32
    %eq3A_158 = vector.broadcast %eq3A_157 : i32 to vector<128x512xi32>
    %eq3A_159 = arith.cmpi eq, %get3A_3, %eq3A_158 : vector<128x512xi32>
    %get3A_160 = arith.constant 0 : index
    %get3A_161 = arith.constant 12 : index
    %get3A_162 = arith.constant 0 : index
    %get3A_163 = arith.constant 0 : index
    %get3A_164 = vector.load %arg1[%get3A_160, %get3A_161, %get3A_162, %get3A_163] : memref<1x19x128x512xf32, #tpu.memory_space<vmem>>, vector<1x1x128x512xf32>
    %get3A_165 = vector.shape_cast %get3A_164 : vector<1x1x128x512xf32> to vector<128x512xf32>
    %jit3A_166 = arith.constant 0.000000e+00 : f32
    %broadcast_in_dim3A_167 = vector.broadcast %jit3A_166 : f32 to vector<128x512xf32>
    %select_n3A_168 = arith.select %eq3A_159, %get3A_165, %broadcast_in_dim3A_167 : vector<128x512xi1>, vector<128x512xf32>
    %add3A_169 = arith.addf %add3A_156, %select_n3A_168 : vector<128x512xf32>
    %eq3A_170 = arith.constant 13 : i32
    %eq3A_171 = vector.broadcast %eq3A_170 : i32 to vector<128x512xi32>
    %eq3A_172 = arith.cmpi eq, %get3A_3, %eq3A_171 : vector<128x512xi32>
    %get3A_173 = arith.constant 0 : index
    %get3A_174 = arith.constant 13 : index
    %get3A_175 = arith.constant 0 : index
    %get3A_176 = arith.constant 0 : index
    %get3A_177 = vector.load %arg1[%get3A_173, %get3A_174, %get3A_175, %get3A_176] : memref<1x19x128x512xf32, #tpu.memory_space<vmem>>, vector<1x1x128x512xf32>
    %get3A_178 = vector.shape_cast %get3A_177 : vector<1x1x128x512xf32> to vector<128x512xf32>
    %jit3A_179 = arith.constant 0.000000e+00 : f32
    %broadcast_in_dim3A_180 = vector.broadcast %jit3A_179 : f32 to vector<128x512xf32>
    %select_n3A_181 = arith.select %eq3A_172, %get3A_178, %broadcast_in_dim3A_180 : vector<128x512xi1>, vector<128x512xf32>
    %add3A_182 = arith.addf %add3A_169, %select_n3A_181 : vector<128x512xf32>
    %eq3A_183 = arith.constant 14 : i32
    %eq3A_184 = vector.broadcast %eq3A_183 : i32 to vector<128x512xi32>
    %eq3A_185 = arith.cmpi eq, %get3A_3, %eq3A_184 : vector<128x512xi32>
    %get3A_186 = arith.constant 0 : index
    %get3A_187 = arith.constant 14 : index
    %get3A_188 = arith.constant 0 : index
    %get3A_189 = arith.constant 0 : index
    %get3A_190 = vector.load %arg1[%get3A_186, %get3A_187, %get3A_188, %get3A_189] : memref<1x19x128x512xf32, #tpu.memory_space<vmem>>, vector<1x1x128x512xf32>
    %get3A_191 = vector.shape_cast %get3A_190 : vector<1x1x128x512xf32> to vector<128x512xf32>
    %jit3A_192 = arith.constant 0.000000e+00 : f32
    %broadcast_in_dim3A_193 = vector.broadcast %jit3A_192 : f32 to vector<128x512xf32>
    %select_n3A_194 = arith.select %eq3A_185, %get3A_191, %broadcast_in_dim3A_193 : vector<128x512xi1>, vector<128x512xf32>
    %add3A_195 = arith.addf %add3A_182, %select_n3A_194 : vector<128x512xf32>
    %eq3A_196 = arith.constant 15 : i32
    %eq3A_197 = vector.broadcast %eq3A_196 : i32 to vector<128x512xi32>
    %eq3A_198 = arith.cmpi eq, %get3A_3, %eq3A_197 : vector<128x512xi32>
    %get3A_199 = arith.constant 0 : index
    %get3A_200 = arith.constant 15 : index
    %get3A_201 = arith.constant 0 : index
    %get3A_202 = arith.constant 0 : index
    %get3A_203 = vector.load %arg1[%get3A_199, %get3A_200, %get3A_201, %get3A_202] : memref<1x19x128x512xf32, #tpu.memory_space<vmem>>, vector<1x1x128x512xf32>
    %get3A_204 = vector.shape_cast %get3A_203 : vector<1x1x128x512xf32> to vector<128x512xf32>
    %jit3A_205 = arith.constant 0.000000e+00 : f32
    %broadcast_in_dim3A_206 = vector.broadcast %jit3A_205 : f32 to vector<128x512xf32>
    %select_n3A_207 = arith.select %eq3A_198, %get3A_204, %broadcast_in_dim3A_206 : vector<128x512xi1>, vector<128x512xf32>
    %add3A_208 = arith.addf %add3A_195, %select_n3A_207 : vector<128x512xf32>
    %eq3A_209 = arith.constant 16 : i32
    %eq3A_210 = vector.broadcast %eq3A_209 : i32 to vector<128x512xi32>
    %eq3A_211 = arith.cmpi eq, %get3A_3, %eq3A_210 : vector<128x512xi32>
    %get3A_212 = arith.constant 0 : index
    %get3A_213 = arith.constant 16 : index
    %get3A_214 = arith.constant 0 : index
    %get3A_215 = arith.constant 0 : index
    %get3A_216 = vector.load %arg1[%get3A_212, %get3A_213, %get3A_214, %get3A_215] : memref<1x19x128x512xf32, #tpu.memory_space<vmem>>, vector<1x1x128x512xf32>
    %get3A_217 = vector.shape_cast %get3A_216 : vector<1x1x128x512xf32> to vector<128x512xf32>
    %jit3A_218 = arith.constant 0.000000e+00 : f32
    %broadcast_in_dim3A_219 = vector.broadcast %jit3A_218 : f32 to vector<128x512xf32>
    %select_n3A_220 = arith.select %eq3A_211, %get3A_217, %broadcast_in_dim3A_219 : vector<128x512xi1>, vector<128x512xf32>
    %add3A_221 = arith.addf %add3A_208, %select_n3A_220 : vector<128x512xf32>
    %eq3A_222 = arith.constant 17 : i32
    %eq3A_223 = vector.broadcast %eq3A_222 : i32 to vector<128x512xi32>
    %eq3A_224 = arith.cmpi eq, %get3A_3, %eq3A_223 : vector<128x512xi32>
    %get3A_225 = arith.constant 0 : index
    %get3A_226 = arith.constant 17 : index
    %get3A_227 = arith.constant 0 : index
    %get3A_228 = arith.constant 0 : index
    %get3A_229 = vector.load %arg1[%get3A_225, %get3A_226, %get3A_227, %get3A_228] : memref<1x19x128x512xf32, #tpu.memory_space<vmem>>, vector<1x1x128x512xf32>
    %get3A_230 = vector.shape_cast %get3A_229 : vector<1x1x128x512xf32> to vector<128x512xf32>
    %jit3A_231 = arith.constant 0.000000e+00 : f32
    %broadcast_in_dim3A_232 = vector.broadcast %jit3A_231 : f32 to vector<128x512xf32>
    %select_n3A_233 = arith.select %eq3A_224, %get3A_230, %broadcast_in_dim3A_232 : vector<128x512xi1>, vector<128x512xf32>
    %add3A_234 = arith.addf %add3A_221, %select_n3A_233 : vector<128x512xf32>
    %eq3A_235 = arith.constant 18 : i32
    %eq3A_236 = vector.broadcast %eq3A_235 : i32 to vector<128x512xi32>
    %eq3A_237 = arith.cmpi eq, %get3A_3, %eq3A_236 : vector<128x512xi32>
    %get3A_238 = arith.constant 0 : index
    %get3A_239 = arith.constant 18 : index
    %get3A_240 = arith.constant 0 : index
    %get3A_241 = arith.constant 0 : index
    %get3A_242 = vector.load %arg1[%get3A_238, %get3A_239, %get3A_240, %get3A_241] : memref<1x19x128x512xf32, #tpu.memory_space<vmem>>, vector<1x1x128x512xf32>
    %get3A_243 = vector.shape_cast %get3A_242 : vector<1x1x128x512xf32> to vector<128x512xf32>
    %jit3A_244 = arith.constant 0.000000e+00 : f32
    %broadcast_in_dim3A_245 = vector.broadcast %jit3A_244 : f32 to vector<128x512xf32>
    %select_n3A_246 = arith.select %eq3A_237, %get3A_243, %broadcast_in_dim3A_245 : vector<128x512xi1>, vector<128x512xf32>
    %add3A_247 = arith.addf %add3A_234, %select_n3A_246 : vector<128x512xf32>
    %log3A = math.log %add3A_247 : vector<128x512xf32>
    %eq3A_248 = arith.constant 0 : i32
    %eq3A_249 = arith.cmpi eq, %arg0, %eq3A_248 : i32
    %convert_element_type3A = arith.extui %eq3A_249 : i1 to i32
    %cond3A = arith.constant 0 : i32
    %cond3A_250 = arith.cmpi ne, %convert_element_type3A, %cond3A : i32
    scf.if %cond3A_250 {
      %broadcast_in_dim3A_271 = arith.constant 0.000000e+00 : f32
      %broadcast_in_dim3A_272 = vector.broadcast %broadcast_in_dim3A_271 : f32 to vector<128x512xf32>
      %swap3A_273 = arith.constant 0 : index
      %swap3A_274 = arith.constant 0 : index
      %swap3A_275 = vector.load %arg3[%swap3A_273, %swap3A_274] : memref<128x512xf32, #tpu.memory_space<vmem>>, vector<128x512xf32>
      tpu.vector_store %arg3[%swap3A_273, %swap3A_274], %broadcast_in_dim3A_272 {strides = array<i32>} : memref<128x512xf32, #tpu.memory_space<vmem>>, vector<128x512xf32>,
      %broadcast_in_dim3A_276 = arith.constant 0.000000e+00 : f32
      %broadcast_in_dim3A_277 = vector.broadcast %broadcast_in_dim3A_276 : f32 to vector<128x512xf32>
      %swap3A_278 = arith.constant 0 : index
      %swap3A_279 = arith.constant 0 : index
      %swap3A_280 = vector.load %arg4[%swap3A_278, %swap3A_279] : memref<128x512xf32, #tpu.memory_space<vmem>>, vector<128x512xf32>
      tpu.vector_store %arg4[%swap3A_278, %swap3A_279], %broadcast_in_dim3A_277 {strides = array<i32>} : memref<128x512xf32, #tpu.memory_space<vmem>>, vector<128x512xf32>,
    } else {
    }
    %get3A_251 = arith.constant 0 : index
    %get3A_252 = arith.constant 0 : index
    %get3A_253 = vector.load %arg3[%get3A_251, %get3A_252] : memref<128x512xf32, #tpu.memory_space<vmem>>, vector<128x512xf32>
    %add3A_254 = arith.addf %get3A_253, %log3A : vector<128x512xf32>
    %swap3A = arith.constant 0 : index
    %swap3A_255 = arith.constant 0 : index
    %swap3A_256 = vector.load %arg3[%swap3A, %swap3A_255] : memref<128x512xf32, #tpu.memory_space<vmem>>, vector<128x512xf32>
    tpu.vector_store %arg3[%swap3A, %swap3A_255], %add3A_254 {strides = array<i32>} : memref<128x512xf32, #tpu.memory_space<vmem>>, vector<128x512xf32>,
    %get3A_257 = arith.constant 0 : index
    %get3A_258 = arith.constant 0 : index
    %get3A_259 = vector.load %arg4[%get3A_257, %get3A_258] : memref<128x512xf32, #tpu.memory_space<vmem>>, vector<128x512xf32>
    %ne3A = arith.constant 1.000000e+00 : f32
    %ne3A_260 = vector.broadcast %ne3A : f32 to vector<128x512xf32>
    %ne3A_261 = arith.cmpf one, %add3A_247, %ne3A_260 : vector<128x512xf32>
    %jit3A_262 = arith.constant 1.000000e+00 : f32
    %jit3A_263 = arith.constant 0.000000e+00 : f32
    %broadcast_in_dim3A_264 = vector.broadcast %jit3A_262 : f32 to vector<128x512xf32>
    %broadcast_in_dim3A_265 = vector.broadcast %jit3A_263 : f32 to vector<128x512xf32>
    %select_n3A_266 = arith.select %ne3A_261, %broadcast_in_dim3A_264, %broadcast_in_dim3A_265 : vector<128x512xi1>, vector<128x512xf32>
    %add3A_267 = arith.addf %get3A_259, %select_n3A_266 : vector<128x512xf32>
    %swap3A_268 = arith.constant 0 : index
    %swap3A_269 = arith.constant 0 : index
    %swap3A_270 = vector.load %arg4[%swap3A_268, %swap3A_269] : memref<128x512xf32, #tpu.memory_space<vmem>>, vector<128x512xf32>
    tpu.vector_store %arg4[%swap3A_268, %swap3A_269], %add3A_267 {strides = array<i32>} : memref<128x512xf32, #tpu.memory_space<vmem>>, vector<128x512xf32>,
    return
  }
  func.func @transform_0(%arg0: i32) -> (i32, i32, i32, i32) {
    %mul3A = arith.constant 64 : i32
    %mul3A_0 = arith.muli %arg0, %mul3A : i32
    %add3A = arith.constant 1280 : i32
    %add3A_1 = arith.addi %add3A, %mul3A_0 : i32
    %jit3A = arith.constant 256 : i32
    %div3A = arith.divsi %add3A_1, %jit3A : i32
    %sign3A = arith.constant 0 : i32
    %sign3A_2 = arith.cmpi sgt, %add3A_1, %sign3A : i32
    %sign3A_3 = arith.extui %sign3A_2 : i1 to i32
    %sign3A_4 = arith.constant 0 : i32
    %sign3A_5 = arith.cmpi slt, %add3A_1, %sign3A_4 : i32
    %sign3A_6 = arith.extui %sign3A_5 : i1 to i32
    %sign3A_7 = arith.subi %sign3A_3, %sign3A_6 : i32
    %sign3A_8 = arith.constant 0 : i32
    %sign3A_9 = arith.cmpi sgt, %jit3A, %sign3A_8 : i32
    %sign3A_10 = arith.extui %sign3A_9 : i1 to i32
    %sign3A_11 = arith.constant 0 : i32
    %sign3A_12 = arith.cmpi slt, %jit3A, %sign3A_11 : i32
    %sign3A_13 = arith.extui %sign3A_12 : i1 to i32
    %sign3A_14 = arith.subi %sign3A_10, %sign3A_13 : i32
    %ne3A = arith.cmpi ne, %sign3A_7, %sign3A_14 : i32
    %rem3A = arith.remsi %add3A_1, %jit3A : i32
    %ne3A_15 = arith.constant 0 : i32
    %ne3A_16 = arith.cmpi ne, %rem3A, %ne3A_15 : i32
    %and3A = arith.andi %ne3A, %ne3A_16 : i1
    %sub3A = arith.constant 1 : i32
    %sub3A_17 = arith.subi %div3A, %sub3A : i32
    %select_n3A = arith.select %and3A, %sub3A_17, %div3A : i32
    %jit3A_18 = arith.constant 256 : i32
    %eq3A = arith.constant 0 : i32
    %eq3A_19 = arith.cmpi eq, %jit3A_18, %eq3A : i32
    %jit3A_20 = arith.constant 1 : i32
    %select_n3A_21 = arith.select %eq3A_19, %jit3A_20, %jit3A_18 : i32
    %rem3A_22 = arith.remsi %add3A_1, %select_n3A_21 : i32
    %ne3A_23 = arith.constant 0 : i32
    %ne3A_24 = arith.cmpi ne, %rem3A_22, %ne3A_23 : i32
    %lt3A = arith.constant 0 : i32
    %lt3A_25 = arith.cmpi slt, %rem3A_22, %lt3A : i32
    %lt3A_26 = arith.constant 0 : i32
    %lt3A_27 = arith.cmpi slt, %select_n3A_21, %lt3A_26 : i32
    %ne3A_28 = arith.xori %lt3A_25, %lt3A_27 : i1
    %and3A_29 = arith.andi %ne3A_28, %ne3A_24 : i1
    %add3A_30 = arith.addi %rem3A_22, %select_n3A_21 : i32
    %select_n3A_31 = arith.select %and3A_29, %add3A_30, %rem3A_22 : i32
    %jit3A_32 = arith.constant 64 : i32
    %div3A_33 = arith.divsi %select_n3A_31, %jit3A_32 : i32
    %sign3A_34 = arith.constant 0 : i32
    %sign3A_35 = arith.cmpi sgt, %select_n3A_31, %sign3A_34 : i32
    %sign3A_36 = arith.extui %sign3A_35 : i1 to i32
    %sign3A_37 = arith.constant 0 : i32
    %sign3A_38 = arith.cmpi slt, %select_n3A_31, %sign3A_37 : i32
    %sign3A_39 = arith.extui %sign3A_38 : i1 to i32
    %sign3A_40 = arith.subi %sign3A_36, %sign3A_39 : i32
    %sign3A_41 = arith.constant 0 : i32
    %sign3A_42 = arith.cmpi sgt, %jit3A_32, %sign3A_41 : i32
    %sign3A_43 = arith.extui %sign3A_42 : i1 to i32
    %sign3A_44 = arith.constant 0 : i32
    %sign3A_45 = arith.cmpi slt, %jit3A_32, %sign3A_44 : i32
    %sign3A_46 = arith.extui %sign3A_45 : i1 to i32
    %sign3A_47 = arith.subi %sign3A_43, %sign3A_46 : i32
    %ne3A_48 = arith.cmpi ne, %sign3A_40, %sign3A_47 : i32
    %rem3A_49 = arith.remsi %select_n3A_31, %jit3A_32 : i32
    %ne3A_50 = arith.constant 0 : i32
    %ne3A_51 = arith.cmpi ne, %rem3A_49, %ne3A_50 : i32
    %and3A_52 = arith.andi %ne3A_48, %ne3A_51 : i1
    %sub3A_53 = arith.constant 1 : i32
    %sub3A_54 = arith.subi %div3A_33, %sub3A_53 : i32
    %select_n3A_55 = arith.select %and3A_52, %sub3A_54, %div3A_33 : i32
    %c0_i32 = arith.constant 0 : i32
    %c0_i32_56 = arith.constant 0 : i32
    %c0_i32_57 = arith.constant 0 : i32
    return %select_n3A, %c0_i32, %select_n3A_55, %c0_i32_56 : i32, i32, i32, i32
  }
  func.func @transform_1(%arg0: i32) -> (i32, i32, i32) {
    %mul3A = arith.constant 64 : i32
    %mul3A_0 = arith.muli %arg0, %mul3A : i32
    %add3A = arith.constant 1280 : i32
    %add3A_1 = arith.addi %add3A, %mul3A_0 : i32
    %jit3A = arith.constant 256 : i32
    %div3A = arith.divsi %add3A_1, %jit3A : i32
    %sign3A = arith.constant 0 : i32
    %sign3A_2 = arith.cmpi sgt, %add3A_1, %sign3A : i32
    %sign3A_3 = arith.extui %sign3A_2 : i1 to i32
    %sign3A_4 = arith.constant 0 : i32
    %sign3A_5 = arith.cmpi slt, %add3A_1, %sign3A_4 : i32
    %sign3A_6 = arith.extui %sign3A_5 : i1 to i32
    %sign3A_7 = arith.subi %sign3A_3, %sign3A_6 : i32
    %sign3A_8 = arith.constant 0 : i32
    %sign3A_9 = arith.cmpi sgt, %jit3A, %sign3A_8 : i32
    %sign3A_10 = arith.extui %sign3A_9 : i1 to i32
    %sign3A_11 = arith.constant 0 : i32
    %sign3A_12 = arith.cmpi slt, %jit3A, %sign3A_11 : i32
    %sign3A_13 = arith.extui %sign3A_12 : i1 to i32
    %sign3A_14 = arith.subi %sign3A_10, %sign3A_13 : i32
    %ne3A = arith.cmpi ne, %sign3A_7, %sign3A_14 : i32
    %rem3A = arith.remsi %add3A_1, %jit3A : i32
    %ne3A_15 = arith.constant 0 : i32
    %ne3A_16 = arith.cmpi ne, %rem3A, %ne3A_15 : i32
    %and3A = arith.andi %ne3A, %ne3A_16 : i1
    %sub3A = arith.constant 1 : i32
    %sub3A_17 = arith.subi %div3A, %sub3A : i32
    %select_n3A = arith.select %and3A, %sub3A_17, %div3A : i32
    %jit3A_18 = arith.constant 256 : i32
    %eq3A = arith.constant 0 : i32
    %eq3A_19 = arith.cmpi eq, %jit3A_18, %eq3A : i32
    %jit3A_20 = arith.constant 1 : i32
    %select_n3A_21 = arith.select %eq3A_19, %jit3A_20, %jit3A_18 : i32
    %rem3A_22 = arith.remsi %add3A_1, %select_n3A_21 : i32
    %ne3A_23 = arith.constant 0 : i32
    %ne3A_24 = arith.cmpi ne, %rem3A_22, %ne3A_23 : i32
    %lt3A = arith.constant 0 : i32
    %lt3A_25 = arith.cmpi slt, %rem3A_22, %lt3A : i32
    %lt3A_26 = arith.constant 0 : i32
    %lt3A_27 = arith.cmpi slt, %select_n3A_21, %lt3A_26 : i32
    %ne3A_28 = arith.xori %lt3A_25, %lt3A_27 : i1
    %and3A_29 = arith.andi %ne3A_28, %ne3A_24 : i1
    %add3A_30 = arith.addi %rem3A_22, %select_n3A_21 : i32
    %select_n3A_31 = arith.select %and3A_29, %add3A_30, %rem3A_22 : i32
    %jit3A_32 = arith.constant 64 : i32
    %div3A_33 = arith.divsi %select_n3A_31, %jit3A_32 : i32
    %sign3A_34 = arith.constant 0 : i32
    %sign3A_35 = arith.cmpi sgt, %select_n3A_31, %sign3A_34 : i32
    %sign3A_36 = arith.extui %sign3A_35 : i1 to i32
    %sign3A_37 = arith.constant 0 : i32
    %sign3A_38 = arith.cmpi slt, %select_n3A_31, %sign3A_37 : i32
    %sign3A_39 = arith.extui %sign3A_38 : i1 to i32
    %sign3A_40 = arith.subi %sign3A_36, %sign3A_39 : i32
    %sign3A_41 = arith.constant 0 : i32
    %sign3A_42 = arith.cmpi sgt, %jit3A_32, %sign3A_41 : i32
    %sign3A_43 = arith.extui %sign3A_42 : i1 to i32
    %sign3A_44 = arith.constant 0 : i32
    %sign3A_45 = arith.cmpi slt, %jit3A_32, %sign3A_44 : i32
    %sign3A_46 = arith.extui %sign3A_45 : i1 to i32
    %sign3A_47 = arith.subi %sign3A_43, %sign3A_46 : i32
    %ne3A_48 = arith.cmpi ne, %sign3A_40, %sign3A_47 : i32
    %rem3A_49 = arith.remsi %select_n3A_31, %jit3A_32 : i32
    %ne3A_50 = arith.constant 0 : i32
    %ne3A_51 = arith.cmpi ne, %rem3A_49, %ne3A_50 : i32
    %and3A_52 = arith.andi %ne3A_48, %ne3A_51 : i1
    %sub3A_53 = arith.constant 1 : i32
    %sub3A_54 = arith.subi %div3A_33, %sub3A_53 : i32
    %select_n3A_55 = arith.select %and3A_52, %sub3A_54, %div3A_33 : i32
    %c0_i32 = arith.constant 0 : i32
    %c0_i32_56 = arith.constant 0 : i32
    return %select_n3A, %select_n3A_55, %c0_i32 : i32, i32, i32
  }
  func.func @transform_2(%arg0: i32) -> (i32, i32) {
    %c0_i32 = arith.constant 0 : i32
    %c0_i32_0 = arith.constant 0 : i32
    %c0_i32_1 = arith.constant 0 : i32
    return %c0_i32, %c0_i32_0 : i32, i32
  }
  func.func @transform_3(%arg0: i32) -> (i32, i32) {
    %c0_i32 = arith.constant 0 : i32
    %c0_i32_0 = arith.constant 0 : i32
    %c0_i32_1 = arith.constant 0 : i32
    return %c0_i32, %c0_i32_0 : i32, i32
  }
}

</mosaic_0001>

<sc_bundles>
// kernel: kernel.4.cloned.1.call-start
scs
__scs_entry_jumppad:
0x0: {  	(pc) =	sbr.rel $0x88, $3  }
0x1: {  	(tag) =	ssettag $0x0;
	lr =	simm.s32 $0x1  }
0x2: {  	[smem:$0x3F9F] =	sst lr;
	_ =	strace $0xD0000000  }
0x3: {  	_ = 	snop  }
0x4: {  	_ = 	snop  }
0x5: {  	_ = 	snop  }
0x6: {  	_ = 	snop  }
0x7: {  	_ = 	snop  }
__scs_overlays_trampoline_lowered:
0x8: {  	[smem:$0x3FAE] =	sst s0  }
0x9: {  	[smem:$0x3FAF] =	sst s1  }
0xa: {  	[smem:$0x3FB0] =	sst s2  }
0xb: {  	[smem:$0x3FB1] =	sst s3  }
0xc: {  	[smem:$0x3FB2] =	sst s4  }
0xd: {  	[smem:$0x3FB3] =	sst s5  }
0xe: {  	[smem:$0x3FB4] =	sst s6  }
0xf: {  	[smem:$0x3FB5] =	sst s7  }
0x10: {  	[smem:$0x3FB6] =	sst s8  }
0x11: {  	[smem:$0x3FB7] =	sst s9;
	s0 =	simm.s32 @!p0 $0x0  }
0x12: {  	s1 =	sld [smem:$0x3F9D];
	s0 =	simm.s32 @p0 $0x1  }
0x13: {  	[smem:$0x3FB8] =	sst s0;
	s0 =	simm.s32 @!p1 $0x0  }
0x14: {  	s2 =	sld [smem:$0x3F9C];
	s0 =	simm.s32 @p1 $0x1  }
0x15: {  	[smem:$0x3FB9] =	sst s0;
	s0 =	simm.s32 @!p2 $0x0  }
0x16: {  	s3 =	sld [smem:$0x3FDB];
	s0 =	simm.s32 @p2 $0x1  }
0x17: {  	s4 =	simm.s32 $0x1BF5;
	[smem:$0x3FBB] =	sst s0  }
0x18: {  	s0 =	sld [smem:$0x3F9E];
	_ =	swait.ge [sflag:s4], $0x0  }
0x19: {  	s7 =	sld [smem:$0x3F9F]  }
0x1a: {  	s8 =	sadd.s32 $0xFFFFE003, lr  }
0x1b: {  	s9 =	sadd.s32 $0xFFFFFEF7, lr;
	s5 =	simm.s32 $0xFFFFFFFF;
	p2 =	slt.u32 s8, $0xFFFFF086  }
0x1c: {  	p1 =	slt.u32 s9, $0xF7A;
	s5 =	simm.s32 @!p2 $0x0  }
0x1d: {  	s5 =	simm.s32 @p1 $0x1;
	p0 =	seq.s32 s7, s2  }
0x1e: {  	s7 =	smul.u32 @!p0 $0xF7A, s2;
	p2 =	seq.s32 @!p0 s5, $0x0  }
0x1f: {  	s9 =	smul.u32 $0xF7A, s1;
	s8 =	simm.s32 @!p0 $0x1BF5;
	p2 =	por !p2, p0  }
0x20: {  	[sflag:s8] =	ssyncset.s32 @!p0 $0xFFFFF086;
	s6 =	sadd.s32 @!p0 s3, s7;
	s7 =	simm.s32 @!p0 $0x108  }
0x21: {  	s3 =	sadd.s32 s3, s9;
	s6 =	sadd.s32 @!p0 $0x88, s6;
	s7 =	simm.s32 @p2 $0x1082  }
0x22: {  	[simem:s7], [sflag:s8] =	dma.local @!p0 [hbm:s6], $0xF7A  }
0x23: {  	s9 =	sor.u32 $0xD0000000, s2;
	s6 =	simm.s32 $0x108;
	_ =	swait.ge @!p0 [sflag:s8], $0x0  }
0x24: {  	s3 =	sadd.s32 $0x88, s3;
	s6 =	simm.s32 @!p1 $0x1082;
	[sflag:s4] =	ssyncset.s32 $0xFFFFF086  }
0x25: {  	[simem:s6], [sflag:s4] =	dma.local [hbm:s3], $0xF7A  }
0x26: {  	[smem:$0x3F9F] =	sst s1;
	(tag) =	ssettag s2;
	_ =	strace s9  }
0x27: {  	s1 =	sld [smem:$0x3FAF]  }
0x28: {  	s2 =	sld [smem:$0x3FB0]  }
0x29: {  	s4 =	sld [smem:$0x3FB2]  }
0x2a: {  	p0 =	seq.s32 s5, $0x0;
	s5 =	sld [smem:$0x3FB3]  }
0x2b: {  	s6 =	sld [smem:$0x3FB4]  }
0x2c: {  	s7 =	sld [smem:$0x3FB5]  }
0x2d: {  	s3 =	simm.s32 $0x108;
	s8 =	sld [smem:$0x3FB6]  }
0x2e: {  	s3 =	simm.s32 @!p0 $0x1082;
	s9 =	sld [smem:$0x3FB7]  }
0x2f: {  	lr =	sadd.s32 s0, s3;
	s0 =	sld [smem:$0x3FAE]  }
0x30: {  	s3 =	sld [smem:$0x3FB1]  }
0x31: {  	[smem:$0x3FBA] =	sst s10  }
0x32: {  	s10 =	sld [smem:$0x3FB8];
	_ =	sdelay $0x3  }
0x33: {  	p0 =	seq.s32 s10, $0x1;
	s10 =	sld [smem:$0x3FBA];
	_ =	sdelay $0x3  }
0x34: {  	[smem:$0x3FBA] =	sst s10  }
0x35: {  	s10 =	sld [smem:$0x3FB9];
	_ =	sdelay $0x3  }
0x36: {  	p1 =	seq.s32 s10, $0x1;
	s10 =	sld [smem:$0x3FBA];
	_ =	sdelay $0x3  }
0x37: {  	[smem:$0x3FBA] =	sst s10  }
0x38: {  	s10 =	sld [smem:$0x3FBB]  }
0x39: {  	_ = 	snop;
	(pc) =	sbr.ind lr, $3  }
0x3a: {  	_ = 	snop  }
0x3b: {  	_ = 	snop  }
0x3c: {  	p2 =	seq.s32 s10, $0x1;
	s10 =	sld [smem:$0x3FBA]  }
0x3d: {  	_ =	shalt  }
0x3e: {  	_ =	shalt  }
0x3f: {  	_ =	shalt  }
0x40: {  	_ =	shalt  }
0x41: {  	_ =	shalt  }
0x42: {  	_ =	shalt  }
0x43: {  	_ =	shalt  }
0x44: {  	_ =	shalt  }
0x45: {  	_ =	shalt  }
0x46: {  	_ =	shalt  }
0x47: {  	_ =	shalt  }
0x48: {  	_ =	shalt  }
0x49: {  	_ =	shalt  }
0x4a: {  	_ =	shalt  }
0x4b: {  	_ =	shalt  }
0x4c: {  	_ =	shalt  }
0x4d: {  	_ =	shalt  }
0x4e: {  	_ =	shalt  }
0x4f: {  	_ =	shalt  }
0x50: {  	_ =	shalt  }
0x51: {  	_ =	shalt  }
0x52: {  	_ =	shalt  }
0x53: {  	_ =	shalt  }
0x54: {  	_ =	shalt  }
0x55: {  	_ =	shalt  }
0x56: {  	_ =	shalt  }
0x57: {  	_ =	shalt  }
0x58: {  	_ =	shalt  }
0x59: {  	_ =	shalt  }
0x5a: {  	_ =	shalt  }
0x5b: {  	_ =	shalt  }
0x5c: {  	_ =	shalt  }
0x5d: {  	_ =	shalt  }
0x5e: {  	_ =	shalt  }
0x5f: {  	_ =	shalt  }
0x60: {  	_ =	shalt  }
0x61: {  	_ =	shalt  }
0x62: {  	_ =	shalt  }
0x63: {  	_ =	shalt  }
0x64: {  	_ =	shalt  }
0x65: {  	_ =	shalt  }
0x66: {  	_ =	shalt  }
0x67: {  	_ =	shalt  }
0x68: {  	_ =	shalt  }
0x69: {  	_ =	shalt  }
0x6a: {  	_ =	shalt  }
0x6b: {  	_ =	shalt  }
0x6c: {  	_ =	shalt  }
0x6d: {  	_ =	shalt  }
0x6e: {  	_ =	shalt  }
0x6f: {  	_ =	shalt  }
0x70: {  	_ =	shalt  }
0x71: {  	_ =	shalt  }
0x72: {  	_ =	shalt  }
0x73: {  	_ =	shalt  }
0x74: {  	_ =	shalt  }
0x75: {  	_ =	shalt  }
0x76: {  	_ =	shalt  }
0x77: {  	_ =	shalt  }
0x78: {  	_ =	shalt  }
0x79: {  	_ =	shalt  }
0x7a: {  	_ =	shalt  }
0x7b: {  	_ =	shalt  }
0x7c: {  	_ =	shalt  }
0x7d: {  	_ =	shalt  }
0x7e: {  	_ =	shalt  }
0x7f: {  	_ =	shalt  }
0x80: {  	_ =	shalt  }
0x81: {  	_ =	shalt  }
0x82: {  	_ =	shalt  }
0x83: {  	_ =	shalt  }
0x84: {  	_ =	shalt  }
0x85: {  	_ =	shalt  }
0x86: {  	_ =	shalt  }
0x87: {  	_ =	shalt  }
.Lfunc_end0:
.L_simem_size_0:
called_computation_lowered:
.L_overlay_start_0:
0x88: {  	s2 =	sld [smem:$0x3FD9]  }
0x89: {  	s3 =	sld [smem:$0x3FFE];
	_ =	sdelay $0x1  }
0x8a: {  	s1 =	srdreg.scid  }
0x8b: {  	s0 =	sand.u32 $0x1, s1  }
0x8c: {  	s17 =	sshll.u32 s0, $0xA;
	s2 =	sadd.s32 s3, s2  }
0x8d: {  	s2 =	sadd.s32 s2, s17  }
0x8e: {  	[smem:$0x3FC6] =	sst s2  }
0x8f: {  	_ = 	snop  }
0x90: {  	s2 =	sld [smem:$0x3FC9]  }
0x91: {  	s18 =	sld [smem:$0x3FC8];
	(tm) =	ssettm $0x1  }
0x92: {  	s4 =	sld [smem:$0x3FFB];
	_ =	sdelay $0x3  }
0x93: {  	_ =	strace s4  }
0x94: {  	s4 =	sld [smem:$0x3FFC];
	_ =	sdelay $0x3  }
0x95: {  	_ =	strace s4  }
0x96: {  	s4 =	sld [smem:$0x3FFD];
	_ =	sdelay $0x3  }
0x97: {  	_ =	strace s4  }
0x98: {  	_ =	strace $0x8FFFFFFF  }
0x99: {  	s19 =	sld [smem:$0x3FDB];
	_ =	sdelay $0x1  }
0x9a: {  	s5 =	simm.s32 $_scs_section_size  }
0x9b: {  	s6 =	simm.s32 $_size__tile_overlayer_lowered;
	s7 =	simm.s32 $_tile_overlayer_lowered  }
0x9c: {  	s22 =	simm.s32 $0x1BFF;
	s21 =	sshll.u32 s7, $0x1;
	s4 =	sadd.s32 s5, s19  }
0x9d: {  	s8 =	simm.s32 $0x0;
	s20 =	sshll.u32 s6, $0x1;
	s6 =	sadd.s32 s21, s4  }
0x9e: {  	[timem:s8], [sflag:s22] =	dma.local [hbm:s6], s20  }
0x9f: {  	_ =	swait.ge [sflag:s22], s20  }
0xa0: {  	s5 =	ssub.s32 $0x0, s20;
	[sflag:s22] =	ssyncset.done $0x0  }
0xa1: {  	[sflag:s22] =	ssyncadd.s32 s5;
	_ =	sdelay $0x1  }
0xa2: {  	s23 =	simm.s32 $0x1B8B  }
0xa3: {  	_ =	swait.ge [sflag:s23], $0x1  }
0xa4: {  	[sflag:s23] =	ssyncset.done $0x0  }
0xa5: {  	s25 =	simm.s32 $0x1B8E;
	s24 =	sld [smem:$0x3FFE];
	[sflag:s23] =	ssyncadd.s32 $0xFFFFFFFF  }
0xa6: {  	s26 =	simm.s32 $execute0_lowered;
	[smem:$0x3FD2] =	sst s25  }
0xa7: {  	s6 =	sshll.u32 s26, $0x1;
	_ =	strace $0x80000046;
	[dreg:$0x1] =	wrdreg $0xFFFFFFFF  }
0xa8: {  	s28 =	simm.s32 $_size_execute0_lowered;
	s4 =	sadd.s32 s4, s6;
	[dreg:$0x0] =	wrdreg $0x0  }
0xa9: {  	s6 =	sshll.u32 s28, $0x1;
	[dreg:$0x2] =	wrdreg s4  }
0xaa: {  	[dreg:$0x3] =	wrdreg s6  }
0xab: {  	[dreg:$0x4] =	wrdreg $0xC0  }
0xac: {  	_ =	task [dreg:s8], $0x5FFFF  }
0xad: {  	[dreg:$0x1] =	wrdreg $0xFFFFFFFF  }
0xae: {  	[dreg:$0x0] =	wrdreg $0x60  }
0xaf: {  	[dreg:$0x2] =	wrdreg s2  }
0xb0: {  	[dreg:$0x3] =	wrdreg s18  }
0xb1: {  	[dreg:$0x4] =	wrdreg s24  }
0xb2: {  	[dreg:$0x5] =	wrdreg $0x9  }
0xb3: {  	_ =	task.clear_ibuf [dreg:s8], $0x6FFFF;
	_ =	strace $0x90000046  }
0xb4: {  	s29 =	simm.s32 $0x9;
	_ =	strace $0x80000048  }
0xb5: {  	_ =	swait.ge [sflag:s29], $0x1  }
0xb6: {  	[sflag:s29] =	ssyncadd.s32 $0xFFFFFFFF  }
0xb7: {  	_ =	strace $0x90000048  }
0xb8: {  	_ =	sfence  }
0xb9: {  	s30 =	sld [smem:$0x0];
	_ =	sdelay $0x2  }
0xba: {  	s31 =	sshll.u32 s1, $0xD;
	s1 =	sshrl.u32 s1, $0x2  }
0xbb: {  	s3 =	sand.u32 $0x4000, s31;
	s1 =	sadd.s32 s1, s30  }
0xbc: {  	s0 =	sor.u32 s3, s0;
	s1 =	sshll.u32 s1, $0x11  }
0xbd: {  	s0 =	sor.u32 s1, s0  }
0xbe: {  	s0 =	sadd.s32 $0x8F2B, s0  }
0xbf: {  	[sflag:s0] =	ssyncadd.remote.s32 $0x1  }
0xc0: {  	_ =	sfence.sel $0xFFFF  }
0xc1: {  	[dreg:$0x0] =	wrdreg $0xFFFFFFFF;
	(pc) =	sbr.abs _section_cstart, $3  }
0xc2: {  	[dreg:$0x1] =	wrdreg $0xFFFFFFFF  }
0xc3: {  	_ =	task.clear_ibuf [dreg:s8], $0x2FFFF;
	_ =	strace $0x9FFFFFFF  }
0xc4: {  	(tm) =	ssettm $0x7FFFFFFF  }
0xc5: {  	_ =	shalt  }
tec
execute0_lowered:
.L_overlay_start_1:
0x0: {  	(tag) =	ssettag $0x1  }
0x1: {  	s0 =	srdreg.scid;
	s1 =	stileid.u32  }
0x2: {  	s2 =	rddreg [dreg:$0x0];
	s0 =	sand.u32 $0x1, s0;
	s1 =	sshll.u32 s1, $0x1  }
0x3: {  	s10 =	rddreg [dreg:$0x1];
	s3 =	sor.u32 s0, s1  }
0x4: {  	s7 =	rddreg [dreg:$0x2];
	s12 =	sadd.s32 $0x80, s10;
	s5 =	smul.u32 $0xA000, s3  }
0x5: {  	s14 =	sadd.s32 $0x100, s2;
	s0 =	ssub.s32 $0x2, s0;
	s1 =	smul.u32 $0x28, s3  }
0x6: {  	s9 =	sshrl.u32 s0, $0x1;
	s8 =	sand.u32 $0x3E000, s5;
	s5 =	simm.s32 $0x0  }
0x7: {  	s0 =	ssub.s32 s0, s9;
	s9 =	sadd.s32 $0x80, s2;
	[smem:$0x7FF] =	sst s5  }
0x8: {  	s15 =	sadd.s32 $0x100, s10;
	_ =	strace $0x80000047;
	[dreg:$0xe] =	wrdreg s9  }
0x9: {  	s3 =	sshll.u32 s3, $0x4;
	s4 =	sshrl.u32 s1, $0x8;
	[dreg:$0xf] =	wrdreg s12  }
0xa: {  	s6 =	smul.u32 $0x4C0000, s4;
	s4 =	sshll.u32 s4, $0x12;
	[dreg:$0x12] =	wrdreg s14  }
0xb: {  	s0 =	smax.u32 s0, $0x1;
	s4 =	sor.u32 s8, s4;
	[dreg:$0x14] =	wrdreg s15  }
0xc: {  	s7 =	sadd.s32 s7, s3;
	[dreg:$0x17] =	wrdreg s0;
	s4 =	sshrl.u32 s4, $0x3  }
0xd: {  	[dreg:$0x13] =	wrdreg s7;
	s26 =	sadd.s32 s10, s4  }
0xe: {  	s6 =	sor.u32 s8, s6;
	s13 =	sadd.s32 s4, s12;
	[dreg:$0xd] =	wrdreg s26  }
0xf: {  	s6 =	sshrl.u32 s6, $0x3;
	s3 =	sadd.s32 s4, s15;
	[dreg:$0x11] =	wrdreg s13  }
0x10: {  	s8 =	sadd.s32 s6, s9;
	[dreg:$0x16] =	wrdreg s3  }
0x11: {  	s11 =	sadd.s32 s2, s6;
	s6 =	sadd.s32 s6, s14;
	[dreg:$0x10] =	wrdreg s8  }
0x12: {  	[dreg:$0x15] =	wrdreg s6  }
0x13: {  	s18 =	sadd.s32 $0x8000, s11;
	[dreg:$0x4] =	wrdreg s11  }
0x14: {  	s19 =	sadd.s32 $0x10000, s11;
	[dreg:$0x5] =	wrdreg s18  }
0x15: {  	s20 =	sadd.s32 $0x18000, s11;
	[dreg:$0x6] =	wrdreg s19  }
0x16: {  	s21 =	sadd.s32 $0x20000, s11;
	[dreg:$0x7] =	wrdreg s20  }
0x17: {  	s22 =	sadd.s32 $0x28000, s11;
	[dreg:$0x8] =	wrdreg s21  }
0x18: {  	s23 =	sadd.s32 $0x30000, s11;
	[dreg:$0x9] =	wrdreg s22  }
0x19: {  	s24 =	sadd.s32 $0x38000, s11;
	[dreg:$0xa] =	wrdreg s23  }
0x1a: {  	s25 =	sadd.s32 $0x40000, s11;
	[dreg:$0xb] =	wrdreg s24  }
0x1b: {  	s16 =	sadd.s32 $0x48000, s11;
	[dreg:$0xc] =	wrdreg s25  }
0x1c: {  	s17 =	sadd.s32 $0x50000, s11;
	[dreg:$0x18] =	wrdreg s16  }
0x1d: {  	s26 =	sadd.s32 $0x8080, s11;
	[dreg:$0x19] =	wrdreg s17  }
0x1e: {  	s3 =	sadd.s32 $0x10080, s11;
	[smem:$0x7D5] =	sst s26  }
0x1f: {  	s4 =	sadd.s32 $0x18080, s11;
	[smem:$0x7D6] =	sst s3  }
0x20: {  	s6 =	sadd.s32 $0x20080, s11;
	[smem:$0x7D7] =	sst s4  }
0x21: {  	s8 =	sadd.s32 $0x28080, s11;
	[smem:$0x7D8] =	sst s6  }
0x22: {  	s9 =	sadd.s32 $0x30080, s11;
	[smem:$0x7D9] =	sst s8  }
0x23: {  	s12 =	sadd.s32 $0x38080, s11;
	[smem:$0x7DA] =	sst s9  }
0x24: {  	s13 =	sadd.s32 $0x40080, s11;
	[smem:$0x7DB] =	sst s12  }
0x25: {  	s14 =	sadd.s32 $0x48080, s11;
	[smem:$0x7DC] =	sst s13  }
0x26: {  	s15 =	sadd.s32 $0x50080, s11;
	[smem:$0x7DD] =	sst s14  }
0x27: {  	s18 =	sadd.s32 $0x58000, s11;
	[smem:$0x7DE] =	sst s15  }
0x28: {  	s19 =	sadd.s32 $0x60000, s11;
	[dreg:$0x1a] =	wrdreg s18  }
0x29: {  	s20 =	sadd.s32 $0x68000, s11;
	[dreg:$0x1b] =	wrdreg s19  }
0x2a: {  	s21 =	sadd.s32 $0x70000, s11;
	[dreg:$0x1c] =	wrdreg s20  }
0x2b: {  	s22 =	sadd.s32 $0x78000, s11;
	[dreg:$0x1d] =	wrdreg s21  }
0x2c: {  	s23 =	sadd.s32 $0x80000, s11;
	[dreg:$0x1e] =	wrdreg s22  }
0x2d: {  	s24 =	sadd.s32 $0x88000, s11;
	[dreg:$0x1f] =	wrdreg s23  }
0x2e: {  	s25 =	sadd.s32 $0x90000, s11;
	[smem:$0x7D3] =	sst s24  }
0x2f: {  	s16 =	sadd.s32 $0x58080, s11;
	[smem:$0x7D4] =	sst s25  }
0x30: {  	s17 =	sadd.s32 $0x60080, s11;
	[smem:$0x7DF] =	sst s16  }
0x31: {  	s26 =	sadd.s32 $0x18100, s11;
	[smem:$0x7E0] =	sst s17  }
0x32: {  	s3 =	sadd.s32 $0x20100, s11;
	[smem:$0x7E9] =	sst s26  }
0x33: {  	s4 =	sadd.s32 $0x28100, s11;
	[smem:$0x7EA] =	sst s3  }
0x34: {  	s6 =	sadd.s32 $0x30100, s11;
	[smem:$0x7EB] =	sst s4  }
0x35: {  	s8 =	sadd.s32 $0x38100, s11;
	[smem:$0x7EC] =	sst s6  }
0x36: {  	s9 =	sadd.s32 $0x40100, s11;
	[smem:$0x7ED] =	sst s8  }
0x37: {  	s12 =	sadd.s32 $0x48100, s11;
	[smem:$0x7EE] =	sst s9  }
0x38: {  	s13 =	sadd.s32 $0x50100, s11;
	[smem:$0x7EF] =	sst s12  }
0x39: {  	s14 =	sadd.s32 $0x58100, s11;
	[smem:$0x7F0] =	sst s13  }
0x3a: {  	s15 =	sadd.s32 $0x60100, s11;
	[smem:$0x7F1] =	sst s14  }
0x3b: {  	s18 =	sadd.s32 $0x68080, s11;
	[smem:$0x7F2] =	sst s15  }
0x3c: {  	s19 =	sadd.s32 $0x70080, s11;
	[smem:$0x7E1] =	sst s18  }
0x3d: {  	s20 =	sadd.s32 $0x78080, s11;
	[smem:$0x7E2] =	sst s19  }
0x3e: {  	s28 =	simm.s32 $0x10800;
	s21 =	sadd.s32 $0x80080, s11;
	[smem:$0x7E3] =	sst s20  }
0x3f: {  	s29 =	simm.s32 $0x10C00;
	s22 =	sadd.s32 $0x88080, s11;
	[smem:$0x7E4] =	sst s21  }
0x40: {  	s30 =	simm.s32 $0x11000;
	s23 =	sadd.s32 $0x90080, s11;
	[smem:$0x7E5] =	sst s22  }
0x41: {  	s31 =	sadd.s32 $0x180, s2;
	s24 =	sadd.s32 $0x8100, s11;
	[smem:$0x7E6] =	sst s23  }
0x42: {  	s0 =	simm.s32 $0x4;
	s25 =	sadd.s32 $0x10100, s11;
	[smem:$0x7E7] =	sst s24  }
0x43: {  	s16 =	sadd.s32 $0x68100, s11;
	s17 =	sadd.s32 $0x70100, s11;
	[smem:$0x7E8] =	sst s25  }
0x44: {  	s3 =	sadd.s32 $0x180, s10;
	s26 =	sadd.s32 $0x200, s7;
	[smem:$0x7F3] =	sst s16  }
0x45: {  	s9 =	simm.s32 $0x11400;
	s10 =	simm.s32 $0x11800;
	[smem:$0x7F4] =	sst s17  }
0x46: {  	s6 =	simm.s32 $0x12000;
	s18 =	sadd.s32 $0x78100, s11;
	[smem:$0x7FD] =	sst s26  }
0x47: {  	s4 =	simm.s32 $0x12400;
	s19 =	sadd.s32 $0x80100, s11;
	[smem:$0x7F5] =	sst s18  }
0x48: {  	s12 =	simm.s32 $0x12C00;
	s20 =	sadd.s32 $0x88100, s11;
	[smem:$0x7F6] =	sst s19  }
0x49: {  	s13 =	simm.s32 $0x0;
	s21 =	sadd.s32 $0x90100, s11;
	[smem:$0x7F7] =	sst s20  }
0x4a: {  	s22 =	sor.u32 $0x4, s1;
	s23 =	sor.u32 $0x5, s1;
	[smem:$0x7F8] =	sst s21  }
0x4b: {  	s24 =	sor.u32 $0x6, s1;
	s25 =	sadd.s32 $0x400, s7;
	[smem:$0x7F9] =	sst s22  }
0x4c: {  	v0 =	vlaneseq.u32;
	s26 =	simm.s32 $0x10400;
	s11 =	simm.s32 $0x12800;
	[smem:$0x7FA] =	sst s23  }
0x4d: {  	v1 =	vimm.f32 $0.0e+00;
	v2 =	vor.u32 $0x10, v0;
	s16 =	simm.s32 $0x13C00;
	s17 =	simm.s32 $0x1;
	[smem:$0x7FB] =	sst s24  }
0x4e: {  	v3 =	vor.u32 $0x20, v0;
	v4 =	vor.u32 $0x30, v0;
	v5 =	vor.u32 $0x40, v0;
	[smem:$0x7FC] =	sst s25;
	s24 =	simm.s32 $0xFC00;
	s25 =	simm.s32 $0x10000  }
0x4f: {  	v6 =	vor.u32 $0x50, v0;
	v7 =	vor.u32 $0x60, v0;
	v8 =	vor.u32 $0x70, v0;
	s21 =	simm.s32 $0x11C00;
	s20 =	simm.s32 $0x2;
	s22 =	simm.s32 $0x3  }
.LBB2_1:
0x50: {  	[smem:$0x7D2] =	sst s13  }
0x51: {  	s7 =	rddreg [dreg:$0x4]  }
0x52: {  	s18 =	rddreg [dreg:$0x5]  }
0x53: {  	[tilespmem:s5], [sflag:$0x1] =	stream.linear.gather [hbm4b:s7+s5], $0x400, $0x38;
	[tilespmem:$0x14180] =	vst v63  }
0x54: {  	s8 =	simm.s32 $0x400;
	s19 =	rddreg [dreg:$0x6]  }
0x55: {  	[tilespmem:s8], [sflag:$0x1] =	stream.linear.gather [hbm4b:s18+s5], $0x400, $0x38;
	[tilespmem:$0x14180] =	vst v63  }
0x56: {  	s23 =	simm.s32 $0x800;
	s13 =	rddreg [dreg:$0x7]  }
0x57: {  	[tilespmem:s23], [sflag:$0x1] =	stream.linear.gather [hbm4b:s19+s5], $0x400, $0x38;
	[tilespmem:$0x14180] =	vst v63  }
0x58: {  	s14 =	simm.s32 $0xC00;
	s15 =	rddreg [dreg:$0x8]  }
0x59: {  	[tilespmem:s14], [sflag:$0x1] =	stream.linear.gather [hbm4b:s13+s5], $0x400, $0x38;
	[tilespmem:$0x14180] =	vst v63  }
0x5a: {  	s18 =	simm.s32 $0x1000;
	s19 =	rddreg [dreg:$0x9]  }
0x5b: {  	[tilespmem:s18], [sflag:$0x1] =	stream.linear.gather [hbm4b:s15+s5], $0x400, $0x38;
	[tilespmem:$0x14180] =	vst v63  }
0x5c: {  	s23 =	simm.s32 $0x1400;
	s13 =	rddreg [dreg:$0xa]  }
0x5d: {  	[tilespmem:s23], [sflag:$0x1] =	stream.linear.gather [hbm4b:s19+s5], $0x400, $0x38;
	[tilespmem:$0x14180] =	vst v63  }
0x5e: {  	s14 =	simm.s32 $0x1800;
	s15 =	rddreg [dreg:$0xb]  }
0x5f: {  	[tilespmem:s14], [sflag:$0x1] =	stream.linear.gather [hbm4b:s13+s5], $0x400, $0x38;
	[tilespmem:$0x14180] =	vst v63  }
0x60: {  	s18 =	simm.s32 $0x1C00;
	s19 =	rddreg [dreg:$0xc]  }
0x61: {  	[tilespmem:s18], [sflag:$0x1] =	stream.linear.gather [hbm4b:s15+s5], $0x400, $0x38;
	[tilespmem:$0x14180] =	vst v63  }
0x62: {  	s23 =	simm.s32 $0x2000;
	s13 =	rddreg [dreg:$0x18]  }
0x63: {  	[tilespmem:s23], [sflag:$0x1] =	stream.linear.gather [hbm4b:s19+s5], $0x400, $0x38;
	[tilespmem:$0x14180] =	vst v63  }
0x64: {  	s14 =	simm.s32 $0x2400;
	s15 =	rddreg [dreg:$0x19]  }
0x65: {  	[tilespmem:s14], [sflag:$0x1] =	stream.linear.gather [hbm4b:s13+s5], $0x400, $0x38;
	[tilespmem:$0x14180] =	vst v63  }
0x66: {  	s18 =	simm.s32 $0x2800;
	s19 =	rddreg [dreg:$0x1a]  }
0x67: {  	[tilespmem:s18], [sflag:$0x1] =	stream.linear.gather [hbm4b:s15+s5], $0x400, $0x38;
	[tilespmem:$0x14180] =	vst v63  }
0x68: {  	s23 =	simm.s32 $0x2C00;
	s13 =	rddreg [dreg:$0x1b]  }
0x69: {  	[tilespmem:s23], [sflag:$0x1] =	stream.linear.gather [hbm4b:s19+s5], $0x400, $0x38;
	[tilespmem:$0x14180] =	vst v63  }
0x6a: {  	s14 =	simm.s32 $0x3000;
	s15 =	rddreg [dreg:$0x1c]  }
0x6b: {  	[tilespmem:s14], [sflag:$0x1] =	stream.linear.gather [hbm4b:s13+s5], $0x400, $0x38;
	[tilespmem:$0x14180] =	vst v63  }
0x6c: {  	s18 =	simm.s32 $0x3400;
	s19 =	rddreg [dreg:$0x1d]  }
0x6d: {  	[tilespmem:s18], [sflag:$0x1] =	stream.linear.gather [hbm4b:s15+s5], $0x400, $0x38;
	[tilespmem:$0x14180] =	vst v63  }
0x6e: {  	s23 =	simm.s32 $0x3800;
	s13 =	rddreg [dreg:$0x1e]  }
0x6f: {  	[tilespmem:s23], [sflag:$0x1] =	stream.linear.gather [hbm4b:s19+s5], $0x400, $0x38;
	[tilespmem:$0x14180] =	vst v63  }
0x70: {  	s14 =	simm.s32 $0x3C00;
	s15 =	rddreg [dreg:$0x1f]  }
0x71: {  	[tilespmem:s14], [sflag:$0x1] =	stream.linear.gather [hbm4b:s13+s5], $0x400, $0x38;
	[tilespmem:$0x14180] =	vst v63  }
0x72: {  	s18 =	simm.s32 $0x4000;
	s19 =	sld [smem:$0x7D3]  }
0x73: {  	[tilespmem:s18], [sflag:$0x1] =	stream.linear.gather [hbm4b:s15+s5], $0x400, $0x38;
	[tilespmem:$0x14180] =	vst v63  }
0x74: {  	s23 =	simm.s32 $0x4400;
	s13 =	sld [smem:$0x7D4]  }
0x75: {  	[tilespmem:s23], [sflag:$0x1] =	stream.linear.gather [hbm4b:s19+s5], $0x400, $0x38;
	[tilespmem:$0x14180] =	vst v63  }
0x76: {  	s14 =	simm.s32 $0x4800;
	s15 =	rddreg [dreg:$0xd]  }
0x77: {  	[tilespmem:s14], [sflag:$0x1] =	stream.linear.gather [hbm4b:s13+s5], $0x400, $0x38;
	[tilespmem:$0x14180] =	vst v63  }
0x78: {  	s18 =	simm.s32 $0x13000;
	s19 =	rddreg [dreg:$0x10]  }
0x79: {  	[tilespmem:s18], [sflag:$0x1] =	stream.linear.gather [hbm4b:s15+s5], $0x400, $0x38;
	[tilespmem:$0x14180] =	vst v63  }
0x7a: {  	s23 =	simm.s32 $0x4C00;
	s13 =	sld [smem:$0x7D5]  }
0x7b: {  	[tilespmem:s23], [sflag:$0x2] =	stream.linear.gather [hbm4b:s19+s5], $0x400, $0x38;
	[tilespmem:$0x14180] =	vst v63  }
0x7c: {  	s14 =	simm.s32 $0x5000;
	s15 =	sld [smem:$0x7D6]  }
0x7d: {  	[tilespmem:s14], [sflag:$0x2] =	stream.linear.gather [hbm4b:s13+s5], $0x400, $0x38;
	[tilespmem:$0x14180] =	vst v63  }
0x7e: {  	s18 =	simm.s32 $0x5400;
	s19 =	sld [smem:$0x7D7]  }
0x7f: {  	[tilespmem:s18], [sflag:$0x2] =	stream.linear.gather [hbm4b:s15+s5], $0x400, $0x38;
	[tilespmem:$0x14180] =	vst v63  }
0x80: {  	s23 =	simm.s32 $0x5800;
	s13 =	sld [smem:$0x7D8]  }
0x81: {  	[tilespmem:s23], [sflag:$0x2] =	stream.linear.gather [hbm4b:s19+s5], $0x400, $0x38;
	[tilespmem:$0x14180] =	vst v63  }
0x82: {  	s14 =	simm.s32 $0x5C00;
	s15 =	sld [smem:$0x7D9]  }
0x83: {  	[tilespmem:s14], [sflag:$0x2] =	stream.linear.gather [hbm4b:s13+s5], $0x400, $0x38;
	[tilespmem:$0x14180] =	vst v63  }
0x84: {  	s18 =	simm.s32 $0x6000;
	s19 =	sld [smem:$0x7DA]  }
0x85: {  	[tilespmem:s18], [sflag:$0x2] =	stream.linear.gather [hbm4b:s15+s5], $0x400, $0x38;
	[tilespmem:$0x14180] =	vst v63  }
0x86: {  	s23 =	simm.s32 $0x6400;
	s13 =	sld [smem:$0x7DB]  }
0x87: {  	[tilespmem:s23], [sflag:$0x2] =	stream.linear.gather [hbm4b:s19+s5], $0x400, $0x38;
	[tilespmem:$0x14180] =	vst v63  }
0x88: {  	s14 =	simm.s32 $0x6800;
	s15 =	sld [smem:$0x7DC]  }
0x89: {  	[tilespmem:s14], [sflag:$0x2] =	stream.linear.gather [hbm4b:s13+s5], $0x400, $0x38;
	[tilespmem:$0x14180] =	vst v63  }
0x8a: {  	s18 =	simm.s32 $0x6C00;
	s19 =	sld [smem:$0x7DD]  }
0x8b: {  	[tilespmem:s18], [sflag:$0x2] =	stream.linear.gather [hbm4b:s15+s5], $0x400, $0x38;
	[tilespmem:$0x14180] =	vst v63  }
0x8c: {  	s23 =	simm.s32 $0x7000;
	s13 =	sld [smem:$0x7DE]  }
0x8d: {  	[tilespmem:s23], [sflag:$0x2] =	stream.linear.gather [hbm4b:s19+s5], $0x400, $0x38;
	[tilespmem:$0x14180] =	vst v63  }
0x8e: {  	s14 =	simm.s32 $0x7400;
	s15 =	sld [smem:$0x7DF]  }
0x8f: {  	[tilespmem:s14], [sflag:$0x2] =	stream.linear.gather [hbm4b:s13+s5], $0x400, $0x38;
	[tilespmem:$0x14180] =	vst v63  }
0x90: {  	s18 =	simm.s32 $0x7800;
	s19 =	sld [smem:$0x7E0]  }
0x91: {  	[tilespmem:s18], [sflag:$0x2] =	stream.linear.gather [hbm4b:s15+s5], $0x400, $0x38;
	[tilespmem:$0x14180] =	vst v63  }
0x92: {  	s23 =	simm.s32 $0x7C00;
	s13 =	sld [smem:$0x7E1]  }
0x93: {  	[tilespmem:s23], [sflag:$0x2] =	stream.linear.gather [hbm4b:s19+s5], $0x400, $0x38;
	[tilespmem:$0x14180] =	vst v63  }
0x94: {  	s14 =	simm.s32 $0x8000;
	s15 =	sld [smem:$0x7E2]  }
0x95: {  	[tilespmem:s14], [sflag:$0x2] =	stream.linear.gather [hbm4b:s13+s5], $0x400, $0x38;
	[tilespmem:$0x14180] =	vst v63  }
0x96: {  	s18 =	simm.s32 $0x8400;
	s19 =	sld [smem:$0x7E3]  }
0x97: {  	[tilespmem:s18], [sflag:$0x2] =	stream.linear.gather [hbm4b:s15+s5], $0x400, $0x38;
	[tilespmem:$0x14180] =	vst v63  }
0x98: {  	s23 =	simm.s32 $0x8800;
	s13 =	sld [smem:$0x7E4]  }
0x99: {  	[tilespmem:s23], [sflag:$0x2] =	stream.linear.gather [hbm4b:s19+s5], $0x400, $0x38;
	[tilespmem:$0x14180] =	vst v63  }
0x9a: {  	s14 =	simm.s32 $0x8C00;
	s15 =	sld [smem:$0x7E5]  }
0x9b: {  	[tilespmem:s14], [sflag:$0x2] =	stream.linear.gather [hbm4b:s13+s5], $0x400, $0x38;
	[tilespmem:$0x14180] =	vst v63  }
0x9c: {  	s18 =	simm.s32 $0x9000;
	s19 =	sld [smem:$0x7E6]  }
0x9d: {  	[tilespmem:s18], [sflag:$0x2] =	stream.linear.gather [hbm4b:s15+s5], $0x400, $0x38;
	[tilespmem:$0x14180] =	vst v63  }
0x9e: {  	s23 =	simm.s32 $0x9400;
	s13 =	rddreg [dreg:$0x11]  }
0x9f: {  	[tilespmem:s23], [sflag:$0x2] =	stream.linear.gather [hbm4b:s19+s5], $0x400, $0x38;
	[tilespmem:$0x14180] =	vst v63  }
0xa0: {  	s14 =	simm.s32 $0x13400;
	s15 =	rddreg [dreg:$0x15]  }
0xa1: {  	[tilespmem:s14], [sflag:$0x2] =	stream.linear.gather [hbm4b:s13+s5], $0x400, $0x38;
	[tilespmem:$0x14180] =	vst v63  }
0xa2: {  	s18 =	simm.s32 $0x9800;
	s19 =	sld [smem:$0x7E7]  }
0xa3: {  	[tilespmem:s18], [sflag:$0x3] =	stream.linear.gather [hbm4b:s15+s5], $0x400, $0x38;
	[tilespmem:$0x14180] =	vst v63  }
0xa4: {  	s23 =	simm.s32 $0x9C00;
	s13 =	sld [smem:$0x7E8]  }
0xa5: {  	[tilespmem:s23], [sflag:$0x3] =	stream.linear.gather [hbm4b:s19+s5], $0x400, $0x38;
	[tilespmem:$0x14180] =	vst v63  }
0xa6: {  	s14 =	simm.s32 $0xA000;
	s15 =	sld [smem:$0x7E9]  }
0xa7: {  	[tilespmem:s14], [sflag:$0x3] =	stream.linear.gather [hbm4b:s13+s5], $0x400, $0x38;
	[tilespmem:$0x14180] =	vst v63  }
0xa8: {  	s18 =	simm.s32 $0xA400;
	s19 =	sld [smem:$0x7EA]  }
0xa9: {  	[tilespmem:s18], [sflag:$0x3] =	stream.linear.gather [hbm4b:s15+s5], $0x400, $0x38;
	[tilespmem:$0x14180] =	vst v63  }
0xaa: {  	s23 =	simm.s32 $0xA800;
	s13 =	sld [smem:$0x7EB]  }
0xab: {  	[tilespmem:s23], [sflag:$0x3] =	stream.linear.gather [hbm4b:s19+s5], $0x400, $0x38;
	[tilespmem:$0x14180] =	vst v63  }
0xac: {  	s14 =	simm.s32 $0xAC00;
	s15 =	sld [smem:$0x7EC]  }
0xad: {  	[tilespmem:s14], [sflag:$0x3] =	stream.linear.gather [hbm4b:s13+s5], $0x400, $0x38;
	[tilespmem:$0x14180] =	vst v63  }
0xae: {  	s18 =	simm.s32 $0xB000;
	s19 =	sld [smem:$0x7ED]  }
0xaf: {  	[tilespmem:s18], [sflag:$0x3] =	stream.linear.gather [hbm4b:s15+s5], $0x400, $0x38;
	[tilespmem:$0x14180] =	vst v63  }
0xb0: {  	s23 =	simm.s32 $0xB400;
	s13 =	sld [smem:$0x7EE]  }
0xb1: {  	[tilespmem:s23], [sflag:$0x3] =	stream.linear.gather [hbm4b:s19+s5], $0x400, $0x38;
	[tilespmem:$0x14180] =	vst v63  }
0xb2: {  	s14 =	simm.s32 $0xB800;
	s15 =	sld [smem:$0x7EF]  }
0xb3: {  	[tilespmem:s14], [sflag:$0x3] =	stream.linear.gather [hbm4b:s13+s5], $0x400, $0x38;
	[tilespmem:$0x14180] =	vst v63  }
0xb4: {  	s18 =	simm.s32 $0xBC00;
	s19 =	sld [smem:$0x7F0]  }
0xb5: {  	[tilespmem:s18], [sflag:$0x3] =	stream.linear.gather [hbm4b:s15+s5], $0x400, $0x38;
	[tilespmem:$0x14180] =	vst v63  }
0xb6: {  	s23 =	simm.s32 $0xC000;
	s13 =	sld [smem:$0x7F1]  }
0xb7: {  	[tilespmem:s23], [sflag:$0x3] =	stream.linear.gather [hbm4b:s19+s5], $0x400, $0x38;
	[tilespmem:$0x14180] =	vst v63  }
0xb8: {  	s14 =	simm.s32 $0xC400;
	s15 =	sld [smem:$0x7F2]  }
0xb9: {  	[tilespmem:s14], [sflag:$0x3] =	stream.linear.gather [hbm4b:s13+s5], $0x400, $0x38;
	[tilespmem:$0x14180] =	vst v63  }
0xba: {  	s18 =	simm.s32 $0xC800;
	s19 =	sld [smem:$0x7F3]  }
0xbb: {  	[tilespmem:s18], [sflag:$0x3] =	stream.linear.gather [hbm4b:s15+s5], $0x400, $0x38;
	[tilespmem:$0x14180] =	vst v63  }
0xbc: {  	s23 =	simm.s32 $0xCC00;
	s13 =	sld [smem:$0x7F4]  }
0xbd: {  	[tilespmem:s23], [sflag:$0x3] =	stream.linear.gather [hbm4b:s19+s5], $0x400, $0x38;
	[tilespmem:$0x14180] =	vst v63  }
0xbe: {  	s14 =	simm.s32 $0xD000;
	s15 =	sld [smem:$0x7F5]  }
0xbf: {  	[tilespmem:s14], [sflag:$0x3] =	stream.linear.gather [hbm4b:s13+s5], $0x400, $0x38;
	[tilespmem:$0x14180] =	vst v63  }
0xc0: {  	s18 =	simm.s32 $0xD400;
	s19 =	sld [smem:$0x7F6]  }
0xc1: {  	[tilespmem:s18], [sflag:$0x3] =	stream.linear.gather [hbm4b:s15+s5], $0x400, $0x38;
	[tilespmem:$0x14180] =	vst v63  }
0xc2: {  	s23 =	simm.s32 $0xD800;
	s13 =	sld [smem:$0x7F7]  }
0xc3: {  	[tilespmem:s23], [sflag:$0x3] =	stream.linear.gather [hbm4b:s19+s5], $0x400, $0x38;
	[tilespmem:$0x14180] =	vst v63  }
0xc4: {  	s14 =	simm.s32 $0xDC00;
	s15 =	sld [smem:$0x7F8]  }
0xc5: {  	[tilespmem:s14], [sflag:$0x3] =	stream.linear.gather [hbm4b:s13+s5], $0x400, $0x38;
	[tilespmem:$0x14180] =	vst v63  }
0xc6: {  	s18 =	simm.s32 $0xE000  }
0xc7: {  	[tilespmem:s18], [sflag:$0x3] =	stream.linear.gather [hbm4b:s15+s5], $0x400, $0x38;
	[tilespmem:$0x14180] =	vst v63  }
0xc8: {  	s7 =	simm.s32 $0x0;
	s19 =	rddreg [dreg:$0x16];
	s23 =	simm.s32 $0x13800  }
0xc9: {  	v10 =	vimm.s32 $0x0;
	v9 =	vimm.f32 $0.0e+00;
	v24 =	vimm.f32 $0.0e+00;
	[tilespmem:s23], [sflag:$0x3] =	stream.linear.gather [hbm4b:s19+s5], $0x400, $0x38;
	[tilespmem:$0x14180] =	vst v63  }
.LBB2_2:
0xca: {  	s8 =	sshll.u32 s7, $0x2  }
0xcb: {  	s13 =	sadd.s32 s1, s8  }
0xcc: {  	s14 =	sshrl.u32 s13, $0x8  }
0xcd: {  	s13 =	sshll.u32 s13, $0xA;
	s15 =	smul.u32 $0x4C0000, s14  }
0xce: {  	s18 =	sand.u32 $0x3F000, s13  }
0xcf: {  	s13 =	sor.u32 s18, s15  }
0xd0: {  	s23 =	simm.s32 $0xE400;
	s15 =	sshrl.u32 s13, $0x3  }
0xd1: {  	s13 =	simm.s32 $0x0;
	s19 =	sadd.s32 s15, s31;
	s15 =	sadd.s32 s2, s15  }
0xd2: {  	[tilespmem:s23], [sflag:$0x4] =	stream.linear.gather [hbm4b:s19+s13], $0x400, $0x38;
	[tilespmem:$0x14180] =	vst v63  }
0xd3: {  	s19 =	sadd.s32 $0x8180, s15;
	s23 =	simm.s32 $0xE800  }
0xd4: {  	[tilespmem:s23], [sflag:$0x4] =	stream.linear.gather [hbm4b:s19+s13], $0x400, $0x38;
	[tilespmem:$0x14180] =	vst v63  }
0xd5: {  	s19 =	sadd.s32 $0x10180, s15;
	s23 =	simm.s32 $0xEC00  }
0xd6: {  	[tilespmem:s23], [sflag:$0x4] =	stream.linear.gather [hbm4b:s19+s13], $0x400, $0x38;
	[tilespmem:$0x14180] =	vst v63  }
0xd7: {  	s19 =	sadd.s32 $0x18180, s15;
	s23 =	simm.s32 $0xF000  }
0xd8: {  	[tilespmem:s23], [sflag:$0x4] =	stream.linear.gather [hbm4b:s19+s13], $0x400, $0x38;
	[tilespmem:$0x14180] =	vst v63  }
0xd9: {  	s19 =	sadd.s32 $0x20180, s15;
	s23 =	simm.s32 $0xF400  }
0xda: {  	[tilespmem:s23], [sflag:$0x4] =	stream.linear.gather [hbm4b:s19+s13], $0x400, $0x38;
	[tilespmem:$0x14180] =	vst v63  }
0xdb: {  	s19 =	sadd.s32 $0x28180, s15;
	s23 =	simm.s32 $0xF800  }
0xdc: {  	[tilespmem:s23], [sflag:$0x4] =	stream.linear.gather [hbm4b:s19+s13], $0x400, $0x38;
	[tilespmem:$0x14180] =	vst v63  }
0xdd: {  	s23 =	sadd.s32 $0x30180, s15  }
0xde: {  	[tilespmem:s24], [sflag:$0x4] =	stream.linear.gather [hbm4b:s23+s13], $0x400, $0x38;
	[tilespmem:$0x14180] =	vst v63  }
0xdf: {  	s23 =	sadd.s32 $0x38180, s15  }
0xe0: {  	[tilespmem:s25], [sflag:$0x4] =	stream.linear.gather [hbm4b:s23+s13], $0x400, $0x38;
	[tilespmem:$0x14180] =	vst v63  }
0xe1: {  	s23 =	sadd.s32 $0x40180, s15  }
0xe2: {  	[tilespmem:s26], [sflag:$0x4] =	stream.linear.gather [hbm4b:s23+s13], $0x400, $0x38;
	[tilespmem:$0x14180] =	vst v63  }
0xe3: {  	s23 =	sadd.s32 $0x48180, s15  }
0xe4: {  	[tilespmem:s28], [sflag:$0x4] =	stream.linear.gather [hbm4b:s23+s13], $0x400, $0x38;
	[tilespmem:$0x14180] =	vst v63  }
0xe5: {  	s23 =	sadd.s32 $0x50180, s15  }
0xe6: {  	[tilespmem:s29], [sflag:$0x4] =	stream.linear.gather [hbm4b:s23+s13], $0x400, $0x38;
	[tilespmem:$0x14180] =	vst v63  }
0xe7: {  	s23 =	sadd.s32 $0x58180, s15  }
0xe8: {  	[tilespmem:s30], [sflag:$0x4] =	stream.linear.gather [hbm4b:s23+s13], $0x400, $0x38;
	[tilespmem:$0x14180] =	vst v63  }
0xe9: {  	s23 =	sadd.s32 $0x60180, s15  }
0xea: {  	[tilespmem:s9], [sflag:$0x4] =	stream.linear.gather [hbm4b:s23+s13], $0x400, $0x38;
	[tilespmem:$0x14180] =	vst v63  }
0xeb: {  	s23 =	sadd.s32 $0x68180, s15  }
0xec: {  	[tilespmem:s10], [sflag:$0x4] =	stream.linear.gather [hbm4b:s23+s13], $0x400, $0x38;
	[tilespmem:$0x14180] =	vst v63  }
0xed: {  	s23 =	sadd.s32 $0x70180, s15  }
0xee: {  	[tilespmem:s21], [sflag:$0x4] =	stream.linear.gather [hbm4b:s23+s13], $0x400, $0x38;
	[tilespmem:$0x14180] =	vst v63  }
0xef: {  	s23 =	sadd.s32 $0x78180, s15  }
0xf0: {  	[tilespmem:s6], [sflag:$0x4] =	stream.linear.gather [hbm4b:s23+s13], $0x400, $0x38;
	[tilespmem:$0x14180] =	vst v63  }
0xf1: {  	s14 =	sshll.u32 s14, $0x12;
	s23 =	sadd.s32 $0x80180, s15  }
0xf2: {  	[tilespmem:s4], [sflag:$0x4] =	stream.linear.gather [hbm4b:s23+s13], $0x400, $0x38;
	[tilespmem:$0x14180] =	vst v63  }
0xf3: {  	s14 =	sor.u32 s18, s14;
	s23 =	sadd.s32 $0x88180, s15  }
0xf4: {  	[tilespmem:s11], [sflag:$0x4] =	stream.linear.gather [hbm4b:s23+s13], $0x400, $0x38;
	[tilespmem:$0x14180] =	vst v63  }
0xf5: {  	s14 =	sshrl.u32 s14, $0x3;
	s15 =	sadd.s32 $0x90180, s15  }
0xf6: {  	[tilespmem:s12], [sflag:$0x4] =	stream.linear.gather [hbm4b:s15+s13], $0x400, $0x38;
	[tilespmem:$0x14180] =	vst v63  }
0xf7: {  	s14 =	sadd.s32 s14, s3  }
0xf8: {  	[tilespmem:s16], [sflag:$0x4] =	stream.linear.gather [hbm4b:s14+s13], $0x400, $0x38;
	[tilespmem:$0x14180] =	vst v63  }
0xf9: {  	_ =	swait.ge [sflag:s17], $0x4C00  }
0xfa: {  	[sflag:s17] =	ssyncset.done $0x0  }
0xfb: {  	[sflag:s17] =	ssyncadd.s32 $0xFFFFB400  }
0xfc: {  	_ =	swait.ge [sflag:s17], $0x400  }
0xfd: {  	[sflag:s17] =	ssyncset.done $0x0  }
0xfe: {  	s23 =	simm.s32 $0x13040;
	[sflag:s17] =	ssyncadd.s32 $0xFFFFFC00  }
0xff: {  	v11 =	vld [tilespmem:s23+$0xFFFFFFC0]  }
0x100: {  	v13 =	vld [tilespmem:s23+$0xFFFFFFF0]  }
0x101: {  	v12 =	vmov s13;
	v14 =	vld [tilespmem:s23+$0x0]  }
0x102: {  	v12 =	vshll.u32 v12, $0x7;
	v15 =	vld [tilespmem:s23+$0x20]  }
0x103: {  	v12 =	vbroadcast v12, $0x0;
	v16 =	vld [tilespmem:s23+$0xFFFFFFE0]  }
0x104: {  	v11 =	vshll.u32 v11, $0xA  }
0x105: {  	v13 =	vshll.u32 v13, $0xA;
	v11 =	vadd.s32 v12, v11  }
0x106: {  	v14 =	vshll.u32 v14, $0xA;
	v13 =	vadd.s32 v12, v13;
	v11 =	vor.u32 v0, v11  }
0x107: {  	v15 =	vshll.u32 v15, $0xA;
	v14 =	vadd.s32 v12, v14;
	v13 =	vor.u32 v4, v13  }
0x108: {  	v17 =	vld [tilespmem:s23+$0x10];
	v16 =	vshll.u32 v16, $0xA;
	v15 =	vadd.s32 v12, v15;
	v14 =	vor.u32 v5, v14  }
0x109: {  	v18 =	vld [tilespmem:s23+$0x30];
	v16 =	vadd.s32 v12, v16;
	v15 =	vor.u32 v7, v15  }
0x10a: {  	v19 =	vld [tilespmem:s23+$0xFFFFFFD0];
	v16 =	vor.u32 v3, v16  }
0x10b: {  	v11 =	vld.idx.msk [tilespmem:v11+s5+$0x0], $0xffff  }
0x10c: {  	v13 =	vld.idx.msk [tilespmem:v13+s5+$0x0], $0xffff  }
0x10d: {  	v17 =	vshll.u32 v17, $0xA;
	v14 =	vld.idx.msk [tilespmem:v14+s5+$0x0], $0xffff  }
0x10e: {  	v17 =	vadd.s32 v12, v17;
	v29 =	vld.idx.msk [tilespmem:v15+s5+$0x0], $0xffff  }
0x10f: {  	v18 =	vshll.u32 v18, $0xA;
	v19 =	vshll.u32 v19, $0xA;
	v17 =	vor.u32 v6, v17;
	v15 =	vld.idx.msk [tilespmem:v16+s5+$0x0], $0xffff  }
0x110: {  	v18 =	vadd.s32 v12, v18;
	v12 =	vadd.s32 v12, v19  }
0x111: {  	v12 =	vor.u32 v2, v12  }
0x112: {  	v20 =	vadd.s32 $0xC0CAFB0D, v11;
	vm0 =	vlt.f32 v11, $1.000000000e+00;
	vm1 =	vgt.f32 v11, $1.000000000e+00  }
0x113: {  	v11 =	vor.u32 v8, v18;
	vm2 =	vlt.f32 v13, $1.000000000e+00;
	v26 =	vadd.s32 $0xC0CAFB0D, v13  }
0x114: {  	v33 =	vld.idx.msk [tilespmem:v17+s5+$0x0], $0xffff;
	vm3 =	vgt.f32 v13, $1.000000000e+00;
	v13 =	vadd.s32 $0xC0CAFB0D, v14;
	v17 =	vadd.s32 $0xC0CAFB0D, v15  }
0x115: {  	vm4 =	vgt.f32 v15, $1.000000000e+00;
	vm5 =	vlt.f32 v15, $1.000000000e+00;
	v21 =	vand.u32 $0x7FFFFF, v20  }
0x116: {  	vm0 =	vmor vm1, vm0;
	v18 =	vshra.s32 v20, $0x17;
	vm1 =	vgt.f32 v14, $1.000000000e+00  }
0x117: {  	vm4 =	vmor vm4, vm5;
	vm2 =	vmor vm3, vm2;
	vm3 =	vlt.f32 v29, $1.000000000e+00  }
0x118: {  	v21 =	vadd.s32 $0x3F3504F3, v21;
	v19 =	vsel vm0, $0x3F800000, v1;
	vm0 =	vlt.f32 v14, $1.000000000e+00  }
0x119: {  	v20 =	vld.idx.msk [tilespmem:v12+s5+$0x0], $0xffff;
	v14 =	vand.u32 $0x7FFFFF, v26;
	v50 =	vsel vm4, $0x3F800000, v1;
	v41 =	vsel vm2, $0x3F800000, v1  }
0x11a: {  	v28 =	vadd.f32 $-1.000000000e+00, v21;
	v22 =	vadd.f32 v19, v9;
	v19 =	vadd.s32 $0xC0CAFB0D, v33  }
0x11b: {  	v27 =	vadd.s32 $0x3F3504F3, v14;
	v14 =	vshra.s32 v17, $0x17;
	vm0 =	vmor vm1, vm0  }
0x11c: {  	vm1 =	vlt.f32 v33, $1.000000000e+00;
	v60 =	vsel vm0, $0x3F800000, v1;
	vm0 =	vgt.f32 v33, $1.000000000e+00  }
0x11d: {  	v23 =	vand.u32 $0x7FFFFF, v19;
	v16 =	vmul.f32 $1.666805740e-01, v28;
	vm0 =	vmor vm0, vm1  }
0x11e: {  	v34 =	vld.idx.msk [tilespmem:v11+s5+$0x0], $0xffff;
	vm6 =	vlt.f32 v20, $1.000000000e+00;
	vm7 =	vgt.f32 v20, $1.000000000e+00;
	v62 =	vsel vm0, $0x3F800000, v1  }
0x11f: {  	vm0 =	vgt.f32 v29, $1.000000000e+00;
	v16 =	vsub.f32 $2.000071410e-01, v16;
	vm6 =	vmor vm7, vm6  }
0x120: {  	v11 =	vshra.s32 v13, $0x17;
	vm0 =	vmor vm0, vm3;
	v36 =	vsel vm6, $0x3F800000, v1  }
0x121: {  	v63 =	vsel vm0, $0x3F800000, v1;
	v12 =	vmul.f32 v16, v28;
	v16 =	vand.u32 $0x7FFFFF, v13  }
0x122: {  	v13 =	vand.u32 $0x7FFFFF, v17;
	v36 =	vadd.f32 v36, v22;
	v21 =	vadd.s32 $0x3F3504F3, v16  }
0x123: {  	v16 =	vadd.s32 $0xC0CAFB0D, v29;
	v30 =	vadd.s32 $0xC0CAFB0D, v34;
	v12 =	vadd.f32 $-2.499999400e-01, v12  }
0x124: {  	vm2 =	vlt.f32 v34, $1.000000000e+00;
	vm15 =	vgt.f32 v34, $1.000000000e+00;
	v9 =	vshra.s32 v16, $0x17  }
0x125: {  	v25 =	vand.u32 $0x7FFFFF, v16;
	v16 =	vadd.s32 v10, v18;
	v12 =	vmul.f32 v12, v28  }
0x126: {  	v18 =	vadd.s32 $0xC0CAFB0D, v20;
	v10 =	vshra.s32 v30, $0x17;
	v15 =	vadd.f32 $-1.000000000e+00, v21  }
0x127: {  	v48 =	vadd.f32 v50, v36;
	vm0 =	vmor vm15, vm2;
	v12 =	vadd.f32 $3.333333130e-01, v12  }
0x128: {  	v17 =	vshra.s32 v18, $0x17;
	v32 =	vmul.f32 $1.666805740e-01, v15;
	v20 =	vmul.f32 v15, v15  }
0x129: {  	v31 =	vmul.f32 v12, v28;
	v12 =	vshra.s32 v19, $0x17;
	v19 =	vadd.f32 $-1.000000000e+00, v27  }
0x12a: {  	v27 =	vand.u32 $0x7FFFFF, v30;
	v30 =	vadd.s32 $0x3F3504F3, v13;
	v13 =	vadd.s32 $0x3F3504F3, v23  }
0x12b: {  	v41 =	vadd.f32 v41, v48;
	v23 =	vand.u32 $0x7FFFFF, v18;
	v18 =	vadd.f32 $-1.000000000e+00, v13  }
0x12c: {  	v13 =	vadd.s32 $0x3F3504F3, v25;
	v25 =	vmul.f32 v28, v28;
	v21 =	vadd.s32 $0x3F3504F3, v27  }
0x12d: {  	v23 =	vadd.s32 $0x3F3504F3, v23;
	v40 =	vadd.f32 $-1.000000000e+00, v30;
	v35 =	vmul.f32 $1.666805740e-01, v18  }
0x12e: {  	v30 =	vsub.f32 $2.000071410e-01, v32;
	v13 =	vadd.f32 $-1.000000000e+00, v13;
	v37 =	vmul.f32 v19, v19  }
0x12f: {  	v27 =	vmul.f32 v31, v25;
	v31 =	vmul.f32 $1.666805740e-01, v19;
	v35 =	vsub.f32 $2.000071410e-01, v35  }
0x130: {  	v21 =	vadd.f32 $-1.000000000e+00, v21;
	v39 =	vmul.f32 $1.666805740e-01, v40;
	v30 =	vmul.f32 v30, v15  }
0x131: {  	v51 =	vmul.f32 $5.000000000e-01, v25;
	v31 =	vsub.f32 $2.000071410e-01, v31;
	v35 =	vmul.f32 v35, v18  }
0x132: {  	v25 =	vadd.f32 $-1.000000000e+00, v23;
	v44 =	vmul.f32 v40, v40;
	v38 =	vmul.f32 $1.666805740e-01, v21  }
0x133: {  	v43 =	vmul.f32 $1.666805740e-01, v13;
	v22 =	vmul.f32 v31, v19;
	v31 =	vadd.f32 $-2.499999400e-01, v35  }
0x134: {  	v46 =	vmul.f32 v21, v21;
	v42 =	vadd.f32 $-2.499999400e-01, v30;
	v53 =	vsub.f32 $2.000071410e-01, v39  }
0x135: {  	v30 =	vmul.f32 v18, v18;
	v38 =	vsub.f32 $2.000071410e-01, v38;
	v23 =	vmul.f32 v31, v18  }
0x136: {  	v47 =	vmul.f32 $5.000000000e-01, v44;
	v56 =	vmul.f32 $1.666805740e-01, v25;
	v39 =	vadd.f32 v60, v41  }
0x137: {  	v45 =	vadd.f32 $3.333333130e-01, v23;
	v23 =	vmul.f32 v38, v21;
	v38 =	vmul.f32 v53, v40  }
0x138: {  	v43 =	vsub.f32 $2.000071410e-01, v43;
	v57 =	vmul.f32 $5.000000000e-01, v46;
	v31 =	vsub.f32 v27, v51  }
0x139: {  	v32 =	vmul.f32 $5.000000000e-01, v30;
	v36 =	vmul.f32 v42, v15;
	v38 =	vadd.f32 $-2.499999400e-01, v38  }
0x13a: {  	v58 =	vmul.f32 v43, v13;
	v52 =	vadd.f32 $-2.499999400e-01, v22;
	v28 =	vadd.f32 v31, v28  }
0x13b: {  	v22 =	vmul.f32 v13, v13;
	v55 =	vadd.f32 $-2.499999400e-01, v23;
	v38 =	vmul.f32 v38, v40  }
0x13c: {  	v54 =	vmul.f32 v52, v19;
	v28 =	vadd.f32 v28, v24;
	v24 =	vsub.f32 $2.000071410e-01, v56  }
0x13d: {  	v27 =	vmul.f32 $5.000000000e-01, v37;
	v49 =	vmul.f32 v55, v21;
	v38 =	vadd.f32 $3.333333130e-01, v38  }
0x13e: {  	v31 =	vmul.f32 v25, v25;
	v59 =	vadd.f32 $3.333333130e-01, v54;
	v24 =	vmul.f32 v24, v25  }
0x13f: {  	v23 =	vmul.f32 $5.000000000e-01, v22;
	v49 =	vadd.f32 $3.333333130e-01, v49;
	v38 =	vmul.f32 v38, v40  }
0x140: {  	v35 =	vmul.f32 v45, v18;
	v34 =	vmul.f32 v59, v19;
	v24 =	vadd.f32 $-2.499999400e-01, v24  }
0x141: {  	v41 =	vadd.f32 v62, v39;
	v61 =	vmul.f32 v49, v21;
	v38 =	vmul.f32 v38, v44  }
0x142: {  	v42 =	vadd.f32 $-2.499999400e-01, v58;
	v33 =	vmul.f32 $5.000000000e-01, v31;
	v24 =	vmul.f32 v24, v25  }
0x143: {  	v37 =	vmul.f32 v34, v37;
	v43 =	vmul.f32 v61, v46;
	v29 =	vsub.f32 v38, v47  }
0x144: {  	v39 =	vadd.f32 $3.333333130e-01, v24;
	v24 =	vshra.s32 v26, $0x17;
	v26 =	vadd.f32 v63, v41  }
0x145: {  	s15 =	simm.s32 $0x130C0;
	s14 =	simm.s32 $0x0;
	v34 =	vsub.f32 v43, v57;
	v38 =	vmul.f32 v42, v13;
	v29 =	vadd.f32 v29, v40  }
.LBB2_3:
0x146: {  	v40 =	vld [tilespmem:s15+$0xFFFFFFC0];
	s14 =	sadd.s32 $0x8, s14;
	v27 =	vsub.f32 v37, v27;
	v30 =	vmul.f32 v35, v30;
	v35 =	vsel vm0, $0x3F800000, v1;
	s13 =	sadd.s32 $0x1, s13  }
0x147: {  	v39 =	vmul.f32 v39, v25;
	v38 =	vadd.f32 $3.333333130e-01, v38;
	v37 =	vld [tilespmem:s15+$0x30];
	p0 =	slt.u32 s14, $0x38;
	v35 =	vadd.f32 v35, v26  }
0x148: {  	v36 =	vadd.f32 $3.333333130e-01, v36;
	v21 =	vadd.f32 v34, v21;
	v26 =	vmov s13;
	v41 =	vld [tilespmem:s15+$0x20]  }
0x149: {  	v26 =	vshll.u32 v26, $0x7;
	v30 =	vsub.f32 v30, v32;
	v32 =	vmul.f32 v38, v13;
	v34 =	vld [tilespmem:s15+$0x10]  }
0x14a: {  	v19 =	vadd.f32 v27, v19;
	v27 =	vmul.f32 v36, v15;
	v26 =	vbroadcast v26, $0x0;
	v38 =	vld [tilespmem:s15+$0xFFFFFFF0]  }
0x14b: {  	v16 =	vadd.s32 v17, v16;
	v17 =	vmul.f32 $5.000000000e-01, v20;
	v36 =	vshll.u32 v40, $0xA;
	v40 =	vld [tilespmem:s15+$0x0]  }
0x14c: {  	v31 =	vmul.f32 v39, v31;
	v36 =	vadd.s32 v26, v36;
	v42 =	vld [tilespmem:s15+$0xFFFFFFE0];
	v37 =	vshll.u32 v37, $0xA  }
0x14d: {  	v20 =	vmul.f32 v27, v20;
	v36 =	vor.u32 v0, v36;
	v39 =	vld [tilespmem:s15+$0xFFFFFFD0];
	v41 =	vshll.u32 v41, $0xA  }
0x14e: {  	v31 =	vsub.f32 v31, v33;
	v27 =	vshll.u32 v34, $0xA;
	v34 =	vadd.s32 v26, v41  }
0x14f: {  	v14 =	vadd.s32 v14, v16;
	v33 =	vshll.u32 v38, $0xA;
	v27 =	vadd.s32 v26, v27  }
0x150: {  	v25 =	vadd.f32 v31, v25;
	v16 =	vadd.s32 v26, v33;
	v33 =	vshll.u32 v40, $0xA  }
0x151: {  	v18 =	vadd.f32 v30, v18;
	v31 =	vshll.u32 v42, $0xA;
	v16 =	vor.u32 v4, v16  }
0x152: {  	v25 =	vadd.f32 v25, v28;
	v33 =	vadd.s32 v26, v33;
	v30 =	vld.idx.msk [tilespmem:v36+s5+$0x0], $0xffff;
	v31 =	vadd.s32 v26, v31  }
0x153: {  	v17 =	vsub.f32 v20, v17;
	v28 =	vor.u32 v5, v33;
	v31 =	vor.u32 v3, v31  }
0x154: {  	v14 =	vadd.s32 v24, v14;
	v20 =	vshll.u32 v39, $0xA;
	v33 =	vadd.s32 v26, v37  }
0x155: {  	v15 =	vadd.f32 v17, v15;
	v24 =	vor.u32 v7, v34;
	v20 =	vadd.s32 v26, v20  }
0x156: {  	v25 =	vadd.f32 v29, v25;
	v17 =	vor.u32 v2, v20;
	v20 =	vor.u32 v8, v33;
	v16 =	vld.idx.msk [tilespmem:v16+s5+$0x0], $0xffff  }
0x157: {  	v11 =	vadd.s32 v11, v14;
	v14 =	vmul.f32 v32, v22;
	v27 =	vor.u32 v6, v27  }
0x158: {  	v19 =	vadd.f32 v19, v25;
	v22 =	vadd.s32 $0xC0CAFB0D, v30;
	vm0 =	vlt.f32 v30, $1.000000000e+00;
	v32 =	vld.idx.msk [tilespmem:v28+s5+$0x0], $0xffff  }
0x159: {  	v14 =	vsub.f32 v14, v23;
	vm1 =	vgt.f32 v30, $1.000000000e+00;
	v25 =	vand.u32 $0x7FFFFF, v22  }
0x15a: {  	v15 =	vadd.f32 v15, v19;
	v22 =	vshra.s32 v22, $0x17;
	v23 =	vadd.s32 $0x3F3504F3, v25  }
0x15b: {  	v13 =	vadd.f32 v14, v13;
	vm0 =	vmor vm1, vm0;
	v28 =	vadd.f32 $-1.000000000e+00, v23;
	v26 =	vld.idx.msk [tilespmem:v24+s5+$0x0], $0xffff  }
0x15c: {  	v15 =	vadd.f32 v18, v15;
	v14 =	vsel vm0, $0x3F800000, v1;
	vm2 =	vlt.f32 v16, $1.000000000e+00;
	v19 =	vld.idx.msk [tilespmem:v31+s5+$0x0], $0xffff  }
0x15d: {  	v11 =	vadd.s32 v12, v11;
	v24 =	vadd.s32 $0xC0CAFB0D, v16;
	v18 =	vmul.f32 $1.666805740e-01, v28  }
0x15e: {  	v12 =	vadd.f32 v13, v15;
	vm0 =	vlt.f32 v32, $1.000000000e+00;
	vm1 =	vgt.f32 v32, $1.000000000e+00;
	v29 =	vld.idx.msk [tilespmem:v27+s5+$0x0], $0xffff  }
0x15f: {  	v9 =	vadd.s32 v9, v11;
	vm3 =	vgt.f32 v16, $1.000000000e+00;
	v13 =	vsub.f32 $2.000071410e-01, v18;
	v23 =	vld.idx.msk [tilespmem:v17+s5+$0x0], $0xffff  }
0x160: {  	v10 =	vadd.s32 v10, v9;
	v33 =	vadd.f32 v21, v12;
	v11 =	vadd.s32 $0xC0CAFB0D, v32  }
0x161: {  	v12 =	vand.u32 $0x7FFFFF, v24;
	v9 =	vmul.f32 v13, v28;
	v13 =	vand.u32 $0x7FFFFF, v11;
	v34 =	vld.idx.msk [tilespmem:v20+s5+$0x0], $0xffff  }
0x162: {  	v16 =	vadd.s32 $0xC0CAFB0D, v26;
	v15 =	vadd.s32 $0xC0CAFB0D, v19;
	v13 =	vadd.s32 $0x3F3504F3, v13  }
0x163: {  	v25 =	vadd.f32 v14, v35;
	v11 =	vshra.s32 v11, $0x17;
	v17 =	vadd.f32 $-2.499999400e-01, v9  }
0x164: {  	v18 =	vand.u32 $0x7FFFFF, v15;
	v9 =	vshra.s32 v16, $0x17;
	v20 =	vadd.s32 $0xC0CAFB0D, v29  }
0x165: {  	v27 =	vand.u32 $0x7FFFFF, v16;
	v14 =	vmul.f32 v17, v28;
	v21 =	vand.u32 $0x7FFFFF, v20  }
0x166: {  	v30 =	vadd.s32 $0x3F3504F3, v12;
	v16 =	vadd.s32 v10, v22;
	v22 =	vadd.s32 $0xC0CAFB0D, v23  }
0x167: {  	v12 =	vadd.f32 $3.333333130e-01, v14;
	v14 =	vshra.s32 v15, $0x17;
	v15 =	vadd.s32 $0xC0CAFB0D, v34  }
0x168: {  	vm4 =	vgt.f32 v19, $1.000000000e+00;
	v17 =	vshra.s32 v22, $0x17;
	v10 =	vshra.s32 v15, $0x17  }
0x169: {  	vm5 =	vlt.f32 v19, $1.000000000e+00;
	v31 =	vmul.f32 v12, v28;
	v12 =	vshra.s32 v20, $0x17  }
0x16a: {  	v19 =	vadd.f32 $-1.000000000e+00, v30;
	vm6 =	vlt.f32 v23, $1.000000000e+00;
	v20 =	vand.u32 $0x7FFFFF, v15  }
0x16b: {  	v30 =	vadd.s32 $0x3F3504F3, v18;
	v15 =	vadd.f32 $-1.000000000e+00, v13;
	v13 =	vadd.s32 $0x3F3504F3, v21  }
0x16c: {  	v22 =	vand.u32 $0x7FFFFF, v22;
	v18 =	vadd.f32 $-1.000000000e+00, v13;
	v13 =	vadd.s32 $0x3F3504F3, v27  }
0x16d: {  	vm7 =	vgt.f32 v23, $1.000000000e+00;
	v27 =	vmul.f32 v28, v28;
	v23 =	vmul.f32 $1.666805740e-01, v15  }
0x16e: {  	v21 =	vadd.s32 $0x3F3504F3, v20;
	v13 =	vadd.f32 $-1.000000000e+00, v13;
	v32 =	vmul.f32 $1.666805740e-01, v18  }
0x16f: {  	vm6 =	vmor vm7, vm6;
	v20 =	vmul.f32 v15, v15;
	v21 =	vadd.f32 $-1.000000000e+00, v21  }
0x170: {  	v35 =	vmul.f32 $1.666805740e-01, v19;
	v31 =	vmul.f32 v31, v27;
	v32 =	vsub.f32 $2.000071410e-01, v32  }
0x171: {  	vm4 =	vmor vm4, vm5;
	v37 =	vmul.f32 v19, v19;
	v22 =	vadd.s32 $0x3F3504F3, v22  }
0x172: {  	v36 =	vsel vm6, $0x3F800000, v1;
	v38 =	vmul.f32 $1.666805740e-01, v21;
	v32 =	vmul.f32 v32, v18  }
0x173: {  	vm2 =	vmor vm3, vm2;
	v40 =	vadd.f32 $-1.000000000e+00, v30;
	v23 =	vsub.f32 $2.000071410e-01, v23  }
0x174: {  	v39 =	vsel vm4, $0x3F800000, v1;
	v30 =	vsub.f32 $2.000071410e-01, v35;
	v35 =	vsub.f32 $2.000071410e-01, v38  }
0x175: {  	v41 =	vsel vm2, $0x3F800000, v1;
	v38 =	vmul.f32 $1.666805740e-01, v40;
	v23 =	vmul.f32 v23, v15  }
0x176: {  	v36 =	vadd.f32 v36, v25;
	v30 =	vmul.f32 v30, v19;
	v32 =	vadd.f32 $-2.499999400e-01, v32  }
0x177: {  	vm2 =	vlt.f32 v34, $1.000000000e+00;
	v27 =	vmul.f32 $5.000000000e-01, v27;
	v42 =	vadd.f32 $-2.499999400e-01, v23  }
0x178: {  	v25 =	vadd.f32 $-1.000000000e+00, v22;
	v43 =	vmul.f32 $1.666805740e-01, v13;
	v22 =	vmul.f32 v32, v18  }
0x179: {  	v44 =	vmul.f32 v40, v40;
	v31 =	vsub.f32 v31, v27;
	v27 =	vmul.f32 $5.000000000e-01, v37  }
0x17a: {  	v23 =	vadd.f32 $-2.499999400e-01, v30;
	v32 =	vmul.f32 v35, v21;
	v45 =	vadd.f32 $3.333333130e-01, v22  }
0x17b: {  	v30 =	vmul.f32 v18, v18;
	v35 =	vsub.f32 $2.000071410e-01, v38;
	v22 =	vmul.f32 v13, v13  }
0x17c: {  	v46 =	vmul.f32 v21, v21;
	v38 =	vmul.f32 v23, v19;
	v32 =	vadd.f32 $-2.499999400e-01, v32  }
0x17d: {  	vm4 =	vmor vm1, vm0;
	v35 =	vmul.f32 v35, v40;
	v23 =	vmul.f32 $5.000000000e-01, v22  }
0x17e: {  	vm1 =	vlt.f32 v29, $1.000000000e+00;
	v47 =	vmul.f32 $5.000000000e-01, v44;
	v39 =	vadd.f32 v39, v36  }
0x17f: {  	v36 =	vmul.f32 $1.666805740e-01, v25;
	v48 =	vadd.f32 $-2.499999400e-01, v35;
	v49 =	vmul.f32 v32, v21  }
0x180: {  	v28 =	vadd.f32 v31, v28;
	v31 =	vmul.f32 v25, v25;
	v32 =	vmul.f32 $5.000000000e-01, v30  }
0x181: {  	v43 =	vsub.f32 $2.000071410e-01, v43;
	v35 =	vmul.f32 v45, v18;
	v45 =	vmul.f32 $5.000000000e-01, v46  }
0x182: {  	vm0 =	vlt.f32 v26, $1.000000000e+00;
	v48 =	vmul.f32 v48, v40;
	v49 =	vadd.f32 $3.333333130e-01, v49  }
0x183: {  	v28 =	vadd.f32 v28, v33;
	v33 =	vsub.f32 $2.000071410e-01, v36;
	v36 =	vmul.f32 v42, v15  }
0x184: {  	vm3 =	vgt.f32 v34, $1.000000000e+00;
	v39 =	vadd.f32 v41, v39;
	v41 =	vmul.f32 v43, v13  }
0x185: {  	v42 =	vsel vm4, $0x3F800000, v1;
	v34 =	vmul.f32 v33, v25;
	v38 =	vadd.f32 $3.333333130e-01, v38  }
0x186: {  	vm4 =	vgt.f32 v29, $1.000000000e+00;
	v43 =	vadd.f32 $3.333333130e-01, v48;
	v29 =	vmul.f32 v49, v21  }
0x187: {  	v33 =	vmul.f32 $5.000000000e-01, v31;
	v39 =	vadd.f32 v42, v39;
	v38 =	vmul.f32 v38, v19  }
0x188: {  	vm1 =	vmor vm4, vm1;
	v34 =	vadd.f32 $-2.499999400e-01, v34;
	v42 =	vmul.f32 v43, v40  }
0x189: {  	v41 =	vadd.f32 $-2.499999400e-01, v41;
	v43 =	vsel vm1, $0x3F800000, v1;
	v29 =	vmul.f32 v29, v46  }
.Ltmp0:
0x18a: {  	v46 =	vmul.f32 v34, v25;
	v43 =	vadd.f32 v43, v39;
	v42 =	vmul.f32 v42, v44;
	(pc) =	sbr.rel @p0 .LBB2_3-.Ltmp0, $4  }
0x18b: {  	v37 =	vmul.f32 v38, v37;
	vm1 =	vgt.f32 v26, $1.000000000e+00;
	v34 =	vsub.f32 v29, v45  }
0x18c: {  	v38 =	vmul.f32 v41, v13;
	vm0 =	vmor vm1, vm0;
	v26 =	vsub.f32 v42, v47  }
0x18d: {  	v39 =	vadd.f32 $3.333333130e-01, v46;
	v41 =	vsel vm0, $0x3F800000, v1;
	vm0 =	vmor vm3, vm2  }
0x18e: {  	s15 =	sadd.s32 $0x80, s15;
	v24 =	vshra.s32 v24, $0x17;
	v29 =	vadd.f32 v26, v40;
	v26 =	vadd.f32 v41, v43  }
0x18f: {  	v39 =	vmul.f32 v39, v25;
	_ =	sdelay $0x1  }
0x190: {  	v31 =	vmul.f32 v39, v31;
	_ =	sdelay $0x1  }
0x191: {  	v36 =	vadd.f32 $3.333333130e-01, v36;
	v31 =	vsub.f32 v31, v33;
	_ =	sdelay $0x1  }
0x192: {  	v52 =	vmul.f32 v36, v15;
	v25 =	vadd.f32 v31, v25  }
0x193: {  	v27 =	vsub.f32 v37, v27;
	v53 =	vadd.f32 $3.333333130e-01, v38  }
0x194: {  	v54 =	vmul.f32 $5.000000000e-01, v20;
	v55 =	vmul.f32 v52, v20;
	v25 =	vadd.f32 v25, v28  }
0x195: {  	v56 =	vmul.f32 v35, v30;
	v19 =	vadd.f32 v27, v19;
	v27 =	vmul.f32 v53, v13  }
0x196: {  	v20 =	vsub.f32 v55, v54;
	v25 =	vadd.f32 v29, v25  }
0x197: {  	v58 =	vmul.f32 v27, v22;
	v28 =	vsub.f32 v56, v32  }
0x198: {  	v57 =	vadd.f32 v20, v15;
	v19 =	vadd.f32 v19, v25  }
0x199: {  	v59 =	vsub.f32 v58, v23  }
0x19a: {  	v16 =	vadd.s32 v17, v16;
	v18 =	vadd.f32 v28, v18;
	v15 =	vadd.f32 v57, v19  }
0x19b: {  	p0 =	seq.s32 s7, $0x9;
	v14 =	vadd.s32 v14, v16  }
.Ltmp1:
0x19c: {  	v14 =	vadd.s32 v24, v14;
	v60 =	vadd.f32 v59, v13;
	v15 =	vadd.f32 v18, v15;
	(pc) =	sbr.rel @p0 .LBB2_6-.Ltmp1, $4  }
0x19d: {  	v11 =	vadd.s32 v11, v14  }
0x19e: {  	v61 =	vadd.f32 v34, v21;
	v11 =	vadd.s32 v12, v11;
	v62 =	vadd.f32 v60, v15  }
0x19f: {  	v63 =	vsel vm0, $0x3F800000, v1;
	v11 =	vadd.s32 v9, v11  }
0x1a0: {  	v9 =	vadd.f32 v63, v26;
	v10 =	vadd.s32 v10, v11;
	v24 =	vadd.f32 v61, v62  }
0x1a1: {  	s13 =	sld [smem:$0x7F9];
	_ =	sdelay $0x2  }
0x1a2: {  	s13 =	sadd.s32 s8, s13  }
0x1a3: {  	s14 =	sshrl.u32 s13, $0x8  }
0x1a4: {  	s13 =	sshll.u32 s13, $0xA;
	s15 =	smul.u32 $0x4C0000, s14  }
0x1a5: {  	s13 =	sand.u32 $0x3F000, s13  }
0x1a6: {  	s15 =	sor.u32 s13, s15  }
0x1a7: {  	s15 =	sshrl.u32 s15, $0x3  }
0x1a8: {  	s15 =	sadd.s32 s2, s15  }
0x1a9: {  	[tilespmem:s5], [sflag:$0x1] =	stream.linear.gather [hbm4b:s15+s5], $0x400, $0x38;
	[tilespmem:$0x14180] =	vst v63  }
0x1aa: {  	s19 =	simm.s32 $0x400;
	s18 =	sadd.s32 $0x8000, s15  }
0x1ab: {  	[tilespmem:s19], [sflag:$0x1] =	stream.linear.gather [hbm4b:s18+s5], $0x400, $0x38;
	[tilespmem:$0x14180] =	vst v63  }
0x1ac: {  	s23 =	simm.s32 $0x800;
	s19 =	sadd.s32 $0x10000, s15  }
0x1ad: {  	[tilespmem:s23], [sflag:$0x1] =	stream.linear.gather [hbm4b:s19+s5], $0x400, $0x38;
	[tilespmem:$0x14180] =	vst v63  }
0x1ae: {  	s19 =	sadd.s32 $0x18000, s15;
	s23 =	simm.s32 $0xC00  }
0x1af: {  	[tilespmem:s23], [sflag:$0x1] =	stream.linear.gather [hbm4b:s19+s5], $0x400, $0x38;
	[tilespmem:$0x14180] =	vst v63  }
0x1b0: {  	s19 =	sadd.s32 $0x20000, s15;
	s23 =	simm.s32 $0x1000  }
0x1b1: {  	[tilespmem:s23], [sflag:$0x1] =	stream.linear.gather [hbm4b:s19+s5], $0x400, $0x38;
	[tilespmem:$0x14180] =	vst v63  }
0x1b2: {  	s19 =	sadd.s32 $0x28000, s15;
	s23 =	simm.s32 $0x1400  }
0x1b3: {  	[tilespmem:s23], [sflag:$0x1] =	stream.linear.gather [hbm4b:s19+s5], $0x400, $0x38;
	[tilespmem:$0x14180] =	vst v63  }
0x1b4: {  	s19 =	sadd.s32 $0x30000, s15;
	s23 =	simm.s32 $0x1800  }
0x1b5: {  	[tilespmem:s23], [sflag:$0x1] =	stream.linear.gather [hbm4b:s19+s5], $0x400, $0x38;
	[tilespmem:$0x14180] =	vst v63  }
0x1b6: {  	s19 =	sadd.s32 $0x38000, s15;
	s23 =	simm.s32 $0x1C00  }
0x1b7: {  	[tilespmem:s23], [sflag:$0x1] =	stream.linear.gather [hbm4b:s19+s5], $0x400, $0x38;
	[tilespmem:$0x14180] =	vst v63  }
0x1b8: {  	s19 =	sadd.s32 $0x40000, s15;
	s23 =	simm.s32 $0x2000  }
0x1b9: {  	[tilespmem:s23], [sflag:$0x1] =	stream.linear.gather [hbm4b:s19+s5], $0x400, $0x38;
	[tilespmem:$0x14180] =	vst v63  }
0x1ba: {  	s19 =	sadd.s32 $0x48000, s15;
	s23 =	simm.s32 $0x2400  }
0x1bb: {  	[tilespmem:s23], [sflag:$0x1] =	stream.linear.gather [hbm4b:s19+s5], $0x400, $0x38;
	[tilespmem:$0x14180] =	vst v63  }
0x1bc: {  	s19 =	sadd.s32 $0x50000, s15;
	s23 =	simm.s32 $0x2800  }
0x1bd: {  	[tilespmem:s23], [sflag:$0x1] =	stream.linear.gather [hbm4b:s19+s5], $0x400, $0x38;
	[tilespmem:$0x14180] =	vst v63  }
0x1be: {  	s19 =	sadd.s32 $0x58000, s15;
	s23 =	simm.s32 $0x2C00  }
0x1bf: {  	[tilespmem:s23], [sflag:$0x1] =	stream.linear.gather [hbm4b:s19+s5], $0x400, $0x38;
	[tilespmem:$0x14180] =	vst v63  }
0x1c0: {  	s19 =	sadd.s32 $0x60000, s15;
	s23 =	simm.s32 $0x3000  }
0x1c1: {  	[tilespmem:s23], [sflag:$0x1] =	stream.linear.gather [hbm4b:s19+s5], $0x400, $0x38;
	[tilespmem:$0x14180] =	vst v63  }
0x1c2: {  	s19 =	sadd.s32 $0x68000, s15;
	s23 =	simm.s32 $0x3400  }
0x1c3: {  	[tilespmem:s23], [sflag:$0x1] =	stream.linear.gather [hbm4b:s19+s5], $0x400, $0x38;
	[tilespmem:$0x14180] =	vst v63  }
0x1c4: {  	s19 =	sadd.s32 $0x70000, s15;
	s23 =	simm.s32 $0x3800  }
0x1c5: {  	[tilespmem:s23], [sflag:$0x1] =	stream.linear.gather [hbm4b:s19+s5], $0x400, $0x38;
	[tilespmem:$0x14180] =	vst v63  }
0x1c6: {  	s14 =	sshll.u32 s14, $0x12;
	s19 =	sadd.s32 $0x78000, s15;
	s23 =	simm.s32 $0x3C00  }
0x1c7: {  	[tilespmem:s23], [sflag:$0x1] =	stream.linear.gather [hbm4b:s19+s5], $0x400, $0x38;
	[tilespmem:$0x14180] =	vst v63  }
0x1c8: {  	s13 =	sor.u32 s13, s14;
	s19 =	sadd.s32 $0x80000, s15;
	s23 =	simm.s32 $0x4000  }
0x1c9: {  	[tilespmem:s23], [sflag:$0x1] =	stream.linear.gather [hbm4b:s19+s5], $0x400, $0x38;
	[tilespmem:$0x14180] =	vst v63  }
0x1ca: {  	s13 =	sshrl.u32 s13, $0x3;
	s19 =	sadd.s32 $0x88000, s15;
	s23 =	simm.s32 $0x4400  }
0x1cb: {  	[tilespmem:s23], [sflag:$0x1] =	stream.linear.gather [hbm4b:s19+s5], $0x400, $0x38;
	[tilespmem:$0x14180] =	vst v63  }
0x1cc: {  	s15 =	sadd.s32 $0x90000, s15;
	s23 =	simm.s32 $0x4800;
	s19 =	rddreg [dreg:$0x1]  }
0x1cd: {  	[tilespmem:s23], [sflag:$0x1] =	stream.linear.gather [hbm4b:s15+s5], $0x400, $0x38;
	[tilespmem:$0x14180] =	vst v63  }
0x1ce: {  	s13 =	sadd.s32 s19, s13;
	s23 =	simm.s32 $0x13000  }
0x1cf: {  	[tilespmem:s23], [sflag:$0x1] =	stream.linear.gather [hbm4b:s13+s5], $0x400, $0x38;
	[tilespmem:$0x14180] =	vst v63  }
.LBB2_6:
0x1d0: {  	_ =	swait.ge [sflag:s20], $0x4C00  }
0x1d1: {  	[sflag:s20] =	ssyncset.done $0x0  }
0x1d2: {  	[sflag:s20] =	ssyncadd.s32 $0xFFFFB400  }
0x1d3: {  	_ =	swait.ge [sflag:s20], $0x400  }
0x1d4: {  	[sflag:s20] =	ssyncset.done $0x0  }
0x1d5: {  	s14 =	simm.s32 $0x13470;
	[sflag:s20] =	ssyncadd.s32 $0xFFFFFC00  }
0x1d6: {  	v11 =	vld [tilespmem:s14+$0xFFFFFF90]  }
0x1d7: {  	s13 =	simm.s32 $0x98;
	v13 =	vld [tilespmem:s14+$0xFFFFFFC0]  }
0x1d8: {  	v12 =	vmov s13;
	v14 =	vld [tilespmem:s14+$0xFFFFFFD0]  }
0x1d9: {  	v12 =	vshll.u32 v12, $0x7;
	v15 =	vld [tilespmem:s14+$0xFFFFFFF0]  }
0x1da: {  	v12 =	vbroadcast v12, $0x0;
	v16 =	vld [tilespmem:s14+$0xFFFFFFB0]  }
0x1db: {  	v11 =	vshll.u32 v11, $0xA  }
0x1dc: {  	v13 =	vshll.u32 v13, $0xA;
	v11 =	vadd.s32 v12, v11  }
0x1dd: {  	v14 =	vshll.u32 v14, $0xA;
	v13 =	vadd.s32 v12, v13;
	v11 =	vor.u32 v0, v11  }
0x1de: {  	v15 =	vshll.u32 v15, $0xA;
	v14 =	vadd.s32 v12, v14;
	v13 =	vor.u32 v4, v13  }
0x1df: {  	v17 =	vld [tilespmem:s14+$0xFFFFFFE0];
	v16 =	vshll.u32 v16, $0xA;
	v15 =	vadd.s32 v12, v15;
	v14 =	vor.u32 v5, v14  }
0x1e0: {  	v18 =	vld [tilespmem:s14+$0x0];
	v16 =	vadd.s32 v12, v16;
	v15 =	vor.u32 v7, v15  }
0x1e1: {  	v19 =	vld [tilespmem:s14+$0xFFFFFFA0];
	v16 =	vor.u32 v3, v16  }
0x1e2: {  	v11 =	vld.idx.msk [tilespmem:v11+s5+$0x0], $0xffff  }
0x1e3: {  	v13 =	vld.idx.msk [tilespmem:v13+s5+$0x0], $0xffff  }
0x1e4: {  	v17 =	vshll.u32 v17, $0xA;
	v14 =	vld.idx.msk [tilespmem:v14+s5+$0x0], $0xffff  }
0x1e5: {  	v17 =	vadd.s32 v12, v17;
	v29 =	vld.idx.msk [tilespmem:v15+s5+$0x0], $0xffff  }
0x1e6: {  	v18 =	vshll.u32 v18, $0xA;
	v19 =	vshll.u32 v19, $0xA;
	v17 =	vor.u32 v6, v17;
	v15 =	vld.idx.msk [tilespmem:v16+s5+$0x0], $0xffff  }
0x1e7: {  	v18 =	vadd.s32 v12, v18;
	v12 =	vadd.s32 v12, v19  }
0x1e8: {  	v12 =	vor.u32 v2, v12  }
0x1e9: {  	v20 =	vadd.s32 $0xC0CAFB0D, v11;
	vm0 =	vlt.f32 v11, $1.000000000e+00;
	vm1 =	vgt.f32 v11, $1.000000000e+00  }
0x1ea: {  	v11 =	vor.u32 v8, v18;
	vm2 =	vlt.f32 v13, $1.000000000e+00;
	v26 =	vadd.s32 $0xC0CAFB0D, v13  }
0x1eb: {  	v33 =	vld.idx.msk [tilespmem:v17+s5+$0x0], $0xffff;
	vm3 =	vgt.f32 v13, $1.000000000e+00;
	v13 =	vadd.s32 $0xC0CAFB0D, v14;
	v17 =	vadd.s32 $0xC0CAFB0D, v15  }
0x1ec: {  	vm4 =	vgt.f32 v15, $1.000000000e+00;
	vm5 =	vlt.f32 v15, $1.000000000e+00;
	v21 =	vand.u32 $0x7FFFFF, v20  }
0x1ed: {  	vm0 =	vmor vm1, vm0;
	v18 =	vshra.s32 v20, $0x17;
	vm1 =	vgt.f32 v14, $1.000000000e+00  }
0x1ee: {  	vm4 =	vmor vm4, vm5;
	vm2 =	vmor vm3, vm2;
	vm3 =	vlt.f32 v29, $1.000000000e+00  }
0x1ef: {  	v21 =	vadd.s32 $0x3F3504F3, v21;
	v19 =	vsel vm0, $0x3F800000, v1;
	vm0 =	vlt.f32 v14, $1.000000000e+00  }
0x1f0: {  	v20 =	vld.idx.msk [tilespmem:v12+s5+$0x0], $0xffff;
	v14 =	vand.u32 $0x7FFFFF, v26;
	v50 =	vsel vm4, $0x3F800000, v1;
	v41 =	vsel vm2, $0x3F800000, v1  }
0x1f1: {  	v28 =	vadd.f32 $-1.000000000e+00, v21;
	v22 =	vadd.f32 v19, v9;
	v19 =	vadd.s32 $0xC0CAFB0D, v33  }
0x1f2: {  	v27 =	vadd.s32 $0x3F3504F3, v14;
	v14 =	vshra.s32 v17, $0x17;
	vm0 =	vmor vm1, vm0  }
0x1f3: {  	vm1 =	vlt.f32 v33, $1.000000000e+00;
	v60 =	vsel vm0, $0x3F800000, v1;
	vm0 =	vgt.f32 v33, $1.000000000e+00  }
0x1f4: {  	v23 =	vand.u32 $0x7FFFFF, v19;
	v16 =	vmul.f32 $1.666805740e-01, v28;
	vm0 =	vmor vm0, vm1  }
0x1f5: {  	v34 =	vld.idx.msk [tilespmem:v11+s5+$0x0], $0xffff;
	vm6 =	vlt.f32 v20, $1.000000000e+00;
	vm7 =	vgt.f32 v20, $1.000000000e+00;
	v62 =	vsel vm0, $0x3F800000, v1  }
0x1f6: {  	vm0 =	vgt.f32 v29, $1.000000000e+00;
	v16 =	vsub.f32 $2.000071410e-01, v16;
	vm6 =	vmor vm7, vm6  }
0x1f7: {  	v11 =	vshra.s32 v13, $0x17;
	vm0 =	vmor vm0, vm3;
	v36 =	vsel vm6, $0x3F800000, v1  }
0x1f8: {  	v63 =	vsel vm0, $0x3F800000, v1;
	v12 =	vmul.f32 v16, v28;
	v16 =	vand.u32 $0x7FFFFF, v13  }
0x1f9: {  	v13 =	vand.u32 $0x7FFFFF, v17;
	v36 =	vadd.f32 v36, v22;
	v21 =	vadd.s32 $0x3F3504F3, v16  }
0x1fa: {  	v16 =	vadd.s32 $0xC0CAFB0D, v29;
	v30 =	vadd.s32 $0xC0CAFB0D, v34;
	v12 =	vadd.f32 $-2.499999400e-01, v12  }
0x1fb: {  	vm2 =	vlt.f32 v34, $1.000000000e+00;
	vm15 =	vgt.f32 v34, $1.000000000e+00;
	v9 =	vshra.s32 v16, $0x17  }
0x1fc: {  	v25 =	vand.u32 $0x7FFFFF, v16;
	v16 =	vadd.s32 v10, v18;
	v12 =	vmul.f32 v12, v28  }
0x1fd: {  	v18 =	vadd.s32 $0xC0CAFB0D, v20;
	v10 =	vshra.s32 v30, $0x17;
	v15 =	vadd.f32 $-1.000000000e+00, v21  }
0x1fe: {  	v48 =	vadd.f32 v50, v36;
	vm0 =	vmor vm15, vm2;
	v12 =	vadd.f32 $3.333333130e-01, v12  }
0x1ff: {  	v17 =	vshra.s32 v18, $0x17;
	v32 =	vmul.f32 $1.666805740e-01, v15;
	v20 =	vmul.f32 v15, v15  }
0x200: {  	v31 =	vmul.f32 v12, v28;
	v12 =	vshra.s32 v19, $0x17;
	v19 =	vadd.f32 $-1.000000000e+00, v27  }
0x201: {  	v27 =	vand.u32 $0x7FFFFF, v30;
	v30 =	vadd.s32 $0x3F3504F3, v13;
	v13 =	vadd.s32 $0x3F3504F3, v23  }
0x202: {  	v41 =	vadd.f32 v41, v48;
	v23 =	vand.u32 $0x7FFFFF, v18;
	v18 =	vadd.f32 $-1.000000000e+00, v13  }
0x203: {  	v13 =	vadd.s32 $0x3F3504F3, v25;
	v25 =	vmul.f32 v28, v28;
	v21 =	vadd.s32 $0x3F3504F3, v27  }
0x204: {  	v23 =	vadd.s32 $0x3F3504F3, v23;
	v40 =	vadd.f32 $-1.000000000e+00, v30;
	v35 =	vmul.f32 $1.666805740e-01, v18  }
0x205: {  	v30 =	vsub.f32 $2.000071410e-01, v32;
	v13 =	vadd.f32 $-1.000000000e+00, v13;
	v37 =	vmul.f32 v19, v19  }
0x206: {  	v27 =	vmul.f32 v31, v25;
	v31 =	vmul.f32 $1.666805740e-01, v19;
	v35 =	vsub.f32 $2.000071410e-01, v35  }
0x207: {  	v21 =	vadd.f32 $-1.000000000e+00, v21;
	v39 =	vmul.f32 $1.666805740e-01, v40;
	v30 =	vmul.f32 v30, v15  }
0x208: {  	v51 =	vmul.f32 $5.000000000e-01, v25;
	v31 =	vsub.f32 $2.000071410e-01, v31;
	v35 =	vmul.f32 v35, v18  }
0x209: {  	v25 =	vadd.f32 $-1.000000000e+00, v23;
	v44 =	vmul.f32 v40, v40;
	v38 =	vmul.f32 $1.666805740e-01, v21  }
0x20a: {  	v43 =	vmul.f32 $1.666805740e-01, v13;
	v22 =	vmul.f32 v31, v19;
	v31 =	vadd.f32 $-2.499999400e-01, v35  }
0x20b: {  	v46 =	vmul.f32 v21, v21;
	v42 =	vadd.f32 $-2.499999400e-01, v30;
	v53 =	vsub.f32 $2.000071410e-01, v39  }
0x20c: {  	v30 =	vmul.f32 v18, v18;
	v38 =	vsub.f32 $2.000071410e-01, v38;
	v23 =	vmul.f32 v31, v18  }
0x20d: {  	v47 =	vmul.f32 $5.000000000e-01, v44;
	v56 =	vmul.f32 $1.666805740e-01, v25;
	v39 =	vadd.f32 v60, v41  }
0x20e: {  	v45 =	vadd.f32 $3.333333130e-01, v23;
	v23 =	vmul.f32 v38, v21;
	v38 =	vmul.f32 v53, v40  }
0x20f: {  	v43 =	vsub.f32 $2.000071410e-01, v43;
	v57 =	vmul.f32 $5.000000000e-01, v46;
	v31 =	vsub.f32 v27, v51  }
0x210: {  	v32 =	vmul.f32 $5.000000000e-01, v30;
	v36 =	vmul.f32 v42, v15;
	v38 =	vadd.f32 $-2.499999400e-01, v38  }
0x211: {  	v58 =	vmul.f32 v43, v13;
	v52 =	vadd.f32 $-2.499999400e-01, v22;
	v28 =	vadd.f32 v31, v28  }
0x212: {  	v22 =	vmul.f32 v13, v13;
	v55 =	vadd.f32 $-2.499999400e-01, v23;
	v38 =	vmul.f32 v38, v40  }
0x213: {  	v54 =	vmul.f32 v52, v19;
	v28 =	vadd.f32 v28, v24;
	v24 =	vsub.f32 $2.000071410e-01, v56  }
0x214: {  	v27 =	vmul.f32 $5.000000000e-01, v37;
	v49 =	vmul.f32 v55, v21;
	v38 =	vadd.f32 $3.333333130e-01, v38  }
0x215: {  	v31 =	vmul.f32 v25, v25;
	v59 =	vadd.f32 $3.333333130e-01, v54;
	v24 =	vmul.f32 v24, v25  }
0x216: {  	v23 =	vmul.f32 $5.000000000e-01, v22;
	v49 =	vadd.f32 $3.333333130e-01, v49;
	v38 =	vmul.f32 v38, v40  }
0x217: {  	v35 =	vmul.f32 v45, v18;
	v34 =	vmul.f32 v59, v19;
	v24 =	vadd.f32 $-2.499999400e-01, v24  }
0x218: {  	v41 =	vadd.f32 v62, v39;
	v61 =	vmul.f32 v49, v21;
	v38 =	vmul.f32 v38, v44  }
0x219: {  	v42 =	vadd.f32 $-2.499999400e-01, v58;
	v33 =	vmul.f32 $5.000000000e-01, v31;
	v24 =	vmul.f32 v24, v25  }
0x21a: {  	v37 =	vmul.f32 v34, v37;
	v43 =	vmul.f32 v61, v46;
	v29 =	vsub.f32 v38, v47  }
0x21b: {  	v39 =	vadd.f32 $3.333333130e-01, v24;
	v24 =	vshra.s32 v26, $0x17;
	v26 =	vadd.f32 v63, v41  }
0x21c: {  	s15 =	simm.s32 $0x134F0;
	s14 =	simm.s32 $0x0;
	v34 =	vsub.f32 v43, v57;
	v38 =	vmul.f32 v42, v13;
	v29 =	vadd.f32 v29, v40  }
.LBB2_7:
0x21d: {  	v40 =	vld [tilespmem:s15+$0xFFFFFF90];
	s14 =	sadd.s32 $0x8, s14;
	v27 =	vsub.f32 v37, v27;
	v30 =	vmul.f32 v35, v30;
	v35 =	vsel vm0, $0x3F800000, v1;
	s13 =	sadd.s32 $0x1, s13  }
0x21e: {  	v39 =	vmul.f32 v39, v25;
	v38 =	vadd.f32 $3.333333130e-01, v38;
	v37 =	vld [tilespmem:s15+$0x0];
	p1 =	slt.u32 s14, $0x38;
	v35 =	vadd.f32 v35, v26  }
0x21f: {  	v36 =	vadd.f32 $3.333333130e-01, v36;
	v21 =	vadd.f32 v34, v21;
	v26 =	vmov s13;
	v41 =	vld [tilespmem:s15+$0xFFFFFFF0]  }
0x220: {  	v26 =	vshll.u32 v26, $0x7;
	v30 =	vsub.f32 v30, v32;
	v32 =	vmul.f32 v38, v13;
	v34 =	vld [tilespmem:s15+$0xFFFFFFE0]  }
0x221: {  	v19 =	vadd.f32 v27, v19;
	v27 =	vmul.f32 v36, v15;
	v26 =	vbroadcast v26, $0x0;
	v38 =	vld [tilespmem:s15+$0xFFFFFFC0]  }
0x222: {  	v16 =	vadd.s32 v17, v16;
	v17 =	vmul.f32 $5.000000000e-01, v20;
	v36 =	vshll.u32 v40, $0xA;
	v40 =	vld [tilespmem:s15+$0xFFFFFFD0]  }
0x223: {  	v31 =	vmul.f32 v39, v31;
	v36 =	vadd.s32 v26, v36;
	v42 =	vld [tilespmem:s15+$0xFFFFFFB0];
	v37 =	vshll.u32 v37, $0xA  }
0x224: {  	v20 =	vmul.f32 v27, v20;
	v36 =	vor.u32 v0, v36;
	v39 =	vld [tilespmem:s15+$0xFFFFFFA0];
	v41 =	vshll.u32 v41, $0xA  }
0x225: {  	v31 =	vsub.f32 v31, v33;
	v27 =	vshll.u32 v34, $0xA;
	v34 =	vadd.s32 v26, v41  }
0x226: {  	v14 =	vadd.s32 v14, v16;
	v33 =	vshll.u32 v38, $0xA;
	v27 =	vadd.s32 v26, v27  }
0x227: {  	v25 =	vadd.f32 v31, v25;
	v16 =	vadd.s32 v26, v33;
	v33 =	vshll.u32 v40, $0xA  }
0x228: {  	v18 =	vadd.f32 v30, v18;
	v31 =	vshll.u32 v42, $0xA;
	v16 =	vor.u32 v4, v16  }
0x229: {  	v25 =	vadd.f32 v25, v28;
	v33 =	vadd.s32 v26, v33;
	v30 =	vld.idx.msk [tilespmem:v36+s5+$0x0], $0xffff;
	v31 =	vadd.s32 v26, v31  }
0x22a: {  	v17 =	vsub.f32 v20, v17;
	v28 =	vor.u32 v5, v33;
	v31 =	vor.u32 v3, v31  }
0x22b: {  	v14 =	vadd.s32 v24, v14;
	v20 =	vshll.u32 v39, $0xA;
	v33 =	vadd.s32 v26, v37  }
0x22c: {  	v15 =	vadd.f32 v17, v15;
	v24 =	vor.u32 v7, v34;
	v20 =	vadd.s32 v26, v20  }
0x22d: {  	v25 =	vadd.f32 v29, v25;
	v17 =	vor.u32 v2, v20;
	v20 =	vor.u32 v8, v33;
	v16 =	vld.idx.msk [tilespmem:v16+s5+$0x0], $0xffff  }
0x22e: {  	v11 =	vadd.s32 v11, v14;
	v14 =	vmul.f32 v32, v22;
	v27 =	vor.u32 v6, v27  }
0x22f: {  	v19 =	vadd.f32 v19, v25;
	v22 =	vadd.s32 $0xC0CAFB0D, v30;
	vm0 =	vlt.f32 v30, $1.000000000e+00;
	v32 =	vld.idx.msk [tilespmem:v28+s5+$0x0], $0xffff  }
0x230: {  	v14 =	vsub.f32 v14, v23;
	vm1 =	vgt.f32 v30, $1.000000000e+00;
	v25 =	vand.u32 $0x7FFFFF, v22  }
0x231: {  	v15 =	vadd.f32 v15, v19;
	v22 =	vshra.s32 v22, $0x17;
	v23 =	vadd.s32 $0x3F3504F3, v25  }
0x232: {  	v13 =	vadd.f32 v14, v13;
	vm0 =	vmor vm1, vm0;
	v28 =	vadd.f32 $-1.000000000e+00, v23;
	v26 =	vld.idx.msk [tilespmem:v24+s5+$0x0], $0xffff  }
0x233: {  	v15 =	vadd.f32 v18, v15;
	v14 =	vsel vm0, $0x3F800000, v1;
	vm2 =	vlt.f32 v16, $1.000000000e+00;
	v19 =	vld.idx.msk [tilespmem:v31+s5+$0x0], $0xffff  }
0x234: {  	v11 =	vadd.s32 v12, v11;
	v24 =	vadd.s32 $0xC0CAFB0D, v16;
	v18 =	vmul.f32 $1.666805740e-01, v28  }
0x235: {  	v12 =	vadd.f32 v13, v15;
	vm0 =	vlt.f32 v32, $1.000000000e+00;
	vm1 =	vgt.f32 v32, $1.000000000e+00;
	v29 =	vld.idx.msk [tilespmem:v27+s5+$0x0], $0xffff  }
0x236: {  	v9 =	vadd.s32 v9, v11;
	vm3 =	vgt.f32 v16, $1.000000000e+00;
	v13 =	vsub.f32 $2.000071410e-01, v18;
	v23 =	vld.idx.msk [tilespmem:v17+s5+$0x0], $0xffff  }
0x237: {  	v10 =	vadd.s32 v10, v9;
	v33 =	vadd.f32 v21, v12;
	v11 =	vadd.s32 $0xC0CAFB0D, v32  }
0x238: {  	v12 =	vand.u32 $0x7FFFFF, v24;
	v9 =	vmul.f32 v13, v28;
	v13 =	vand.u32 $0x7FFFFF, v11;
	v34 =	vld.idx.msk [tilespmem:v20+s5+$0x0], $0xffff  }
0x239: {  	v16 =	vadd.s32 $0xC0CAFB0D, v26;
	v15 =	vadd.s32 $0xC0CAFB0D, v19;
	v13 =	vadd.s32 $0x3F3504F3, v13  }
0x23a: {  	v25 =	vadd.f32 v14, v35;
	v11 =	vshra.s32 v11, $0x17;
	v17 =	vadd.f32 $-2.499999400e-01, v9  }
0x23b: {  	v18 =	vand.u32 $0x7FFFFF, v15;
	v9 =	vshra.s32 v16, $0x17;
	v20 =	vadd.s32 $0xC0CAFB0D, v29  }
0x23c: {  	v27 =	vand.u32 $0x7FFFFF, v16;
	v14 =	vmul.f32 v17, v28;
	v21 =	vand.u32 $0x7FFFFF, v20  }
0x23d: {  	v30 =	vadd.s32 $0x3F3504F3, v12;
	v16 =	vadd.s32 v10, v22;
	v22 =	vadd.s32 $0xC0CAFB0D, v23  }
0x23e: {  	v12 =	vadd.f32 $3.333333130e-01, v14;
	v14 =	vshra.s32 v15, $0x17;
	v15 =	vadd.s32 $0xC0CAFB0D, v34  }
0x23f: {  	vm4 =	vgt.f32 v19, $1.000000000e+00;
	v17 =	vshra.s32 v22, $0x17;
	v10 =	vshra.s32 v15, $0x17  }
0x240: {  	vm5 =	vlt.f32 v19, $1.000000000e+00;
	v31 =	vmul.f32 v12, v28;
	v12 =	vshra.s32 v20, $0x17  }
0x241: {  	v19 =	vadd.f32 $-1.000000000e+00, v30;
	vm6 =	vlt.f32 v23, $1.000000000e+00;
	v20 =	vand.u32 $0x7FFFFF, v15  }
0x242: {  	v30 =	vadd.s32 $0x3F3504F3, v18;
	v15 =	vadd.f32 $-1.000000000e+00, v13;
	v13 =	vadd.s32 $0x3F3504F3, v21  }
0x243: {  	v22 =	vand.u32 $0x7FFFFF, v22;
	v18 =	vadd.f32 $-1.000000000e+00, v13;
	v13 =	vadd.s32 $0x3F3504F3, v27  }
0x244: {  	vm7 =	vgt.f32 v23, $1.000000000e+00;
	v27 =	vmul.f32 v28, v28;
	v23 =	vmul.f32 $1.666805740e-01, v15  }
0x245: {  	v21 =	vadd.s32 $0x3F3504F3, v20;
	v13 =	vadd.f32 $-1.000000000e+00, v13;
	v32 =	vmul.f32 $1.666805740e-01, v18  }
0x246: {  	vm6 =	vmor vm7, vm6;
	v20 =	vmul.f32 v15, v15;
	v21 =	vadd.f32 $-1.000000000e+00, v21  }
0x247: {  	v35 =	vmul.f32 $1.666805740e-01, v19;
	v31 =	vmul.f32 v31, v27;
	v32 =	vsub.f32 $2.000071410e-01, v32  }
0x248: {  	vm4 =	vmor vm4, vm5;
	v37 =	vmul.f32 v19, v19;
	v22 =	vadd.s32 $0x3F3504F3, v22  }
0x249: {  	v36 =	vsel vm6, $0x3F800000, v1;
	v38 =	vmul.f32 $1.666805740e-01, v21;
	v32 =	vmul.f32 v32, v18  }
0x24a: {  	vm2 =	vmor vm3, vm2;
	v40 =	vadd.f32 $-1.000000000e+00, v30;
	v23 =	vsub.f32 $2.000071410e-01, v23  }
0x24b: {  	v39 =	vsel vm4, $0x3F800000, v1;
	v30 =	vsub.f32 $2.000071410e-01, v35;
	v35 =	vsub.f32 $2.000071410e-01, v38  }
0x24c: {  	v41 =	vsel vm2, $0x3F800000, v1;
	v38 =	vmul.f32 $1.666805740e-01, v40;
	v23 =	vmul.f32 v23, v15  }
0x24d: {  	v36 =	vadd.f32 v36, v25;
	v30 =	vmul.f32 v30, v19;
	v32 =	vadd.f32 $-2.499999400e-01, v32  }
0x24e: {  	vm2 =	vlt.f32 v34, $1.000000000e+00;
	v27 =	vmul.f32 $5.000000000e-01, v27;
	v42 =	vadd.f32 $-2.499999400e-01, v23  }
0x24f: {  	v25 =	vadd.f32 $-1.000000000e+00, v22;
	v43 =	vmul.f32 $1.666805740e-01, v13;
	v22 =	vmul.f32 v32, v18  }
0x250: {  	v44 =	vmul.f32 v40, v40;
	v31 =	vsub.f32 v31, v27;
	v27 =	vmul.f32 $5.000000000e-01, v37  }
0x251: {  	v23 =	vadd.f32 $-2.499999400e-01, v30;
	v32 =	vmul.f32 v35, v21;
	v45 =	vadd.f32 $3.333333130e-01, v22  }
0x252: {  	v30 =	vmul.f32 v18, v18;
	v35 =	vsub.f32 $2.000071410e-01, v38;
	v22 =	vmul.f32 v13, v13  }
0x253: {  	v46 =	vmul.f32 v21, v21;
	v38 =	vmul.f32 v23, v19;
	v32 =	vadd.f32 $-2.499999400e-01, v32  }
0x254: {  	vm4 =	vmor vm1, vm0;
	v35 =	vmul.f32 v35, v40;
	v23 =	vmul.f32 $5.000000000e-01, v22  }
0x255: {  	vm1 =	vlt.f32 v29, $1.000000000e+00;
	v47 =	vmul.f32 $5.000000000e-01, v44;
	v39 =	vadd.f32 v39, v36  }
0x256: {  	v36 =	vmul.f32 $1.666805740e-01, v25;
	v48 =	vadd.f32 $-2.499999400e-01, v35;
	v49 =	vmul.f32 v32, v21  }
0x257: {  	v28 =	vadd.f32 v31, v28;
	v31 =	vmul.f32 v25, v25;
	v32 =	vmul.f32 $5.000000000e-01, v30  }
0x258: {  	v43 =	vsub.f32 $2.000071410e-01, v43;
	v35 =	vmul.f32 v45, v18;
	v45 =	vmul.f32 $5.000000000e-01, v46  }
0x259: {  	vm0 =	vlt.f32 v26, $1.000000000e+00;
	v48 =	vmul.f32 v48, v40;
	v49 =	vadd.f32 $3.333333130e-01, v49  }
0x25a: {  	v28 =	vadd.f32 v28, v33;
	v33 =	vsub.f32 $2.000071410e-01, v36;
	v36 =	vmul.f32 v42, v15  }
0x25b: {  	vm3 =	vgt.f32 v34, $1.000000000e+00;
	v39 =	vadd.f32 v41, v39;
	v41 =	vmul.f32 v43, v13  }
0x25c: {  	v42 =	vsel vm4, $0x3F800000, v1;
	v34 =	vmul.f32 v33, v25;
	v38 =	vadd.f32 $3.333333130e-01, v38  }
0x25d: {  	vm4 =	vgt.f32 v29, $1.000000000e+00;
	v43 =	vadd.f32 $3.333333130e-01, v48;
	v29 =	vmul.f32 v49, v21  }
0x25e: {  	v33 =	vmul.f32 $5.000000000e-01, v31;
	v39 =	vadd.f32 v42, v39;
	v38 =	vmul.f32 v38, v19  }
0x25f: {  	vm1 =	vmor vm4, vm1;
	v34 =	vadd.f32 $-2.499999400e-01, v34;
	v42 =	vmul.f32 v43, v40  }
0x260: {  	v41 =	vadd.f32 $-2.499999400e-01, v41;
	v43 =	vsel vm1, $0x3F800000, v1;
	v29 =	vmul.f32 v29, v46  }
.Ltmp2:
0x261: {  	v46 =	vmul.f32 v34, v25;
	v43 =	vadd.f32 v43, v39;
	v42 =	vmul.f32 v42, v44;
	(pc) =	sbr.rel @p1 .LBB2_7-.Ltmp2, $4  }
0x262: {  	v37 =	vmul.f32 v38, v37;
	vm1 =	vgt.f32 v26, $1.000000000e+00;
	v34 =	vsub.f32 v29, v45  }
0x263: {  	v38 =	vmul.f32 v41, v13;
	vm0 =	vmor vm1, vm0;
	v26 =	vsub.f32 v42, v47  }
0x264: {  	v39 =	vadd.f32 $3.333333130e-01, v46;
	v41 =	vsel vm0, $0x3F800000, v1;
	vm0 =	vmor vm3, vm2  }
0x265: {  	s15 =	sadd.s32 $0x80, s15;
	v24 =	vshra.s32 v24, $0x17;
	v29 =	vadd.f32 v26, v40;
	v26 =	vadd.f32 v41, v43  }
0x266: {  	v39 =	vmul.f32 v39, v25;
	_ =	sdelay $0x1  }
0x267: {  	v31 =	vmul.f32 v39, v31;
	_ =	sdelay $0x1  }
0x268: {  	v36 =	vadd.f32 $3.333333130e-01, v36;
	v31 =	vsub.f32 v31, v33;
	_ =	sdelay $0x1  }
0x269: {  	v52 =	vmul.f32 v36, v15;
	v25 =	vadd.f32 v31, v25  }
0x26a: {  	v27 =	vsub.f32 v37, v27;
	v53 =	vadd.f32 $3.333333130e-01, v38  }
0x26b: {  	v54 =	vmul.f32 $5.000000000e-01, v20;
	v55 =	vmul.f32 v52, v20;
	v25 =	vadd.f32 v25, v28  }
0x26c: {  	v56 =	vmul.f32 v35, v30;
	v19 =	vadd.f32 v27, v19;
	v27 =	vmul.f32 v53, v13  }
0x26d: {  	v20 =	vsub.f32 v55, v54;
	v25 =	vadd.f32 v29, v25  }
0x26e: {  	v58 =	vmul.f32 v27, v22;
	v28 =	vsub.f32 v56, v32  }
0x26f: {  	v57 =	vadd.f32 v20, v15;
	v19 =	vadd.f32 v19, v25  }
0x270: {  	v59 =	vsub.f32 v58, v23  }
0x271: {  	v16 =	vadd.s32 v17, v16;
	v18 =	vadd.f32 v28, v18;
	v15 =	vadd.f32 v57, v19  }
0x272: {  	v14 =	vadd.s32 v14, v16  }
.Ltmp3:
0x273: {  	v14 =	vadd.s32 v24, v14;
	v60 =	vadd.f32 v59, v13;
	v15 =	vadd.f32 v18, v15;
	(pc) =	sbr.rel @p0 .LBB2_10-.Ltmp3, $4  }
0x274: {  	v11 =	vadd.s32 v11, v14  }
0x275: {  	v61 =	vadd.f32 v34, v21;
	v11 =	vadd.s32 v12, v11;
	v62 =	vadd.f32 v60, v15  }
0x276: {  	v63 =	vsel vm0, $0x3F800000, v1;
	v11 =	vadd.s32 v9, v11  }
0x277: {  	v9 =	vadd.f32 v63, v26;
	v10 =	vadd.s32 v10, v11;
	v24 =	vadd.f32 v61, v62  }
0x278: {  	s13 =	sld [smem:$0x7FA];
	_ =	sdelay $0x2  }
0x279: {  	s13 =	sadd.s32 s8, s13  }
0x27a: {  	s14 =	sshrl.u32 s13, $0x8  }
0x27b: {  	s13 =	sshll.u32 s13, $0xA;
	s15 =	smul.u32 $0x4C0000, s14  }
0x27c: {  	s13 =	sand.u32 $0x3F000, s13  }
0x27d: {  	s15 =	sor.u32 s13, s15  }
0x27e: {  	s18 =	rddreg [dreg:$0xe];
	s15 =	sshrl.u32 s15, $0x3  }
0x27f: {  	s19 =	simm.s32 $0x4C00;
	s18 =	sadd.s32 s15, s18;
	s15 =	sadd.s32 s2, s15  }
0x280: {  	[tilespmem:s19], [sflag:$0x2] =	stream.linear.gather [hbm4b:s18+s5], $0x400, $0x38;
	[tilespmem:$0x14180] =	vst v63  }
0x281: {  	s23 =	simm.s32 $0x5000;
	s19 =	sadd.s32 $0x8080, s15  }
0x282: {  	[tilespmem:s23], [sflag:$0x2] =	stream.linear.gather [hbm4b:s19+s5], $0x400, $0x38;
	[tilespmem:$0x14180] =	vst v63  }
0x283: {  	s19 =	sadd.s32 $0x10080, s15;
	s23 =	simm.s32 $0x5400  }
0x284: {  	[tilespmem:s23], [sflag:$0x2] =	stream.linear.gather [hbm4b:s19+s5], $0x400, $0x38;
	[tilespmem:$0x14180] =	vst v63  }
0x285: {  	s19 =	sadd.s32 $0x18080, s15;
	s23 =	simm.s32 $0x5800  }
0x286: {  	[tilespmem:s23], [sflag:$0x2] =	stream.linear.gather [hbm4b:s19+s5], $0x400, $0x38;
	[tilespmem:$0x14180] =	vst v63  }
0x287: {  	s19 =	sadd.s32 $0x20080, s15;
	s23 =	simm.s32 $0x5C00  }
0x288: {  	[tilespmem:s23], [sflag:$0x2] =	stream.linear.gather [hbm4b:s19+s5], $0x400, $0x38;
	[tilespmem:$0x14180] =	vst v63  }
0x289: {  	s19 =	sadd.s32 $0x28080, s15;
	s23 =	simm.s32 $0x6000  }
0x28a: {  	[tilespmem:s23], [sflag:$0x2] =	stream.linear.gather [hbm4b:s19+s5], $0x400, $0x38;
	[tilespmem:$0x14180] =	vst v63  }
0x28b: {  	s19 =	sadd.s32 $0x30080, s15;
	s23 =	simm.s32 $0x6400  }
0x28c: {  	[tilespmem:s23], [sflag:$0x2] =	stream.linear.gather [hbm4b:s19+s5], $0x400, $0x38;
	[tilespmem:$0x14180] =	vst v63  }
0x28d: {  	s19 =	sadd.s32 $0x38080, s15;
	s23 =	simm.s32 $0x6800  }
0x28e: {  	[tilespmem:s23], [sflag:$0x2] =	stream.linear.gather [hbm4b:s19+s5], $0x400, $0x38;
	[tilespmem:$0x14180] =	vst v63  }
0x28f: {  	s19 =	sadd.s32 $0x40080, s15;
	s23 =	simm.s32 $0x6C00  }
0x290: {  	[tilespmem:s23], [sflag:$0x2] =	stream.linear.gather [hbm4b:s19+s5], $0x400, $0x38;
	[tilespmem:$0x14180] =	vst v63  }
0x291: {  	s19 =	sadd.s32 $0x48080, s15;
	s23 =	simm.s32 $0x7000  }
0x292: {  	[tilespmem:s23], [sflag:$0x2] =	stream.linear.gather [hbm4b:s19+s5], $0x400, $0x38;
	[tilespmem:$0x14180] =	vst v63  }
0x293: {  	s19 =	sadd.s32 $0x50080, s15;
	s23 =	simm.s32 $0x7400  }
0x294: {  	[tilespmem:s23], [sflag:$0x2] =	stream.linear.gather [hbm4b:s19+s5], $0x400, $0x38;
	[tilespmem:$0x14180] =	vst v63  }
0x295: {  	s19 =	sadd.s32 $0x58080, s15;
	s23 =	simm.s32 $0x7800  }
0x296: {  	[tilespmem:s23], [sflag:$0x2] =	stream.linear.gather [hbm4b:s19+s5], $0x400, $0x38;
	[tilespmem:$0x14180] =	vst v63  }
0x297: {  	s19 =	sadd.s32 $0x60080, s15;
	s23 =	simm.s32 $0x7C00  }
0x298: {  	[tilespmem:s23], [sflag:$0x2] =	stream.linear.gather [hbm4b:s19+s5], $0x400, $0x38;
	[tilespmem:$0x14180] =	vst v63  }
0x299: {  	s19 =	sadd.s32 $0x68080, s15;
	s23 =	simm.s32 $0x8000  }
0x29a: {  	[tilespmem:s23], [sflag:$0x2] =	stream.linear.gather [hbm4b:s19+s5], $0x400, $0x38;
	[tilespmem:$0x14180] =	vst v63  }
0x29b: {  	s19 =	sadd.s32 $0x70080, s15;
	s23 =	simm.s32 $0x8400  }
0x29c: {  	[tilespmem:s23], [sflag:$0x2] =	stream.linear.gather [hbm4b:s19+s5], $0x400, $0x38;
	[tilespmem:$0x14180] =	vst v63  }
0x29d: {  	s14 =	sshll.u32 s14, $0x12;
	s19 =	sadd.s32 $0x78080, s15;
	s23 =	simm.s32 $0x8800  }
0x29e: {  	[tilespmem:s23], [sflag:$0x2] =	stream.linear.gather [hbm4b:s19+s5], $0x400, $0x38;
	[tilespmem:$0x14180] =	vst v63  }
0x29f: {  	s13 =	sor.u32 s13, s14;
	s19 =	sadd.s32 $0x80080, s15;
	s23 =	simm.s32 $0x8C00  }
0x2a0: {  	[tilespmem:s23], [sflag:$0x2] =	stream.linear.gather [hbm4b:s19+s5], $0x400, $0x38;
	[tilespmem:$0x14180] =	vst v63  }
0x2a1: {  	s13 =	sshrl.u32 s13, $0x3;
	s19 =	sadd.s32 $0x88080, s15;
	s23 =	simm.s32 $0x9000  }
0x2a2: {  	[tilespmem:s23], [sflag:$0x2] =	stream.linear.gather [hbm4b:s19+s5], $0x400, $0x38;
	[tilespmem:$0x14180] =	vst v63  }
0x2a3: {  	s15 =	sadd.s32 $0x90080, s15;
	s23 =	simm.s32 $0x9400;
	s19 =	rddreg [dreg:$0xf]  }
0x2a4: {  	[tilespmem:s23], [sflag:$0x2] =	stream.linear.gather [hbm4b:s15+s5], $0x400, $0x38;
	[tilespmem:$0x14180] =	vst v63  }
0x2a5: {  	s13 =	sadd.s32 s13, s19;
	s23 =	simm.s32 $0x13400  }
0x2a6: {  	[tilespmem:s23], [sflag:$0x2] =	stream.linear.gather [hbm4b:s13+s5], $0x400, $0x38;
	[tilespmem:$0x14180] =	vst v63  }
.LBB2_10:
0x2a7: {  	_ =	swait.ge [sflag:s22], $0x4C00  }
0x2a8: {  	[sflag:s22] =	ssyncset.done $0x0  }
0x2a9: {  	[sflag:s22] =	ssyncadd.s32 $0xFFFFB400  }
0x2aa: {  	_ =	swait.ge [sflag:s22], $0x400  }
0x2ab: {  	[sflag:s22] =	ssyncset.done $0x0  }
0x2ac: {  	s14 =	simm.s32 $0x13870;
	[sflag:s22] =	ssyncadd.s32 $0xFFFFFC00  }
0x2ad: {  	v11 =	vld [tilespmem:s14+$0xFFFFFF90]  }
0x2ae: {  	s13 =	simm.s32 $0x130;
	v13 =	vld [tilespmem:s14+$0xFFFFFFC0]  }
0x2af: {  	v12 =	vmov s13;
	v14 =	vld [tilespmem:s14+$0xFFFFFFD0]  }
0x2b0: {  	v12 =	vshll.u32 v12, $0x7;
	v15 =	vld [tilespmem:s14+$0xFFFFFFF0]  }
0x2b1: {  	v12 =	vbroadcast v12, $0x0;
	v16 =	vld [tilespmem:s14+$0xFFFFFFB0]  }
0x2b2: {  	v11 =	vshll.u32 v11, $0xA  }
0x2b3: {  	v13 =	vshll.u32 v13, $0xA;
	v11 =	vadd.s32 v12, v11  }
0x2b4: {  	v14 =	vshll.u32 v14, $0xA;
	v13 =	vadd.s32 v12, v13;
	v11 =	vor.u32 v0, v11  }
0x2b5: {  	v15 =	vshll.u32 v15, $0xA;
	v14 =	vadd.s32 v12, v14;
	v13 =	vor.u32 v4, v13  }
0x2b6: {  	v17 =	vld [tilespmem:s14+$0xFFFFFFE0];
	v16 =	vshll.u32 v16, $0xA;
	v15 =	vadd.s32 v12, v15;
	v14 =	vor.u32 v5, v14  }
0x2b7: {  	v18 =	vld [tilespmem:s14+$0x0];
	v16 =	vadd.s32 v12, v16;
	v15 =	vor.u32 v7, v15  }
0x2b8: {  	v19 =	vld [tilespmem:s14+$0xFFFFFFA0];
	v16 =	vor.u32 v3, v16  }
0x2b9: {  	v11 =	vld.idx.msk [tilespmem:v11+s5+$0x0], $0xffff  }
0x2ba: {  	v13 =	vld.idx.msk [tilespmem:v13+s5+$0x0], $0xffff  }
0x2bb: {  	v17 =	vshll.u32 v17, $0xA;
	v14 =	vld.idx.msk [tilespmem:v14+s5+$0x0], $0xffff  }
0x2bc: {  	v17 =	vadd.s32 v12, v17;
	v29 =	vld.idx.msk [tilespmem:v15+s5+$0x0], $0xffff  }
0x2bd: {  	v18 =	vshll.u32 v18, $0xA;
	v19 =	vshll.u32 v19, $0xA;
	v17 =	vor.u32 v6, v17;
	v15 =	vld.idx.msk [tilespmem:v16+s5+$0x0], $0xffff  }
0x2be: {  	v18 =	vadd.s32 v12, v18;
	v12 =	vadd.s32 v12, v19  }
0x2bf: {  	v12 =	vor.u32 v2, v12  }
0x2c0: {  	v20 =	vadd.s32 $0xC0CAFB0D, v11;
	vm0 =	vlt.f32 v11, $1.000000000e+00;
	vm1 =	vgt.f32 v11, $1.000000000e+00  }
0x2c1: {  	v11 =	vor.u32 v8, v18;
	vm2 =	vlt.f32 v13, $1.000000000e+00;
	v26 =	vadd.s32 $0xC0CAFB0D, v13  }
0x2c2: {  	v33 =	vld.idx.msk [tilespmem:v17+s5+$0x0], $0xffff;
	vm3 =	vgt.f32 v13, $1.000000000e+00;
	v13 =	vadd.s32 $0xC0CAFB0D, v14;
	v17 =	vadd.s32 $0xC0CAFB0D, v15  }
0x2c3: {  	vm4 =	vgt.f32 v15, $1.000000000e+00;
	vm5 =	vlt.f32 v15, $1.000000000e+00;
	v21 =	vand.u32 $0x7FFFFF, v20  }
0x2c4: {  	vm0 =	vmor vm1, vm0;
	v18 =	vshra.s32 v20, $0x17;
	vm1 =	vgt.f32 v14, $1.000000000e+00  }
0x2c5: {  	vm4 =	vmor vm4, vm5;
	vm2 =	vmor vm3, vm2;
	vm3 =	vlt.f32 v29, $1.000000000e+00  }
0x2c6: {  	v21 =	vadd.s32 $0x3F3504F3, v21;
	v19 =	vsel vm0, $0x3F800000, v1;
	vm0 =	vlt.f32 v14, $1.000000000e+00  }
0x2c7: {  	v20 =	vld.idx.msk [tilespmem:v12+s5+$0x0], $0xffff;
	v14 =	vand.u32 $0x7FFFFF, v26;
	v50 =	vsel vm4, $0x3F800000, v1;
	v41 =	vsel vm2, $0x3F800000, v1  }
0x2c8: {  	v28 =	vadd.f32 $-1.000000000e+00, v21;
	v22 =	vadd.f32 v19, v9;
	v19 =	vadd.s32 $0xC0CAFB0D, v33  }
0x2c9: {  	v27 =	vadd.s32 $0x3F3504F3, v14;
	v14 =	vshra.s32 v17, $0x17;
	vm0 =	vmor vm1, vm0  }
0x2ca: {  	vm1 =	vlt.f32 v33, $1.000000000e+00;
	v60 =	vsel vm0, $0x3F800000, v1;
	vm0 =	vgt.f32 v33, $1.000000000e+00  }
0x2cb: {  	v23 =	vand.u32 $0x7FFFFF, v19;
	v16 =	vmul.f32 $1.666805740e-01, v28;
	vm0 =	vmor vm0, vm1  }
0x2cc: {  	v34 =	vld.idx.msk [tilespmem:v11+s5+$0x0], $0xffff;
	vm6 =	vlt.f32 v20, $1.000000000e+00;
	vm7 =	vgt.f32 v20, $1.000000000e+00;
	v62 =	vsel vm0, $0x3F800000, v1  }
0x2cd: {  	vm0 =	vgt.f32 v29, $1.000000000e+00;
	v16 =	vsub.f32 $2.000071410e-01, v16;
	vm6 =	vmor vm7, vm6  }
0x2ce: {  	v11 =	vshra.s32 v13, $0x17;
	vm0 =	vmor vm0, vm3;
	v36 =	vsel vm6, $0x3F800000, v1  }
0x2cf: {  	v63 =	vsel vm0, $0x3F800000, v1;
	v12 =	vmul.f32 v16, v28;
	v16 =	vand.u32 $0x7FFFFF, v13  }
0x2d0: {  	v13 =	vand.u32 $0x7FFFFF, v17;
	v36 =	vadd.f32 v36, v22;
	v21 =	vadd.s32 $0x3F3504F3, v16  }
0x2d1: {  	v16 =	vadd.s32 $0xC0CAFB0D, v29;
	v30 =	vadd.s32 $0xC0CAFB0D, v34;
	v12 =	vadd.f32 $-2.499999400e-01, v12  }
0x2d2: {  	vm2 =	vlt.f32 v34, $1.000000000e+00;
	vm15 =	vgt.f32 v34, $1.000000000e+00;
	v9 =	vshra.s32 v16, $0x17  }
0x2d3: {  	v25 =	vand.u32 $0x7FFFFF, v16;
	v16 =	vadd.s32 v10, v18;
	v12 =	vmul.f32 v12, v28  }
0x2d4: {  	v18 =	vadd.s32 $0xC0CAFB0D, v20;
	v10 =	vshra.s32 v30, $0x17;
	v15 =	vadd.f32 $-1.000000000e+00, v21  }
0x2d5: {  	v48 =	vadd.f32 v50, v36;
	vm0 =	vmor vm15, vm2;
	v12 =	vadd.f32 $3.333333130e-01, v12  }
0x2d6: {  	v17 =	vshra.s32 v18, $0x17;
	v32 =	vmul.f32 $1.666805740e-01, v15;
	v20 =	vmul.f32 v15, v15  }
0x2d7: {  	v31 =	vmul.f32 v12, v28;
	v12 =	vshra.s32 v19, $0x17;
	v19 =	vadd.f32 $-1.000000000e+00, v27  }
0x2d8: {  	v27 =	vand.u32 $0x7FFFFF, v30;
	v30 =	vadd.s32 $0x3F3504F3, v13;
	v13 =	vadd.s32 $0x3F3504F3, v23  }
0x2d9: {  	v41 =	vadd.f32 v41, v48;
	v23 =	vand.u32 $0x7FFFFF, v18;
	v18 =	vadd.f32 $-1.000000000e+00, v13  }
0x2da: {  	v13 =	vadd.s32 $0x3F3504F3, v25;
	v25 =	vmul.f32 v28, v28;
	v21 =	vadd.s32 $0x3F3504F3, v27  }
0x2db: {  	v23 =	vadd.s32 $0x3F3504F3, v23;
	v40 =	vadd.f32 $-1.000000000e+00, v30;
	v35 =	vmul.f32 $1.666805740e-01, v18  }
0x2dc: {  	v30 =	vsub.f32 $2.000071410e-01, v32;
	v13 =	vadd.f32 $-1.000000000e+00, v13;
	v37 =	vmul.f32 v19, v19  }
0x2dd: {  	v27 =	vmul.f32 v31, v25;
	v31 =	vmul.f32 $1.666805740e-01, v19;
	v35 =	vsub.f32 $2.000071410e-01, v35  }
0x2de: {  	v21 =	vadd.f32 $-1.000000000e+00, v21;
	v39 =	vmul.f32 $1.666805740e-01, v40;
	v30 =	vmul.f32 v30, v15  }
0x2df: {  	v51 =	vmul.f32 $5.000000000e-01, v25;
	v31 =	vsub.f32 $2.000071410e-01, v31;
	v35 =	vmul.f32 v35, v18  }
0x2e0: {  	v25 =	vadd.f32 $-1.000000000e+00, v23;
	v44 =	vmul.f32 v40, v40;
	v38 =	vmul.f32 $1.666805740e-01, v21  }
0x2e1: {  	v43 =	vmul.f32 $1.666805740e-01, v13;
	v22 =	vmul.f32 v31, v19;
	v31 =	vadd.f32 $-2.499999400e-01, v35  }
0x2e2: {  	v46 =	vmul.f32 v21, v21;
	v42 =	vadd.f32 $-2.499999400e-01, v30;
	v53 =	vsub.f32 $2.000071410e-01, v39  }
0x2e3: {  	v30 =	vmul.f32 v18, v18;
	v38 =	vsub.f32 $2.000071410e-01, v38;
	v23 =	vmul.f32 v31, v18  }
0x2e4: {  	v47 =	vmul.f32 $5.000000000e-01, v44;
	v56 =	vmul.f32 $1.666805740e-01, v25;
	v39 =	vadd.f32 v60, v41  }
0x2e5: {  	v45 =	vadd.f32 $3.333333130e-01, v23;
	v23 =	vmul.f32 v38, v21;
	v38 =	vmul.f32 v53, v40  }
0x2e6: {  	v43 =	vsub.f32 $2.000071410e-01, v43;
	v57 =	vmul.f32 $5.000000000e-01, v46;
	v31 =	vsub.f32 v27, v51  }
0x2e7: {  	v32 =	vmul.f32 $5.000000000e-01, v30;
	v36 =	vmul.f32 v42, v15;
	v38 =	vadd.f32 $-2.499999400e-01, v38  }
0x2e8: {  	v58 =	vmul.f32 v43, v13;
	v52 =	vadd.f32 $-2.499999400e-01, v22;
	v28 =	vadd.f32 v31, v28  }
0x2e9: {  	v22 =	vmul.f32 v13, v13;
	v55 =	vadd.f32 $-2.499999400e-01, v23;
	v38 =	vmul.f32 v38, v40  }
0x2ea: {  	v54 =	vmul.f32 v52, v19;
	v28 =	vadd.f32 v28, v24;
	v24 =	vsub.f32 $2.000071410e-01, v56  }
0x2eb: {  	v27 =	vmul.f32 $5.000000000e-01, v37;
	v49 =	vmul.f32 v55, v21;
	v38 =	vadd.f32 $3.333333130e-01, v38  }
0x2ec: {  	v31 =	vmul.f32 v25, v25;
	v59 =	vadd.f32 $3.333333130e-01, v54;
	v24 =	vmul.f32 v24, v25  }
0x2ed: {  	v23 =	vmul.f32 $5.000000000e-01, v22;
	v49 =	vadd.f32 $3.333333130e-01, v49;
	v38 =	vmul.f32 v38, v40  }
0x2ee: {  	v35 =	vmul.f32 v45, v18;
	v34 =	vmul.f32 v59, v19;
	v24 =	vadd.f32 $-2.499999400e-01, v24  }
0x2ef: {  	v41 =	vadd.f32 v62, v39;
	v61 =	vmul.f32 v49, v21;
	v38 =	vmul.f32 v38, v44  }
0x2f0: {  	v42 =	vadd.f32 $-2.499999400e-01, v58;
	v33 =	vmul.f32 $5.000000000e-01, v31;
	v24 =	vmul.f32 v24, v25  }
0x2f1: {  	v37 =	vmul.f32 v34, v37;
	v43 =	vmul.f32 v61, v46;
	v29 =	vsub.f32 v38, v47  }
0x2f2: {  	v39 =	vadd.f32 $3.333333130e-01, v24;
	v24 =	vshra.s32 v26, $0x17;
	v26 =	vadd.f32 v63, v41  }
0x2f3: {  	s15 =	simm.s32 $0x138F0;
	s14 =	simm.s32 $0x0;
	v34 =	vsub.f32 v43, v57;
	v38 =	vmul.f32 v42, v13;
	v29 =	vadd.f32 v29, v40  }
.LBB2_11:
0x2f4: {  	v40 =	vld [tilespmem:s15+$0xFFFFFF90];
	s14 =	sadd.s32 $0x8, s14;
	v27 =	vsub.f32 v37, v27;
	v30 =	vmul.f32 v35, v30;
	v35 =	vsel vm0, $0x3F800000, v1;
	s13 =	sadd.s32 $0x1, s13  }
0x2f5: {  	v39 =	vmul.f32 v39, v25;
	v38 =	vadd.f32 $3.333333130e-01, v38;
	v37 =	vld [tilespmem:s15+$0x0];
	p1 =	slt.u32 s14, $0x38;
	v35 =	vadd.f32 v35, v26  }
0x2f6: {  	v36 =	vadd.f32 $3.333333130e-01, v36;
	v21 =	vadd.f32 v34, v21;
	v26 =	vmov s13;
	v41 =	vld [tilespmem:s15+$0xFFFFFFF0]  }
0x2f7: {  	v26 =	vshll.u32 v26, $0x7;
	v30 =	vsub.f32 v30, v32;
	v32 =	vmul.f32 v38, v13;
	v34 =	vld [tilespmem:s15+$0xFFFFFFE0]  }
0x2f8: {  	v19 =	vadd.f32 v27, v19;
	v27 =	vmul.f32 v36, v15;
	v26 =	vbroadcast v26, $0x0;
	v38 =	vld [tilespmem:s15+$0xFFFFFFC0]  }
0x2f9: {  	v16 =	vadd.s32 v17, v16;
	v17 =	vmul.f32 $5.000000000e-01, v20;
	v36 =	vshll.u32 v40, $0xA;
	v40 =	vld [tilespmem:s15+$0xFFFFFFD0]  }
0x2fa: {  	v31 =	vmul.f32 v39, v31;
	v36 =	vadd.s32 v26, v36;
	v42 =	vld [tilespmem:s15+$0xFFFFFFB0];
	v37 =	vshll.u32 v37, $0xA  }
0x2fb: {  	v20 =	vmul.f32 v27, v20;
	v36 =	vor.u32 v0, v36;
	v39 =	vld [tilespmem:s15+$0xFFFFFFA0];
	v41 =	vshll.u32 v41, $0xA  }
0x2fc: {  	v31 =	vsub.f32 v31, v33;
	v27 =	vshll.u32 v34, $0xA;
	v34 =	vadd.s32 v26, v41  }
0x2fd: {  	v14 =	vadd.s32 v14, v16;
	v33 =	vshll.u32 v38, $0xA;
	v27 =	vadd.s32 v26, v27  }
0x2fe: {  	v25 =	vadd.f32 v31, v25;
	v16 =	vadd.s32 v26, v33;
	v33 =	vshll.u32 v40, $0xA  }
0x2ff: {  	v18 =	vadd.f32 v30, v18;
	v31 =	vshll.u32 v42, $0xA;
	v16 =	vor.u32 v4, v16  }
0x300: {  	v25 =	vadd.f32 v25, v28;
	v33 =	vadd.s32 v26, v33;
	v30 =	vld.idx.msk [tilespmem:v36+s5+$0x0], $0xffff;
	v31 =	vadd.s32 v26, v31  }
0x301: {  	v17 =	vsub.f32 v20, v17;
	v28 =	vor.u32 v5, v33;
	v31 =	vor.u32 v3, v31  }
0x302: {  	v14 =	vadd.s32 v24, v14;
	v20 =	vshll.u32 v39, $0xA;
	v33 =	vadd.s32 v26, v37  }
0x303: {  	v15 =	vadd.f32 v17, v15;
	v24 =	vor.u32 v7, v34;
	v20 =	vadd.s32 v26, v20  }
0x304: {  	v25 =	vadd.f32 v29, v25;
	v17 =	vor.u32 v2, v20;
	v20 =	vor.u32 v8, v33;
	v16 =	vld.idx.msk [tilespmem:v16+s5+$0x0], $0xffff  }
0x305: {  	v11 =	vadd.s32 v11, v14;
	v14 =	vmul.f32 v32, v22;
	v27 =	vor.u32 v6, v27  }
0x306: {  	v19 =	vadd.f32 v19, v25;
	v22 =	vadd.s32 $0xC0CAFB0D, v30;
	vm0 =	vlt.f32 v30, $1.000000000e+00;
	v32 =	vld.idx.msk [tilespmem:v28+s5+$0x0], $0xffff  }
0x307: {  	v14 =	vsub.f32 v14, v23;
	vm1 =	vgt.f32 v30, $1.000000000e+00;
	v25 =	vand.u32 $0x7FFFFF, v22  }
0x308: {  	v15 =	vadd.f32 v15, v19;
	v22 =	vshra.s32 v22, $0x17;
	v23 =	vadd.s32 $0x3F3504F3, v25  }
0x309: {  	v13 =	vadd.f32 v14, v13;
	vm0 =	vmor vm1, vm0;
	v28 =	vadd.f32 $-1.000000000e+00, v23;
	v26 =	vld.idx.msk [tilespmem:v24+s5+$0x0], $0xffff  }
0x30a: {  	v15 =	vadd.f32 v18, v15;
	v14 =	vsel vm0, $0x3F800000, v1;
	vm2 =	vlt.f32 v16, $1.000000000e+00;
	v19 =	vld.idx.msk [tilespmem:v31+s5+$0x0], $0xffff  }
0x30b: {  	v11 =	vadd.s32 v12, v11;
	v24 =	vadd.s32 $0xC0CAFB0D, v16;
	v18 =	vmul.f32 $1.666805740e-01, v28  }
0x30c: {  	v12 =	vadd.f32 v13, v15;
	vm0 =	vlt.f32 v32, $1.000000000e+00;
	vm1 =	vgt.f32 v32, $1.000000000e+00;
	v29 =	vld.idx.msk [tilespmem:v27+s5+$0x0], $0xffff  }
0x30d: {  	v9 =	vadd.s32 v9, v11;
	vm3 =	vgt.f32 v16, $1.000000000e+00;
	v13 =	vsub.f32 $2.000071410e-01, v18;
	v23 =	vld.idx.msk [tilespmem:v17+s5+$0x0], $0xffff  }
0x30e: {  	v10 =	vadd.s32 v10, v9;
	v33 =	vadd.f32 v21, v12;
	v11 =	vadd.s32 $0xC0CAFB0D, v32  }
0x30f: {  	v12 =	vand.u32 $0x7FFFFF, v24;
	v9 =	vmul.f32 v13, v28;
	v13 =	vand.u32 $0x7FFFFF, v11;
	v34 =	vld.idx.msk [tilespmem:v20+s5+$0x0], $0xffff  }
0x310: {  	v16 =	vadd.s32 $0xC0CAFB0D, v26;
	v15 =	vadd.s32 $0xC0CAFB0D, v19;
	v13 =	vadd.s32 $0x3F3504F3, v13  }
0x311: {  	v25 =	vadd.f32 v14, v35;
	v11 =	vshra.s32 v11, $0x17;
	v17 =	vadd.f32 $-2.499999400e-01, v9  }
0x312: {  	v18 =	vand.u32 $0x7FFFFF, v15;
	v9 =	vshra.s32 v16, $0x17;
	v20 =	vadd.s32 $0xC0CAFB0D, v29  }
0x313: {  	v27 =	vand.u32 $0x7FFFFF, v16;
	v14 =	vmul.f32 v17, v28;
	v21 =	vand.u32 $0x7FFFFF, v20  }
0x314: {  	v30 =	vadd.s32 $0x3F3504F3, v12;
	v16 =	vadd.s32 v10, v22;
	v22 =	vadd.s32 $0xC0CAFB0D, v23  }
0x315: {  	v12 =	vadd.f32 $3.333333130e-01, v14;
	v14 =	vshra.s32 v15, $0x17;
	v15 =	vadd.s32 $0xC0CAFB0D, v34  }
0x316: {  	vm4 =	vgt.f32 v19, $1.000000000e+00;
	v17 =	vshra.s32 v22, $0x17;
	v10 =	vshra.s32 v15, $0x17  }
0x317: {  	vm5 =	vlt.f32 v19, $1.000000000e+00;
	v31 =	vmul.f32 v12, v28;
	v12 =	vshra.s32 v20, $0x17  }
0x318: {  	v19 =	vadd.f32 $-1.000000000e+00, v30;
	vm6 =	vlt.f32 v23, $1.000000000e+00;
	v20 =	vand.u32 $0x7FFFFF, v15  }
0x319: {  	v30 =	vadd.s32 $0x3F3504F3, v18;
	v15 =	vadd.f32 $-1.000000000e+00, v13;
	v13 =	vadd.s32 $0x3F3504F3, v21  }
0x31a: {  	v22 =	vand.u32 $0x7FFFFF, v22;
	v18 =	vadd.f32 $-1.000000000e+00, v13;
	v13 =	vadd.s32 $0x3F3504F3, v27  }
0x31b: {  	vm7 =	vgt.f32 v23, $1.000000000e+00;
	v27 =	vmul.f32 v28, v28;
	v23 =	vmul.f32 $1.666805740e-01, v15  }
0x31c: {  	v21 =	vadd.s32 $0x3F3504F3, v20;
	v13 =	vadd.f32 $-1.000000000e+00, v13;
	v32 =	vmul.f32 $1.666805740e-01, v18  }
0x31d: {  	vm6 =	vmor vm7, vm6;
	v20 =	vmul.f32 v15, v15;
	v21 =	vadd.f32 $-1.000000000e+00, v21  }
0x31e: {  	v35 =	vmul.f32 $1.666805740e-01, v19;
	v31 =	vmul.f32 v31, v27;
	v32 =	vsub.f32 $2.000071410e-01, v32  }
0x31f: {  	vm4 =	vmor vm4, vm5;
	v37 =	vmul.f32 v19, v19;
	v22 =	vadd.s32 $0x3F3504F3, v22  }
0x320: {  	v36 =	vsel vm6, $0x3F800000, v1;
	v38 =	vmul.f32 $1.666805740e-01, v21;
	v32 =	vmul.f32 v32, v18  }
0x321: {  	vm2 =	vmor vm3, vm2;
	v40 =	vadd.f32 $-1.000000000e+00, v30;
	v23 =	vsub.f32 $2.000071410e-01, v23  }
0x322: {  	v39 =	vsel vm4, $0x3F800000, v1;
	v30 =	vsub.f32 $2.000071410e-01, v35;
	v35 =	vsub.f32 $2.000071410e-01, v38  }
0x323: {  	v41 =	vsel vm2, $0x3F800000, v1;
	v38 =	vmul.f32 $1.666805740e-01, v40;
	v23 =	vmul.f32 v23, v15  }
0x324: {  	v36 =	vadd.f32 v36, v25;
	v30 =	vmul.f32 v30, v19;
	v32 =	vadd.f32 $-2.499999400e-01, v32  }
0x325: {  	vm2 =	vlt.f32 v34, $1.000000000e+00;
	v27 =	vmul.f32 $5.000000000e-01, v27;
	v42 =	vadd.f32 $-2.499999400e-01, v23  }
0x326: {  	v25 =	vadd.f32 $-1.000000000e+00, v22;
	v43 =	vmul.f32 $1.666805740e-01, v13;
	v22 =	vmul.f32 v32, v18  }
0x327: {  	v44 =	vmul.f32 v40, v40;
	v31 =	vsub.f32 v31, v27;
	v27 =	vmul.f32 $5.000000000e-01, v37  }
0x328: {  	v23 =	vadd.f32 $-2.499999400e-01, v30;
	v32 =	vmul.f32 v35, v21;
	v45 =	vadd.f32 $3.333333130e-01, v22  }
0x329: {  	v30 =	vmul.f32 v18, v18;
	v35 =	vsub.f32 $2.000071410e-01, v38;
	v22 =	vmul.f32 v13, v13  }
0x32a: {  	v46 =	vmul.f32 v21, v21;
	v38 =	vmul.f32 v23, v19;
	v32 =	vadd.f32 $-2.499999400e-01, v32  }
0x32b: {  	vm4 =	vmor vm1, vm0;
	v35 =	vmul.f32 v35, v40;
	v23 =	vmul.f32 $5.000000000e-01, v22  }
0x32c: {  	vm1 =	vlt.f32 v29, $1.000000000e+00;
	v47 =	vmul.f32 $5.000000000e-01, v44;
	v39 =	vadd.f32 v39, v36  }
0x32d: {  	v36 =	vmul.f32 $1.666805740e-01, v25;
	v48 =	vadd.f32 $-2.499999400e-01, v35;
	v49 =	vmul.f32 v32, v21  }
0x32e: {  	v28 =	vadd.f32 v31, v28;
	v31 =	vmul.f32 v25, v25;
	v32 =	vmul.f32 $5.000000000e-01, v30  }
0x32f: {  	v43 =	vsub.f32 $2.000071410e-01, v43;
	v35 =	vmul.f32 v45, v18;
	v45 =	vmul.f32 $5.000000000e-01, v46  }
0x330: {  	vm0 =	vlt.f32 v26, $1.000000000e+00;
	v48 =	vmul.f32 v48, v40;
	v49 =	vadd.f32 $3.333333130e-01, v49  }
0x331: {  	v28 =	vadd.f32 v28, v33;
	v33 =	vsub.f32 $2.000071410e-01, v36;
	v36 =	vmul.f32 v42, v15  }
0x332: {  	vm3 =	vgt.f32 v34, $1.000000000e+00;
	v39 =	vadd.f32 v41, v39;
	v41 =	vmul.f32 v43, v13  }
0x333: {  	v42 =	vsel vm4, $0x3F800000, v1;
	v34 =	vmul.f32 v33, v25;
	v38 =	vadd.f32 $3.333333130e-01, v38  }
0x334: {  	vm4 =	vgt.f32 v29, $1.000000000e+00;
	v43 =	vadd.f32 $3.333333130e-01, v48;
	v29 =	vmul.f32 v49, v21  }
0x335: {  	v33 =	vmul.f32 $5.000000000e-01, v31;
	v39 =	vadd.f32 v42, v39;
	v38 =	vmul.f32 v38, v19  }
0x336: {  	vm1 =	vmor vm4, vm1;
	v34 =	vadd.f32 $-2.499999400e-01, v34;
	v42 =	vmul.f32 v43, v40  }
0x337: {  	v41 =	vadd.f32 $-2.499999400e-01, v41;
	v43 =	vsel vm1, $0x3F800000, v1;
	v29 =	vmul.f32 v29, v46  }
.Ltmp4:
0x338: {  	v46 =	vmul.f32 v34, v25;
	v43 =	vadd.f32 v43, v39;
	v42 =	vmul.f32 v42, v44;
	(pc) =	sbr.rel @p1 .LBB2_11-.Ltmp4, $4  }
0x339: {  	v37 =	vmul.f32 v38, v37;
	vm1 =	vgt.f32 v26, $1.000000000e+00;
	v34 =	vsub.f32 v29, v45  }
0x33a: {  	v38 =	vmul.f32 v41, v13;
	vm0 =	vmor vm1, vm0;
	v26 =	vsub.f32 v42, v47  }
0x33b: {  	v39 =	vadd.f32 $3.333333130e-01, v46;
	v41 =	vsel vm0, $0x3F800000, v1;
	vm0 =	vmor vm3, vm2  }
0x33c: {  	s15 =	sadd.s32 $0x80, s15;
	v24 =	vshra.s32 v24, $0x17;
	v29 =	vadd.f32 v26, v40;
	v26 =	vadd.f32 v41, v43  }
0x33d: {  	v39 =	vmul.f32 v39, v25;
	_ =	sdelay $0x1  }
0x33e: {  	v31 =	vmul.f32 v39, v31;
	_ =	sdelay $0x1  }
0x33f: {  	v36 =	vadd.f32 $3.333333130e-01, v36;
	v31 =	vsub.f32 v31, v33;
	_ =	sdelay $0x1  }
0x340: {  	v52 =	vmul.f32 v36, v15;
	v25 =	vadd.f32 v31, v25  }
0x341: {  	v27 =	vsub.f32 v37, v27;
	v53 =	vadd.f32 $3.333333130e-01, v38  }
0x342: {  	v54 =	vmul.f32 $5.000000000e-01, v20;
	v55 =	vmul.f32 v52, v20;
	v25 =	vadd.f32 v25, v28  }
0x343: {  	v56 =	vmul.f32 v35, v30;
	v19 =	vadd.f32 v27, v19;
	v27 =	vmul.f32 v53, v13  }
0x344: {  	v20 =	vsub.f32 v55, v54;
	v25 =	vadd.f32 v29, v25  }
0x345: {  	v58 =	vmul.f32 v27, v22;
	v28 =	vsub.f32 v56, v32  }
0x346: {  	v57 =	vadd.f32 v20, v15;
	v19 =	vadd.f32 v19, v25  }
0x347: {  	v59 =	vsub.f32 v58, v23  }
0x348: {  	v16 =	vadd.s32 v17, v16;
	v18 =	vadd.f32 v28, v18;
	v15 =	vadd.f32 v57, v19  }
0x349: {  	v14 =	vadd.s32 v14, v16  }
.Ltmp5:
0x34a: {  	v14 =	vadd.s32 v24, v14;
	v60 =	vadd.f32 v59, v13;
	v15 =	vadd.f32 v18, v15;
	(pc) =	sbr.rel @p0 .LBB2_14-.Ltmp5, $4  }
0x34b: {  	v11 =	vadd.s32 v11, v14  }
0x34c: {  	v61 =	vadd.f32 v34, v21;
	v11 =	vadd.s32 v12, v11;
	v62 =	vadd.f32 v60, v15  }
0x34d: {  	v63 =	vsel vm0, $0x3F800000, v1;
	v11 =	vadd.s32 v9, v11  }
0x34e: {  	v9 =	vadd.f32 v63, v26;
	v10 =	vadd.s32 v10, v11;
	v24 =	vadd.f32 v61, v62  }
0x34f: {  	s13 =	sld [smem:$0x7FB];
	_ =	sdelay $0x2  }
0x350: {  	s8 =	sadd.s32 s8, s13  }
0x351: {  	s13 =	sshrl.u32 s8, $0x8  }
0x352: {  	s8 =	sshll.u32 s8, $0xA;
	s14 =	smul.u32 $0x4C0000, s13  }
0x353: {  	s8 =	sand.u32 $0x3F000, s8  }
0x354: {  	s14 =	sor.u32 s8, s14  }
0x355: {  	s15 =	rddreg [dreg:$0x12];
	s14 =	sshrl.u32 s14, $0x3  }
0x356: {  	s18 =	simm.s32 $0x9800;
	s15 =	sadd.s32 s14, s15;
	s14 =	sadd.s32 s2, s14  }
0x357: {  	[tilespmem:s18], [sflag:$0x3] =	stream.linear.gather [hbm4b:s15+s5], $0x400, $0x38;
	[tilespmem:$0x14180] =	vst v63  }
0x358: {  	s23 =	simm.s32 $0x9C00;
	s19 =	sadd.s32 $0x8100, s14  }
0x359: {  	[tilespmem:s23], [sflag:$0x3] =	stream.linear.gather [hbm4b:s19+s5], $0x400, $0x38;
	[tilespmem:$0x14180] =	vst v63  }
0x35a: {  	s19 =	sadd.s32 $0x10100, s14;
	s23 =	simm.s32 $0xA000  }
0x35b: {  	[tilespmem:s23], [sflag:$0x3] =	stream.linear.gather [hbm4b:s19+s5], $0x400, $0x38;
	[tilespmem:$0x14180] =	vst v63  }
0x35c: {  	s19 =	sadd.s32 $0x18100, s14;
	s23 =	simm.s32 $0xA400  }
0x35d: {  	[tilespmem:s23], [sflag:$0x3] =	stream.linear.gather [hbm4b:s19+s5], $0x400, $0x38;
	[tilespmem:$0x14180] =	vst v63  }
0x35e: {  	s19 =	sadd.s32 $0x20100, s14;
	s23 =	simm.s32 $0xA800  }
0x35f: {  	[tilespmem:s23], [sflag:$0x3] =	stream.linear.gather [hbm4b:s19+s5], $0x400, $0x38;
	[tilespmem:$0x14180] =	vst v63  }
0x360: {  	s19 =	sadd.s32 $0x28100, s14;
	s23 =	simm.s32 $0xAC00  }
0x361: {  	[tilespmem:s23], [sflag:$0x3] =	stream.linear.gather [hbm4b:s19+s5], $0x400, $0x38;
	[tilespmem:$0x14180] =	vst v63  }
0x362: {  	s19 =	sadd.s32 $0x30100, s14;
	s23 =	simm.s32 $0xB000  }
0x363: {  	[tilespmem:s23], [sflag:$0x3] =	stream.linear.gather [hbm4b:s19+s5], $0x400, $0x38;
	[tilespmem:$0x14180] =	vst v63  }
0x364: {  	s19 =	sadd.s32 $0x38100, s14;
	s23 =	simm.s32 $0xB400  }
0x365: {  	[tilespmem:s23], [sflag:$0x3] =	stream.linear.gather [hbm4b:s19+s5], $0x400, $0x38;
	[tilespmem:$0x14180] =	vst v63  }
0x366: {  	s19 =	sadd.s32 $0x40100, s14;
	s23 =	simm.s32 $0xB800  }
0x367: {  	[tilespmem:s23], [sflag:$0x3] =	stream.linear.gather [hbm4b:s19+s5], $0x400, $0x38;
	[tilespmem:$0x14180] =	vst v63  }
0x368: {  	s19 =	sadd.s32 $0x48100, s14;
	s23 =	simm.s32 $0xBC00  }
0x369: {  	[tilespmem:s23], [sflag:$0x3] =	stream.linear.gather [hbm4b:s19+s5], $0x400, $0x38;
	[tilespmem:$0x14180] =	vst v63  }
0x36a: {  	s19 =	sadd.s32 $0x50100, s14;
	s23 =	simm.s32 $0xC000  }
0x36b: {  	[tilespmem:s23], [sflag:$0x3] =	stream.linear.gather [hbm4b:s19+s5], $0x400, $0x38;
	[tilespmem:$0x14180] =	vst v63  }
0x36c: {  	s19 =	sadd.s32 $0x58100, s14;
	s23 =	simm.s32 $0xC400  }
0x36d: {  	[tilespmem:s23], [sflag:$0x3] =	stream.linear.gather [hbm4b:s19+s5], $0x400, $0x38;
	[tilespmem:$0x14180] =	vst v63  }
0x36e: {  	s19 =	sadd.s32 $0x60100, s14;
	s23 =	simm.s32 $0xC800  }
0x36f: {  	[tilespmem:s23], [sflag:$0x3] =	stream.linear.gather [hbm4b:s19+s5], $0x400, $0x38;
	[tilespmem:$0x14180] =	vst v63  }
0x370: {  	s19 =	sadd.s32 $0x68100, s14;
	s23 =	simm.s32 $0xCC00  }
0x371: {  	[tilespmem:s23], [sflag:$0x3] =	stream.linear.gather [hbm4b:s19+s5], $0x400, $0x38;
	[tilespmem:$0x14180] =	vst v63  }
0x372: {  	s19 =	sadd.s32 $0x70100, s14;
	s23 =	simm.s32 $0xD000  }
0x373: {  	[tilespmem:s23], [sflag:$0x3] =	stream.linear.gather [hbm4b:s19+s5], $0x400, $0x38;
	[tilespmem:$0x14180] =	vst v63  }
0x374: {  	s13 =	sshll.u32 s13, $0x12;
	s19 =	sadd.s32 $0x78100, s14;
	s23 =	simm.s32 $0xD400  }
0x375: {  	[tilespmem:s23], [sflag:$0x3] =	stream.linear.gather [hbm4b:s19+s5], $0x400, $0x38;
	[tilespmem:$0x14180] =	vst v63  }
0x376: {  	s8 =	sor.u32 s8, s13;
	s19 =	sadd.s32 $0x80100, s14;
	s23 =	simm.s32 $0xD800  }
0x377: {  	[tilespmem:s23], [sflag:$0x3] =	stream.linear.gather [hbm4b:s19+s5], $0x400, $0x38;
	[tilespmem:$0x14180] =	vst v63  }
0x378: {  	s8 =	sshrl.u32 s8, $0x3;
	s19 =	sadd.s32 $0x88100, s14;
	s23 =	simm.s32 $0xDC00  }
0x379: {  	[tilespmem:s23], [sflag:$0x3] =	stream.linear.gather [hbm4b:s19+s5], $0x400, $0x38;
	[tilespmem:$0x14180] =	vst v63  }
0x37a: {  	s18 =	simm.s32 $0xE000;
	s14 =	sadd.s32 $0x90100, s14;
	s19 =	rddreg [dreg:$0x14]  }
0x37b: {  	[tilespmem:s18], [sflag:$0x3] =	stream.linear.gather [hbm4b:s14+s5], $0x400, $0x38;
	[tilespmem:$0x14180] =	vst v63  }
0x37c: {  	s23 =	simm.s32 $0x13800;
	s8 =	sadd.s32 s8, s19  }
0x37d: {  	[tilespmem:s23], [sflag:$0x3] =	stream.linear.gather [hbm4b:s8+s5], $0x400, $0x38;
	[tilespmem:$0x14180] =	vst v63  }
.LBB2_14:
0x37e: {  	_ =	swait.ge [sflag:s0], $0x4C00  }
0x37f: {  	[sflag:s0] =	ssyncset.done $0x0  }
0x380: {  	[sflag:s0] =	ssyncadd.s32 $0xFFFFB400  }
0x381: {  	_ =	swait.ge [sflag:s0], $0x400  }
0x382: {  	[sflag:s0] =	ssyncset.done $0x0  }
0x383: {  	s13 =	simm.s32 $0x13C70;
	[sflag:s0] =	ssyncadd.s32 $0xFFFFFC00  }
0x384: {  	v11 =	vld [tilespmem:s13+$0xFFFFFF90]  }
0x385: {  	s8 =	simm.s32 $0x1C8;
	v13 =	vld [tilespmem:s13+$0xFFFFFFC0]  }
0x386: {  	v12 =	vmov s8;
	v14 =	vld [tilespmem:s13+$0xFFFFFFD0]  }
0x387: {  	v12 =	vshll.u32 v12, $0x7;
	v15 =	vld [tilespmem:s13+$0xFFFFFFF0]  }
0x388: {  	v12 =	vbroadcast v12, $0x0;
	v16 =	vld [tilespmem:s13+$0xFFFFFFB0]  }
0x389: {  	v11 =	vshll.u32 v11, $0xA  }
0x38a: {  	v13 =	vshll.u32 v13, $0xA;
	v11 =	vadd.s32 v12, v11  }
0x38b: {  	v14 =	vshll.u32 v14, $0xA;
	v13 =	vadd.s32 v12, v13;
	v11 =	vor.u32 v0, v11  }
0x38c: {  	v15 =	vshll.u32 v15, $0xA;
	v14 =	vadd.s32 v12, v14;
	v13 =	vor.u32 v4, v13  }
0x38d: {  	v17 =	vld [tilespmem:s13+$0xFFFFFFE0];
	v16 =	vshll.u32 v16, $0xA;
	v15 =	vadd.s32 v12, v15;
	v14 =	vor.u32 v5, v14  }
0x38e: {  	v18 =	vld [tilespmem:s13+$0x0];
	v16 =	vadd.s32 v12, v16;
	v15 =	vor.u32 v7, v15  }
0x38f: {  	v19 =	vld [tilespmem:s13+$0xFFFFFFA0];
	v16 =	vor.u32 v3, v16  }
0x390: {  	v11 =	vld.idx.msk [tilespmem:v11+s5+$0x0], $0xffff  }
0x391: {  	v13 =	vld.idx.msk [tilespmem:v13+s5+$0x0], $0xffff  }
0x392: {  	v17 =	vshll.u32 v17, $0xA;
	v14 =	vld.idx.msk [tilespmem:v14+s5+$0x0], $0xffff  }
0x393: {  	v17 =	vadd.s32 v12, v17;
	v29 =	vld.idx.msk [tilespmem:v15+s5+$0x0], $0xffff  }
0x394: {  	v18 =	vshll.u32 v18, $0xA;
	v19 =	vshll.u32 v19, $0xA;
	v17 =	vor.u32 v6, v17;
	v15 =	vld.idx.msk [tilespmem:v16+s5+$0x0], $0xffff  }
0x395: {  	v18 =	vadd.s32 v12, v18;
	v12 =	vadd.s32 v12, v19  }
0x396: {  	v12 =	vor.u32 v2, v12  }
0x397: {  	v20 =	vadd.s32 $0xC0CAFB0D, v11;
	vm0 =	vlt.f32 v11, $1.000000000e+00;
	vm1 =	vgt.f32 v11, $1.000000000e+00  }
0x398: {  	v11 =	vor.u32 v8, v18;
	vm2 =	vlt.f32 v13, $1.000000000e+00;
	v26 =	vadd.s32 $0xC0CAFB0D, v13  }
0x399: {  	v33 =	vld.idx.msk [tilespmem:v17+s5+$0x0], $0xffff;
	vm3 =	vgt.f32 v13, $1.000000000e+00;
	v13 =	vadd.s32 $0xC0CAFB0D, v14;
	v17 =	vadd.s32 $0xC0CAFB0D, v15  }
0x39a: {  	vm4 =	vgt.f32 v15, $1.000000000e+00;
	vm5 =	vlt.f32 v15, $1.000000000e+00;
	v21 =	vand.u32 $0x7FFFFF, v20  }
0x39b: {  	vm0 =	vmor vm1, vm0;
	v18 =	vshra.s32 v20, $0x17;
	vm1 =	vgt.f32 v14, $1.000000000e+00  }
0x39c: {  	vm4 =	vmor vm4, vm5;
	vm2 =	vmor vm3, vm2;
	vm3 =	vlt.f32 v29, $1.000000000e+00  }
0x39d: {  	v21 =	vadd.s32 $0x3F3504F3, v21;
	v19 =	vsel vm0, $0x3F800000, v1;
	vm0 =	vlt.f32 v14, $1.000000000e+00  }
0x39e: {  	v20 =	vld.idx.msk [tilespmem:v12+s5+$0x0], $0xffff;
	v14 =	vand.u32 $0x7FFFFF, v26;
	v50 =	vsel vm4, $0x3F800000, v1;
	v41 =	vsel vm2, $0x3F800000, v1  }
0x39f: {  	v28 =	vadd.f32 $-1.000000000e+00, v21;
	v22 =	vadd.f32 v19, v9;
	v19 =	vadd.s32 $0xC0CAFB0D, v33  }
0x3a0: {  	v27 =	vadd.s32 $0x3F3504F3, v14;
	v14 =	vshra.s32 v17, $0x17;
	vm0 =	vmor vm1, vm0  }
0x3a1: {  	vm1 =	vlt.f32 v33, $1.000000000e+00;
	v60 =	vsel vm0, $0x3F800000, v1;
	vm0 =	vgt.f32 v33, $1.000000000e+00  }
0x3a2: {  	v23 =	vand.u32 $0x7FFFFF, v19;
	v16 =	vmul.f32 $1.666805740e-01, v28;
	vm0 =	vmor vm0, vm1  }
0x3a3: {  	v34 =	vld.idx.msk [tilespmem:v11+s5+$0x0], $0xffff;
	vm6 =	vlt.f32 v20, $1.000000000e+00;
	vm7 =	vgt.f32 v20, $1.000000000e+00;
	v62 =	vsel vm0, $0x3F800000, v1  }
0x3a4: {  	vm0 =	vgt.f32 v29, $1.000000000e+00;
	v16 =	vsub.f32 $2.000071410e-01, v16;
	vm6 =	vmor vm7, vm6  }
0x3a5: {  	v11 =	vshra.s32 v13, $0x17;
	vm0 =	vmor vm0, vm3;
	v36 =	vsel vm6, $0x3F800000, v1  }
0x3a6: {  	v63 =	vsel vm0, $0x3F800000, v1;
	v12 =	vmul.f32 v16, v28;
	v16 =	vand.u32 $0x7FFFFF, v13  }
0x3a7: {  	v13 =	vand.u32 $0x7FFFFF, v17;
	v36 =	vadd.f32 v36, v22;
	v21 =	vadd.s32 $0x3F3504F3, v16  }
0x3a8: {  	v16 =	vadd.s32 $0xC0CAFB0D, v29;
	v30 =	vadd.s32 $0xC0CAFB0D, v34;
	v12 =	vadd.f32 $-2.499999400e-01, v12  }
0x3a9: {  	vm2 =	vlt.f32 v34, $1.000000000e+00;
	vm15 =	vgt.f32 v34, $1.000000000e+00;
	v9 =	vshra.s32 v16, $0x17  }
0x3aa: {  	v25 =	vand.u32 $0x7FFFFF, v16;
	v16 =	vadd.s32 v10, v18;
	v12 =	vmul.f32 v12, v28  }
0x3ab: {  	v18 =	vadd.s32 $0xC0CAFB0D, v20;
	v10 =	vshra.s32 v30, $0x17;
	v15 =	vadd.f32 $-1.000000000e+00, v21  }
0x3ac: {  	v48 =	vadd.f32 v50, v36;
	vm0 =	vmor vm15, vm2;
	v12 =	vadd.f32 $3.333333130e-01, v12  }
0x3ad: {  	v17 =	vshra.s32 v18, $0x17;
	v32 =	vmul.f32 $1.666805740e-01, v15;
	v20 =	vmul.f32 v15, v15  }
0x3ae: {  	v31 =	vmul.f32 v12, v28;
	v12 =	vshra.s32 v19, $0x17;
	v19 =	vadd.f32 $-1.000000000e+00, v27  }
0x3af: {  	v27 =	vand.u32 $0x7FFFFF, v30;
	v30 =	vadd.s32 $0x3F3504F3, v13;
	v13 =	vadd.s32 $0x3F3504F3, v23  }
0x3b0: {  	v41 =	vadd.f32 v41, v48;
	v23 =	vand.u32 $0x7FFFFF, v18;
	v18 =	vadd.f32 $-1.000000000e+00, v13  }
0x3b1: {  	v13 =	vadd.s32 $0x3F3504F3, v25;
	v25 =	vmul.f32 v28, v28;
	v21 =	vadd.s32 $0x3F3504F3, v27  }
0x3b2: {  	v23 =	vadd.s32 $0x3F3504F3, v23;
	v40 =	vadd.f32 $-1.000000000e+00, v30;
	v35 =	vmul.f32 $1.666805740e-01, v18  }
0x3b3: {  	v30 =	vsub.f32 $2.000071410e-01, v32;
	v13 =	vadd.f32 $-1.000000000e+00, v13;
	v37 =	vmul.f32 v19, v19  }
0x3b4: {  	v27 =	vmul.f32 v31, v25;
	v31 =	vmul.f32 $1.666805740e-01, v19;
	v35 =	vsub.f32 $2.000071410e-01, v35  }
0x3b5: {  	v21 =	vadd.f32 $-1.000000000e+00, v21;
	v39 =	vmul.f32 $1.666805740e-01, v40;
	v30 =	vmul.f32 v30, v15  }
0x3b6: {  	v51 =	vmul.f32 $5.000000000e-01, v25;
	v31 =	vsub.f32 $2.000071410e-01, v31;
	v35 =	vmul.f32 v35, v18  }
0x3b7: {  	v25 =	vadd.f32 $-1.000000000e+00, v23;
	v44 =	vmul.f32 v40, v40;
	v38 =	vmul.f32 $1.666805740e-01, v21  }
0x3b8: {  	v43 =	vmul.f32 $1.666805740e-01, v13;
	v22 =	vmul.f32 v31, v19;
	v31 =	vadd.f32 $-2.499999400e-01, v35  }
0x3b9: {  	v46 =	vmul.f32 v21, v21;
	v42 =	vadd.f32 $-2.499999400e-01, v30;
	v53 =	vsub.f32 $2.000071410e-01, v39  }
0x3ba: {  	v30 =	vmul.f32 v18, v18;
	v38 =	vsub.f32 $2.000071410e-01, v38;
	v23 =	vmul.f32 v31, v18  }
0x3bb: {  	v47 =	vmul.f32 $5.000000000e-01, v44;
	v56 =	vmul.f32 $1.666805740e-01, v25;
	v39 =	vadd.f32 v60, v41  }
0x3bc: {  	v45 =	vadd.f32 $3.333333130e-01, v23;
	v23 =	vmul.f32 v38, v21;
	v38 =	vmul.f32 v53, v40  }
0x3bd: {  	v43 =	vsub.f32 $2.000071410e-01, v43;
	v57 =	vmul.f32 $5.000000000e-01, v46;
	v31 =	vsub.f32 v27, v51  }
0x3be: {  	v32 =	vmul.f32 $5.000000000e-01, v30;
	v36 =	vmul.f32 v42, v15;
	v38 =	vadd.f32 $-2.499999400e-01, v38  }
0x3bf: {  	v58 =	vmul.f32 v43, v13;
	v52 =	vadd.f32 $-2.499999400e-01, v22;
	v28 =	vadd.f32 v31, v28  }
0x3c0: {  	v22 =	vmul.f32 v13, v13;
	v55 =	vadd.f32 $-2.499999400e-01, v23;
	v38 =	vmul.f32 v38, v40  }
0x3c1: {  	v54 =	vmul.f32 v52, v19;
	v28 =	vadd.f32 v28, v24;
	v24 =	vsub.f32 $2.000071410e-01, v56  }
0x3c2: {  	v27 =	vmul.f32 $5.000000000e-01, v37;
	v49 =	vmul.f32 v55, v21;
	v38 =	vadd.f32 $3.333333130e-01, v38  }
0x3c3: {  	v31 =	vmul.f32 v25, v25;
	v59 =	vadd.f32 $3.333333130e-01, v54;
	v24 =	vmul.f32 v24, v25  }
0x3c4: {  	v23 =	vmul.f32 $5.000000000e-01, v22;
	v49 =	vadd.f32 $3.333333130e-01, v49;
	v38 =	vmul.f32 v38, v40  }
0x3c5: {  	v35 =	vmul.f32 v45, v18;
	v34 =	vmul.f32 v59, v19;
	v24 =	vadd.f32 $-2.499999400e-01, v24  }
0x3c6: {  	v41 =	vadd.f32 v62, v39;
	v61 =	vmul.f32 v49, v21;
	v38 =	vmul.f32 v38, v44  }
0x3c7: {  	v42 =	vadd.f32 $-2.499999400e-01, v58;
	v33 =	vmul.f32 $5.000000000e-01, v31;
	v24 =	vmul.f32 v24, v25  }
0x3c8: {  	v37 =	vmul.f32 v34, v37;
	v43 =	vmul.f32 v61, v46;
	v29 =	vsub.f32 v38, v47  }
0x3c9: {  	v39 =	vadd.f32 $3.333333130e-01, v24;
	v24 =	vshra.s32 v26, $0x17;
	v26 =	vadd.f32 v63, v41  }
0x3ca: {  	s14 =	simm.s32 $0x13CF0;
	s13 =	simm.s32 $0x0;
	v34 =	vsub.f32 v43, v57;
	v38 =	vmul.f32 v42, v13;
	v29 =	vadd.f32 v29, v40  }
.LBB2_15:
0x3cb: {  	v40 =	vld [tilespmem:s14+$0xFFFFFF90];
	s13 =	sadd.s32 $0x8, s13;
	v27 =	vsub.f32 v37, v27;
	v30 =	vmul.f32 v35, v30;
	v35 =	vsel vm0, $0x3F800000, v1;
	s8 =	sadd.s32 $0x1, s8  }
0x3cc: {  	v39 =	vmul.f32 v39, v25;
	v38 =	vadd.f32 $3.333333130e-01, v38;
	v37 =	vld [tilespmem:s14+$0x0];
	p0 =	slt.u32 s13, $0x38;
	v35 =	vadd.f32 v35, v26  }
0x3cd: {  	v36 =	vadd.f32 $3.333333130e-01, v36;
	v21 =	vadd.f32 v34, v21;
	v26 =	vmov s8;
	v41 =	vld [tilespmem:s14+$0xFFFFFFF0]  }
0x3ce: {  	v26 =	vshll.u32 v26, $0x7;
	v30 =	vsub.f32 v30, v32;
	v32 =	vmul.f32 v38, v13;
	v34 =	vld [tilespmem:s14+$0xFFFFFFE0]  }
0x3cf: {  	v19 =	vadd.f32 v27, v19;
	v27 =	vmul.f32 v36, v15;
	v26 =	vbroadcast v26, $0x0;
	v38 =	vld [tilespmem:s14+$0xFFFFFFC0]  }
0x3d0: {  	v16 =	vadd.s32 v17, v16;
	v17 =	vmul.f32 $5.000000000e-01, v20;
	v36 =	vshll.u32 v40, $0xA;
	v40 =	vld [tilespmem:s14+$0xFFFFFFD0]  }
0x3d1: {  	v31 =	vmul.f32 v39, v31;
	v36 =	vadd.s32 v26, v36;
	v42 =	vld [tilespmem:s14+$0xFFFFFFB0];
	v37 =	vshll.u32 v37, $0xA  }
0x3d2: {  	v20 =	vmul.f32 v27, v20;
	v36 =	vor.u32 v0, v36;
	v39 =	vld [tilespmem:s14+$0xFFFFFFA0];
	v41 =	vshll.u32 v41, $0xA  }
0x3d3: {  	v31 =	vsub.f32 v31, v33;
	v27 =	vshll.u32 v34, $0xA;
	v34 =	vadd.s32 v26, v41  }
0x3d4: {  	v14 =	vadd.s32 v14, v16;
	v33 =	vshll.u32 v38, $0xA;
	v27 =	vadd.s32 v26, v27  }
0x3d5: {  	v25 =	vadd.f32 v31, v25;
	v16 =	vadd.s32 v26, v33;
	v33 =	vshll.u32 v40, $0xA  }
0x3d6: {  	v18 =	vadd.f32 v30, v18;
	v31 =	vshll.u32 v42, $0xA;
	v16 =	vor.u32 v4, v16  }
0x3d7: {  	v25 =	vadd.f32 v25, v28;
	v33 =	vadd.s32 v26, v33;
	v30 =	vld.idx.msk [tilespmem:v36+s5+$0x0], $0xffff;
	v31 =	vadd.s32 v26, v31  }
0x3d8: {  	v17 =	vsub.f32 v20, v17;
	v28 =	vor.u32 v5, v33;
	v31 =	vor.u32 v3, v31  }
0x3d9: {  	v14 =	vadd.s32 v24, v14;
	v20 =	vshll.u32 v39, $0xA;
	v33 =	vadd.s32 v26, v37  }
0x3da: {  	v15 =	vadd.f32 v17, v15;
	v24 =	vor.u32 v7, v34;
	v20 =	vadd.s32 v26, v20  }
0x3db: {  	v25 =	vadd.f32 v29, v25;
	v17 =	vor.u32 v2, v20;
	v20 =	vor.u32 v8, v33;
	v16 =	vld.idx.msk [tilespmem:v16+s5+$0x0], $0xffff  }
0x3dc: {  	v11 =	vadd.s32 v11, v14;
	v14 =	vmul.f32 v32, v22;
	v27 =	vor.u32 v6, v27  }
0x3dd: {  	v19 =	vadd.f32 v19, v25;
	v22 =	vadd.s32 $0xC0CAFB0D, v30;
	vm0 =	vlt.f32 v30, $1.000000000e+00;
	v32 =	vld.idx.msk [tilespmem:v28+s5+$0x0], $0xffff  }
0x3de: {  	v14 =	vsub.f32 v14, v23;
	vm1 =	vgt.f32 v30, $1.000000000e+00;
	v25 =	vand.u32 $0x7FFFFF, v22  }
0x3df: {  	v15 =	vadd.f32 v15, v19;
	v22 =	vshra.s32 v22, $0x17;
	v23 =	vadd.s32 $0x3F3504F3, v25  }
0x3e0: {  	v13 =	vadd.f32 v14, v13;
	vm0 =	vmor vm1, vm0;
	v28 =	vadd.f32 $-1.000000000e+00, v23;
	v26 =	vld.idx.msk [tilespmem:v24+s5+$0x0], $0xffff  }
0x3e1: {  	v15 =	vadd.f32 v18, v15;
	v14 =	vsel vm0, $0x3F800000, v1;
	vm2 =	vlt.f32 v16, $1.000000000e+00;
	v19 =	vld.idx.msk [tilespmem:v31+s5+$0x0], $0xffff  }
0x3e2: {  	v11 =	vadd.s32 v12, v11;
	v24 =	vadd.s32 $0xC0CAFB0D, v16;
	v18 =	vmul.f32 $1.666805740e-01, v28  }
0x3e3: {  	v12 =	vadd.f32 v13, v15;
	vm0 =	vlt.f32 v32, $1.000000000e+00;
	vm1 =	vgt.f32 v32, $1.000000000e+00;
	v29 =	vld.idx.msk [tilespmem:v27+s5+$0x0], $0xffff  }
0x3e4: {  	v9 =	vadd.s32 v9, v11;
	vm3 =	vgt.f32 v16, $1.000000000e+00;
	v13 =	vsub.f32 $2.000071410e-01, v18;
	v23 =	vld.idx.msk [tilespmem:v17+s5+$0x0], $0xffff  }
0x3e5: {  	v10 =	vadd.s32 v10, v9;
	v33 =	vadd.f32 v21, v12;
	v11 =	vadd.s32 $0xC0CAFB0D, v32  }
0x3e6: {  	v12 =	vand.u32 $0x7FFFFF, v24;
	v9 =	vmul.f32 v13, v28;
	v13 =	vand.u32 $0x7FFFFF, v11;
	v34 =	vld.idx.msk [tilespmem:v20+s5+$0x0], $0xffff  }
0x3e7: {  	v16 =	vadd.s32 $0xC0CAFB0D, v26;
	v15 =	vadd.s32 $0xC0CAFB0D, v19;
	v13 =	vadd.s32 $0x3F3504F3, v13  }
0x3e8: {  	v25 =	vadd.f32 v14, v35;
	v11 =	vshra.s32 v11, $0x17;
	v17 =	vadd.f32 $-2.499999400e-01, v9  }
0x3e9: {  	v18 =	vand.u32 $0x7FFFFF, v15;
	v9 =	vshra.s32 v16, $0x17;
	v20 =	vadd.s32 $0xC0CAFB0D, v29  }
0x3ea: {  	v27 =	vand.u32 $0x7FFFFF, v16;
	v14 =	vmul.f32 v17, v28;
	v21 =	vand.u32 $0x7FFFFF, v20  }
0x3eb: {  	v30 =	vadd.s32 $0x3F3504F3, v12;
	v16 =	vadd.s32 v10, v22;
	v22 =	vadd.s32 $0xC0CAFB0D, v23  }
0x3ec: {  	v12 =	vadd.f32 $3.333333130e-01, v14;
	v14 =	vshra.s32 v15, $0x17;
	v15 =	vadd.s32 $0xC0CAFB0D, v34  }
0x3ed: {  	vm4 =	vgt.f32 v19, $1.000000000e+00;
	v17 =	vshra.s32 v22, $0x17;
	v10 =	vshra.s32 v15, $0x17  }
0x3ee: {  	vm5 =	vlt.f32 v19, $1.000000000e+00;
	v31 =	vmul.f32 v12, v28;
	v12 =	vshra.s32 v20, $0x17  }
0x3ef: {  	v19 =	vadd.f32 $-1.000000000e+00, v30;
	vm6 =	vlt.f32 v23, $1.000000000e+00;
	v20 =	vand.u32 $0x7FFFFF, v15  }
0x3f0: {  	v30 =	vadd.s32 $0x3F3504F3, v18;
	v15 =	vadd.f32 $-1.000000000e+00, v13;
	v13 =	vadd.s32 $0x3F3504F3, v21  }
0x3f1: {  	v22 =	vand.u32 $0x7FFFFF, v22;
	v18 =	vadd.f32 $-1.000000000e+00, v13;
	v13 =	vadd.s32 $0x3F3504F3, v27  }
0x3f2: {  	vm7 =	vgt.f32 v23, $1.000000000e+00;
	v27 =	vmul.f32 v28, v28;
	v23 =	vmul.f32 $1.666805740e-01, v15  }
0x3f3: {  	v21 =	vadd.s32 $0x3F3504F3, v20;
	v13 =	vadd.f32 $-1.000000000e+00, v13;
	v32 =	vmul.f32 $1.666805740e-01, v18  }
0x3f4: {  	vm6 =	vmor vm7, vm6;
	v20 =	vmul.f32 v15, v15;
	v21 =	vadd.f32 $-1.000000000e+00, v21  }
0x3f5: {  	v35 =	vmul.f32 $1.666805740e-01, v19;
	v31 =	vmul.f32 v31, v27;
	v32 =	vsub.f32 $2.000071410e-01, v32  }
0x3f6: {  	vm4 =	vmor vm4, vm5;
	v37 =	vmul.f32 v19, v19;
	v22 =	vadd.s32 $0x3F3504F3, v22  }
0x3f7: {  	v36 =	vsel vm6, $0x3F800000, v1;
	v38 =	vmul.f32 $1.666805740e-01, v21;
	v32 =	vmul.f32 v32, v18  }
0x3f8: {  	vm2 =	vmor vm3, vm2;
	v40 =	vadd.f32 $-1.000000000e+00, v30;
	v23 =	vsub.f32 $2.000071410e-01, v23  }
0x3f9: {  	v39 =	vsel vm4, $0x3F800000, v1;
	v30 =	vsub.f32 $2.000071410e-01, v35;
	v35 =	vsub.f32 $2.000071410e-01, v38  }
0x3fa: {  	v41 =	vsel vm2, $0x3F800000, v1;
	v38 =	vmul.f32 $1.666805740e-01, v40;
	v23 =	vmul.f32 v23, v15  }
0x3fb: {  	v36 =	vadd.f32 v36, v25;
	v30 =	vmul.f32 v30, v19;
	v32 =	vadd.f32 $-2.499999400e-01, v32  }
0x3fc: {  	vm2 =	vlt.f32 v34, $1.000000000e+00;
	v27 =	vmul.f32 $5.000000000e-01, v27;
	v42 =	vadd.f32 $-2.499999400e-01, v23  }
0x3fd: {  	v25 =	vadd.f32 $-1.000000000e+00, v22;
	v43 =	vmul.f32 $1.666805740e-01, v13;
	v22 =	vmul.f32 v32, v18  }
0x3fe: {  	v44 =	vmul.f32 v40, v40;
	v31 =	vsub.f32 v31, v27;
	v27 =	vmul.f32 $5.000000000e-01, v37  }
0x3ff: {  	v23 =	vadd.f32 $-2.499999400e-01, v30;
	v32 =	vmul.f32 v35, v21;
	v45 =	vadd.f32 $3.333333130e-01, v22  }
0x400: {  	v30 =	vmul.f32 v18, v18;
	v35 =	vsub.f32 $2.000071410e-01, v38;
	v22 =	vmul.f32 v13, v13  }
0x401: {  	v46 =	vmul.f32 v21, v21;
	v38 =	vmul.f32 v23, v19;
	v32 =	vadd.f32 $-2.499999400e-01, v32  }
0x402: {  	vm4 =	vmor vm1, vm0;
	v35 =	vmul.f32 v35, v40;
	v23 =	vmul.f32 $5.000000000e-01, v22  }
0x403: {  	vm1 =	vlt.f32 v29, $1.000000000e+00;
	v47 =	vmul.f32 $5.000000000e-01, v44;
	v39 =	vadd.f32 v39, v36  }
0x404: {  	v36 =	vmul.f32 $1.666805740e-01, v25;
	v48 =	vadd.f32 $-2.499999400e-01, v35;
	v49 =	vmul.f32 v32, v21  }
0x405: {  	v28 =	vadd.f32 v31, v28;
	v31 =	vmul.f32 v25, v25;
	v32 =	vmul.f32 $5.000000000e-01, v30  }
0x406: {  	v43 =	vsub.f32 $2.000071410e-01, v43;
	v35 =	vmul.f32 v45, v18;
	v45 =	vmul.f32 $5.000000000e-01, v46  }
0x407: {  	vm0 =	vlt.f32 v26, $1.000000000e+00;
	v48 =	vmul.f32 v48, v40;
	v49 =	vadd.f32 $3.333333130e-01, v49  }
0x408: {  	v28 =	vadd.f32 v28, v33;
	v33 =	vsub.f32 $2.000071410e-01, v36;
	v36 =	vmul.f32 v42, v15  }
0x409: {  	vm3 =	vgt.f32 v34, $1.000000000e+00;
	v39 =	vadd.f32 v41, v39;
	v41 =	vmul.f32 v43, v13  }
0x40a: {  	v42 =	vsel vm4, $0x3F800000, v1;
	v34 =	vmul.f32 v33, v25;
	v38 =	vadd.f32 $3.333333130e-01, v38  }
0x40b: {  	vm4 =	vgt.f32 v29, $1.000000000e+00;
	v43 =	vadd.f32 $3.333333130e-01, v48;
	v29 =	vmul.f32 v49, v21  }
0x40c: {  	v33 =	vmul.f32 $5.000000000e-01, v31;
	v39 =	vadd.f32 v42, v39;
	v38 =	vmul.f32 v38, v19  }
0x40d: {  	vm1 =	vmor vm4, vm1;
	v34 =	vadd.f32 $-2.499999400e-01, v34;
	v42 =	vmul.f32 v43, v40  }
0x40e: {  	v41 =	vadd.f32 $-2.499999400e-01, v41;
	v43 =	vsel vm1, $0x3F800000, v1;
	v29 =	vmul.f32 v29, v46  }
.Ltmp6:
0x40f: {  	v46 =	vmul.f32 v34, v25;
	v43 =	vadd.f32 v43, v39;
	v42 =	vmul.f32 v42, v44;
	(pc) =	sbr.rel @p0 .LBB2_15-.Ltmp6, $4  }
0x410: {  	v37 =	vmul.f32 v38, v37;
	vm1 =	vgt.f32 v26, $1.000000000e+00;
	v34 =	vsub.f32 v29, v45  }
0x411: {  	v38 =	vmul.f32 v41, v13;
	vm0 =	vmor vm1, vm0;
	v26 =	vsub.f32 v42, v47  }
0x412: {  	v39 =	vadd.f32 $3.333333130e-01, v46;
	v41 =	vsel vm0, $0x3F800000, v1;
	vm0 =	vmor vm3, vm2  }
0x413: {  	s14 =	sadd.s32 $0x80, s14;
	v24 =	vshra.s32 v24, $0x17;
	v29 =	vadd.f32 v26, v40;
	v26 =	vadd.f32 v41, v43  }
0x414: {  	v39 =	vmul.f32 v39, v25;
	_ =	sdelay $0x1  }
0x415: {  	v31 =	vmul.f32 v39, v31;
	_ =	sdelay $0x1  }
0x416: {  	v36 =	vadd.f32 $3.333333130e-01, v36;
	v31 =	vsub.f32 v31, v33;
	_ =	sdelay $0x1  }
0x417: {  	v52 =	vmul.f32 v36, v15;
	v25 =	vadd.f32 v31, v25  }
0x418: {  	v27 =	vsub.f32 v37, v27;
	v53 =	vadd.f32 $3.333333130e-01, v38  }
0x419: {  	v54 =	vmul.f32 $5.000000000e-01, v20;
	v55 =	vmul.f32 v52, v20;
	v25 =	vadd.f32 v25, v28  }
0x41a: {  	v56 =	vmul.f32 v35, v30;
	v19 =	vadd.f32 v27, v19;
	v27 =	vmul.f32 v53, v13  }
0x41b: {  	v20 =	vsub.f32 v55, v54;
	v25 =	vadd.f32 v29, v25  }
0x41c: {  	v58 =	vmul.f32 v27, v22;
	v28 =	vsub.f32 v56, v32  }
0x41d: {  	v57 =	vadd.f32 v20, v15;
	v19 =	vadd.f32 v19, v25  }
0x41e: {  	v59 =	vsub.f32 v58, v23  }
0x41f: {  	v16 =	vadd.s32 v17, v16;
	s7 =	sadd.s32 $0x1, s7;
	v18 =	vadd.f32 v28, v18;
	v15 =	vadd.f32 v57, v19  }
0x420: {  	v14 =	vadd.s32 v14, v16;
	p0 =	sne.s32 s7, $0xA  }
.Ltmp7:
0x421: {  	v14 =	vadd.s32 v24, v14;
	v60 =	vadd.f32 v59, v13;
	v15 =	vadd.f32 v18, v15;
	(pc) =	sbr.rel @p0 .LBB2_2-.Ltmp7, $4  }
0x422: {  	v11 =	vadd.s32 v11, v14  }
0x423: {  	v61 =	vadd.f32 v34, v21;
	v11 =	vadd.s32 v12, v11;
	v62 =	vadd.f32 v60, v15  }
0x424: {  	v63 =	vsel vm0, $0x3F800000, v1;
	v11 =	vadd.s32 v9, v11  }
0x425: {  	v9 =	vadd.f32 v63, v26;
	v10 =	vadd.s32 v10, v11;
	v24 =	vadd.f32 v61, v62  }
0x426: {  	[tilespmem:$0x14080] =	vst v10;
	s7 =	sld [smem:$0x7FC]  }
0x427: {  	[tilespmem:$0x14000] =	vst v24  }
0x428: {  	s8 =	simm.s32 $0x14000;
	[tilespmem:$0x14100] =	vst v9  }
0x429: {  	[hbm4b:s7+s5] =	stream.linear.scatter [tilespmem:s8], [sflag:$0x5], $0x80, $0x38;
	[tilespmem:$0x14180] =	vst v63  }
0x42a: {  	s8 =	simm.s32 $0x5  }
0x42b: {  	_ =	swait.ge [sflag:s8], $0x80  }
0x42c: {  	s14 =	sld [smem:$0x7FD]  }
0x42d: {  	[sflag:s8] =	ssyncset.done $0x0  }
0x42e: {  	s13 =	simm.s32 $0x14080;
	[sflag:s8] =	ssyncadd.s32 $0xFFFFFF80  }
0x42f: {  	[hbm4b:s14+s5] =	stream.linear.scatter [tilespmem:s13], [sflag:$0x5], $0x80, $0x38;
	[tilespmem:$0x14180] =	vst v63  }
0x430: {  	_ =	swait.ge [sflag:s8], $0x80  }
0x431: {  	[sflag:s8] =	ssyncset.done $0x0  }
0x432: {  	s18 =	simm.s32 $0x14100;
	s15 =	rddreg [dreg:$0x13];
	[sflag:s8] =	ssyncadd.s32 $0xFFFFFF80  }
0x433: {  	[hbm4b:s15+s5] =	stream.linear.scatter [tilespmem:s18], [sflag:$0x5], $0x80, $0x38;
	[tilespmem:$0x14180] =	vst v63  }
0x434: {  	_ =	swait.ge [sflag:s8], $0x80  }
0x435: {  	s19 =	sld [smem:$0x7D2];
	_ =	sdelay $0x2  }
0x436: {  	s23 =	rddreg [dreg:$0x17];
	s13 =	sadd.s32 $0x1, s19  }
0x437: {  	p0 =	sne.s32 s13, s23  }
.Ltmp8:
0x438: {  	_ = 	snop;
	(pc) =	sbr.rel @p0 .LBB2_1-.Ltmp8, $3  }
0x439: {  	_ =	sdelay $0x1  }
0x43a: {  	[sflag:s8] =	ssyncset.done $0x0  }
0x43b: {  	[sflag:s8] =	ssyncadd.s32 $0xFFFFFF80  }
0x43c: {  	_ =	sfence.sel $0x180000  }
0x43d: {  	[bflag:$0x0] =	sbarrier.arrive $0xFFFF  }
0x43e: {  	_ =	strace $0x90000047  }
0x43f: {  	s0 =	stileid.u32;
	[bflag:$0x2] =	sbarrier.arrive $0xFFFF  }
0x440: {  	p0 =	sne.s32 s0, $0x0;
	s0 =	rddreg [dreg:$0x3]  }
0x441: {  	s0 =	sadd.s32 @!p0 $0x100000, s0  }
0x442: {  	[sflag:s0] =	ssyncadd.tile.s32 @!p0 $0x1;
	_ =	shalt  }
.Lfunc_end2:
_tile_overlayer_lowered:
.L_overlay_start_2:
0x443: {  	(tag) =	ssettag $0x2  }
0x444: {  	s0 =	rddreg [dreg:$0x0];
	s2 =	stileid.u32  }
0x445: {  	s1 =	rddreg [dreg:$0x1];
	p0 =	sne.s32 s2, $0x0  }
0x446: {  	s3 =	rddreg [dreg:$0x2];
	[bflag:$0x3] =	sbarrier.arrive $0xFFFF;
	s2 =	simm.s32 @!p0 $0x1C05  }
0x447: {  	[timem:s3], [sflag:s2] =	dma.local @!p0 [hbm:s0], s1  }
0x448: {  	s0 =	simm.s32 @!p0 $0x5  }
0x449: {  	_ =	swait.ge @!p0 [sflag:s0], s1  }
0x44a: {  	s1 =	ssub.s32 @!p0 $0x0, s1;
	[sflag:s0] =	ssyncset.done @!p0 $0x0  }
0x44b: {  	[sflag:s0] =	ssyncadd.s32 @!p0 s1  }
0x44c: {  	[bflag:$0x3] =	sbarrier.arrive $0xFFFF  }
0x44d: {  	_ =	shalt  }

</sc_bundles>
